<compile_context>
chip_gen: v7x
topology: tpu7x:2x2x1
jax: 0.10.2.dev20260603
libtpu: 0.0.44.dev20260713+nightly
codegen_flags: <defaults>
</compile_context>

<pallas_src>
import functools

import jax
import jax.numpy as jnp
from jax import lax
from jax.experimental import pallas as pl
from jax.experimental.pallas import tpu as pltpu
from jax.experimental.pallas import tpu_sc as plsc

_N = 100000
_E = 1600000
_NBK = 1000
_NC = 2
_NS = 16
_NW = _NC * _NS
_CB = 128
_EPW = _E // _NW
_NFULL = _EPW // _CB
_REM = _EPW - _NFULL * _CB
_NA = 100096
_ZST = _NA // _NS


def _make_edge_pass(with_msg):
    mesh = plsc.VectorSubcoreMesh(
        core_axis_name="c", subcore_axis_name="s", num_cores=_NC)

    scratch = [
        pltpu.VMEM((_CB,), jnp.int32),
        pltpu.VMEM((_CB,), jnp.int32),
        pltpu.VMEM((_CB, 16), jnp.float32),
        pltpu.VMEM((_CB, 16), jnp.float32),
        pltpu.VMEM((_CB, 16), jnp.float32),
        pltpu.VMEM((16,), jnp.float32),
        pltpu.VMEM_SHARED((_NA, 16), jnp.float32),
        pltpu.SemaphoreType.DMA,
    ]
    if with_msg:
        scratch.insert(4, pltpu.VMEM((_CB, 16), jnp.float32))

    @functools.partial(
        pl.kernel, mesh=mesh,
        out_type=jax.ShapeDtypeStruct((_NC, _NA, 16), jnp.float32),
        scratch_types=scratch,
        compiler_params=pltpu.CompilerParams(use_tc_tiling_on_sc=False))
    def k(*refs):
        if with_msg:
            (src_h, dst_h, tabA_h, tabB_h, tabH_h, zeros_h, c_h, out_h,
             idxs, idxd, rA, rB, rH, msg, cv, accum, sem) = refs
        else:
            (src_h, dst_h, tabA_h, tabB_h, zeros_h, c_h, out_h,
             idxs, idxd, rA, rB, msg, cv, accum, sem) = refs

        cid = lax.axis_index("c")
        sid = lax.axis_index("s")
        wid = sid * _NC + cid

        pltpu.sync_copy(zeros_h.at[pl.ds(sid * _ZST, _ZST)],
                        accum.at[pl.ds(sid * _ZST, _ZST)])
        pltpu.sync_copy(c_h, cv)
        plsc.subcore_barrier()

        def do_chunk(base, size):
            pltpu.sync_copy(src_h.at[pl.ds(base, size)], idxs.at[pl.ds(0, size)])
            pltpu.sync_copy(dst_h.at[pl.ds(base, size)], idxd.at[pl.ds(0, size)])
            if size < _CB:
                for kk in range(size, _CB, 16):
                    idxs[pl.ds(kk, 16)] = jnp.zeros((16,), jnp.int32)
                    idxd[pl.ds(kk, 16)] = jnp.full((16,), _N, jnp.int32)
            cpA = pltpu.async_copy(tabA_h.at[idxs], rA, sem)
            cpB = pltpu.async_copy(tabB_h.at[idxd], rB, sem)
            if with_msg:
                pltpu.async_copy(tabH_h.at[idxs], rH, sem).wait()
            cpB.wait()
            cpA.wait()
            cvv = cv[...]

            def body(j, carry):
                e = rA[j] + rB[j]
                e = jnp.where(e > 0.0, e, 0.2 * e)
                w = jnp.exp(e - cvv)
                if with_msg:
                    msg[j] = w * rH[j]
                else:
                    msg[j] = w
                return carry

            lax.fori_loop(0, _CB, body, 0)
            pltpu.sync_copy(msg, accum.at[idxd], add=True)

        ebase = wid * _EPW

        def gbody(g, carry):
            do_chunk(ebase + g * _CB, _CB)
            return carry

        lax.fori_loop(0, _NFULL, gbody, 0)
        if _REM:
            do_chunk(ebase + _NFULL * _CB, _REM)

        plsc.subcore_barrier()
        pltpu.sync_copy(accum.at[pl.ds(sid * _ZST, _ZST)],
                        out_h.at[cid, pl.ds(sid * _ZST, _ZST)])

    return k


_edge_denom = _make_edge_pass(with_msg=False)
_edge_msg = _make_edge_pass(with_msg=True)


def _full_spec(shape):
    nd = len(shape)
    return pl.BlockSpec(shape, lambda i: (0,) * nd)


def _tc1(inputs, emb0p, emb1p, emb2p, W1, al1f, ar1f):
    def body(inp, e0, e1, e2, w1, al, ar,
             hh0, hh1, hh2, eb0, eb1, eb2, rb0, rb1, rb2, elt, ert):
        x = inp[...]
        oh0 = (x[:, 0:1].astype(jnp.int32) == lax.broadcasted_iota(
            jnp.int32, (_NBK, 16), 1)).astype(jnp.float32)
        oh1 = (x[:, 1:2].astype(jnp.int32) == lax.broadcasted_iota(
            jnp.int32, (_NBK, 8), 1)).astype(jnp.float32)
        oh2 = (x[:, 2:3].astype(jnp.int32) == lax.broadcasted_iota(
            jnp.int32, (_NBK, 16), 1)).astype(jnp.float32)
        x0 = jnp.dot(oh0, e0[...], preferred_element_type=jnp.float32)
        x1 = jnp.dot(oh1, e1[...], preferred_element_type=jnp.float32)
        x2 = jnp.dot(oh2, e2[...], preferred_element_type=jnp.float32)
        xx = jnp.concatenate([x0, x1, x2, x[:, 3:]], axis=1)
        h = jnp.dot(xx, w1[...], preferred_element_type=jnp.float32)
        sel = (lax.broadcasted_iota(jnp.int32, (48, 3), 0) // 16 ==
               lax.broadcasted_iota(jnp.int32, (48, 3), 1)).astype(jnp.float32)
        el = jnp.dot(h * al[0:1, :], sel,
                     preferred_element_type=jnp.float32)
        er = jnp.dot(h * ar[0:1, :], sel,
                     preferred_element_type=jnp.float32)
        for hd, (hr, ebr, rbr) in enumerate(
                [(hh0, eb0, rb0), (hh1, eb1, rb1), (hh2, eb2, rb2)]):
            hr[...] = h[:, hd * 16:(hd + 1) * 16]
            ebr[...] = jnp.broadcast_to(el[:, hd:hd + 1], (_NBK, 16))
            rbr[...] = jnp.broadcast_to(er[:, hd:hd + 1], (_NBK, 16))
        z = jnp.zeros((_NBK, 13), jnp.float32)
        elt[...] = jnp.concatenate([el, z], axis=1)
        ert[...] = jnp.concatenate([er, z], axis=1)

    grid = _N // _NBK
    out16 = jax.ShapeDtypeStruct((_N, 16), jnp.float32)
    nspec = pl.BlockSpec((_NBK, 16), lambda i: (i, 0))
    return pl.pallas_call(
        body,
        grid=grid,
        in_specs=[
            pl.BlockSpec((_NBK, 18), lambda i: (i, 0)),
            _full_spec((16, 8)), _full_spec((8, 3)), _full_spec((16, 6)),
            _full_spec((32, 48)), _full_spec((8, 48)), _full_spec((8, 48)),
        ],
        out_specs=[nspec] * 11,
        out_shape=[out16] * 11,
    )(inputs, emb0p, emb1p, emb2p, W1, al1f, ar1f)


def _tc2(P, D, W2, b1p, al2p, ar2p):
    def body(pref, dref, w2, b1r, al, ar, h2o, eb2o, rb2o):
        p = pref[...]
        d = dref[...]
        dh = d[0] + d[1]
        dh = jnp.where(dh == 0.0, 1.0, dh)
        cols = []
        for hd in range(3):
            num = p[2 * hd] + p[2 * hd + 1]
            cols.append(num / dh[:, hd:hd + 1])
        hid = jnp.concatenate(cols, axis=1) + b1r[0:1, :]
        hid = jnp.where(hid > 0.0, hid, 0.01 * hid)
        h2 = jnp.dot(hid, w2[...], preferred_element_type=jnp.float32)
        el2 = jnp.sum(h2 * al[0:1, :], axis=1, keepdims=True)
        er2 = jnp.sum(h2 * ar[0:1, :], axis=1, keepdims=True)
        h2o[...] = h2
        eb2o[...] = jnp.broadcast_to(el2, (_NBK, 16))
        rb2o[...] = jnp.broadcast_to(er2, (_NBK, 16))

    grid = _N // _NBK
    out16 = jax.ShapeDtypeStruct((_N, 16), jnp.float32)
    nspec = pl.BlockSpec((_NBK, 16), lambda i: (i, 0))
    return pl.pallas_call(
        body,
        grid=grid,
        in_specs=[
            pl.BlockSpec((6, _NBK, 16), lambda i: (0, i, 0)),
            pl.BlockSpec((2, _NBK, 16), lambda i: (0, i, 0)),
            _full_spec((48, 16)), _full_spec((8, 48)),
            _full_spec((8, 16)), _full_spec((8, 16)),
        ],
        out_specs=[nspec] * 3,
        out_shape=[out16] * 3,
    )(P, D, W2, b1p, al2p, ar2p)


def _tc3(P2, D2, b2p):
    def body(pref, dref, b2r, outr):
        p = pref[...]
        d = dref[...]
        dh = d[0] + d[1]
        dh = jnp.where(dh == 0.0, 1.0, dh)
        o = (p[0] + p[1]) / dh + b2r[0:1, :]
        outr[...] = jnp.where(o > 0.0, o, 0.01 * o)

    grid = _N // _NBK
    return pl.pallas_call(
        body,
        grid=grid,
        in_specs=[
            pl.BlockSpec((2, _NBK, 16), lambda i: (0, i, 0)),
            pl.BlockSpec((2, _NBK, 16), lambda i: (0, i, 0)),
            _full_spec((8, 16)),
        ],
        out_specs=pl.BlockSpec((_NBK, 16), lambda i: (i, 0)),
        out_shape=jax.ShapeDtypeStruct((_N, 16), jnp.float32),
    )(P2, D2, b2p)


def kernel(inputs, edge_index, emb0, emb1, emb2, W1, al1, ar1, b1,
           W2, al2, ar2, b2):
    src = edge_index[0]
    dst = edge_index[1]

    emb0p = jnp.zeros((16, 8), jnp.float32).at[:14].set(emb0)
    emb1p = jnp.zeros((8, 3), jnp.float32).at[:5].set(emb1)
    emb2p = jnp.zeros((16, 6), jnp.float32).at[:10].set(emb2)
    al1f = jnp.zeros((8, 48), jnp.float32).at[0].set(al1.reshape(48))
    ar1f = jnp.zeros((8, 48), jnp.float32).at[0].set(ar1.reshape(48))
    b1p = jnp.zeros((8, 48), jnp.float32).at[0].set(b1)
    al2p = jnp.zeros((8, 16), jnp.float32).at[0].set(al2.reshape(16))
    ar2p = jnp.zeros((8, 16), jnp.float32).at[0].set(ar2.reshape(16))
    b2p = jnp.zeros((8, 16), jnp.float32).at[0].set(b2)
    zeros = jnp.zeros((_NA, 16), jnp.float32)

    (hh0, hh1, hh2, eb0, eb1, eb2, rb0, rb1, rb2, elt, ert) = _tc1(
        inputs, emb0p, emb1p, emb2p, W1, al1f, ar1f)

    cvec1 = (jnp.maximum(jnp.max(elt, axis=0), 0.0) +
             jnp.maximum(jnp.max(ert, axis=0), 0.0))

    D1 = _edge_denom(src, dst, elt, ert, zeros, cvec1)[:, :_N]
    parts = []
    for hd, (ebr, rbr, hr) in enumerate(
            [(eb0, rb0, hh0), (eb1, rb1, hh1), (eb2, rb2, hh2)]):
        ch = jnp.full((16,), cvec1[hd])
        parts.append(_edge_msg(src, dst, ebr, rbr, hr, zeros, ch)[:, :_N])
    P = jnp.concatenate(parts, axis=0)

    h2, eb2t, rb2t = _tc2(P, D1, W2, b1p, al2p, ar2p)

    c2 = jnp.maximum(jnp.max(eb2t) + jnp.max(rb2t), 0.0)
    c2v = jnp.full((16,), c2)
    D2 = _edge_denom(src, dst, eb2t, rb2t, zeros, c2v)[:, :_N]
    P2 = _edge_msg(src, dst, eb2t, rb2t, h2, zeros, c2v)[:, :_N]

    return _tc3(P2, D2, b2p)

# --- scband reference (transcript-rebuilt; emitter-appended) ---
"""Pipeline reference for scband-m-gat-orig-48249662603676 (READ-ONLY COPY).

The authoritative reference and input builder live on the scoring server;
editing this copy changes nothing except your own understanding.
"""

import jax, jax.numpy as jnp
import numpy as np

N = 100000
E = 1600000

def setup_inputs(seed: int = 0) -> dict:
    key = jax.random.key(seed)
    ks = jax.random.split(key, 12)
    u = jax.random.uniform(ks[0], (N, 18), dtype=jnp.float32)
    cat = jnp.floor(u[:, :3] * jnp.array([14.0, 5.0, 10.0], dtype=jnp.float32))
    inputs = jnp.concatenate([cat, u[:, 3:]], axis=1)
    edge_index = jax.random.randint(ks[1], (2, E), 0, N, dtype=jnp.int32)
    emb0 = jax.random.normal(ks[2], (14, 8), dtype=jnp.float32) * 0.1
    emb1 = jax.random.normal(ks[3], (5, 3), dtype=jnp.float32) * 0.1
    emb2 = jax.random.normal(ks[4], (10, 6), dtype=jnp.float32) * 0.1
    W1 = jax.random.normal(ks[5], (32, 48), dtype=jnp.float32) / jnp.sqrt(32.0)
    al1 = jax.random.normal(ks[6], (3, 16), dtype=jnp.float32) * 0.1
    ar1 = jax.random.normal(ks[7], (3, 16), dtype=jnp.float32) * 0.1
    b1 = jnp.zeros((48,), dtype=jnp.float32)
    W2 = jax.random.normal(ks[8], (48, 16), dtype=jnp.float32) / jnp.sqrt(48.0)
    al2 = jax.random.normal(ks[9], (1, 16), dtype=jnp.float32) * 0.1
    ar2 = jax.random.normal(ks[10], (1, 16), dtype=jnp.float32) * 0.1
    b2 = jnp.zeros((16,), dtype=jnp.float32)
    return {"inputs": inputs, "edge_index": edge_index, "emb0": emb0, "emb1": emb1, "emb2": emb2,
            "W1": W1, "al1": al1, "ar1": ar1, "b1": b1, "W2": W2, "al2": al2, "ar2": ar2, "b2": b2}


def _gat_conv(x, src, dst, W, al, ar, b, H, D):
    # DGL GATConv (feat_drop=attn_drop=0, residual=False, bias=True, activation=leaky_relu)
    h = (x @ W).reshape(-1, H, D)                      # [N, H, D]
    el = jnp.sum(h * al[None, :, :], axis=-1)           # [N, H]
    er = jnp.sum(h * ar[None, :, :], axis=-1)           # [N, H]
    e = jax.nn.leaky_relu(el[src] + er[dst], negative_slope=0.2)  # [E, H]
    m = jax.ops.segment_max(e, dst, num_segments=N)     # [N, H]
    ex = jnp.exp(e - m[dst])                            # [E, H]
    denom = jax.ops.segment_sum(ex, dst, num_segments=N)  # [N, H]
    alpha = ex / denom[dst]                             # edge softmax over incoming edges
    msg = h[src] * alpha[:, :, None]                    # [E, H, D]
    out = jax.ops.segment_sum(msg, dst, num_segments=N)  # [N, H, D]
    out = out + b.reshape(1, H, D)
    return jax.nn.leaky_relu(out, negative_slope=0.01)  # F.leaky_relu default slope


def reference(inputs, edge_index, emb0, emb1, emb2, W1, al1, ar1, b1, W2, al2, ar2, b2):
    src = edge_index[0]
    dst = edge_index[1]
    i0 = inputs[:, 0].astype(jnp.int32)
    i1 = inputs[:, 1].astype(jnp.int32)
    i2 = inputs[:, 2].astype(jnp.int32)
    x = jnp.concatenate([emb0[i0], emb1[i1], emb2[i2], inputs[:, 3:]], axis=1)  # [N, 32]
    h = _gat_conv(x, src, dst, W1, al1, ar1, b1, 3, 16).reshape(N, 48)  # flatten(1)
    out = _gat_conv(h, src, dst, W2, al2, ar2, b2, 1, 16).reshape(N, 16)
    return out

if __name__ == "__main__":
    import jax
    _d = setup_inputs()
    print(jax.jit(kernel)(*tuple(_d.values())))

</pallas_src>

<mosaic_0001>
#map = affine_map<(d0, d1) -> (0)>
#map1 = affine_map<(d0, d1) -> (0, 0)>
#map2 = affine_map<(d0, d1) -> (0, 0, 0)>
module attributes {stable_mosaic.version = 14 : i64} {
  func.func @k(%arg0: i32, %arg1: i32, %arg2: memref<1600000xi32, #tpu.memory_space<hbm>>, %arg3: memref<1600000xi32, #tpu.memory_space<hbm>>, %arg4: memref<100000x16xf32, #tpu.memory_space<hbm>>, %arg5: memref<100000x16xf32, #tpu.memory_space<hbm>>, %arg6: memref<100096x16xf32, #tpu.memory_space<hbm>>, %arg7: memref<16xf32, #tpu.memory_space<hbm>>, %arg8: memref<2x100096x16xf32, #tpu.memory_space<hbm>>, %arg9: memref<128xi32, #tpu.memory_space<vmem>>, %arg10: memref<128xi32, #tpu.memory_space<vmem>>, %arg11: memref<128x16xf32, #tpu.memory_space<vmem>>, %arg12: memref<128x16xf32, #tpu.memory_space<vmem>>, %arg13: memref<128x16xf32, #tpu.memory_space<vmem>>, %arg14: memref<16xf32, #tpu.memory_space<vmem>>, %arg15: memref<100096x16xf32, #tpu.memory_space<vmem_shared>>, %arg16: memref<!tpu.dma_semaphore, #tpu.memory_space<semaphore_mem>>) attributes {dimension_semantics = [#tpu.dimension_semantics<core_parallel>, #tpu.dimension_semantics<subcore_parallel>], iteration_bounds = array<i64: 2, 16>, scalar_prefetch = 0 : i64, scratch_operands = 8 : i64, tpu.core_type = #tpu.core_type<sc_vector_subcore>, window_params = [{transform_indices = #map}, {transform_indices = #map}, {transform_indices = #map1}, {transform_indices = #map1}, {transform_indices = #map1}, {transform_indices = #map}, {transform_indices = #map2}]} {
    %mul3A = arith.constant 2 : i32
    %mul3A_0 = arith.muli %arg1, %mul3A : i32
    %add3A = arith.addi %mul3A_0, %arg0 : i32
    %mul3A_1 = arith.constant 6256 : i32
    %mul3A_2 = arith.muli %arg1, %mul3A_1 : i32
    %mul3A_3 = arith.constant 6256 : i32
    %mul3A_4 = arith.muli %arg1, %mul3A_3 : i32
    "tpu.region"() ({
      %run_scoped3A = tpu.sem_alloc : memref<!tpu.dma_semaphore, #tpu.memory_space<semaphore_mem>>
      %dma_start3A_71 = arith.constant 0 : i32
      %dma_start3A_72 = tpu.memref_slice %arg15[%mul3A_4, %dma_start3A_71] : memref<100096x16xf32, #tpu.memory_space<vmem_shared>> -> memref<6256x16xf32, #tpu.memory_space<vmem_shared>>
      %dma_start3A_73 = arith.constant 0 : i32
      %dma_start3A_74 = tpu.memref_slice %arg6[%mul3A_2, %dma_start3A_73] : memref<100096x16xf32, #tpu.memory_space<hbm>> -> memref<6256x16xf32, #tpu.memory_space<hbm>>
      tpu.enqueue_dma source(%dma_start3A_74 : memref<6256x16xf32, #tpu.memory_space<hbm>>) target(%dma_start3A_72 : memref<6256x16xf32, #tpu.memory_space<vmem_shared>>) target_semaphore(%run_scoped3A : memref<!tpu.dma_semaphore, #tpu.memory_space<semaphore_mem>>)
      %dma_wait3A_75 = arith.constant 0 : i32
      %dma_wait3A_76 = tpu.memref_slice %arg15[%mul3A_4, %dma_wait3A_75] : memref<100096x16xf32, #tpu.memory_space<vmem_shared>> -> memref<6256x16xf32, #tpu.memory_space<vmem_shared>>
      %dma_wait3A_77 = arith.constant 0 : i32
      %dma_wait3A_78 = tpu.memref_slice %arg6[%mul3A_2, %dma_wait3A_77] : memref<100096x16xf32, #tpu.memory_space<hbm>> -> memref<6256x16xf32, #tpu.memory_space<hbm>>
      tpu.wait_dma2 semaphore(%run_scoped3A : memref<!tpu.dma_semaphore, #tpu.memory_space<semaphore_mem>>) src(%dma_wait3A_78 : memref<6256x16xf32, #tpu.memory_space<hbm>>) dst(%dma_wait3A_76 : memref<6256x16xf32, #tpu.memory_space<vmem_shared>>)
      tpu.yield
    }) : () -> ()
    "tpu.region"() ({
      %run_scoped3A = tpu.sem_alloc : memref<!tpu.dma_semaphore, #tpu.memory_space<semaphore_mem>>
      tpu.enqueue_dma source(%arg7 : memref<16xf32, #tpu.memory_space<hbm>>) target(%arg14 : memref<16xf32, #tpu.memory_space<vmem>>) target_semaphore(%run_scoped3A : memref<!tpu.dma_semaphore, #tpu.memory_space<semaphore_mem>>)
      tpu.wait_dma2 semaphore(%run_scoped3A : memref<!tpu.dma_semaphore, #tpu.memory_space<semaphore_mem>>) src(%arg7 : memref<16xf32, #tpu.memory_space<hbm>>) dst(%arg14 : memref<16xf32, #tpu.memory_space<vmem>>)
      tpu.yield
    }) : () -> ()
    %barrier3A = arith.constant 0 : index
    tpu.barrier barrier_id(%barrier3A)
    %mul3A_5 = arith.constant 50000 : i32
    %mul3A_6 = arith.muli %add3A, %mul3A_5 : i32
    %scan3A = arith.constant 0 : i32
    %scan3A_7 = arith.constant 0 : i32
    %scan3A_8 = arith.constant 390 : i32
    %scan3A_9 = arith.addi %scan3A_7, %scan3A_8 : i32
    %scan3A_10 = arith.constant 1 : i32
    scf.for %scan3A_71 = %scan3A_7 to %scan3A_9 step %scan3A_10  : i32 {
      %mul3A_72 = arith.constant 128 : i32
      %mul3A_73 = arith.muli %scan3A_71, %mul3A_72 : i32
      %add3A_74 = arith.addi %mul3A_6, %mul3A_73 : i32
      "tpu.region"() ({
        %run_scoped3A = tpu.sem_alloc : memref<!tpu.dma_semaphore, #tpu.memory_space<semaphore_mem>>
        %dma_start3A_96 = arith.constant 0 : i32
        %dma_start3A_97 = tpu.memref_slice %arg9[%dma_start3A_96] : memref<128xi32, #tpu.memory_space<vmem>> -> memref<128xi32, #tpu.memory_space<vmem>>
        %dma_start3A_98 = tpu.memref_slice %arg2[%add3A_74] : memref<1600000xi32, #tpu.memory_space<hbm>> -> memref<128xi32, #tpu.memory_space<hbm>>
        %dma_start3A_99 = arith.constant 0 : i32
        %dma_start3A_100 = tpu.memref_slice %arg9[%dma_start3A_99] : memref<128xi32, #tpu.memory_space<vmem>> -> memref<128xi32, #tpu.memory_space<vmem>>
        %dma_start3A_101 = tpu.memref_slice %arg2[%add3A_74] : memref<1600000xi32, #tpu.memory_space<hbm>> -> memref<128xi32, #tpu.memory_space<hbm>>
        tpu.enqueue_dma source(%dma_start3A_101 : memref<128xi32, #tpu.memory_space<hbm>>) target(%dma_start3A_100 : memref<128xi32, #tpu.memory_space<vmem>>) target_semaphore(%run_scoped3A : memref<!tpu.dma_semaphore, #tpu.memory_space<semaphore_mem>>)
        %dma_wait3A_102 = arith.constant 0 : i32
        %dma_wait3A_103 = tpu.memref_slice %arg9[%dma_wait3A_102] : memref<128xi32, #tpu.memory_space<vmem>> -> memref<128xi32, #tpu.memory_space<vmem>>
        %dma_wait3A_104 = tpu.memref_slice %arg2[%add3A_74] : memref<1600000xi32, #tpu.memory_space<hbm>> -> memref<128xi32, #tpu.memory_space<hbm>>
        %dma_wait3A_105 = arith.constant 0 : i32
        %dma_wait3A_106 = tpu.memref_slice %arg9[%dma_wait3A_105] : memref<128xi32, #tpu.memory_space<vmem>> -> memref<128xi32, #tpu.memory_space<vmem>>
        %dma_wait3A_107 = tpu.memref_slice %arg2[%add3A_74] : memref<1600000xi32, #tpu.memory_space<hbm>> -> memref<128xi32, #tpu.memory_space<hbm>>
        tpu.wait_dma2 semaphore(%run_scoped3A : memref<!tpu.dma_semaphore, #tpu.memory_space<semaphore_mem>>) src(%dma_wait3A_107 : memref<128xi32, #tpu.memory_space<hbm>>) dst(%dma_wait3A_106 : memref<128xi32, #tpu.memory_space<vmem>>)
        tpu.yield
      }) : () -> ()
      "tpu.region"() ({
        %run_scoped3A = tpu.sem_alloc : memref<!tpu.dma_semaphore, #tpu.memory_space<semaphore_mem>>
        %dma_start3A_96 = arith.constant 0 : i32
        %dma_start3A_97 = tpu.memref_slice %arg10[%dma_start3A_96] : memref<128xi32, #tpu.memory_space<vmem>> -> memref<128xi32, #tpu.memory_space<vmem>>
        %dma_start3A_98 = tpu.memref_slice %arg3[%add3A_74] : memref<1600000xi32, #tpu.memory_space<hbm>> -> memref<128xi32, #tpu.memory_space<hbm>>
        %dma_start3A_99 = arith.constant 0 : i32
        %dma_start3A_100 = tpu.memref_slice %arg10[%dma_start3A_99] : memref<128xi32, #tpu.memory_space<vmem>> -> memref<128xi32, #tpu.memory_space<vmem>>
        %dma_start3A_101 = tpu.memref_slice %arg3[%add3A_74] : memref<1600000xi32, #tpu.memory_space<hbm>> -> memref<128xi32, #tpu.memory_space<hbm>>
        tpu.enqueue_dma source(%dma_start3A_101 : memref<128xi32, #tpu.memory_space<hbm>>) target(%dma_start3A_100 : memref<128xi32, #tpu.memory_space<vmem>>) target_semaphore(%run_scoped3A : memref<!tpu.dma_semaphore, #tpu.memory_space<semaphore_mem>>)
        %dma_wait3A_102 = arith.constant 0 : i32
        %dma_wait3A_103 = tpu.memref_slice %arg10[%dma_wait3A_102] : memref<128xi32, #tpu.memory_space<vmem>> -> memref<128xi32, #tpu.memory_space<vmem>>
        %dma_wait3A_104 = tpu.memref_slice %arg3[%add3A_74] : memref<1600000xi32, #tpu.memory_space<hbm>> -> memref<128xi32, #tpu.memory_space<hbm>>
        %dma_wait3A_105 = arith.constant 0 : i32
        %dma_wait3A_106 = tpu.memref_slice %arg10[%dma_wait3A_105] : memref<128xi32, #tpu.memory_space<vmem>> -> memref<128xi32, #tpu.memory_space<vmem>>
        %dma_wait3A_107 = tpu.memref_slice %arg3[%add3A_74] : memref<1600000xi32, #tpu.memory_space<hbm>> -> memref<128xi32, #tpu.memory_space<hbm>>
        tpu.wait_dma2 semaphore(%run_scoped3A : memref<!tpu.dma_semaphore, #tpu.memory_space<semaphore_mem>>) src(%dma_wait3A_107 : memref<128xi32, #tpu.memory_space<hbm>>) dst(%dma_wait3A_106 : memref<128xi32, #tpu.memory_space<vmem>>)
        tpu.yield
      }) : () -> ()
      %dma_start3A_75 = arith.constant 0 : i32
      %dma_start3A_76 = arith.constant 0 : i32
      %dma_start3A_77 = tpu.memref_slice %arg4[%dma_start3A_75, %dma_start3A_76] : memref<100000x16xf32, #tpu.memory_space<hbm>> -> memref<100000x16xf32, #tpu.memory_space<hbm>>
      tpu.enqueue_indirect_dma source(%dma_start3A_77 : memref<100000x16xf32, #tpu.memory_space<hbm>>) target(%arg11 : memref<128x16xf32, #tpu.memory_space<vmem>>) offsets(%arg9 : memref<128xi32, #tpu.memory_space<vmem>>) semaphore(%arg16 : memref<!tpu.dma_semaphore, #tpu.memory_space<semaphore_mem>>)
      %dma_start3A_78 = arith.constant 0 : i32
      %dma_start3A_79 = arith.constant 0 : i32
      %dma_start3A_80 = tpu.memref_slice %arg5[%dma_start3A_78, %dma_start3A_79] : memref<100000x16xf32, #tpu.memory_space<hbm>> -> memref<100000x16xf32, #tpu.memory_space<hbm>>
      tpu.enqueue_indirect_dma source(%dma_start3A_80 : memref<100000x16xf32, #tpu.memory_space<hbm>>) target(%arg12 : memref<128x16xf32, #tpu.memory_space<vmem>>) offsets(%arg10 : memref<128xi32, #tpu.memory_space<vmem>>) semaphore(%arg16 : memref<!tpu.dma_semaphore, #tpu.memory_space<semaphore_mem>>)
      %dma_wait3A_81 = arith.constant 0 : i32
      %dma_wait3A_82 = arith.constant 0 : i32
      %dma_wait3A_83 = tpu.memref_slice %arg5[%dma_wait3A_81, %dma_wait3A_82] : memref<100000x16xf32, #tpu.memory_space<hbm>> -> memref<100000x16xf32, #tpu.memory_space<hbm>>
      tpu.wait_indirect_dma semaphore(%arg16 : memref<!tpu.dma_semaphore, #tpu.memory_space<semaphore_mem>>) src(%dma_wait3A_83 : memref<100000x16xf32, #tpu.memory_space<hbm>>) dst(%arg12 : memref<128x16xf32, #tpu.memory_space<vmem>>)
      %dma_wait3A_84 = arith.constant 0 : i32
      %dma_wait3A_85 = arith.constant 0 : i32
      %dma_wait3A_86 = tpu.memref_slice %arg4[%dma_wait3A_84, %dma_wait3A_85] : memref<100000x16xf32, #tpu.memory_space<hbm>> -> memref<100000x16xf32, #tpu.memory_space<hbm>>
      tpu.wait_indirect_dma semaphore(%arg16 : memref<!tpu.dma_semaphore, #tpu.memory_space<semaphore_mem>>) src(%dma_wait3A_86 : memref<100000x16xf32, #tpu.memory_space<hbm>>) dst(%arg11 : memref<128x16xf32, #tpu.memory_space<vmem>>)
      %get3A_87 = arith.constant 0 : index
      %get3A_88 = tpu.vector_load %arg14[%get3A_87] {strides = array<i32>} : memref<16xf32, #tpu.memory_space<vmem>>, vector<16xf32>,
      %get3A_89 = vector.shape_cast %get3A_88 : vector<16xf32> to vector<16xf32>
      %scan3A_90 = arith.constant 0 : i32
      %scan3A_91 = arith.constant 0 : i32
      %scan3A_92 = arith.constant 128 : i32
      %scan3A_93 = arith.addi %scan3A_91, %scan3A_92 : i32
      %scan3A_94 = arith.constant 1 : i32
      scf.for %scan3A_96 = %scan3A_91 to %scan3A_93 step %scan3A_94  : i32 {
        %get3A_97 = arith.index_cast %scan3A_96 : i32 to index
        %get3A_98 = arith.constant 0 : index
        %get3A_99 = tpu.vector_load %arg11[%get3A_97, %get3A_98] {strides = array<i32>} : memref<128x16xf32, #tpu.memory_space<vmem>>, vector<1x16xf32>,
        %get3A_100 = vector.shape_cast %get3A_99 : vector<1x16xf32> to vector<16xf32>
        %get3A_101 = arith.index_cast %scan3A_96 : i32 to index
        %get3A_102 = arith.constant 0 : index
        %get3A_103 = tpu.vector_load %arg12[%get3A_101, %get3A_102] {strides = array<i32>} : memref<128x16xf32, #tpu.memory_space<vmem>>, vector<1x16xf32>,
        %get3A_104 = vector.shape_cast %get3A_103 : vector<1x16xf32> to vector<16xf32>
        %add3A_105 = arith.addf %get3A_100, %get3A_104 : vector<16xf32>
        %gt3A = arith.constant 0.000000e+00 : f32
        %gt3A_106 = vector.broadcast %gt3A : f32 to vector<16xf32>
        %gt3A_107 = arith.cmpf ogt, %add3A_105, %gt3A_106 : vector<16xf32>
        %mul3A_108 = arith.constant 2.000000e-01 : f32
        %mul3A_109 = vector.broadcast %mul3A_108 : f32 to vector<16xf32>
        %mul3A_110 = arith.mulf %mul3A_109, %add3A_105 : vector<16xf32>
        %select_n3A = arith.select %gt3A_107, %add3A_105, %mul3A_110 : vector<16xi1>, vector<16xf32>
        %sub3A = arith.subf %select_n3A, %get3A_89 : vector<16xf32>
        %exp3A = math.exp %sub3A : vector<16xf32>
        %swap3A_111 = arith.index_cast %scan3A_96 : i32 to index
        %swap3A_112 = arith.constant 0 : index
        %swap3A_113 = tpu.vector_load %arg13[%swap3A_111, %swap3A_112] {strides = array<i32>} : memref<128x16xf32, #tpu.memory_space<vmem>>, vector<1x16xf32>,
        %swap3A_114 = vector.shape_cast %swap3A_113 : vector<1x16xf32> to vector<16xf32>
        %swap3A_115 = vector.shape_cast %exp3A : vector<16xf32> to vector<1x16xf32>
        tpu.vector_store %arg13[%swap3A_111, %swap3A_112], %swap3A_115 {strides = array<i32>} : memref<128x16xf32, #tpu.memory_space<vmem>>, vector<1x16xf32>,
      }
      %scan3A_95 = arith.constant 128 : i32
      "tpu.region"() ({
        %run_scoped3A = tpu.sem_alloc : memref<!tpu.dma_semaphore, #tpu.memory_space<semaphore_mem>>
        %dma_start3A_96 = arith.constant 0 : i32
        %dma_start3A_97 = arith.constant 0 : i32
        %dma_start3A_98 = tpu.memref_slice %arg15[%dma_start3A_96, %dma_start3A_97] : memref<100096x16xf32, #tpu.memory_space<vmem_shared>> -> memref<100096x16xf32, #tpu.memory_space<vmem_shared>>
        tpu.enqueue_indirect_dma source(%arg13 : memref<128x16xf32, #tpu.memory_space<vmem>>) target(%dma_start3A_98 : memref<100096x16xf32, #tpu.memory_space<vmem_shared>>) offsets(%arg10 : memref<128xi32, #tpu.memory_space<vmem>>) semaphore(%run_scoped3A : memref<!tpu.dma_semaphore, #tpu.memory_space<semaphore_mem>>) {add = true}
        %dma_wait3A_99 = arith.constant 0 : i32
        %dma_wait3A_100 = arith.constant 0 : i32
        %dma_wait3A_101 = tpu.memref_slice %arg15[%dma_wait3A_99, %dma_wait3A_100] : memref<100096x16xf32, #tpu.memory_space<vmem_shared>> -> memref<100096x16xf32, #tpu.memory_space<vmem_shared>>
        tpu.wait_indirect_dma semaphore(%run_scoped3A : memref<!tpu.dma_semaphore, #tpu.memory_space<semaphore_mem>>) src(%arg13 : memref<128x16xf32, #tpu.memory_space<vmem>>) dst(%dma_wait3A_101 : memref<100096x16xf32, #tpu.memory_space<vmem_shared>>)
        tpu.yield
      }) : () -> ()
    }
    %scan3A_11 = arith.constant 390 : i32
    %add3A_12 = arith.constant 49920 : i32
    %add3A_13 = arith.addi %mul3A_6, %add3A_12 : i32
    "tpu.region"() ({
      %run_scoped3A = tpu.sem_alloc : memref<!tpu.dma_semaphore, #tpu.memory_space<semaphore_mem>>
      %dma_start3A_71 = arith.constant 0 : i32
      %dma_start3A_72 = tpu.memref_slice %arg9[%dma_start3A_71] : memref<128xi32, #tpu.memory_space<vmem>> -> memref<80xi32, #tpu.memory_space<vmem>>
      %dma_start3A_73 = tpu.memref_slice %arg2[%add3A_13] : memref<1600000xi32, #tpu.memory_space<hbm>> -> memref<80xi32, #tpu.memory_space<hbm>>
      %dma_start3A_74 = arith.constant 0 : i32
      %dma_start3A_75 = tpu.memref_slice %arg9[%dma_start3A_74] : memref<128xi32, #tpu.memory_space<vmem>> -> memref<80xi32, #tpu.memory_space<vmem>>
      %dma_start3A_76 = tpu.memref_slice %arg2[%add3A_13] : memref<1600000xi32, #tpu.memory_space<hbm>> -> memref<80xi32, #tpu.memory_space<hbm>>
      tpu.enqueue_dma source(%dma_start3A_76 : memref<80xi32, #tpu.memory_space<hbm>>) target(%dma_start3A_75 : memref<80xi32, #tpu.memory_space<vmem>>) target_semaphore(%run_scoped3A : memref<!tpu.dma_semaphore, #tpu.memory_space<semaphore_mem>>)
      %dma_wait3A_77 = arith.constant 0 : i32
      %dma_wait3A_78 = tpu.memref_slice %arg9[%dma_wait3A_77] : memref<128xi32, #tpu.memory_space<vmem>> -> memref<80xi32, #tpu.memory_space<vmem>>
      %dma_wait3A_79 = tpu.memref_slice %arg2[%add3A_13] : memref<1600000xi32, #tpu.memory_space<hbm>> -> memref<80xi32, #tpu.memory_space<hbm>>
      %dma_wait3A_80 = arith.constant 0 : i32
      %dma_wait3A_81 = tpu.memref_slice %arg9[%dma_wait3A_80] : memref<128xi32, #tpu.memory_space<vmem>> -> memref<80xi32, #tpu.memory_space<vmem>>
      %dma_wait3A_82 = tpu.memref_slice %arg2[%add3A_13] : memref<1600000xi32, #tpu.memory_space<hbm>> -> memref<80xi32, #tpu.memory_space<hbm>>
      tpu.wait_dma2 semaphore(%run_scoped3A : memref<!tpu.dma_semaphore, #tpu.memory_space<semaphore_mem>>) src(%dma_wait3A_82 : memref<80xi32, #tpu.memory_space<hbm>>) dst(%dma_wait3A_81 : memref<80xi32, #tpu.memory_space<vmem>>)
      tpu.yield
    }) : () -> ()
    "tpu.region"() ({
      %run_scoped3A = tpu.sem_alloc : memref<!tpu.dma_semaphore, #tpu.memory_space<semaphore_mem>>
      %dma_start3A_71 = arith.constant 0 : i32
      %dma_start3A_72 = tpu.memref_slice %arg10[%dma_start3A_71] : memref<128xi32, #tpu.memory_space<vmem>> -> memref<80xi32, #tpu.memory_space<vmem>>
      %dma_start3A_73 = tpu.memref_slice %arg3[%add3A_13] : memref<1600000xi32, #tpu.memory_space<hbm>> -> memref<80xi32, #tpu.memory_space<hbm>>
      %dma_start3A_74 = arith.constant 0 : i32
      %dma_start3A_75 = tpu.memref_slice %arg10[%dma_start3A_74] : memref<128xi32, #tpu.memory_space<vmem>> -> memref<80xi32, #tpu.memory_space<vmem>>
      %dma_start3A_76 = tpu.memref_slice %arg3[%add3A_13] : memref<1600000xi32, #tpu.memory_space<hbm>> -> memref<80xi32, #tpu.memory_space<hbm>>
      tpu.enqueue_dma source(%dma_start3A_76 : memref<80xi32, #tpu.memory_space<hbm>>) target(%dma_start3A_75 : memref<80xi32, #tpu.memory_space<vmem>>) target_semaphore(%run_scoped3A : memref<!tpu.dma_semaphore, #tpu.memory_space<semaphore_mem>>)
      %dma_wait3A_77 = arith.constant 0 : i32
      %dma_wait3A_78 = tpu.memref_slice %arg10[%dma_wait3A_77] : memref<128xi32, #tpu.memory_space<vmem>> -> memref<80xi32, #tpu.memory_space<vmem>>
      %dma_wait3A_79 = tpu.memref_slice %arg3[%add3A_13] : memref<1600000xi32, #tpu.memory_space<hbm>> -> memref<80xi32, #tpu.memory_space<hbm>>
      %dma_wait3A_80 = arith.constant 0 : i32
      %dma_wait3A_81 = tpu.memref_slice %arg10[%dma_wait3A_80] : memref<128xi32, #tpu.memory_space<vmem>> -> memref<80xi32, #tpu.memory_space<vmem>>
      %dma_wait3A_82 = tpu.memref_slice %arg3[%add3A_13] : memref<1600000xi32, #tpu.memory_space<hbm>> -> memref<80xi32, #tpu.memory_space<hbm>>
      tpu.wait_dma2 semaphore(%run_scoped3A : memref<!tpu.dma_semaphore, #tpu.memory_space<semaphore_mem>>) src(%dma_wait3A_82 : memref<80xi32, #tpu.memory_space<hbm>>) dst(%dma_wait3A_81 : memref<80xi32, #tpu.memory_space<vmem>>)
      tpu.yield
    }) : () -> ()
    %broadcast_in_dim3A = arith.constant 0 : i32
    %broadcast_in_dim3A_14 = vector.broadcast %broadcast_in_dim3A : i32 to vector<16xi32>
    %swap3A = arith.constant 80 : index
    %swap3A_15 = tpu.vector_load %arg9[%swap3A] {strides = array<i32>} : memref<128xi32, #tpu.memory_space<vmem>>, vector<16xi32>,
    %swap3A_16 = vector.shape_cast %swap3A_15 : vector<16xi32> to vector<16xi32>
    %swap3A_17 = vector.shape_cast %broadcast_in_dim3A_14 : vector<16xi32> to vector<16xi32>
    tpu.vector_store %arg9[%swap3A], %swap3A_17 {strides = array<i32>} : memref<128xi32, #tpu.memory_space<vmem>>, vector<16xi32>,
    %broadcast_in_dim3A_18 = arith.constant 100000 : i32
    %broadcast_in_dim3A_19 = vector.broadcast %broadcast_in_dim3A_18 : i32 to vector<16xi32>
    %swap3A_20 = arith.constant 80 : index
    %swap3A_21 = tpu.vector_load %arg10[%swap3A_20] {strides = array<i32>} : memref<128xi32, #tpu.memory_space<vmem>>, vector<16xi32>,
    %swap3A_22 = vector.shape_cast %swap3A_21 : vector<16xi32> to vector<16xi32>
    %swap3A_23 = vector.shape_cast %broadcast_in_dim3A_19 : vector<16xi32> to vector<16xi32>
    tpu.vector_store %arg10[%swap3A_20], %swap3A_23 {strides = array<i32>} : memref<128xi32, #tpu.memory_space<vmem>>, vector<16xi32>,
    %broadcast_in_dim3A_24 = arith.constant 0 : i32
    %broadcast_in_dim3A_25 = vector.broadcast %broadcast_in_dim3A_24 : i32 to vector<16xi32>
    %swap3A_26 = arith.constant 96 : index
    %swap3A_27 = tpu.vector_load %arg9[%swap3A_26] {strides = array<i32>} : memref<128xi32, #tpu.memory_space<vmem>>, vector<16xi32>,
    %swap3A_28 = vector.shape_cast %swap3A_27 : vector<16xi32> to vector<16xi32>
    %swap3A_29 = vector.shape_cast %broadcast_in_dim3A_25 : vector<16xi32> to vector<16xi32>
    tpu.vector_store %arg9[%swap3A_26], %swap3A_29 {strides = array<i32>} : memref<128xi32, #tpu.memory_space<vmem>>, vector<16xi32>,
    %broadcast_in_dim3A_30 = arith.constant 100000 : i32
    %broadcast_in_dim3A_31 = vector.broadcast %broadcast_in_dim3A_30 : i32 to vector<16xi32>
    %swap3A_32 = arith.constant 96 : index
    %swap3A_33 = tpu.vector_load %arg10[%swap3A_32] {strides = array<i32>} : memref<128xi32, #tpu.memory_space<vmem>>, vector<16xi32>,
    %swap3A_34 = vector.shape_cast %swap3A_33 : vector<16xi32> to vector<16xi32>
    %swap3A_35 = vector.shape_cast %broadcast_in_dim3A_31 : vector<16xi32> to vector<16xi32>
    tpu.vector_store %arg10[%swap3A_32], %swap3A_35 {strides = array<i32>} : memref<128xi32, #tpu.memory_space<vmem>>, vector<16xi32>,
    %broadcast_in_dim3A_36 = arith.constant 0 : i32
    %broadcast_in_dim3A_37 = vector.broadcast %broadcast_in_dim3A_36 : i32 to vector<16xi32>
    %swap3A_38 = arith.constant 112 : index
    %swap3A_39 = tpu.vector_load %arg9[%swap3A_38] {strides = array<i32>} : memref<128xi32, #tpu.memory_space<vmem>>, vector<16xi32>,
    %swap3A_40 = vector.shape_cast %swap3A_39 : vector<16xi32> to vector<16xi32>
    %swap3A_41 = vector.shape_cast %broadcast_in_dim3A_37 : vector<16xi32> to vector<16xi32>
    tpu.vector_store %arg9[%swap3A_38], %swap3A_41 {strides = array<i32>} : memref<128xi32, #tpu.memory_space<vmem>>, vector<16xi32>,
    %broadcast_in_dim3A_42 = arith.constant 100000 : i32
    %broadcast_in_dim3A_43 = vector.broadcast %broadcast_in_dim3A_42 : i32 to vector<16xi32>
    %swap3A_44 = arith.constant 112 : index
    %swap3A_45 = tpu.vector_load %arg10[%swap3A_44] {strides = array<i32>} : memref<128xi32, #tpu.memory_space<vmem>>, vector<16xi32>,
    %swap3A_46 = vector.shape_cast %swap3A_45 : vector<16xi32> to vector<16xi32>
    %swap3A_47 = vector.shape_cast %broadcast_in_dim3A_43 : vector<16xi32> to vector<16xi32>
    tpu.vector_store %arg10[%swap3A_44], %swap3A_47 {strides = array<i32>} : memref<128xi32, #tpu.memory_space<vmem>>, vector<16xi32>,
    %dma_start3A = arith.constant 0 : i32
    %dma_start3A_48 = arith.constant 0 : i32
    %dma_start3A_49 = tpu.memref_slice %arg4[%dma_start3A, %dma_start3A_48] : memref<100000x16xf32, #tpu.memory_space<hbm>> -> memref<100000x16xf32, #tpu.memory_space<hbm>>
    tpu.enqueue_indirect_dma source(%dma_start3A_49 : memref<100000x16xf32, #tpu.memory_space<hbm>>) target(%arg11 : memref<128x16xf32, #tpu.memory_space<vmem>>) offsets(%arg9 : memref<128xi32, #tpu.memory_space<vmem>>) semaphore(%arg16 : memref<!tpu.dma_semaphore, #tpu.memory_space<semaphore_mem>>)
    %dma_start3A_50 = arith.constant 0 : i32
    %dma_start3A_51 = arith.constant 0 : i32
    %dma_start3A_52 = tpu.memref_slice %arg5[%dma_start3A_50, %dma_start3A_51] : memref<100000x16xf32, #tpu.memory_space<hbm>> -> memref<100000x16xf32, #tpu.memory_space<hbm>>
    tpu.enqueue_indirect_dma source(%dma_start3A_52 : memref<100000x16xf32, #tpu.memory_space<hbm>>) target(%arg12 : memref<128x16xf32, #tpu.memory_space<vmem>>) offsets(%arg10 : memref<128xi32, #tpu.memory_space<vmem>>) semaphore(%arg16 : memref<!tpu.dma_semaphore, #tpu.memory_space<semaphore_mem>>)
    %dma_wait3A = arith.constant 0 : i32
    %dma_wait3A_53 = arith.constant 0 : i32
    %dma_wait3A_54 = tpu.memref_slice %arg5[%dma_wait3A, %dma_wait3A_53] : memref<100000x16xf32, #tpu.memory_space<hbm>> -> memref<100000x16xf32, #tpu.memory_space<hbm>>
    tpu.wait_indirect_dma semaphore(%arg16 : memref<!tpu.dma_semaphore, #tpu.memory_space<semaphore_mem>>) src(%dma_wait3A_54 : memref<100000x16xf32, #tpu.memory_space<hbm>>) dst(%arg12 : memref<128x16xf32, #tpu.memory_space<vmem>>)
    %dma_wait3A_55 = arith.constant 0 : i32
    %dma_wait3A_56 = arith.constant 0 : i32
    %dma_wait3A_57 = tpu.memref_slice %arg4[%dma_wait3A_55, %dma_wait3A_56] : memref<100000x16xf32, #tpu.memory_space<hbm>> -> memref<100000x16xf32, #tpu.memory_space<hbm>>
    tpu.wait_indirect_dma semaphore(%arg16 : memref<!tpu.dma_semaphore, #tpu.memory_space<semaphore_mem>>) src(%dma_wait3A_57 : memref<100000x16xf32, #tpu.memory_space<hbm>>) dst(%arg11 : memref<128x16xf32, #tpu.memory_space<vmem>>)
    %get3A = arith.constant 0 : index
    %get3A_58 = tpu.vector_load %arg14[%get3A] {strides = array<i32>} : memref<16xf32, #tpu.memory_space<vmem>>, vector<16xf32>,
    %get3A_59 = vector.shape_cast %get3A_58 : vector<16xf32> to vector<16xf32>
    %scan3A_60 = arith.constant 0 : i32
    %scan3A_61 = arith.constant 0 : i32
    %scan3A_62 = arith.constant 128 : i32
    %scan3A_63 = arith.addi %scan3A_61, %scan3A_62 : i32
    %scan3A_64 = arith.constant 1 : i32
    scf.for %scan3A_71 = %scan3A_61 to %scan3A_63 step %scan3A_64  : i32 {
      %get3A_72 = arith.index_cast %scan3A_71 : i32 to index
      %get3A_73 = arith.constant 0 : index
      %get3A_74 = tpu.vector_load %arg11[%get3A_72, %get3A_73] {strides = array<i32>} : memref<128x16xf32, #tpu.memory_space<vmem>>, vector<1x16xf32>,
      %get3A_75 = vector.shape_cast %get3A_74 : vector<1x16xf32> to vector<16xf32>
      %get3A_76 = arith.index_cast %scan3A_71 : i32 to index
      %get3A_77 = arith.constant 0 : index
      %get3A_78 = tpu.vector_load %arg12[%get3A_76, %get3A_77] {strides = array<i32>} : memref<128x16xf32, #tpu.memory_space<vmem>>, vector<1x16xf32>,
      %get3A_79 = vector.shape_cast %get3A_78 : vector<1x16xf32> to vector<16xf32>
      %add3A_80 = arith.addf %get3A_75, %get3A_79 : vector<16xf32>
      %gt3A = arith.constant 0.000000e+00 : f32
      %gt3A_81 = vector.broadcast %gt3A : f32 to vector<16xf32>
      %gt3A_82 = arith.cmpf ogt, %add3A_80, %gt3A_81 : vector<16xf32>
      %mul3A_83 = arith.constant 2.000000e-01 : f32
      %mul3A_84 = vector.broadcast %mul3A_83 : f32 to vector<16xf32>
      %mul3A_85 = arith.mulf %mul3A_84, %add3A_80 : vector<16xf32>
      %select_n3A = arith.select %gt3A_82, %add3A_80, %mul3A_85 : vector<16xi1>, vector<16xf32>
      %sub3A = arith.subf %select_n3A, %get3A_59 : vector<16xf32>
      %exp3A = math.exp %sub3A : vector<16xf32>
      %swap3A_86 = arith.index_cast %scan3A_71 : i32 to index
      %swap3A_87 = arith.constant 0 : index
      %swap3A_88 = tpu.vector_load %arg13[%swap3A_86, %swap3A_87] {strides = array<i32>} : memref<128x16xf32, #tpu.memory_space<vmem>>, vector<1x16xf32>,
      %swap3A_89 = vector.shape_cast %swap3A_88 : vector<1x16xf32> to vector<16xf32>
      %swap3A_90 = vector.shape_cast %exp3A : vector<16xf32> to vector<1x16xf32>
      tpu.vector_store %arg13[%swap3A_86, %swap3A_87], %swap3A_90 {strides = array<i32>} : memref<128x16xf32, #tpu.memory_space<vmem>>, vector<1x16xf32>,
    }
    %scan3A_65 = arith.constant 128 : i32
    "tpu.region"() ({
      %run_scoped3A = tpu.sem_alloc : memref<!tpu.dma_semaphore, #tpu.memory_space<semaphore_mem>>
      %dma_start3A_71 = arith.constant 0 : i32
      %dma_start3A_72 = arith.constant 0 : i32
      %dma_start3A_73 = tpu.memref_slice %arg15[%dma_start3A_71, %dma_start3A_72] : memref<100096x16xf32, #tpu.memory_space<vmem_shared>> -> memref<100096x16xf32, #tpu.memory_space<vmem_shared>>
      tpu.enqueue_indirect_dma source(%arg13 : memref<128x16xf32, #tpu.memory_space<vmem>>) target(%dma_start3A_73 : memref<100096x16xf32, #tpu.memory_space<vmem_shared>>) offsets(%arg10 : memref<128xi32, #tpu.memory_space<vmem>>) semaphore(%run_scoped3A : memref<!tpu.dma_semaphore, #tpu.memory_space<semaphore_mem>>) {add = true}
      %dma_wait3A_74 = arith.constant 0 : i32
      %dma_wait3A_75 = arith.constant 0 : i32
      %dma_wait3A_76 = tpu.memref_slice %arg15[%dma_wait3A_74, %dma_wait3A_75] : memref<100096x16xf32, #tpu.memory_space<vmem_shared>> -> memref<100096x16xf32, #tpu.memory_space<vmem_shared>>
      tpu.wait_indirect_dma semaphore(%run_scoped3A : memref<!tpu.dma_semaphore, #tpu.memory_space<semaphore_mem>>) src(%arg13 : memref<128x16xf32, #tpu.memory_space<vmem>>) dst(%dma_wait3A_76 : memref<100096x16xf32, #tpu.memory_space<vmem_shared>>)
      tpu.yield
    }) : () -> ()
    %barrier3A_66 = arith.constant 0 : index
    tpu.barrier barrier_id(%barrier3A_66)
    %mul3A_67 = arith.constant 6256 : i32
    %mul3A_68 = arith.muli %arg1, %mul3A_67 : i32
    %mul3A_69 = arith.constant 6256 : i32
    %mul3A_70 = arith.muli %arg1, %mul3A_69 : i32
    "tpu.region"() ({
      %run_scoped3A = tpu.sem_alloc : memref<!tpu.dma_semaphore, #tpu.memory_space<semaphore_mem>>
      %dma_start3A_71 = arith.constant 0 : i32
      %dma_start3A_72 = tpu.memref_slice %arg8[%arg0, %mul3A_70, %dma_start3A_71] : memref<2x100096x16xf32, #tpu.memory_space<hbm>> -> memref<1x6256x16xf32, #tpu.memory_space<hbm>>
      %dma_start3A_73 = tpu.memref_squeeze %dma_start3A_72 : memref<1x6256x16xf32, #tpu.memory_space<hbm>> -> memref<6256x16xf32, #tpu.memory_space<hbm>>
      %dma_start3A_74 = arith.constant 0 : i32
      %dma_start3A_75 = tpu.memref_slice %arg15[%mul3A_68, %dma_start3A_74] : memref<100096x16xf32, #tpu.memory_space<vmem_shared>> -> memref<6256x16xf32, #tpu.memory_space<vmem_shared>>
      tpu.enqueue_dma source(%dma_start3A_75 : memref<6256x16xf32, #tpu.memory_space<vmem_shared>>) target(%dma_start3A_73 : memref<6256x16xf32, #tpu.memory_space<hbm>>) target_semaphore(%run_scoped3A : memref<!tpu.dma_semaphore, #tpu.memory_space<semaphore_mem>>)
      %dma_wait3A_76 = arith.constant 0 : i32
      %dma_wait3A_77 = tpu.memref_slice %arg8[%arg0, %mul3A_70, %dma_wait3A_76] : memref<2x100096x16xf32, #tpu.memory_space<hbm>> -> memref<1x6256x16xf32, #tpu.memory_space<hbm>>
      %dma_wait3A_78 = tpu.memref_squeeze %dma_wait3A_77 : memref<1x6256x16xf32, #tpu.memory_space<hbm>> -> memref<6256x16xf32, #tpu.memory_space<hbm>>
      %dma_wait3A_79 = arith.constant 0 : i32
      %dma_wait3A_80 = tpu.memref_slice %arg15[%mul3A_68, %dma_wait3A_79] : memref<100096x16xf32, #tpu.memory_space<vmem_shared>> -> memref<6256x16xf32, #tpu.memory_space<vmem_shared>>
      tpu.wait_dma2 semaphore(%run_scoped3A : memref<!tpu.dma_semaphore, #tpu.memory_space<semaphore_mem>>) src(%dma_wait3A_80 : memref<6256x16xf32, #tpu.memory_space<vmem_shared>>) dst(%dma_wait3A_78 : memref<6256x16xf32, #tpu.memory_space<hbm>>)
      tpu.yield
    }) : () -> ()
    return
  }
}

#map = affine_map<(d0, d1) -> (0)>
#map1 = affine_map<(d0, d1) -> (0, 0)>
#map2 = affine_map<(d0, d1) -> (0, 0, 0)>
module attributes {stable_mosaic.version = 14 : i64} {
  func.func @k(%arg0: i32, %arg1: i32, %arg2: memref<1600000xi32, #tpu.memory_space<hbm>>, %arg3: memref<1600000xi32, #tpu.memory_space<hbm>>, %arg4: memref<100000x16xf32, #tpu.memory_space<hbm>>, %arg5: memref<100000x16xf32, #tpu.memory_space<hbm>>, %arg6: memref<100000x16xf32, #tpu.memory_space<hbm>>, %arg7: memref<100096x16xf32, #tpu.memory_space<hbm>>, %arg8: memref<16xf32, #tpu.memory_space<hbm>>, %arg9: memref<2x100096x16xf32, #tpu.memory_space<hbm>>, %arg10: memref<128xi32, #tpu.memory_space<vmem>>, %arg11: memref<128xi32, #tpu.memory_space<vmem>>, %arg12: memref<128x16xf32, #tpu.memory_space<vmem>>, %arg13: memref<128x16xf32, #tpu.memory_space<vmem>>, %arg14: memref<128x16xf32, #tpu.memory_space<vmem>>, %arg15: memref<128x16xf32, #tpu.memory_space<vmem>>, %arg16: memref<16xf32, #tpu.memory_space<vmem>>, %arg17: memref<100096x16xf32, #tpu.memory_space<vmem_shared>>, %arg18: memref<!tpu.dma_semaphore, #tpu.memory_space<semaphore_mem>>) attributes {dimension_semantics = [#tpu.dimension_semantics<core_parallel>, #tpu.dimension_semantics<subcore_parallel>], iteration_bounds = array<i64: 2, 16>, scalar_prefetch = 0 : i64, scratch_operands = 9 : i64, tpu.core_type = #tpu.core_type<sc_vector_subcore>, window_params = [{transform_indices = #map}, {transform_indices = #map}, {transform_indices = #map1}, {transform_indices = #map1}, {transform_indices = #map1}, {transform_indices = #map1}, {transform_indices = #map}, {transform_indices = #map2}]} {
    %mul3A = arith.constant 2 : i32
    %mul3A_0 = arith.muli %arg1, %mul3A : i32
    %add3A = arith.addi %mul3A_0, %arg0 : i32
    %mul3A_1 = arith.constant 6256 : i32
    %mul3A_2 = arith.muli %arg1, %mul3A_1 : i32
    %mul3A_3 = arith.constant 6256 : i32
    %mul3A_4 = arith.muli %arg1, %mul3A_3 : i32
    "tpu.region"() ({
      %run_scoped3A = tpu.sem_alloc : memref<!tpu.dma_semaphore, #tpu.memory_space<semaphore_mem>>
      %dma_start3A_77 = arith.constant 0 : i32
      %dma_start3A_78 = tpu.memref_slice %arg17[%mul3A_4, %dma_start3A_77] : memref<100096x16xf32, #tpu.memory_space<vmem_shared>> -> memref<6256x16xf32, #tpu.memory_space<vmem_shared>>
      %dma_start3A_79 = arith.constant 0 : i32
      %dma_start3A_80 = tpu.memref_slice %arg7[%mul3A_2, %dma_start3A_79] : memref<100096x16xf32, #tpu.memory_space<hbm>> -> memref<6256x16xf32, #tpu.memory_space<hbm>>
      tpu.enqueue_dma source(%dma_start3A_80 : memref<6256x16xf32, #tpu.memory_space<hbm>>) target(%dma_start3A_78 : memref<6256x16xf32, #tpu.memory_space<vmem_shared>>) target_semaphore(%run_scoped3A : memref<!tpu.dma_semaphore, #tpu.memory_space<semaphore_mem>>)
      %dma_wait3A_81 = arith.constant 0 : i32
      %dma_wait3A_82 = tpu.memref_slice %arg17[%mul3A_4, %dma_wait3A_81] : memref<100096x16xf32, #tpu.memory_space<vmem_shared>> -> memref<6256x16xf32, #tpu.memory_space<vmem_shared>>
      %dma_wait3A_83 = arith.constant 0 : i32
      %dma_wait3A_84 = tpu.memref_slice %arg7[%mul3A_2, %dma_wait3A_83] : memref<100096x16xf32, #tpu.memory_space<hbm>> -> memref<6256x16xf32, #tpu.memory_space<hbm>>
      tpu.wait_dma2 semaphore(%run_scoped3A : memref<!tpu.dma_semaphore, #tpu.memory_space<semaphore_mem>>) src(%dma_wait3A_84 : memref<6256x16xf32, #tpu.memory_space<hbm>>) dst(%dma_wait3A_82 : memref<6256x16xf32, #tpu.memory_space<vmem_shared>>)
      tpu.yield
    }) : () -> ()
    "tpu.region"() ({
      %run_scoped3A = tpu.sem_alloc : memref<!tpu.dma_semaphore, #tpu.memory_space<semaphore_mem>>
      tpu.enqueue_dma source(%arg8 : memref<16xf32, #tpu.memory_space<hbm>>) target(%arg16 : memref<16xf32, #tpu.memory_space<vmem>>) target_semaphore(%run_scoped3A : memref<!tpu.dma_semaphore, #tpu.memory_space<semaphore_mem>>)
      tpu.wait_dma2 semaphore(%run_scoped3A : memref<!tpu.dma_semaphore, #tpu.memory_space<semaphore_mem>>) src(%arg8 : memref<16xf32, #tpu.memory_space<hbm>>) dst(%arg16 : memref<16xf32, #tpu.memory_space<vmem>>)
      tpu.yield
    }) : () -> ()
    %barrier3A = arith.constant 0 : index
    tpu.barrier barrier_id(%barrier3A)
    %mul3A_5 = arith.constant 50000 : i32
    %mul3A_6 = arith.muli %add3A, %mul3A_5 : i32
    %scan3A = arith.constant 0 : i32
    %scan3A_7 = arith.constant 0 : i32
    %scan3A_8 = arith.constant 390 : i32
    %scan3A_9 = arith.addi %scan3A_7, %scan3A_8 : i32
    %scan3A_10 = arith.constant 1 : i32
    scf.for %scan3A_77 = %scan3A_7 to %scan3A_9 step %scan3A_10  : i32 {
      %mul3A_78 = arith.constant 128 : i32
      %mul3A_79 = arith.muli %scan3A_77, %mul3A_78 : i32
      %add3A_80 = arith.addi %mul3A_6, %mul3A_79 : i32
      "tpu.region"() ({
        %run_scoped3A = tpu.sem_alloc : memref<!tpu.dma_semaphore, #tpu.memory_space<semaphore_mem>>
        %dma_start3A_108 = arith.constant 0 : i32
        %dma_start3A_109 = tpu.memref_slice %arg10[%dma_start3A_108] : memref<128xi32, #tpu.memory_space<vmem>> -> memref<128xi32, #tpu.memory_space<vmem>>
        %dma_start3A_110 = tpu.memref_slice %arg2[%add3A_80] : memref<1600000xi32, #tpu.memory_space<hbm>> -> memref<128xi32, #tpu.memory_space<hbm>>
        %dma_start3A_111 = arith.constant 0 : i32
        %dma_start3A_112 = tpu.memref_slice %arg10[%dma_start3A_111] : memref<128xi32, #tpu.memory_space<vmem>> -> memref<128xi32, #tpu.memory_space<vmem>>
        %dma_start3A_113 = tpu.memref_slice %arg2[%add3A_80] : memref<1600000xi32, #tpu.memory_space<hbm>> -> memref<128xi32, #tpu.memory_space<hbm>>
        tpu.enqueue_dma source(%dma_start3A_113 : memref<128xi32, #tpu.memory_space<hbm>>) target(%dma_start3A_112 : memref<128xi32, #tpu.memory_space<vmem>>) target_semaphore(%run_scoped3A : memref<!tpu.dma_semaphore, #tpu.memory_space<semaphore_mem>>)
        %dma_wait3A_114 = arith.constant 0 : i32
        %dma_wait3A_115 = tpu.memref_slice %arg10[%dma_wait3A_114] : memref<128xi32, #tpu.memory_space<vmem>> -> memref<128xi32, #tpu.memory_space<vmem>>
        %dma_wait3A_116 = tpu.memref_slice %arg2[%add3A_80] : memref<1600000xi32, #tpu.memory_space<hbm>> -> memref<128xi32, #tpu.memory_space<hbm>>
        %dma_wait3A_117 = arith.constant 0 : i32
        %dma_wait3A_118 = tpu.memref_slice %arg10[%dma_wait3A_117] : memref<128xi32, #tpu.memory_space<vmem>> -> memref<128xi32, #tpu.memory_space<vmem>>
        %dma_wait3A_119 = tpu.memref_slice %arg2[%add3A_80] : memref<1600000xi32, #tpu.memory_space<hbm>> -> memref<128xi32, #tpu.memory_space<hbm>>
        tpu.wait_dma2 semaphore(%run_scoped3A : memref<!tpu.dma_semaphore, #tpu.memory_space<semaphore_mem>>) src(%dma_wait3A_119 : memref<128xi32, #tpu.memory_space<hbm>>) dst(%dma_wait3A_118 : memref<128xi32, #tpu.memory_space<vmem>>)
        tpu.yield
      }) : () -> ()
      "tpu.region"() ({
        %run_scoped3A = tpu.sem_alloc : memref<!tpu.dma_semaphore, #tpu.memory_space<semaphore_mem>>
        %dma_start3A_108 = arith.constant 0 : i32
        %dma_start3A_109 = tpu.memref_slice %arg11[%dma_start3A_108] : memref<128xi32, #tpu.memory_space<vmem>> -> memref<128xi32, #tpu.memory_space<vmem>>
        %dma_start3A_110 = tpu.memref_slice %arg3[%add3A_80] : memref<1600000xi32, #tpu.memory_space<hbm>> -> memref<128xi32, #tpu.memory_space<hbm>>
        %dma_start3A_111 = arith.constant 0 : i32
        %dma_start3A_112 = tpu.memref_slice %arg11[%dma_start3A_111] : memref<128xi32, #tpu.memory_space<vmem>> -> memref<128xi32, #tpu.memory_space<vmem>>
        %dma_start3A_113 = tpu.memref_slice %arg3[%add3A_80] : memref<1600000xi32, #tpu.memory_space<hbm>> -> memref<128xi32, #tpu.memory_space<hbm>>
        tpu.enqueue_dma source(%dma_start3A_113 : memref<128xi32, #tpu.memory_space<hbm>>) target(%dma_start3A_112 : memref<128xi32, #tpu.memory_space<vmem>>) target_semaphore(%run_scoped3A : memref<!tpu.dma_semaphore, #tpu.memory_space<semaphore_mem>>)
        %dma_wait3A_114 = arith.constant 0 : i32
        %dma_wait3A_115 = tpu.memref_slice %arg11[%dma_wait3A_114] : memref<128xi32, #tpu.memory_space<vmem>> -> memref<128xi32, #tpu.memory_space<vmem>>
        %dma_wait3A_116 = tpu.memref_slice %arg3[%add3A_80] : memref<1600000xi32, #tpu.memory_space<hbm>> -> memref<128xi32, #tpu.memory_space<hbm>>
        %dma_wait3A_117 = arith.constant 0 : i32
        %dma_wait3A_118 = tpu.memref_slice %arg11[%dma_wait3A_117] : memref<128xi32, #tpu.memory_space<vmem>> -> memref<128xi32, #tpu.memory_space<vmem>>
        %dma_wait3A_119 = tpu.memref_slice %arg3[%add3A_80] : memref<1600000xi32, #tpu.memory_space<hbm>> -> memref<128xi32, #tpu.memory_space<hbm>>
        tpu.wait_dma2 semaphore(%run_scoped3A : memref<!tpu.dma_semaphore, #tpu.memory_space<semaphore_mem>>) src(%dma_wait3A_119 : memref<128xi32, #tpu.memory_space<hbm>>) dst(%dma_wait3A_118 : memref<128xi32, #tpu.memory_space<vmem>>)
        tpu.yield
      }) : () -> ()
      %dma_start3A_81 = arith.constant 0 : i32
      %dma_start3A_82 = arith.constant 0 : i32
      %dma_start3A_83 = tpu.memref_slice %arg4[%dma_start3A_81, %dma_start3A_82] : memref<100000x16xf32, #tpu.memory_space<hbm>> -> memref<100000x16xf32, #tpu.memory_space<hbm>>
      tpu.enqueue_indirect_dma source(%dma_start3A_83 : memref<100000x16xf32, #tpu.memory_space<hbm>>) target(%arg12 : memref<128x16xf32, #tpu.memory_space<vmem>>) offsets(%arg10 : memref<128xi32, #tpu.memory_space<vmem>>) semaphore(%arg18 : memref<!tpu.dma_semaphore, #tpu.memory_space<semaphore_mem>>)
      %dma_start3A_84 = arith.constant 0 : i32
      %dma_start3A_85 = arith.constant 0 : i32
      %dma_start3A_86 = tpu.memref_slice %arg5[%dma_start3A_84, %dma_start3A_85] : memref<100000x16xf32, #tpu.memory_space<hbm>> -> memref<100000x16xf32, #tpu.memory_space<hbm>>
      tpu.enqueue_indirect_dma source(%dma_start3A_86 : memref<100000x16xf32, #tpu.memory_space<hbm>>) target(%arg13 : memref<128x16xf32, #tpu.memory_space<vmem>>) offsets(%arg11 : memref<128xi32, #tpu.memory_space<vmem>>) semaphore(%arg18 : memref<!tpu.dma_semaphore, #tpu.memory_space<semaphore_mem>>)
      %dma_start3A_87 = arith.constant 0 : i32
      %dma_start3A_88 = arith.constant 0 : i32
      %dma_start3A_89 = tpu.memref_slice %arg6[%dma_start3A_87, %dma_start3A_88] : memref<100000x16xf32, #tpu.memory_space<hbm>> -> memref<100000x16xf32, #tpu.memory_space<hbm>>
      tpu.enqueue_indirect_dma source(%dma_start3A_89 : memref<100000x16xf32, #tpu.memory_space<hbm>>) target(%arg14 : memref<128x16xf32, #tpu.memory_space<vmem>>) offsets(%arg10 : memref<128xi32, #tpu.memory_space<vmem>>) semaphore(%arg18 : memref<!tpu.dma_semaphore, #tpu.memory_space<semaphore_mem>>)
      %dma_wait3A_90 = arith.constant 0 : i32
      %dma_wait3A_91 = arith.constant 0 : i32
      %dma_wait3A_92 = tpu.memref_slice %arg6[%dma_wait3A_90, %dma_wait3A_91] : memref<100000x16xf32, #tpu.memory_space<hbm>> -> memref<100000x16xf32, #tpu.memory_space<hbm>>
      tpu.wait_indirect_dma semaphore(%arg18 : memref<!tpu.dma_semaphore, #tpu.memory_space<semaphore_mem>>) src(%dma_wait3A_92 : memref<100000x16xf32, #tpu.memory_space<hbm>>) dst(%arg14 : memref<128x16xf32, #tpu.memory_space<vmem>>)
      %dma_wait3A_93 = arith.constant 0 : i32
      %dma_wait3A_94 = arith.constant 0 : i32
      %dma_wait3A_95 = tpu.memref_slice %arg5[%dma_wait3A_93, %dma_wait3A_94] : memref<100000x16xf32, #tpu.memory_space<hbm>> -> memref<100000x16xf32, #tpu.memory_space<hbm>>
      tpu.wait_indirect_dma semaphore(%arg18 : memref<!tpu.dma_semaphore, #tpu.memory_space<semaphore_mem>>) src(%dma_wait3A_95 : memref<100000x16xf32, #tpu.memory_space<hbm>>) dst(%arg13 : memref<128x16xf32, #tpu.memory_space<vmem>>)
      %dma_wait3A_96 = arith.constant 0 : i32
      %dma_wait3A_97 = arith.constant 0 : i32
      %dma_wait3A_98 = tpu.memref_slice %arg4[%dma_wait3A_96, %dma_wait3A_97] : memref<100000x16xf32, #tpu.memory_space<hbm>> -> memref<100000x16xf32, #tpu.memory_space<hbm>>
      tpu.wait_indirect_dma semaphore(%arg18 : memref<!tpu.dma_semaphore, #tpu.memory_space<semaphore_mem>>) src(%dma_wait3A_98 : memref<100000x16xf32, #tpu.memory_space<hbm>>) dst(%arg12 : memref<128x16xf32, #tpu.memory_space<vmem>>)
      %get3A_99 = arith.constant 0 : index
      %get3A_100 = tpu.vector_load %arg16[%get3A_99] {strides = array<i32>} : memref<16xf32, #tpu.memory_space<vmem>>, vector<16xf32>,
      %get3A_101 = vector.shape_cast %get3A_100 : vector<16xf32> to vector<16xf32>
      %scan3A_102 = arith.constant 0 : i32
      %scan3A_103 = arith.constant 0 : i32
      %scan3A_104 = arith.constant 128 : i32
      %scan3A_105 = arith.addi %scan3A_103, %scan3A_104 : i32
      %scan3A_106 = arith.constant 1 : i32
      scf.for %scan3A_108 = %scan3A_103 to %scan3A_105 step %scan3A_106  : i32 {
        %get3A_109 = arith.index_cast %scan3A_108 : i32 to index
        %get3A_110 = arith.constant 0 : index
        %get3A_111 = tpu.vector_load %arg12[%get3A_109, %get3A_110] {strides = array<i32>} : memref<128x16xf32, #tpu.memory_space<vmem>>, vector<1x16xf32>,
        %get3A_112 = vector.shape_cast %get3A_111 : vector<1x16xf32> to vector<16xf32>
        %get3A_113 = arith.index_cast %scan3A_108 : i32 to index
        %get3A_114 = arith.constant 0 : index
        %get3A_115 = tpu.vector_load %arg13[%get3A_113, %get3A_114] {strides = array<i32>} : memref<128x16xf32, #tpu.memory_space<vmem>>, vector<1x16xf32>,
        %get3A_116 = vector.shape_cast %get3A_115 : vector<1x16xf32> to vector<16xf32>
        %add3A_117 = arith.addf %get3A_112, %get3A_116 : vector<16xf32>
        %gt3A = arith.constant 0.000000e+00 : f32
        %gt3A_118 = vector.broadcast %gt3A : f32 to vector<16xf32>
        %gt3A_119 = arith.cmpf ogt, %add3A_117, %gt3A_118 : vector<16xf32>
        %mul3A_120 = arith.constant 2.000000e-01 : f32
        %mul3A_121 = vector.broadcast %mul3A_120 : f32 to vector<16xf32>
        %mul3A_122 = arith.mulf %mul3A_121, %add3A_117 : vector<16xf32>
        %select_n3A = arith.select %gt3A_119, %add3A_117, %mul3A_122 : vector<16xi1>, vector<16xf32>
        %sub3A = arith.subf %select_n3A, %get3A_101 : vector<16xf32>
        %exp3A = math.exp %sub3A : vector<16xf32>
        %get3A_123 = arith.index_cast %scan3A_108 : i32 to index
        %get3A_124 = arith.constant 0 : index
        %get3A_125 = tpu.vector_load %arg14[%get3A_123, %get3A_124] {strides = array<i32>} : memref<128x16xf32, #tpu.memory_space<vmem>>, vector<1x16xf32>,
        %get3A_126 = vector.shape_cast %get3A_125 : vector<1x16xf32> to vector<16xf32>
        %mul3A_127 = arith.mulf %exp3A, %get3A_126 : vector<16xf32>
        %swap3A_128 = arith.index_cast %scan3A_108 : i32 to index
        %swap3A_129 = arith.constant 0 : index
        %swap3A_130 = tpu.vector_load %arg15[%swap3A_128, %swap3A_129] {strides = array<i32>} : memref<128x16xf32, #tpu.memory_space<vmem>>, vector<1x16xf32>,
        %swap3A_131 = vector.shape_cast %swap3A_130 : vector<1x16xf32> to vector<16xf32>
        %swap3A_132 = vector.shape_cast %mul3A_127 : vector<16xf32> to vector<1x16xf32>
        tpu.vector_store %arg15[%swap3A_128, %swap3A_129], %swap3A_132 {strides = array<i32>} : memref<128x16xf32, #tpu.memory_space<vmem>>, vector<1x16xf32>,
      }
      %scan3A_107 = arith.constant 128 : i32
      "tpu.region"() ({
        %run_scoped3A = tpu.sem_alloc : memref<!tpu.dma_semaphore, #tpu.memory_space<semaphore_mem>>
        %dma_start3A_108 = arith.constant 0 : i32
        %dma_start3A_109 = arith.constant 0 : i32
        %dma_start3A_110 = tpu.memref_slice %arg17[%dma_start3A_108, %dma_start3A_109] : memref<100096x16xf32, #tpu.memory_space<vmem_shared>> -> memref<100096x16xf32, #tpu.memory_space<vmem_shared>>
        tpu.enqueue_indirect_dma source(%arg15 : memref<128x16xf32, #tpu.memory_space<vmem>>) target(%dma_start3A_110 : memref<100096x16xf32, #tpu.memory_space<vmem_shared>>) offsets(%arg11 : memref<128xi32, #tpu.memory_space<vmem>>) semaphore(%run_scoped3A : memref<!tpu.dma_semaphore, #tpu.memory_space<semaphore_mem>>) {add = true}
        %dma_wait3A_111 = arith.constant 0 : i32
        %dma_wait3A_112 = arith.constant 0 : i32
        %dma_wait3A_113 = tpu.memref_slice %arg17[%dma_wait3A_111, %dma_wait3A_112] : memref<100096x16xf32, #tpu.memory_space<vmem_shared>> -> memref<100096x16xf32, #tpu.memory_space<vmem_shared>>
        tpu.wait_indirect_dma semaphore(%run_scoped3A : memref<!tpu.dma_semaphore, #tpu.memory_space<semaphore_mem>>) src(%arg15 : memref<128x16xf32, #tpu.memory_space<vmem>>) dst(%dma_wait3A_113 : memref<100096x16xf32, #tpu.memory_space<vmem_shared>>)
        tpu.yield
      }) : () -> ()
    }
    %scan3A_11 = arith.constant 390 : i32
    %add3A_12 = arith.constant 49920 : i32
    %add3A_13 = arith.addi %mul3A_6, %add3A_12 : i32
    "tpu.region"() ({
      %run_scoped3A = tpu.sem_alloc : memref<!tpu.dma_semaphore, #tpu.memory_space<semaphore_mem>>
      %dma_start3A_77 = arith.constant 0 : i32
      %dma_start3A_78 = tpu.memref_slice %arg10[%dma_start3A_77] : memref<128xi32, #tpu.memory_space<vmem>> -> memref<80xi32, #tpu.memory_space<vmem>>
      %dma_start3A_79 = tpu.memref_slice %arg2[%add3A_13] : memref<1600000xi32, #tpu.memory_space<hbm>> -> memref<80xi32, #tpu.memory_space<hbm>>
      %dma_start3A_80 = arith.constant 0 : i32
      %dma_start3A_81 = tpu.memref_slice %arg10[%dma_start3A_80] : memref<128xi32, #tpu.memory_space<vmem>> -> memref<80xi32, #tpu.memory_space<vmem>>
      %dma_start3A_82 = tpu.memref_slice %arg2[%add3A_13] : memref<1600000xi32, #tpu.memory_space<hbm>> -> memref<80xi32, #tpu.memory_space<hbm>>
      tpu.enqueue_dma source(%dma_start3A_82 : memref<80xi32, #tpu.memory_space<hbm>>) target(%dma_start3A_81 : memref<80xi32, #tpu.memory_space<vmem>>) target_semaphore(%run_scoped3A : memref<!tpu.dma_semaphore, #tpu.memory_space<semaphore_mem>>)
      %dma_wait3A_83 = arith.constant 0 : i32
      %dma_wait3A_84 = tpu.memref_slice %arg10[%dma_wait3A_83] : memref<128xi32, #tpu.memory_space<vmem>> -> memref<80xi32, #tpu.memory_space<vmem>>
      %dma_wait3A_85 = tpu.memref_slice %arg2[%add3A_13] : memref<1600000xi32, #tpu.memory_space<hbm>> -> memref<80xi32, #tpu.memory_space<hbm>>
      %dma_wait3A_86 = arith.constant 0 : i32
      %dma_wait3A_87 = tpu.memref_slice %arg10[%dma_wait3A_86] : memref<128xi32, #tpu.memory_space<vmem>> -> memref<80xi32, #tpu.memory_space<vmem>>
      %dma_wait3A_88 = tpu.memref_slice %arg2[%add3A_13] : memref<1600000xi32, #tpu.memory_space<hbm>> -> memref<80xi32, #tpu.memory_space<hbm>>
      tpu.wait_dma2 semaphore(%run_scoped3A : memref<!tpu.dma_semaphore, #tpu.memory_space<semaphore_mem>>) src(%dma_wait3A_88 : memref<80xi32, #tpu.memory_space<hbm>>) dst(%dma_wait3A_87 : memref<80xi32, #tpu.memory_space<vmem>>)
      tpu.yield
    }) : () -> ()
    "tpu.region"() ({
      %run_scoped3A = tpu.sem_alloc : memref<!tpu.dma_semaphore, #tpu.memory_space<semaphore_mem>>
      %dma_start3A_77 = arith.constant 0 : i32
      %dma_start3A_78 = tpu.memref_slice %arg11[%dma_start3A_77] : memref<128xi32, #tpu.memory_space<vmem>> -> memref<80xi32, #tpu.memory_space<vmem>>
      %dma_start3A_79 = tpu.memref_slice %arg3[%add3A_13] : memref<1600000xi32, #tpu.memory_space<hbm>> -> memref<80xi32, #tpu.memory_space<hbm>>
      %dma_start3A_80 = arith.constant 0 : i32
      %dma_start3A_81 = tpu.memref_slice %arg11[%dma_start3A_80] : memref<128xi32, #tpu.memory_space<vmem>> -> memref<80xi32, #tpu.memory_space<vmem>>
      %dma_start3A_82 = tpu.memref_slice %arg3[%add3A_13] : memref<1600000xi32, #tpu.memory_space<hbm>> -> memref<80xi32, #tpu.memory_space<hbm>>
      tpu.enqueue_dma source(%dma_start3A_82 : memref<80xi32, #tpu.memory_space<hbm>>) target(%dma_start3A_81 : memref<80xi32, #tpu.memory_space<vmem>>) target_semaphore(%run_scoped3A : memref<!tpu.dma_semaphore, #tpu.memory_space<semaphore_mem>>)
      %dma_wait3A_83 = arith.constant 0 : i32
      %dma_wait3A_84 = tpu.memref_slice %arg11[%dma_wait3A_83] : memref<128xi32, #tpu.memory_space<vmem>> -> memref<80xi32, #tpu.memory_space<vmem>>
      %dma_wait3A_85 = tpu.memref_slice %arg3[%add3A_13] : memref<1600000xi32, #tpu.memory_space<hbm>> -> memref<80xi32, #tpu.memory_space<hbm>>
      %dma_wait3A_86 = arith.constant 0 : i32
      %dma_wait3A_87 = tpu.memref_slice %arg11[%dma_wait3A_86] : memref<128xi32, #tpu.memory_space<vmem>> -> memref<80xi32, #tpu.memory_space<vmem>>
      %dma_wait3A_88 = tpu.memref_slice %arg3[%add3A_13] : memref<1600000xi32, #tpu.memory_space<hbm>> -> memref<80xi32, #tpu.memory_space<hbm>>
      tpu.wait_dma2 semaphore(%run_scoped3A : memref<!tpu.dma_semaphore, #tpu.memory_space<semaphore_mem>>) src(%dma_wait3A_88 : memref<80xi32, #tpu.memory_space<hbm>>) dst(%dma_wait3A_87 : memref<80xi32, #tpu.memory_space<vmem>>)
      tpu.yield
    }) : () -> ()
    %broadcast_in_dim3A = arith.constant 0 : i32
    %broadcast_in_dim3A_14 = vector.broadcast %broadcast_in_dim3A : i32 to vector<16xi32>
    %swap3A = arith.constant 80 : index
    %swap3A_15 = tpu.vector_load %arg10[%swap3A] {strides = array<i32>} : memref<128xi32, #tpu.memory_space<vmem>>, vector<16xi32>,
    %swap3A_16 = vector.shape_cast %swap3A_15 : vector<16xi32> to vector<16xi32>
    %swap3A_17 = vector.shape_cast %broadcast_in_dim3A_14 : vector<16xi32> to vector<16xi32>
    tpu.vector_store %arg10[%swap3A], %swap3A_17 {strides = array<i32>} : memref<128xi32, #tpu.memory_space<vmem>>, vector<16xi32>,
    %broadcast_in_dim3A_18 = arith.constant 100000 : i32
    %broadcast_in_dim3A_19 = vector.broadcast %broadcast_in_dim3A_18 : i32 to vector<16xi32>
    %swap3A_20 = arith.constant 80 : index
    %swap3A_21 = tpu.vector_load %arg11[%swap3A_20] {strides = array<i32>} : memref<128xi32, #tpu.memory_space<vmem>>, vector<16xi32>,
    %swap3A_22 = vector.shape_cast %swap3A_21 : vector<16xi32> to vector<16xi32>
    %swap3A_23 = vector.shape_cast %broadcast_in_dim3A_19 : vector<16xi32> to vector<16xi32>
    tpu.vector_store %arg11[%swap3A_20], %swap3A_23 {strides = array<i32>} : memref<128xi32, #tpu.memory_space<vmem>>, vector<16xi32>,
    %broadcast_in_dim3A_24 = arith.constant 0 : i32
    %broadcast_in_dim3A_25 = vector.broadcast %broadcast_in_dim3A_24 : i32 to vector<16xi32>
    %swap3A_26 = arith.constant 96 : index
    %swap3A_27 = tpu.vector_load %arg10[%swap3A_26] {strides = array<i32>} : memref<128xi32, #tpu.memory_space<vmem>>, vector<16xi32>,
    %swap3A_28 = vector.shape_cast %swap3A_27 : vector<16xi32> to vector<16xi32>
    %swap3A_29 = vector.shape_cast %broadcast_in_dim3A_25 : vector<16xi32> to vector<16xi32>
    tpu.vector_store %arg10[%swap3A_26], %swap3A_29 {strides = array<i32>} : memref<128xi32, #tpu.memory_space<vmem>>, vector<16xi32>,
    %broadcast_in_dim3A_30 = arith.constant 100000 : i32
    %broadcast_in_dim3A_31 = vector.broadcast %broadcast_in_dim3A_30 : i32 to vector<16xi32>
    %swap3A_32 = arith.constant 96 : index
    %swap3A_33 = tpu.vector_load %arg11[%swap3A_32] {strides = array<i32>} : memref<128xi32, #tpu.memory_space<vmem>>, vector<16xi32>,
    %swap3A_34 = vector.shape_cast %swap3A_33 : vector<16xi32> to vector<16xi32>
    %swap3A_35 = vector.shape_cast %broadcast_in_dim3A_31 : vector<16xi32> to vector<16xi32>
    tpu.vector_store %arg11[%swap3A_32], %swap3A_35 {strides = array<i32>} : memref<128xi32, #tpu.memory_space<vmem>>, vector<16xi32>,
    %broadcast_in_dim3A_36 = arith.constant 0 : i32
    %broadcast_in_dim3A_37 = vector.broadcast %broadcast_in_dim3A_36 : i32 to vector<16xi32>
    %swap3A_38 = arith.constant 112 : index
    %swap3A_39 = tpu.vector_load %arg10[%swap3A_38] {strides = array<i32>} : memref<128xi32, #tpu.memory_space<vmem>>, vector<16xi32>,
    %swap3A_40 = vector.shape_cast %swap3A_39 : vector<16xi32> to vector<16xi32>
    %swap3A_41 = vector.shape_cast %broadcast_in_dim3A_37 : vector<16xi32> to vector<16xi32>
    tpu.vector_store %arg10[%swap3A_38], %swap3A_41 {strides = array<i32>} : memref<128xi32, #tpu.memory_space<vmem>>, vector<16xi32>,
    %broadcast_in_dim3A_42 = arith.constant 100000 : i32
    %broadcast_in_dim3A_43 = vector.broadcast %broadcast_in_dim3A_42 : i32 to vector<16xi32>
    %swap3A_44 = arith.constant 112 : index
    %swap3A_45 = tpu.vector_load %arg11[%swap3A_44] {strides = array<i32>} : memref<128xi32, #tpu.memory_space<vmem>>, vector<16xi32>,
    %swap3A_46 = vector.shape_cast %swap3A_45 : vector<16xi32> to vector<16xi32>
    %swap3A_47 = vector.shape_cast %broadcast_in_dim3A_43 : vector<16xi32> to vector<16xi32>
    tpu.vector_store %arg11[%swap3A_44], %swap3A_47 {strides = array<i32>} : memref<128xi32, #tpu.memory_space<vmem>>, vector<16xi32>,
    %dma_start3A = arith.constant 0 : i32
    %dma_start3A_48 = arith.constant 0 : i32
    %dma_start3A_49 = tpu.memref_slice %arg4[%dma_start3A, %dma_start3A_48] : memref<100000x16xf32, #tpu.memory_space<hbm>> -> memref<100000x16xf32, #tpu.memory_space<hbm>>
    tpu.enqueue_indirect_dma source(%dma_start3A_49 : memref<100000x16xf32, #tpu.memory_space<hbm>>) target(%arg12 : memref<128x16xf32, #tpu.memory_space<vmem>>) offsets(%arg10 : memref<128xi32, #tpu.memory_space<vmem>>) semaphore(%arg18 : memref<!tpu.dma_semaphore, #tpu.memory_space<semaphore_mem>>)
    %dma_start3A_50 = arith.constant 0 : i32
    %dma_start3A_51 = arith.constant 0 : i32
    %dma_start3A_52 = tpu.memref_slice %arg5[%dma_start3A_50, %dma_start3A_51] : memref<100000x16xf32, #tpu.memory_space<hbm>> -> memref<100000x16xf32, #tpu.memory_space<hbm>>
    tpu.enqueue_indirect_dma source(%dma_start3A_52 : memref<100000x16xf32, #tpu.memory_space<hbm>>) target(%arg13 : memref<128x16xf32, #tpu.memory_space<vmem>>) offsets(%arg11 : memref<128xi32, #tpu.memory_space<vmem>>) semaphore(%arg18 : memref<!tpu.dma_semaphore, #tpu.memory_space<semaphore_mem>>)
    %dma_start3A_53 = arith.constant 0 : i32
    %dma_start3A_54 = arith.constant 0 : i32
    %dma_start3A_55 = tpu.memref_slice %arg6[%dma_start3A_53, %dma_start3A_54] : memref<100000x16xf32, #tpu.memory_space<hbm>> -> memref<100000x16xf32, #tpu.memory_space<hbm>>
    tpu.enqueue_indirect_dma source(%dma_start3A_55 : memref<100000x16xf32, #tpu.memory_space<hbm>>) target(%arg14 : memref<128x16xf32, #tpu.memory_space<vmem>>) offsets(%arg10 : memref<128xi32, #tpu.memory_space<vmem>>) semaphore(%arg18 : memref<!tpu.dma_semaphore, #tpu.memory_space<semaphore_mem>>)
    %dma_wait3A = arith.constant 0 : i32
    %dma_wait3A_56 = arith.constant 0 : i32
    %dma_wait3A_57 = tpu.memref_slice %arg6[%dma_wait3A, %dma_wait3A_56] : memref<100000x16xf32, #tpu.memory_space<hbm>> -> memref<100000x16xf32, #tpu.memory_space<hbm>>
    tpu.wait_indirect_dma semaphore(%arg18 : memref<!tpu.dma_semaphore, #tpu.memory_space<semaphore_mem>>) src(%dma_wait3A_57 : memref<100000x16xf32, #tpu.memory_space<hbm>>) dst(%arg14 : memref<128x16xf32, #tpu.memory_space<vmem>>)
    %dma_wait3A_58 = arith.constant 0 : i32
    %dma_wait3A_59 = arith.constant 0 : i32
    %dma_wait3A_60 = tpu.memref_slice %arg5[%dma_wait3A_58, %dma_wait3A_59] : memref<100000x16xf32, #tpu.memory_space<hbm>> -> memref<100000x16xf32, #tpu.memory_space<hbm>>
    tpu.wait_indirect_dma semaphore(%arg18 : memref<!tpu.dma_semaphore, #tpu.memory_space<semaphore_mem>>) src(%dma_wait3A_60 : memref<100000x16xf32, #tpu.memory_space<hbm>>) dst(%arg13 : memref<128x16xf32, #tpu.memory_space<vmem>>)
    %dma_wait3A_61 = arith.constant 0 : i32
    %dma_wait3A_62 = arith.constant 0 : i32
    %dma_wait3A_63 = tpu.memref_slice %arg4[%dma_wait3A_61, %dma_wait3A_62] : memref<100000x16xf32, #tpu.memory_space<hbm>> -> memref<100000x16xf32, #tpu.memory_space<hbm>>
    tpu.wait_indirect_dma semaphore(%arg18 : memref<!tpu.dma_semaphore, #tpu.memory_space<semaphore_mem>>) src(%dma_wait3A_63 : memref<100000x16xf32, #tpu.memory_space<hbm>>) dst(%arg12 : memref<128x16xf32, #tpu.memory_space<vmem>>)
    %get3A = arith.constant 0 : index
    %get3A_64 = tpu.vector_load %arg16[%get3A] {strides = array<i32>} : memref<16xf32, #tpu.memory_space<vmem>>, vector<16xf32>,
    %get3A_65 = vector.shape_cast %get3A_64 : vector<16xf32> to vector<16xf32>
    %scan3A_66 = arith.constant 0 : i32
    %scan3A_67 = arith.constant 0 : i32
    %scan3A_68 = arith.constant 128 : i32
    %scan3A_69 = arith.addi %scan3A_67, %scan3A_68 : i32
    %scan3A_70 = arith.constant 1 : i32
    scf.for %scan3A_77 = %scan3A_67 to %scan3A_69 step %scan3A_70  : i32 {
      %get3A_78 = arith.index_cast %scan3A_77 : i32 to index
      %get3A_79 = arith.constant 0 : index
      %get3A_80 = tpu.vector_load %arg12[%get3A_78, %get3A_79] {strides = array<i32>} : memref<128x16xf32, #tpu.memory_space<vmem>>, vector<1x16xf32>,
      %get3A_81 = vector.shape_cast %get3A_80 : vector<1x16xf32> to vector<16xf32>
      %get3A_82 = arith.index_cast %scan3A_77 : i32 to index
      %get3A_83 = arith.constant 0 : index
      %get3A_84 = tpu.vector_load %arg13[%get3A_82, %get3A_83] {strides = array<i32>} : memref<128x16xf32, #tpu.memory_space<vmem>>, vector<1x16xf32>,
      %get3A_85 = vector.shape_cast %get3A_84 : vector<1x16xf32> to vector<16xf32>
      %add3A_86 = arith.addf %get3A_81, %get3A_85 : vector<16xf32>
      %gt3A = arith.constant 0.000000e+00 : f32
      %gt3A_87 = vector.broadcast %gt3A : f32 to vector<16xf32>
      %gt3A_88 = arith.cmpf ogt, %add3A_86, %gt3A_87 : vector<16xf32>
      %mul3A_89 = arith.constant 2.000000e-01 : f32
      %mul3A_90 = vector.broadcast %mul3A_89 : f32 to vector<16xf32>
      %mul3A_91 = arith.mulf %mul3A_90, %add3A_86 : vector<16xf32>
      %select_n3A = arith.select %gt3A_88, %add3A_86, %mul3A_91 : vector<16xi1>, vector<16xf32>
      %sub3A = arith.subf %select_n3A, %get3A_65 : vector<16xf32>
      %exp3A = math.exp %sub3A : vector<16xf32>
      %get3A_92 = arith.index_cast %scan3A_77 : i32 to index
      %get3A_93 = arith.constant 0 : index
      %get3A_94 = tpu.vector_load %arg14[%get3A_92, %get3A_93] {strides = array<i32>} : memref<128x16xf32, #tpu.memory_space<vmem>>, vector<1x16xf32>,
      %get3A_95 = vector.shape_cast %get3A_94 : vector<1x16xf32> to vector<16xf32>
      %mul3A_96 = arith.mulf %exp3A, %get3A_95 : vector<16xf32>
      %swap3A_97 = arith.index_cast %scan3A_77 : i32 to index
      %swap3A_98 = arith.constant 0 : index
      %swap3A_99 = tpu.vector_load %arg15[%swap3A_97, %swap3A_98] {strides = array<i32>} : memref<128x16xf32, #tpu.memory_space<vmem>>, vector<1x16xf32>,
      %swap3A_100 = vector.shape_cast %swap3A_99 : vector<1x16xf32> to vector<16xf32>
      %swap3A_101 = vector.shape_cast %mul3A_96 : vector<16xf32> to vector<1x16xf32>
      tpu.vector_store %arg15[%swap3A_97, %swap3A_98], %swap3A_101 {strides = array<i32>} : memref<128x16xf32, #tpu.memory_space<vmem>>, vector<1x16xf32>,
    }
    %scan3A_71 = arith.constant 128 : i32
    "tpu.region"() ({
      %run_scoped3A = tpu.sem_alloc : memref<!tpu.dma_semaphore, #tpu.memory_space<semaphore_mem>>
      %dma_start3A_77 = arith.constant 0 : i32
      %dma_start3A_78 = arith.constant 0 : i32
      %dma_start3A_79 = tpu.memref_slice %arg17[%dma_start3A_77, %dma_start3A_78] : memref<100096x16xf32, #tpu.memory_space<vmem_shared>> -> memref<100096x16xf32, #tpu.memory_space<vmem_shared>>
      tpu.enqueue_indirect_dma source(%arg15 : memref<128x16xf32, #tpu.memory_space<vmem>>) target(%dma_start3A_79 : memref<100096x16xf32, #tpu.memory_space<vmem_shared>>) offsets(%arg11 : memref<128xi32, #tpu.memory_space<vmem>>) semaphore(%run_scoped3A : memref<!tpu.dma_semaphore, #tpu.memory_space<semaphore_mem>>) {add = true}
      %dma_wait3A_80 = arith.constant 0 : i32
      %dma_wait3A_81 = arith.constant 0 : i32
      %dma_wait3A_82 = tpu.memref_slice %arg17[%dma_wait3A_80, %dma_wait3A_81] : memref<100096x16xf32, #tpu.memory_space<vmem_shared>> -> memref<100096x16xf32, #tpu.memory_space<vmem_shared>>
      tpu.wait_indirect_dma semaphore(%run_scoped3A : memref<!tpu.dma_semaphore, #tpu.memory_space<semaphore_mem>>) src(%arg15 : memref<128x16xf32, #tpu.memory_space<vmem>>) dst(%dma_wait3A_82 : memref<100096x16xf32, #tpu.memory_space<vmem_shared>>)
      tpu.yield
    }) : () -> ()
    %barrier3A_72 = arith.constant 0 : index
    tpu.barrier barrier_id(%barrier3A_72)
    %mul3A_73 = arith.constant 6256 : i32
    %mul3A_74 = arith.muli %arg1, %mul3A_73 : i32
    %mul3A_75 = arith.constant 6256 : i32
    %mul3A_76 = arith.muli %arg1, %mul3A_75 : i32
    "tpu.region"() ({
      %run_scoped3A = tpu.sem_alloc : memref<!tpu.dma_semaphore, #tpu.memory_space<semaphore_mem>>
      %dma_start3A_77 = arith.constant 0 : i32
      %dma_start3A_78 = tpu.memref_slice %arg9[%arg0, %mul3A_76, %dma_start3A_77] : memref<2x100096x16xf32, #tpu.memory_space<hbm>> -> memref<1x6256x16xf32, #tpu.memory_space<hbm>>
      %dma_start3A_79 = tpu.memref_squeeze %dma_start3A_78 : memref<1x6256x16xf32, #tpu.memory_space<hbm>> -> memref<6256x16xf32, #tpu.memory_space<hbm>>
      %dma_start3A_80 = arith.constant 0 : i32
      %dma_start3A_81 = tpu.memref_slice %arg17[%mul3A_74, %dma_start3A_80] : memref<100096x16xf32, #tpu.memory_space<vmem_shared>> -> memref<6256x16xf32, #tpu.memory_space<vmem_shared>>
      tpu.enqueue_dma source(%dma_start3A_81 : memref<6256x16xf32, #tpu.memory_space<vmem_shared>>) target(%dma_start3A_79 : memref<6256x16xf32, #tpu.memory_space<hbm>>) target_semaphore(%run_scoped3A : memref<!tpu.dma_semaphore, #tpu.memory_space<semaphore_mem>>)
      %dma_wait3A_82 = arith.constant 0 : i32
      %dma_wait3A_83 = tpu.memref_slice %arg9[%arg0, %mul3A_76, %dma_wait3A_82] : memref<2x100096x16xf32, #tpu.memory_space<hbm>> -> memref<1x6256x16xf32, #tpu.memory_space<hbm>>
      %dma_wait3A_84 = tpu.memref_squeeze %dma_wait3A_83 : memref<1x6256x16xf32, #tpu.memory_space<hbm>> -> memref<6256x16xf32, #tpu.memory_space<hbm>>
      %dma_wait3A_85 = arith.constant 0 : i32
      %dma_wait3A_86 = tpu.memref_slice %arg17[%mul3A_74, %dma_wait3A_85] : memref<100096x16xf32, #tpu.memory_space<vmem_shared>> -> memref<6256x16xf32, #tpu.memory_space<vmem_shared>>
      tpu.wait_dma2 semaphore(%run_scoped3A : memref<!tpu.dma_semaphore, #tpu.memory_space<semaphore_mem>>) src(%dma_wait3A_86 : memref<6256x16xf32, #tpu.memory_space<vmem_shared>>) dst(%dma_wait3A_84 : memref<6256x16xf32, #tpu.memory_space<hbm>>)
      tpu.yield
    }) : () -> ()
    return
  }
}

#map = affine_map<(d0, d1) -> (0)>
#map1 = affine_map<(d0, d1) -> (0, 0)>
#map2 = affine_map<(d0, d1) -> (0, 0, 0)>
module attributes {stable_mosaic.version = 14 : i64} {
  func.func @k(%arg0: i32, %arg1: i32, %arg2: memref<1600000xi32, #tpu.memory_space<hbm>>, %arg3: memref<1600000xi32, #tpu.memory_space<hbm>>, %arg4: memref<100000x16xf32, #tpu.memory_space<hbm>>, %arg5: memref<100000x16xf32, #tpu.memory_space<hbm>>, %arg6: memref<100000x16xf32, #tpu.memory_space<hbm>>, %arg7: memref<100096x16xf32, #tpu.memory_space<hbm>>, %arg8: memref<16xf32, #tpu.memory_space<hbm>>, %arg9: memref<2x100096x16xf32, #tpu.memory_space<hbm>>, %arg10: memref<128xi32, #tpu.memory_space<vmem>>, %arg11: memref<128xi32, #tpu.memory_space<vmem>>, %arg12: memref<128x16xf32, #tpu.memory_space<vmem>>, %arg13: memref<128x16xf32, #tpu.memory_space<vmem>>, %arg14: memref<128x16xf32, #tpu.memory_space<vmem>>, %arg15: memref<128x16xf32, #tpu.memory_space<vmem>>, %arg16: memref<16xf32, #tpu.memory_space<vmem>>, %arg17: memref<100096x16xf32, #tpu.memory_space<vmem_shared>>, %arg18: memref<!tpu.dma_semaphore, #tpu.memory_space<semaphore_mem>>) attributes {dimension_semantics = [#tpu.dimension_semantics<core_parallel>, #tpu.dimension_semantics<subcore_parallel>], iteration_bounds = array<i64: 2, 16>, scalar_prefetch = 0 : i64, scratch_operands = 9 : i64, tpu.core_type = #tpu.core_type<sc_vector_subcore>, window_params = [{transform_indices = #map}, {transform_indices = #map}, {transform_indices = #map1}, {transform_indices = #map1}, {transform_indices = #map1}, {transform_indices = #map1}, {transform_indices = #map}, {transform_indices = #map2}]} {
    %mul3A = arith.constant 2 : i32
    %mul3A_0 = arith.muli %arg1, %mul3A : i32
    %add3A = arith.addi %mul3A_0, %arg0 : i32
    %mul3A_1 = arith.constant 6256 : i32
    %mul3A_2 = arith.muli %arg1, %mul3A_1 : i32
    %mul3A_3 = arith.constant 6256 : i32
    %mul3A_4 = arith.muli %arg1, %mul3A_3 : i32
    "tpu.region"() ({
      %run_scoped3A = tpu.sem_alloc : memref<!tpu.dma_semaphore, #tpu.memory_space<semaphore_mem>>
      %dma_start3A_77 = arith.constant 0 : i32
      %dma_start3A_78 = tpu.memref_slice %arg17[%mul3A_4, %dma_start3A_77] : memref<100096x16xf32, #tpu.memory_space<vmem_shared>> -> memref<6256x16xf32, #tpu.memory_space<vmem_shared>>
      %dma_start3A_79 = arith.constant 0 : i32
      %dma_start3A_80 = tpu.memref_slice %arg7[%mul3A_2, %dma_start3A_79] : memref<100096x16xf32, #tpu.memory_space<hbm>> -> memref<6256x16xf32, #tpu.memory_space<hbm>>
      tpu.enqueue_dma source(%dma_start3A_80 : memref<6256x16xf32, #tpu.memory_space<hbm>>) target(%dma_start3A_78 : memref<6256x16xf32, #tpu.memory_space<vmem_shared>>) target_semaphore(%run_scoped3A : memref<!tpu.dma_semaphore, #tpu.memory_space<semaphore_mem>>)
      %dma_wait3A_81 = arith.constant 0 : i32
      %dma_wait3A_82 = tpu.memref_slice %arg17[%mul3A_4, %dma_wait3A_81] : memref<100096x16xf32, #tpu.memory_space<vmem_shared>> -> memref<6256x16xf32, #tpu.memory_space<vmem_shared>>
      %dma_wait3A_83 = arith.constant 0 : i32
      %dma_wait3A_84 = tpu.memref_slice %arg7[%mul3A_2, %dma_wait3A_83] : memref<100096x16xf32, #tpu.memory_space<hbm>> -> memref<6256x16xf32, #tpu.memory_space<hbm>>
      tpu.wait_dma2 semaphore(%run_scoped3A : memref<!tpu.dma_semaphore, #tpu.memory_space<semaphore_mem>>) src(%dma_wait3A_84 : memref<6256x16xf32, #tpu.memory_space<hbm>>) dst(%dma_wait3A_82 : memref<6256x16xf32, #tpu.memory_space<vmem_shared>>)
      tpu.yield
    }) : () -> ()
    "tpu.region"() ({
      %run_scoped3A = tpu.sem_alloc : memref<!tpu.dma_semaphore, #tpu.memory_space<semaphore_mem>>
      tpu.enqueue_dma source(%arg8 : memref<16xf32, #tpu.memory_space<hbm>>) target(%arg16 : memref<16xf32, #tpu.memory_space<vmem>>) target_semaphore(%run_scoped3A : memref<!tpu.dma_semaphore, #tpu.memory_space<semaphore_mem>>)
      tpu.wait_dma2 semaphore(%run_scoped3A : memref<!tpu.dma_semaphore, #tpu.memory_space<semaphore_mem>>) src(%arg8 : memref<16xf32, #tpu.memory_space<hbm>>) dst(%arg16 : memref<16xf32, #tpu.memory_space<vmem>>)
      tpu.yield
    }) : () -> ()
    %barrier3A = arith.constant 0 : index
    tpu.barrier barrier_id(%barrier3A)
    %mul3A_5 = arith.constant 50000 : i32
    %mul3A_6 = arith.muli %add3A, %mul3A_5 : i32
    %scan3A = arith.constant 0 : i32
    %scan3A_7 = arith.constant 0 : i32
    %scan3A_8 = arith.constant 390 : i32
    %scan3A_9 = arith.addi %scan3A_7, %scan3A_8 : i32
    %scan3A_10 = arith.constant 1 : i32
    scf.for %scan3A_77 = %scan3A_7 to %scan3A_9 step %scan3A_10  : i32 {
      %mul3A_78 = arith.constant 128 : i32
      %mul3A_79 = arith.muli %scan3A_77, %mul3A_78 : i32
      %add3A_80 = arith.addi %mul3A_6, %mul3A_79 : i32
      "tpu.region"() ({
        %run_scoped3A = tpu.sem_alloc : memref<!tpu.dma_semaphore, #tpu.memory_space<semaphore_mem>>
        %dma_start3A_108 = arith.constant 0 : i32
        %dma_start3A_109 = tpu.memref_slice %arg10[%dma_start3A_108] : memref<128xi32, #tpu.memory_space<vmem>> -> memref<128xi32, #tpu.memory_space<vmem>>
        %dma_start3A_110 = tpu.memref_slice %arg2[%add3A_80] : memref<1600000xi32, #tpu.memory_space<hbm>> -> memref<128xi32, #tpu.memory_space<hbm>>
        %dma_start3A_111 = arith.constant 0 : i32
        %dma_start3A_112 = tpu.memref_slice %arg10[%dma_start3A_111] : memref<128xi32, #tpu.memory_space<vmem>> -> memref<128xi32, #tpu.memory_space<vmem>>
        %dma_start3A_113 = tpu.memref_slice %arg2[%add3A_80] : memref<1600000xi32, #tpu.memory_space<hbm>> -> memref<128xi32, #tpu.memory_space<hbm>>
        tpu.enqueue_dma source(%dma_start3A_113 : memref<128xi32, #tpu.memory_space<hbm>>) target(%dma_start3A_112 : memref<128xi32, #tpu.memory_space<vmem>>) target_semaphore(%run_scoped3A : memref<!tpu.dma_semaphore, #tpu.memory_space<semaphore_mem>>)
        %dma_wait3A_114 = arith.constant 0 : i32
        %dma_wait3A_115 = tpu.memref_slice %arg10[%dma_wait3A_114] : memref<128xi32, #tpu.memory_space<vmem>> -> memref<128xi32, #tpu.memory_space<vmem>>
        %dma_wait3A_116 = tpu.memref_slice %arg2[%add3A_80] : memref<1600000xi32, #tpu.memory_space<hbm>> -> memref<128xi32, #tpu.memory_space<hbm>>
        %dma_wait3A_117 = arith.constant 0 : i32
        %dma_wait3A_118 = tpu.memref_slice %arg10[%dma_wait3A_117] : memref<128xi32, #tpu.memory_space<vmem>> -> memref<128xi32, #tpu.memory_space<vmem>>
        %dma_wait3A_119 = tpu.memref_slice %arg2[%add3A_80] : memref<1600000xi32, #tpu.memory_space<hbm>> -> memref<128xi32, #tpu.memory_space<hbm>>
        tpu.wait_dma2 semaphore(%run_scoped3A : memref<!tpu.dma_semaphore, #tpu.memory_space<semaphore_mem>>) src(%dma_wait3A_119 : memref<128xi32, #tpu.memory_space<hbm>>) dst(%dma_wait3A_118 : memref<128xi32, #tpu.memory_space<vmem>>)
        tpu.yield
      }) : () -> ()
      "tpu.region"() ({
        %run_scoped3A = tpu.sem_alloc : memref<!tpu.dma_semaphore, #tpu.memory_space<semaphore_mem>>
        %dma_start3A_108 = arith.constant 0 : i32
        %dma_start3A_109 = tpu.memref_slice %arg11[%dma_start3A_108] : memref<128xi32, #tpu.memory_space<vmem>> -> memref<128xi32, #tpu.memory_space<vmem>>
        %dma_start3A_110 = tpu.memref_slice %arg3[%add3A_80] : memref<1600000xi32, #tpu.memory_space<hbm>> -> memref<128xi32, #tpu.memory_space<hbm>>
        %dma_start3A_111 = arith.constant 0 : i32
        %dma_start3A_112 = tpu.memref_slice %arg11[%dma_start3A_111] : memref<128xi32, #tpu.memory_space<vmem>> -> memref<128xi32, #tpu.memory_space<vmem>>
        %dma_start3A_113 = tpu.memref_slice %arg3[%add3A_80] : memref<1600000xi32, #tpu.memory_space<hbm>> -> memref<128xi32, #tpu.memory_space<hbm>>
        tpu.enqueue_dma source(%dma_start3A_113 : memref<128xi32, #tpu.memory_space<hbm>>) target(%dma_start3A_112 : memref<128xi32, #tpu.memory_space<vmem>>) target_semaphore(%run_scoped3A : memref<!tpu.dma_semaphore, #tpu.memory_space<semaphore_mem>>)
        %dma_wait3A_114 = arith.constant 0 : i32
        %dma_wait3A_115 = tpu.memref_slice %arg11[%dma_wait3A_114] : memref<128xi32, #tpu.memory_space<vmem>> -> memref<128xi32, #tpu.memory_space<vmem>>
        %dma_wait3A_116 = tpu.memref_slice %arg3[%add3A_80] : memref<1600000xi32, #tpu.memory_space<hbm>> -> memref<128xi32, #tpu.memory_space<hbm>>
        %dma_wait3A_117 = arith.constant 0 : i32
        %dma_wait3A_118 = tpu.memref_slice %arg11[%dma_wait3A_117] : memref<128xi32, #tpu.memory_space<vmem>> -> memref<128xi32, #tpu.memory_space<vmem>>
        %dma_wait3A_119 = tpu.memref_slice %arg3[%add3A_80] : memref<1600000xi32, #tpu.memory_space<hbm>> -> memref<128xi32, #tpu.memory_space<hbm>>
        tpu.wait_dma2 semaphore(%run_scoped3A : memref<!tpu.dma_semaphore, #tpu.memory_space<semaphore_mem>>) src(%dma_wait3A_119 : memref<128xi32, #tpu.memory_space<hbm>>) dst(%dma_wait3A_118 : memref<128xi32, #tpu.memory_space<vmem>>)
        tpu.yield
      }) : () -> ()
      %dma_start3A_81 = arith.constant 0 : i32
      %dma_start3A_82 = arith.constant 0 : i32
      %dma_start3A_83 = tpu.memref_slice %arg4[%dma_start3A_81, %dma_start3A_82] : memref<100000x16xf32, #tpu.memory_space<hbm>> -> memref<100000x16xf32, #tpu.memory_space<hbm>>
      tpu.enqueue_indirect_dma source(%dma_start3A_83 : memref<100000x16xf32, #tpu.memory_space<hbm>>) target(%arg12 : memref<128x16xf32, #tpu.memory_space<vmem>>) offsets(%arg10 : memref<128xi32, #tpu.memory_space<vmem>>) semaphore(%arg18 : memref<!tpu.dma_semaphore, #tpu.memory_space<semaphore_mem>>)
      %dma_start3A_84 = arith.constant 0 : i32
      %dma_start3A_85 = arith.constant 0 : i32
      %dma_start3A_86 = tpu.memref_slice %arg5[%dma_start3A_84, %dma_start3A_85] : memref<100000x16xf32, #tpu.memory_space<hbm>> -> memref<100000x16xf32, #tpu.memory_space<hbm>>
      tpu.enqueue_indirect_dma source(%dma_start3A_86 : memref<100000x16xf32, #tpu.memory_space<hbm>>) target(%arg13 : memref<128x16xf32, #tpu.memory_space<vmem>>) offsets(%arg11 : memref<128xi32, #tpu.memory_space<vmem>>) semaphore(%arg18 : memref<!tpu.dma_semaphore, #tpu.memory_space<semaphore_mem>>)
      %dma_start3A_87 = arith.constant 0 : i32
      %dma_start3A_88 = arith.constant 0 : i32
      %dma_start3A_89 = tpu.memref_slice %arg6[%dma_start3A_87, %dma_start3A_88] : memref<100000x16xf32, #tpu.memory_space<hbm>> -> memref<100000x16xf32, #tpu.memory_space<hbm>>
      tpu.enqueue_indirect_dma source(%dma_start3A_89 : memref<100000x16xf32, #tpu.memory_space<hbm>>) target(%arg14 : memref<128x16xf32, #tpu.memory_space<vmem>>) offsets(%arg10 : memref<128xi32, #tpu.memory_space<vmem>>) semaphore(%arg18 : memref<!tpu.dma_semaphore, #tpu.memory_space<semaphore_mem>>)
      %dma_wait3A_90 = arith.constant 0 : i32
      %dma_wait3A_91 = arith.constant 0 : i32
      %dma_wait3A_92 = tpu.memref_slice %arg6[%dma_wait3A_90, %dma_wait3A_91] : memref<100000x16xf32, #tpu.memory_space<hbm>> -> memref<100000x16xf32, #tpu.memory_space<hbm>>
      tpu.wait_indirect_dma semaphore(%arg18 : memref<!tpu.dma_semaphore, #tpu.memory_space<semaphore_mem>>) src(%dma_wait3A_92 : memref<100000x16xf32, #tpu.memory_space<hbm>>) dst(%arg14 : memref<128x16xf32, #tpu.memory_space<vmem>>)
      %dma_wait3A_93 = arith.constant 0 : i32
      %dma_wait3A_94 = arith.constant 0 : i32
      %dma_wait3A_95 = tpu.memref_slice %arg5[%dma_wait3A_93, %dma_wait3A_94] : memref<100000x16xf32, #tpu.memory_space<hbm>> -> memref<100000x16xf32, #tpu.memory_space<hbm>>
      tpu.wait_indirect_dma semaphore(%arg18 : memref<!tpu.dma_semaphore, #tpu.memory_space<semaphore_mem>>) src(%dma_wait3A_95 : memref<100000x16xf32, #tpu.memory_space<hbm>>) dst(%arg13 : memref<128x16xf32, #tpu.memory_space<vmem>>)
      %dma_wait3A_96 = arith.constant 0 : i32
      %dma_wait3A_97 = arith.constant 0 : i32
      %dma_wait3A_98 = tpu.memref_slice %arg4[%dma_wait3A_96, %dma_wait3A_97] : memref<100000x16xf32, #tpu.memory_space<hbm>> -> memref<100000x16xf32, #tpu.memory_space<hbm>>
      tpu.wait_indirect_dma semaphore(%arg18 : memref<!tpu.dma_semaphore, #tpu.memory_space<semaphore_mem>>) src(%dma_wait3A_98 : memref<100000x16xf32, #tpu.memory_space<hbm>>) dst(%arg12 : memref<128x16xf32, #tpu.memory_space<vmem>>)
      %get3A_99 = arith.constant 0 : index
      %get3A_100 = tpu.vector_load %arg16[%get3A_99] {strides = array<i32>} : memref<16xf32, #tpu.memory_space<vmem>>, vector<16xf32>,
      %get3A_101 = vector.shape_cast %get3A_100 : vector<16xf32> to vector<16xf32>
      %scan3A_102 = arith.constant 0 : i32
      %scan3A_103 = arith.constant 0 : i32
      %scan3A_104 = arith.constant 128 : i32
      %scan3A_105 = arith.addi %scan3A_103, %scan3A_104 : i32
      %scan3A_106 = arith.constant 1 : i32
      scf.for %scan3A_108 = %scan3A_103 to %scan3A_105 step %scan3A_106  : i32 {
        %get3A_109 = arith.index_cast %scan3A_108 : i32 to index
        %get3A_110 = arith.constant 0 : index
        %get3A_111 = tpu.vector_load %arg12[%get3A_109, %get3A_110] {strides = array<i32>} : memref<128x16xf32, #tpu.memory_space<vmem>>, vector<1x16xf32>,
        %get3A_112 = vector.shape_cast %get3A_111 : vector<1x16xf32> to vector<16xf32>
        %get3A_113 = arith.index_cast %scan3A_108 : i32 to index
        %get3A_114 = arith.constant 0 : index
        %get3A_115 = tpu.vector_load %arg13[%get3A_113, %get3A_114] {strides = array<i32>} : memref<128x16xf32, #tpu.memory_space<vmem>>, vector<1x16xf32>,
        %get3A_116 = vector.shape_cast %get3A_115 : vector<1x16xf32> to vector<16xf32>
        %add3A_117 = arith.addf %get3A_112, %get3A_116 : vector<16xf32>
        %gt3A = arith.constant 0.000000e+00 : f32
        %gt3A_118 = vector.broadcast %gt3A : f32 to vector<16xf32>
        %gt3A_119 = arith.cmpf ogt, %add3A_117, %gt3A_118 : vector<16xf32>
        %mul3A_120 = arith.constant 2.000000e-01 : f32
        %mul3A_121 = vector.broadcast %mul3A_120 : f32 to vector<16xf32>
        %mul3A_122 = arith.mulf %mul3A_121, %add3A_117 : vector<16xf32>
        %select_n3A = arith.select %gt3A_119, %add3A_117, %mul3A_122 : vector<16xi1>, vector<16xf32>
        %sub3A = arith.subf %select_n3A, %get3A_101 : vector<16xf32>
        %exp3A = math.exp %sub3A : vector<16xf32>
        %get3A_123 = arith.index_cast %scan3A_108 : i32 to index
        %get3A_124 = arith.constant 0 : index
        %get3A_125 = tpu.vector_load %arg14[%get3A_123, %get3A_124] {strides = array<i32>} : memref<128x16xf32, #tpu.memory_space<vmem>>, vector<1x16xf32>,
        %get3A_126 = vector.shape_cast %get3A_125 : vector<1x16xf32> to vector<16xf32>
        %mul3A_127 = arith.mulf %exp3A, %get3A_126 : vector<16xf32>
        %swap3A_128 = arith.index_cast %scan3A_108 : i32 to index
        %swap3A_129 = arith.constant 0 : index
        %swap3A_130 = tpu.vector_load %arg15[%swap3A_128, %swap3A_129] {strides = array<i32>} : memref<128x16xf32, #tpu.memory_space<vmem>>, vector<1x16xf32>,
        %swap3A_131 = vector.shape_cast %swap3A_130 : vector<1x16xf32> to vector<16xf32>
        %swap3A_132 = vector.shape_cast %mul3A_127 : vector<16xf32> to vector<1x16xf32>
        tpu.vector_store %arg15[%swap3A_128, %swap3A_129], %swap3A_132 {strides = array<i32>} : memref<128x16xf32, #tpu.memory_space<vmem>>, vector<1x16xf32>,
      }
      %scan3A_107 = arith.constant 128 : i32
      "tpu.region"() ({
        %run_scoped3A = tpu.sem_alloc : memref<!tpu.dma_semaphore, #tpu.memory_space<semaphore_mem>>
        %dma_start3A_108 = arith.constant 0 : i32
        %dma_start3A_109 = arith.constant 0 : i32
        %dma_start3A_110 = tpu.memref_slice %arg17[%dma_start3A_108, %dma_start3A_109] : memref<100096x16xf32, #tpu.memory_space<vmem_shared>> -> memref<100096x16xf32, #tpu.memory_space<vmem_shared>>
        tpu.enqueue_indirect_dma source(%arg15 : memref<128x16xf32, #tpu.memory_space<vmem>>) target(%dma_start3A_110 : memref<100096x16xf32, #tpu.memory_space<vmem_shared>>) offsets(%arg11 : memref<128xi32, #tpu.memory_space<vmem>>) semaphore(%run_scoped3A : memref<!tpu.dma_semaphore, #tpu.memory_space<semaphore_mem>>) {add = true}
        %dma_wait3A_111 = arith.constant 0 : i32
        %dma_wait3A_112 = arith.constant 0 : i32
        %dma_wait3A_113 = tpu.memref_slice %arg17[%dma_wait3A_111, %dma_wait3A_112] : memref<100096x16xf32, #tpu.memory_space<vmem_shared>> -> memref<100096x16xf32, #tpu.memory_space<vmem_shared>>
        tpu.wait_indirect_dma semaphore(%run_scoped3A : memref<!tpu.dma_semaphore, #tpu.memory_space<semaphore_mem>>) src(%arg15 : memref<128x16xf32, #tpu.memory_space<vmem>>) dst(%dma_wait3A_113 : memref<100096x16xf32, #tpu.memory_space<vmem_shared>>)
        tpu.yield
      }) : () -> ()
    }
    %scan3A_11 = arith.constant 390 : i32
    %add3A_12 = arith.constant 49920 : i32
    %add3A_13 = arith.addi %mul3A_6, %add3A_12 : i32
    "tpu.region"() ({
      %run_scoped3A = tpu.sem_alloc : memref<!tpu.dma_semaphore, #tpu.memory_space<semaphore_mem>>
      %dma_start3A_77 = arith.constant 0 : i32
      %dma_start3A_78 = tpu.memref_slice %arg10[%dma_start3A_77] : memref<128xi32, #tpu.memory_space<vmem>> -> memref<80xi32, #tpu.memory_space<vmem>>
      %dma_start3A_79 = tpu.memref_slice %arg2[%add3A_13] : memref<1600000xi32, #tpu.memory_space<hbm>> -> memref<80xi32, #tpu.memory_space<hbm>>
      %dma_start3A_80 = arith.constant 0 : i32
      %dma_start3A_81 = tpu.memref_slice %arg10[%dma_start3A_80] : memref<128xi32, #tpu.memory_space<vmem>> -> memref<80xi32, #tpu.memory_space<vmem>>
      %dma_start3A_82 = tpu.memref_slice %arg2[%add3A_13] : memref<1600000xi32, #tpu.memory_space<hbm>> -> memref<80xi32, #tpu.memory_space<hbm>>
      tpu.enqueue_dma source(%dma_start3A_82 : memref<80xi32, #tpu.memory_space<hbm>>) target(%dma_start3A_81 : memref<80xi32, #tpu.memory_space<vmem>>) target_semaphore(%run_scoped3A : memref<!tpu.dma_semaphore, #tpu.memory_space<semaphore_mem>>)
      %dma_wait3A_83 = arith.constant 0 : i32
      %dma_wait3A_84 = tpu.memref_slice %arg10[%dma_wait3A_83] : memref<128xi32, #tpu.memory_space<vmem>> -> memref<80xi32, #tpu.memory_space<vmem>>
      %dma_wait3A_85 = tpu.memref_slice %arg2[%add3A_13] : memref<1600000xi32, #tpu.memory_space<hbm>> -> memref<80xi32, #tpu.memory_space<hbm>>
      %dma_wait3A_86 = arith.constant 0 : i32
      %dma_wait3A_87 = tpu.memref_slice %arg10[%dma_wait3A_86] : memref<128xi32, #tpu.memory_space<vmem>> -> memref<80xi32, #tpu.memory_space<vmem>>
      %dma_wait3A_88 = tpu.memref_slice %arg2[%add3A_13] : memref<1600000xi32, #tpu.memory_space<hbm>> -> memref<80xi32, #tpu.memory_space<hbm>>
      tpu.wait_dma2 semaphore(%run_scoped3A : memref<!tpu.dma_semaphore, #tpu.memory_space<semaphore_mem>>) src(%dma_wait3A_88 : memref<80xi32, #tpu.memory_space<hbm>>) dst(%dma_wait3A_87 : memref<80xi32, #tpu.memory_space<vmem>>)
      tpu.yield
    }) : () -> ()
    "tpu.region"() ({
      %run_scoped3A = tpu.sem_alloc : memref<!tpu.dma_semaphore, #tpu.memory_space<semaphore_mem>>
      %dma_start3A_77 = arith.constant 0 : i32
      %dma_start3A_78 = tpu.memref_slice %arg11[%dma_start3A_77] : memref<128xi32, #tpu.memory_space<vmem>> -> memref<80xi32, #tpu.memory_space<vmem>>
      %dma_start3A_79 = tpu.memref_slice %arg3[%add3A_13] : memref<1600000xi32, #tpu.memory_space<hbm>> -> memref<80xi32, #tpu.memory_space<hbm>>
      %dma_start3A_80 = arith.constant 0 : i32
      %dma_start3A_81 = tpu.memref_slice %arg11[%dma_start3A_80] : memref<128xi32, #tpu.memory_space<vmem>> -> memref<80xi32, #tpu.memory_space<vmem>>
      %dma_start3A_82 = tpu.memref_slice %arg3[%add3A_13] : memref<1600000xi32, #tpu.memory_space<hbm>> -> memref<80xi32, #tpu.memory_space<hbm>>
      tpu.enqueue_dma source(%dma_start3A_82 : memref<80xi32, #tpu.memory_space<hbm>>) target(%dma_start3A_81 : memref<80xi32, #tpu.memory_space<vmem>>) target_semaphore(%run_scoped3A : memref<!tpu.dma_semaphore, #tpu.memory_space<semaphore_mem>>)
      %dma_wait3A_83 = arith.constant 0 : i32
      %dma_wait3A_84 = tpu.memref_slice %arg11[%dma_wait3A_83] : memref<128xi32, #tpu.memory_space<vmem>> -> memref<80xi32, #tpu.memory_space<vmem>>
      %dma_wait3A_85 = tpu.memref_slice %arg3[%add3A_13] : memref<1600000xi32, #tpu.memory_space<hbm>> -> memref<80xi32, #tpu.memory_space<hbm>>
      %dma_wait3A_86 = arith.constant 0 : i32
      %dma_wait3A_87 = tpu.memref_slice %arg11[%dma_wait3A_86] : memref<128xi32, #tpu.memory_space<vmem>> -> memref<80xi32, #tpu.memory_space<vmem>>
      %dma_wait3A_88 = tpu.memref_slice %arg3[%add3A_13] : memref<1600000xi32, #tpu.memory_space<hbm>> -> memref<80xi32, #tpu.memory_space<hbm>>
      tpu.wait_dma2 semaphore(%run_scoped3A : memref<!tpu.dma_semaphore, #tpu.memory_space<semaphore_mem>>) src(%dma_wait3A_88 : memref<80xi32, #tpu.memory_space<hbm>>) dst(%dma_wait3A_87 : memref<80xi32, #tpu.memory_space<vmem>>)
      tpu.yield
    }) : () -> ()
    %broadcast_in_dim3A = arith.constant 0 : i32
    %broadcast_in_dim3A_14 = vector.broadcast %broadcast_in_dim3A : i32 to vector<16xi32>
    %swap3A = arith.constant 80 : index
    %swap3A_15 = tpu.vector_load %arg10[%swap3A] {strides = array<i32>} : memref<128xi32, #tpu.memory_space<vmem>>, vector<16xi32>,
    %swap3A_16 = vector.shape_cast %swap3A_15 : vector<16xi32> to vector<16xi32>
    %swap3A_17 = vector.shape_cast %broadcast_in_dim3A_14 : vector<16xi32> to vector<16xi32>
    tpu.vector_store %arg10[%swap3A], %swap3A_17 {strides = array<i32>} : memref<128xi32, #tpu.memory_space<vmem>>, vector<16xi32>,
    %broadcast_in_dim3A_18 = arith.constant 100000 : i32
    %broadcast_in_dim3A_19 = vector.broadcast %broadcast_in_dim3A_18 : i32 to vector<16xi32>
    %swap3A_20 = arith.constant 80 : index
    %swap3A_21 = tpu.vector_load %arg11[%swap3A_20] {strides = array<i32>} : memref<128xi32, #tpu.memory_space<vmem>>, vector<16xi32>,
    %swap3A_22 = vector.shape_cast %swap3A_21 : vector<16xi32> to vector<16xi32>
    %swap3A_23 = vector.shape_cast %broadcast_in_dim3A_19 : vector<16xi32> to vector<16xi32>
    tpu.vector_store %arg11[%swap3A_20], %swap3A_23 {strides = array<i32>} : memref<128xi32, #tpu.memory_space<vmem>>, vector<16xi32>,
    %broadcast_in_dim3A_24 = arith.constant 0 : i32
    %broadcast_in_dim3A_25 = vector.broadcast %broadcast_in_dim3A_24 : i32 to vector<16xi32>
    %swap3A_26 = arith.constant 96 : index
    %swap3A_27 = tpu.vector_load %arg10[%swap3A_26] {strides = array<i32>} : memref<128xi32, #tpu.memory_space<vmem>>, vector<16xi32>,
    %swap3A_28 = vector.shape_cast %swap3A_27 : vector<16xi32> to vector<16xi32>
    %swap3A_29 = vector.shape_cast %broadcast_in_dim3A_25 : vector<16xi32> to vector<16xi32>
    tpu.vector_store %arg10[%swap3A_26], %swap3A_29 {strides = array<i32>} : memref<128xi32, #tpu.memory_space<vmem>>, vector<16xi32>,
    %broadcast_in_dim3A_30 = arith.constant 100000 : i32
    %broadcast_in_dim3A_31 = vector.broadcast %broadcast_in_dim3A_30 : i32 to vector<16xi32>
    %swap3A_32 = arith.constant 96 : index
    %swap3A_33 = tpu.vector_load %arg11[%swap3A_32] {strides = array<i32>} : memref<128xi32, #tpu.memory_space<vmem>>, vector<16xi32>,
    %swap3A_34 = vector.shape_cast %swap3A_33 : vector<16xi32> to vector<16xi32>
    %swap3A_35 = vector.shape_cast %broadcast_in_dim3A_31 : vector<16xi32> to vector<16xi32>
    tpu.vector_store %arg11[%swap3A_32], %swap3A_35 {strides = array<i32>} : memref<128xi32, #tpu.memory_space<vmem>>, vector<16xi32>,
    %broadcast_in_dim3A_36 = arith.constant 0 : i32
    %broadcast_in_dim3A_37 = vector.broadcast %broadcast_in_dim3A_36 : i32 to vector<16xi32>
    %swap3A_38 = arith.constant 112 : index
    %swap3A_39 = tpu.vector_load %arg10[%swap3A_38] {strides = array<i32>} : memref<128xi32, #tpu.memory_space<vmem>>, vector<16xi32>,
    %swap3A_40 = vector.shape_cast %swap3A_39 : vector<16xi32> to vector<16xi32>
    %swap3A_41 = vector.shape_cast %broadcast_in_dim3A_37 : vector<16xi32> to vector<16xi32>
    tpu.vector_store %arg10[%swap3A_38], %swap3A_41 {strides = array<i32>} : memref<128xi32, #tpu.memory_space<vmem>>, vector<16xi32>,
    %broadcast_in_dim3A_42 = arith.constant 100000 : i32
    %broadcast_in_dim3A_43 = vector.broadcast %broadcast_in_dim3A_42 : i32 to vector<16xi32>
    %swap3A_44 = arith.constant 112 : index
    %swap3A_45 = tpu.vector_load %arg11[%swap3A_44] {strides = array<i32>} : memref<128xi32, #tpu.memory_space<vmem>>, vector<16xi32>,
    %swap3A_46 = vector.shape_cast %swap3A_45 : vector<16xi32> to vector<16xi32>
    %swap3A_47 = vector.shape_cast %broadcast_in_dim3A_43 : vector<16xi32> to vector<16xi32>
    tpu.vector_store %arg11[%swap3A_44], %swap3A_47 {strides = array<i32>} : memref<128xi32, #tpu.memory_space<vmem>>, vector<16xi32>,
    %dma_start3A = arith.constant 0 : i32
    %dma_start3A_48 = arith.constant 0 : i32
    %dma_start3A_49 = tpu.memref_slice %arg4[%dma_start3A, %dma_start3A_48] : memref<100000x16xf32, #tpu.memory_space<hbm>> -> memref<100000x16xf32, #tpu.memory_space<hbm>>
    tpu.enqueue_indirect_dma source(%dma_start3A_49 : memref<100000x16xf32, #tpu.memory_space<hbm>>) target(%arg12 : memref<128x16xf32, #tpu.memory_space<vmem>>) offsets(%arg10 : memref<128xi32, #tpu.memory_space<vmem>>) semaphore(%arg18 : memref<!tpu.dma_semaphore, #tpu.memory_space<semaphore_mem>>)
    %dma_start3A_50 = arith.constant 0 : i32
    %dma_start3A_51 = arith.constant 0 : i32
    %dma_start3A_52 = tpu.memref_slice %arg5[%dma_start3A_50, %dma_start3A_51] : memref<100000x16xf32, #tpu.memory_space<hbm>> -> memref<100000x16xf32, #tpu.memory_space<hbm>>
    tpu.enqueue_indirect_dma source(%dma_start3A_52 : memref<100000x16xf32, #tpu.memory_space<hbm>>) target(%arg13 : memref<128x16xf32, #tpu.memory_space<vmem>>) offsets(%arg11 : memref<128xi32, #tpu.memory_space<vmem>>) semaphore(%arg18 : memref<!tpu.dma_semaphore, #tpu.memory_space<semaphore_mem>>)
    %dma_start3A_53 = arith.constant 0 : i32
    %dma_start3A_54 = arith.constant 0 : i32
    %dma_start3A_55 = tpu.memref_slice %arg6[%dma_start3A_53, %dma_start3A_54] : memref<100000x16xf32, #tpu.memory_space<hbm>> -> memref<100000x16xf32, #tpu.memory_space<hbm>>
    tpu.enqueue_indirect_dma source(%dma_start3A_55 : memref<100000x16xf32, #tpu.memory_space<hbm>>) target(%arg14 : memref<128x16xf32, #tpu.memory_space<vmem>>) offsets(%arg10 : memref<128xi32, #tpu.memory_space<vmem>>) semaphore(%arg18 : memref<!tpu.dma_semaphore, #tpu.memory_space<semaphore_mem>>)
    %dma_wait3A = arith.constant 0 : i32
    %dma_wait3A_56 = arith.constant 0 : i32
    %dma_wait3A_57 = tpu.memref_slice %arg6[%dma_wait3A, %dma_wait3A_56] : memref<100000x16xf32, #tpu.memory_space<hbm>> -> memref<100000x16xf32, #tpu.memory_space<hbm>>
    tpu.wait_indirect_dma semaphore(%arg18 : memref<!tpu.dma_semaphore, #tpu.memory_space<semaphore_mem>>) src(%dma_wait3A_57 : memref<100000x16xf32, #tpu.memory_space<hbm>>) dst(%arg14 : memref<128x16xf32, #tpu.memory_space<vmem>>)
    %dma_wait3A_58 = arith.constant 0 : i32
    %dma_wait3A_59 = arith.constant 0 : i32
    %dma_wait3A_60 = tpu.memref_slice %arg5[%dma_wait3A_58, %dma_wait3A_59] : memref<100000x16xf32, #tpu.memory_space<hbm>> -> memref<100000x16xf32, #tpu.memory_space<hbm>>
    tpu.wait_indirect_dma semaphore(%arg18 : memref<!tpu.dma_semaphore, #tpu.memory_space<semaphore_mem>>) src(%dma_wait3A_60 : memref<100000x16xf32, #tpu.memory_space<hbm>>) dst(%arg13 : memref<128x16xf32, #tpu.memory_space<vmem>>)
    %dma_wait3A_61 = arith.constant 0 : i32
    %dma_wait3A_62 = arith.constant 0 : i32
    %dma_wait3A_63 = tpu.memref_slice %arg4[%dma_wait3A_61, %dma_wait3A_62] : memref<100000x16xf32, #tpu.memory_space<hbm>> -> memref<100000x16xf32, #tpu.memory_space<hbm>>
    tpu.wait_indirect_dma semaphore(%arg18 : memref<!tpu.dma_semaphore, #tpu.memory_space<semaphore_mem>>) src(%dma_wait3A_63 : memref<100000x16xf32, #tpu.memory_space<hbm>>) dst(%arg12 : memref<128x16xf32, #tpu.memory_space<vmem>>)
    %get3A = arith.constant 0 : index
    %get3A_64 = tpu.vector_load %arg16[%get3A] {strides = array<i32>} : memref<16xf32, #tpu.memory_space<vmem>>, vector<16xf32>,
    %get3A_65 = vector.shape_cast %get3A_64 : vector<16xf32> to vector<16xf32>
    %scan3A_66 = arith.constant 0 : i32
    %scan3A_67 = arith.constant 0 : i32
    %scan3A_68 = arith.constant 128 : i32
    %scan3A_69 = arith.addi %scan3A_67, %scan3A_68 : i32
    %scan3A_70 = arith.constant 1 : i32
    scf.for %scan3A_77 = %scan3A_67 to %scan3A_69 step %scan3A_70  : i32 {
      %get3A_78 = arith.index_cast %scan3A_77 : i32 to index
      %get3A_79 = arith.constant 0 : index
      %get3A_80 = tpu.vector_load %arg12[%get3A_78, %get3A_79] {strides = array<i32>} : memref<128x16xf32, #tpu.memory_space<vmem>>, vector<1x16xf32>,
      %get3A_81 = vector.shape_cast %get3A_80 : vector<1x16xf32> to vector<16xf32>
      %get3A_82 = arith.index_cast %scan3A_77 : i32 to index
      %get3A_83 = arith.constant 0 : index
      %get3A_84 = tpu.vector_load %arg13[%get3A_82, %get3A_83] {strides = array<i32>} : memref<128x16xf32, #tpu.memory_space<vmem>>, vector<1x16xf32>,
      %get3A_85 = vector.shape_cast %get3A_84 : vector<1x16xf32> to vector<16xf32>
      %add3A_86 = arith.addf %get3A_81, %get3A_85 : vector<16xf32>
      %gt3A = arith.constant 0.000000e+00 : f32
      %gt3A_87 = vector.broadcast %gt3A : f32 to vector<16xf32>
      %gt3A_88 = arith.cmpf ogt, %add3A_86, %gt3A_87 : vector<16xf32>
      %mul3A_89 = arith.constant 2.000000e-01 : f32
      %mul3A_90 = vector.broadcast %mul3A_89 : f32 to vector<16xf32>
      %mul3A_91 = arith.mulf %mul3A_90, %add3A_86 : vector<16xf32>
      %select_n3A = arith.select %gt3A_88, %add3A_86, %mul3A_91 : vector<16xi1>, vector<16xf32>
      %sub3A = arith.subf %select_n3A, %get3A_65 : vector<16xf32>
      %exp3A = math.exp %sub3A : vector<16xf32>
      %get3A_92 = arith.index_cast %scan3A_77 : i32 to index
      %get3A_93 = arith.constant 0 : index
      %get3A_94 = tpu.vector_load %arg14[%get3A_92, %get3A_93] {strides = array<i32>} : memref<128x16xf32, #tpu.memory_space<vmem>>, vector<1x16xf32>,
      %get3A_95 = vector.shape_cast %get3A_94 : vector<1x16xf32> to vector<16xf32>
      %mul3A_96 = arith.mulf %exp3A, %get3A_95 : vector<16xf32>
      %swap3A_97 = arith.index_cast %scan3A_77 : i32 to index
      %swap3A_98 = arith.constant 0 : index
      %swap3A_99 = tpu.vector_load %arg15[%swap3A_97, %swap3A_98] {strides = array<i32>} : memref<128x16xf32, #tpu.memory_space<vmem>>, vector<1x16xf32>,
      %swap3A_100 = vector.shape_cast %swap3A_99 : vector<1x16xf32> to vector<16xf32>
      %swap3A_101 = vector.shape_cast %mul3A_96 : vector<16xf32> to vector<1x16xf32>
      tpu.vector_store %arg15[%swap3A_97, %swap3A_98], %swap3A_101 {strides = array<i32>} : memref<128x16xf32, #tpu.memory_space<vmem>>, vector<1x16xf32>,
    }
    %scan3A_71 = arith.constant 128 : i32
    "tpu.region"() ({
      %run_scoped3A = tpu.sem_alloc : memref<!tpu.dma_semaphore, #tpu.memory_space<semaphore_mem>>
      %dma_start3A_77 = arith.constant 0 : i32
      %dma_start3A_78 = arith.constant 0 : i32
      %dma_start3A_79 = tpu.memref_slice %arg17[%dma_start3A_77, %dma_start3A_78] : memref<100096x16xf32, #tpu.memory_space<vmem_shared>> -> memref<100096x16xf32, #tpu.memory_space<vmem_shared>>
      tpu.enqueue_indirect_dma source(%arg15 : memref<128x16xf32, #tpu.memory_space<vmem>>) target(%dma_start3A_79 : memref<100096x16xf32, #tpu.memory_space<vmem_shared>>) offsets(%arg11 : memref<128xi32, #tpu.memory_space<vmem>>) semaphore(%run_scoped3A : memref<!tpu.dma_semaphore, #tpu.memory_space<semaphore_mem>>) {add = true}
      %dma_wait3A_80 = arith.constant 0 : i32
      %dma_wait3A_81 = arith.constant 0 : i32
      %dma_wait3A_82 = tpu.memref_slice %arg17[%dma_wait3A_80, %dma_wait3A_81] : memref<100096x16xf32, #tpu.memory_space<vmem_shared>> -> memref<100096x16xf32, #tpu.memory_space<vmem_shared>>
      tpu.wait_indirect_dma semaphore(%run_scoped3A : memref<!tpu.dma_semaphore, #tpu.memory_space<semaphore_mem>>) src(%arg15 : memref<128x16xf32, #tpu.memory_space<vmem>>) dst(%dma_wait3A_82 : memref<100096x16xf32, #tpu.memory_space<vmem_shared>>)
      tpu.yield
    }) : () -> ()
    %barrier3A_72 = arith.constant 0 : index
    tpu.barrier barrier_id(%barrier3A_72)
    %mul3A_73 = arith.constant 6256 : i32
    %mul3A_74 = arith.muli %arg1, %mul3A_73 : i32
    %mul3A_75 = arith.constant 6256 : i32
    %mul3A_76 = arith.muli %arg1, %mul3A_75 : i32
    "tpu.region"() ({
      %run_scoped3A = tpu.sem_alloc : memref<!tpu.dma_semaphore, #tpu.memory_space<semaphore_mem>>
      %dma_start3A_77 = arith.constant 0 : i32
      %dma_start3A_78 = tpu.memref_slice %arg9[%arg0, %mul3A_76, %dma_start3A_77] : memref<2x100096x16xf32, #tpu.memory_space<hbm>> -> memref<1x6256x16xf32, #tpu.memory_space<hbm>>
      %dma_start3A_79 = tpu.memref_squeeze %dma_start3A_78 : memref<1x6256x16xf32, #tpu.memory_space<hbm>> -> memref<6256x16xf32, #tpu.memory_space<hbm>>
      %dma_start3A_80 = arith.constant 0 : i32
      %dma_start3A_81 = tpu.memref_slice %arg17[%mul3A_74, %dma_start3A_80] : memref<100096x16xf32, #tpu.memory_space<vmem_shared>> -> memref<6256x16xf32, #tpu.memory_space<vmem_shared>>
      tpu.enqueue_dma source(%dma_start3A_81 : memref<6256x16xf32, #tpu.memory_space<vmem_shared>>) target(%dma_start3A_79 : memref<6256x16xf32, #tpu.memory_space<hbm>>) target_semaphore(%run_scoped3A : memref<!tpu.dma_semaphore, #tpu.memory_space<semaphore_mem>>)
      %dma_wait3A_82 = arith.constant 0 : i32
      %dma_wait3A_83 = tpu.memref_slice %arg9[%arg0, %mul3A_76, %dma_wait3A_82] : memref<2x100096x16xf32, #tpu.memory_space<hbm>> -> memref<1x6256x16xf32, #tpu.memory_space<hbm>>
      %dma_wait3A_84 = tpu.memref_squeeze %dma_wait3A_83 : memref<1x6256x16xf32, #tpu.memory_space<hbm>> -> memref<6256x16xf32, #tpu.memory_space<hbm>>
      %dma_wait3A_85 = arith.constant 0 : i32
      %dma_wait3A_86 = tpu.memref_slice %arg17[%mul3A_74, %dma_wait3A_85] : memref<100096x16xf32, #tpu.memory_space<vmem_shared>> -> memref<6256x16xf32, #tpu.memory_space<vmem_shared>>
      tpu.wait_dma2 semaphore(%run_scoped3A : memref<!tpu.dma_semaphore, #tpu.memory_space<semaphore_mem>>) src(%dma_wait3A_86 : memref<6256x16xf32, #tpu.memory_space<vmem_shared>>) dst(%dma_wait3A_84 : memref<6256x16xf32, #tpu.memory_space<hbm>>)
      tpu.yield
    }) : () -> ()
    return
  }
}

#map = affine_map<(d0, d1) -> (0)>
#map1 = affine_map<(d0, d1) -> (0, 0)>
#map2 = affine_map<(d0, d1) -> (0, 0, 0)>
module attributes {stable_mosaic.version = 14 : i64} {
  func.func @k(%arg0: i32, %arg1: i32, %arg2: memref<1600000xi32, #tpu.memory_space<hbm>>, %arg3: memref<1600000xi32, #tpu.memory_space<hbm>>, %arg4: memref<100000x16xf32, #tpu.memory_space<hbm>>, %arg5: memref<100000x16xf32, #tpu.memory_space<hbm>>, %arg6: memref<100000x16xf32, #tpu.memory_space<hbm>>, %arg7: memref<100096x16xf32, #tpu.memory_space<hbm>>, %arg8: memref<16xf32, #tpu.memory_space<hbm>>, %arg9: memref<2x100096x16xf32, #tpu.memory_space<hbm>>, %arg10: memref<128xi32, #tpu.memory_space<vmem>>, %arg11: memref<128xi32, #tpu.memory_space<vmem>>, %arg12: memref<128x16xf32, #tpu.memory_space<vmem>>, %arg13: memref<128x16xf32, #tpu.memory_space<vmem>>, %arg14: memref<128x16xf32, #tpu.memory_space<vmem>>, %arg15: memref<128x16xf32, #tpu.memory_space<vmem>>, %arg16: memref<16xf32, #tpu.memory_space<vmem>>, %arg17: memref<100096x16xf32, #tpu.memory_space<vmem_shared>>, %arg18: memref<!tpu.dma_semaphore, #tpu.memory_space<semaphore_mem>>) attributes {dimension_semantics = [#tpu.dimension_semantics<core_parallel>, #tpu.dimension_semantics<subcore_parallel>], iteration_bounds = array<i64: 2, 16>, scalar_prefetch = 0 : i64, scratch_operands = 9 : i64, tpu.core_type = #tpu.core_type<sc_vector_subcore>, window_params = [{transform_indices = #map}, {transform_indices = #map}, {transform_indices = #map1}, {transform_indices = #map1}, {transform_indices = #map1}, {transform_indices = #map1}, {transform_indices = #map}, {transform_indices = #map2}]} {
    %mul3A = arith.constant 2 : i32
    %mul3A_0 = arith.muli %arg1, %mul3A : i32
    %add3A = arith.addi %mul3A_0, %arg0 : i32
    %mul3A_1 = arith.constant 6256 : i32
    %mul3A_2 = arith.muli %arg1, %mul3A_1 : i32
    %mul3A_3 = arith.constant 6256 : i32
    %mul3A_4 = arith.muli %arg1, %mul3A_3 : i32
    "tpu.region"() ({
      %run_scoped3A = tpu.sem_alloc : memref<!tpu.dma_semaphore, #tpu.memory_space<semaphore_mem>>
      %dma_start3A_77 = arith.constant 0 : i32
      %dma_start3A_78 = tpu.memref_slice %arg17[%mul3A_4, %dma_start3A_77] : memref<100096x16xf32, #tpu.memory_space<vmem_shared>> -> memref<6256x16xf32, #tpu.memory_space<vmem_shared>>
      %dma_start3A_79 = arith.constant 0 : i32
      %dma_start3A_80 = tpu.memref_slice %arg7[%mul3A_2, %dma_start3A_79] : memref<100096x16xf32, #tpu.memory_space<hbm>> -> memref<6256x16xf32, #tpu.memory_space<hbm>>
      tpu.enqueue_dma source(%dma_start3A_80 : memref<6256x16xf32, #tpu.memory_space<hbm>>) target(%dma_start3A_78 : memref<6256x16xf32, #tpu.memory_space<vmem_shared>>) target_semaphore(%run_scoped3A : memref<!tpu.dma_semaphore, #tpu.memory_space<semaphore_mem>>)
      %dma_wait3A_81 = arith.constant 0 : i32
      %dma_wait3A_82 = tpu.memref_slice %arg17[%mul3A_4, %dma_wait3A_81] : memref<100096x16xf32, #tpu.memory_space<vmem_shared>> -> memref<6256x16xf32, #tpu.memory_space<vmem_shared>>
      %dma_wait3A_83 = arith.constant 0 : i32
      %dma_wait3A_84 = tpu.memref_slice %arg7[%mul3A_2, %dma_wait3A_83] : memref<100096x16xf32, #tpu.memory_space<hbm>> -> memref<6256x16xf32, #tpu.memory_space<hbm>>
      tpu.wait_dma2 semaphore(%run_scoped3A : memref<!tpu.dma_semaphore, #tpu.memory_space<semaphore_mem>>) src(%dma_wait3A_84 : memref<6256x16xf32, #tpu.memory_space<hbm>>) dst(%dma_wait3A_82 : memref<6256x16xf32, #tpu.memory_space<vmem_shared>>)
      tpu.yield
    }) : () -> ()
    "tpu.region"() ({
      %run_scoped3A = tpu.sem_alloc : memref<!tpu.dma_semaphore, #tpu.memory_space<semaphore_mem>>
      tpu.enqueue_dma source(%arg8 : memref<16xf32, #tpu.memory_space<hbm>>) target(%arg16 : memref<16xf32, #tpu.memory_space<vmem>>) target_semaphore(%run_scoped3A : memref<!tpu.dma_semaphore, #tpu.memory_space<semaphore_mem>>)
      tpu.wait_dma2 semaphore(%run_scoped3A : memref<!tpu.dma_semaphore, #tpu.memory_space<semaphore_mem>>) src(%arg8 : memref<16xf32, #tpu.memory_space<hbm>>) dst(%arg16 : memref<16xf32, #tpu.memory_space<vmem>>)
      tpu.yield
    }) : () -> ()
    %barrier3A = arith.constant 0 : index
    tpu.barrier barrier_id(%barrier3A)
    %mul3A_5 = arith.constant 50000 : i32
    %mul3A_6 = arith.muli %add3A, %mul3A_5 : i32
    %scan3A = arith.constant 0 : i32
    %scan3A_7 = arith.constant 0 : i32
    %scan3A_8 = arith.constant 390 : i32
    %scan3A_9 = arith.addi %scan3A_7, %scan3A_8 : i32
    %scan3A_10 = arith.constant 1 : i32
    scf.for %scan3A_77 = %scan3A_7 to %scan3A_9 step %scan3A_10  : i32 {
      %mul3A_78 = arith.constant 128 : i32
      %mul3A_79 = arith.muli %scan3A_77, %mul3A_78 : i32
      %add3A_80 = arith.addi %mul3A_6, %mul3A_79 : i32
      "tpu.region"() ({
        %run_scoped3A = tpu.sem_alloc : memref<!tpu.dma_semaphore, #tpu.memory_space<semaphore_mem>>
        %dma_start3A_108 = arith.constant 0 : i32
        %dma_start3A_109 = tpu.memref_slice %arg10[%dma_start3A_108] : memref<128xi32, #tpu.memory_space<vmem>> -> memref<128xi32, #tpu.memory_space<vmem>>
        %dma_start3A_110 = tpu.memref_slice %arg2[%add3A_80] : memref<1600000xi32, #tpu.memory_space<hbm>> -> memref<128xi32, #tpu.memory_space<hbm>>
        %dma_start3A_111 = arith.constant 0 : i32
        %dma_start3A_112 = tpu.memref_slice %arg10[%dma_start3A_111] : memref<128xi32, #tpu.memory_space<vmem>> -> memref<128xi32, #tpu.memory_space<vmem>>
        %dma_start3A_113 = tpu.memref_slice %arg2[%add3A_80] : memref<1600000xi32, #tpu.memory_space<hbm>> -> memref<128xi32, #tpu.memory_space<hbm>>
        tpu.enqueue_dma source(%dma_start3A_113 : memref<128xi32, #tpu.memory_space<hbm>>) target(%dma_start3A_112 : memref<128xi32, #tpu.memory_space<vmem>>) target_semaphore(%run_scoped3A : memref<!tpu.dma_semaphore, #tpu.memory_space<semaphore_mem>>)
        %dma_wait3A_114 = arith.constant 0 : i32
        %dma_wait3A_115 = tpu.memref_slice %arg10[%dma_wait3A_114] : memref<128xi32, #tpu.memory_space<vmem>> -> memref<128xi32, #tpu.memory_space<vmem>>
        %dma_wait3A_116 = tpu.memref_slice %arg2[%add3A_80] : memref<1600000xi32, #tpu.memory_space<hbm>> -> memref<128xi32, #tpu.memory_space<hbm>>
        %dma_wait3A_117 = arith.constant 0 : i32
        %dma_wait3A_118 = tpu.memref_slice %arg10[%dma_wait3A_117] : memref<128xi32, #tpu.memory_space<vmem>> -> memref<128xi32, #tpu.memory_space<vmem>>
        %dma_wait3A_119 = tpu.memref_slice %arg2[%add3A_80] : memref<1600000xi32, #tpu.memory_space<hbm>> -> memref<128xi32, #tpu.memory_space<hbm>>
        tpu.wait_dma2 semaphore(%run_scoped3A : memref<!tpu.dma_semaphore, #tpu.memory_space<semaphore_mem>>) src(%dma_wait3A_119 : memref<128xi32, #tpu.memory_space<hbm>>) dst(%dma_wait3A_118 : memref<128xi32, #tpu.memory_space<vmem>>)
        tpu.yield
      }) : () -> ()
      "tpu.region"() ({
        %run_scoped3A = tpu.sem_alloc : memref<!tpu.dma_semaphore, #tpu.memory_space<semaphore_mem>>
        %dma_start3A_108 = arith.constant 0 : i32
        %dma_start3A_109 = tpu.memref_slice %arg11[%dma_start3A_108] : memref<128xi32, #tpu.memory_space<vmem>> -> memref<128xi32, #tpu.memory_space<vmem>>
        %dma_start3A_110 = tpu.memref_slice %arg3[%add3A_80] : memref<1600000xi32, #tpu.memory_space<hbm>> -> memref<128xi32, #tpu.memory_space<hbm>>
        %dma_start3A_111 = arith.constant 0 : i32
        %dma_start3A_112 = tpu.memref_slice %arg11[%dma_start3A_111] : memref<128xi32, #tpu.memory_space<vmem>> -> memref<128xi32, #tpu.memory_space<vmem>>
        %dma_start3A_113 = tpu.memref_slice %arg3[%add3A_80] : memref<1600000xi32, #tpu.memory_space<hbm>> -> memref<128xi32, #tpu.memory_space<hbm>>
        tpu.enqueue_dma source(%dma_start3A_113 : memref<128xi32, #tpu.memory_space<hbm>>) target(%dma_start3A_112 : memref<128xi32, #tpu.memory_space<vmem>>) target_semaphore(%run_scoped3A : memref<!tpu.dma_semaphore, #tpu.memory_space<semaphore_mem>>)
        %dma_wait3A_114 = arith.constant 0 : i32
        %dma_wait3A_115 = tpu.memref_slice %arg11[%dma_wait3A_114] : memref<128xi32, #tpu.memory_space<vmem>> -> memref<128xi32, #tpu.memory_space<vmem>>
        %dma_wait3A_116 = tpu.memref_slice %arg3[%add3A_80] : memref<1600000xi32, #tpu.memory_space<hbm>> -> memref<128xi32, #tpu.memory_space<hbm>>
        %dma_wait3A_117 = arith.constant 0 : i32
        %dma_wait3A_118 = tpu.memref_slice %arg11[%dma_wait3A_117] : memref<128xi32, #tpu.memory_space<vmem>> -> memref<128xi32, #tpu.memory_space<vmem>>
        %dma_wait3A_119 = tpu.memref_slice %arg3[%add3A_80] : memref<1600000xi32, #tpu.memory_space<hbm>> -> memref<128xi32, #tpu.memory_space<hbm>>
        tpu.wait_dma2 semaphore(%run_scoped3A : memref<!tpu.dma_semaphore, #tpu.memory_space<semaphore_mem>>) src(%dma_wait3A_119 : memref<128xi32, #tpu.memory_space<hbm>>) dst(%dma_wait3A_118 : memref<128xi32, #tpu.memory_space<vmem>>)
        tpu.yield
      }) : () -> ()
      %dma_start3A_81 = arith.constant 0 : i32
      %dma_start3A_82 = arith.constant 0 : i32
      %dma_start3A_83 = tpu.memref_slice %arg4[%dma_start3A_81, %dma_start3A_82] : memref<100000x16xf32, #tpu.memory_space<hbm>> -> memref<100000x16xf32, #tpu.memory_space<hbm>>
      tpu.enqueue_indirect_dma source(%dma_start3A_83 : memref<100000x16xf32, #tpu.memory_space<hbm>>) target(%arg12 : memref<128x16xf32, #tpu.memory_space<vmem>>) offsets(%arg10 : memref<128xi32, #tpu.memory_space<vmem>>) semaphore(%arg18 : memref<!tpu.dma_semaphore, #tpu.memory_space<semaphore_mem>>)
      %dma_start3A_84 = arith.constant 0 : i32
      %dma_start3A_85 = arith.constant 0 : i32
      %dma_start3A_86 = tpu.memref_slice %arg5[%dma_start3A_84, %dma_start3A_85] : memref<100000x16xf32, #tpu.memory_space<hbm>> -> memref<100000x16xf32, #tpu.memory_space<hbm>>
      tpu.enqueue_indirect_dma source(%dma_start3A_86 : memref<100000x16xf32, #tpu.memory_space<hbm>>) target(%arg13 : memref<128x16xf32, #tpu.memory_space<vmem>>) offsets(%arg11 : memref<128xi32, #tpu.memory_space<vmem>>) semaphore(%arg18 : memref<!tpu.dma_semaphore, #tpu.memory_space<semaphore_mem>>)
      %dma_start3A_87 = arith.constant 0 : i32
      %dma_start3A_88 = arith.constant 0 : i32
      %dma_start3A_89 = tpu.memref_slice %arg6[%dma_start3A_87, %dma_start3A_88] : memref<100000x16xf32, #tpu.memory_space<hbm>> -> memref<100000x16xf32, #tpu.memory_space<hbm>>
      tpu.enqueue_indirect_dma source(%dma_start3A_89 : memref<100000x16xf32, #tpu.memory_space<hbm>>) target(%arg14 : memref<128x16xf32, #tpu.memory_space<vmem>>) offsets(%arg10 : memref<128xi32, #tpu.memory_space<vmem>>) semaphore(%arg18 : memref<!tpu.dma_semaphore, #tpu.memory_space<semaphore_mem>>)
      %dma_wait3A_90 = arith.constant 0 : i32
      %dma_wait3A_91 = arith.constant 0 : i32
      %dma_wait3A_92 = tpu.memref_slice %arg6[%dma_wait3A_90, %dma_wait3A_91] : memref<100000x16xf32, #tpu.memory_space<hbm>> -> memref<100000x16xf32, #tpu.memory_space<hbm>>
      tpu.wait_indirect_dma semaphore(%arg18 : memref<!tpu.dma_semaphore, #tpu.memory_space<semaphore_mem>>) src(%dma_wait3A_92 : memref<100000x16xf32, #tpu.memory_space<hbm>>) dst(%arg14 : memref<128x16xf32, #tpu.memory_space<vmem>>)
      %dma_wait3A_93 = arith.constant 0 : i32
      %dma_wait3A_94 = arith.constant 0 : i32
      %dma_wait3A_95 = tpu.memref_slice %arg5[%dma_wait3A_93, %dma_wait3A_94] : memref<100000x16xf32, #tpu.memory_space<hbm>> -> memref<100000x16xf32, #tpu.memory_space<hbm>>
      tpu.wait_indirect_dma semaphore(%arg18 : memref<!tpu.dma_semaphore, #tpu.memory_space<semaphore_mem>>) src(%dma_wait3A_95 : memref<100000x16xf32, #tpu.memory_space<hbm>>) dst(%arg13 : memref<128x16xf32, #tpu.memory_space<vmem>>)
      %dma_wait3A_96 = arith.constant 0 : i32
      %dma_wait3A_97 = arith.constant 0 : i32
      %dma_wait3A_98 = tpu.memref_slice %arg4[%dma_wait3A_96, %dma_wait3A_97] : memref<100000x16xf32, #tpu.memory_space<hbm>> -> memref<100000x16xf32, #tpu.memory_space<hbm>>
      tpu.wait_indirect_dma semaphore(%arg18 : memref<!tpu.dma_semaphore, #tpu.memory_space<semaphore_mem>>) src(%dma_wait3A_98 : memref<100000x16xf32, #tpu.memory_space<hbm>>) dst(%arg12 : memref<128x16xf32, #tpu.memory_space<vmem>>)
      %get3A_99 = arith.constant 0 : index
      %get3A_100 = tpu.vector_load %arg16[%get3A_99] {strides = array<i32>} : memref<16xf32, #tpu.memory_space<vmem>>, vector<16xf32>,
      %get3A_101 = vector.shape_cast %get3A_100 : vector<16xf32> to vector<16xf32>
      %scan3A_102 = arith.constant 0 : i32
      %scan3A_103 = arith.constant 0 : i32
      %scan3A_104 = arith.constant 128 : i32
      %scan3A_105 = arith.addi %scan3A_103, %scan3A_104 : i32
      %scan3A_106 = arith.constant 1 : i32
      scf.for %scan3A_108 = %scan3A_103 to %scan3A_105 step %scan3A_106  : i32 {
        %get3A_109 = arith.index_cast %scan3A_108 : i32 to index
        %get3A_110 = arith.constant 0 : index
        %get3A_111 = tpu.vector_load %arg12[%get3A_109, %get3A_110] {strides = array<i32>} : memref<128x16xf32, #tpu.memory_space<vmem>>, vector<1x16xf32>,
        %get3A_112 = vector.shape_cast %get3A_111 : vector<1x16xf32> to vector<16xf32>
        %get3A_113 = arith.index_cast %scan3A_108 : i32 to index
        %get3A_114 = arith.constant 0 : index
        %get3A_115 = tpu.vector_load %arg13[%get3A_113, %get3A_114] {strides = array<i32>} : memref<128x16xf32, #tpu.memory_space<vmem>>, vector<1x16xf32>,
        %get3A_116 = vector.shape_cast %get3A_115 : vector<1x16xf32> to vector<16xf32>
        %add3A_117 = arith.addf %get3A_112, %get3A_116 : vector<16xf32>
        %gt3A = arith.constant 0.000000e+00 : f32
        %gt3A_118 = vector.broadcast %gt3A : f32 to vector<16xf32>
        %gt3A_119 = arith.cmpf ogt, %add3A_117, %gt3A_118 : vector<16xf32>
        %mul3A_120 = arith.constant 2.000000e-01 : f32
        %mul3A_121 = vector.broadcast %mul3A_120 : f32 to vector<16xf32>
        %mul3A_122 = arith.mulf %mul3A_121, %add3A_117 : vector<16xf32>
        %select_n3A = arith.select %gt3A_119, %add3A_117, %mul3A_122 : vector<16xi1>, vector<16xf32>
        %sub3A = arith.subf %select_n3A, %get3A_101 : vector<16xf32>
        %exp3A = math.exp %sub3A : vector<16xf32>
        %get3A_123 = arith.index_cast %scan3A_108 : i32 to index
        %get3A_124 = arith.constant 0 : index
        %get3A_125 = tpu.vector_load %arg14[%get3A_123, %get3A_124] {strides = array<i32>} : memref<128x16xf32, #tpu.memory_space<vmem>>, vector<1x16xf32>,
        %get3A_126 = vector.shape_cast %get3A_125 : vector<1x16xf32> to vector<16xf32>
        %mul3A_127 = arith.mulf %exp3A, %get3A_126 : vector<16xf32>
        %swap3A_128 = arith.index_cast %scan3A_108 : i32 to index
        %swap3A_129 = arith.constant 0 : index
        %swap3A_130 = tpu.vector_load %arg15[%swap3A_128, %swap3A_129] {strides = array<i32>} : memref<128x16xf32, #tpu.memory_space<vmem>>, vector<1x16xf32>,
        %swap3A_131 = vector.shape_cast %swap3A_130 : vector<1x16xf32> to vector<16xf32>
        %swap3A_132 = vector.shape_cast %mul3A_127 : vector<16xf32> to vector<1x16xf32>
        tpu.vector_store %arg15[%swap3A_128, %swap3A_129], %swap3A_132 {strides = array<i32>} : memref<128x16xf32, #tpu.memory_space<vmem>>, vector<1x16xf32>,
      }
      %scan3A_107 = arith.constant 128 : i32
      "tpu.region"() ({
        %run_scoped3A = tpu.sem_alloc : memref<!tpu.dma_semaphore, #tpu.memory_space<semaphore_mem>>
        %dma_start3A_108 = arith.constant 0 : i32
        %dma_start3A_109 = arith.constant 0 : i32
        %dma_start3A_110 = tpu.memref_slice %arg17[%dma_start3A_108, %dma_start3A_109] : memref<100096x16xf32, #tpu.memory_space<vmem_shared>> -> memref<100096x16xf32, #tpu.memory_space<vmem_shared>>
        tpu.enqueue_indirect_dma source(%arg15 : memref<128x16xf32, #tpu.memory_space<vmem>>) target(%dma_start3A_110 : memref<100096x16xf32, #tpu.memory_space<vmem_shared>>) offsets(%arg11 : memref<128xi32, #tpu.memory_space<vmem>>) semaphore(%run_scoped3A : memref<!tpu.dma_semaphore, #tpu.memory_space<semaphore_mem>>) {add = true}
        %dma_wait3A_111 = arith.constant 0 : i32
        %dma_wait3A_112 = arith.constant 0 : i32
        %dma_wait3A_113 = tpu.memref_slice %arg17[%dma_wait3A_111, %dma_wait3A_112] : memref<100096x16xf32, #tpu.memory_space<vmem_shared>> -> memref<100096x16xf32, #tpu.memory_space<vmem_shared>>
        tpu.wait_indirect_dma semaphore(%run_scoped3A : memref<!tpu.dma_semaphore, #tpu.memory_space<semaphore_mem>>) src(%arg15 : memref<128x16xf32, #tpu.memory_space<vmem>>) dst(%dma_wait3A_113 : memref<100096x16xf32, #tpu.memory_space<vmem_shared>>)
        tpu.yield
      }) : () -> ()
    }
    %scan3A_11 = arith.constant 390 : i32
    %add3A_12 = arith.constant 49920 : i32
    %add3A_13 = arith.addi %mul3A_6, %add3A_12 : i32
    "tpu.region"() ({
      %run_scoped3A = tpu.sem_alloc : memref<!tpu.dma_semaphore, #tpu.memory_space<semaphore_mem>>
      %dma_start3A_77 = arith.constant 0 : i32
      %dma_start3A_78 = tpu.memref_slice %arg10[%dma_start3A_77] : memref<128xi32, #tpu.memory_space<vmem>> -> memref<80xi32, #tpu.memory_space<vmem>>
      %dma_start3A_79 = tpu.memref_slice %arg2[%add3A_13] : memref<1600000xi32, #tpu.memory_space<hbm>> -> memref<80xi32, #tpu.memory_space<hbm>>
      %dma_start3A_80 = arith.constant 0 : i32
      %dma_start3A_81 = tpu.memref_slice %arg10[%dma_start3A_80] : memref<128xi32, #tpu.memory_space<vmem>> -> memref<80xi32, #tpu.memory_space<vmem>>
      %dma_start3A_82 = tpu.memref_slice %arg2[%add3A_13] : memref<1600000xi32, #tpu.memory_space<hbm>> -> memref<80xi32, #tpu.memory_space<hbm>>
      tpu.enqueue_dma source(%dma_start3A_82 : memref<80xi32, #tpu.memory_space<hbm>>) target(%dma_start3A_81 : memref<80xi32, #tpu.memory_space<vmem>>) target_semaphore(%run_scoped3A : memref<!tpu.dma_semaphore, #tpu.memory_space<semaphore_mem>>)
      %dma_wait3A_83 = arith.constant 0 : i32
      %dma_wait3A_84 = tpu.memref_slice %arg10[%dma_wait3A_83] : memref<128xi32, #tpu.memory_space<vmem>> -> memref<80xi32, #tpu.memory_space<vmem>>
      %dma_wait3A_85 = tpu.memref_slice %arg2[%add3A_13] : memref<1600000xi32, #tpu.memory_space<hbm>> -> memref<80xi32, #tpu.memory_space<hbm>>
      %dma_wait3A_86 = arith.constant 0 : i32
      %dma_wait3A_87 = tpu.memref_slice %arg10[%dma_wait3A_86] : memref<128xi32, #tpu.memory_space<vmem>> -> memref<80xi32, #tpu.memory_space<vmem>>
      %dma_wait3A_88 = tpu.memref_slice %arg2[%add3A_13] : memref<1600000xi32, #tpu.memory_space<hbm>> -> memref<80xi32, #tpu.memory_space<hbm>>
      tpu.wait_dma2 semaphore(%run_scoped3A : memref<!tpu.dma_semaphore, #tpu.memory_space<semaphore_mem>>) src(%dma_wait3A_88 : memref<80xi32, #tpu.memory_space<hbm>>) dst(%dma_wait3A_87 : memref<80xi32, #tpu.memory_space<vmem>>)
      tpu.yield
    }) : () -> ()
    "tpu.region"() ({
      %run_scoped3A = tpu.sem_alloc : memref<!tpu.dma_semaphore, #tpu.memory_space<semaphore_mem>>
      %dma_start3A_77 = arith.constant 0 : i32
      %dma_start3A_78 = tpu.memref_slice %arg11[%dma_start3A_77] : memref<128xi32, #tpu.memory_space<vmem>> -> memref<80xi32, #tpu.memory_space<vmem>>
      %dma_start3A_79 = tpu.memref_slice %arg3[%add3A_13] : memref<1600000xi32, #tpu.memory_space<hbm>> -> memref<80xi32, #tpu.memory_space<hbm>>
      %dma_start3A_80 = arith.constant 0 : i32
      %dma_start3A_81 = tpu.memref_slice %arg11[%dma_start3A_80] : memref<128xi32, #tpu.memory_space<vmem>> -> memref<80xi32, #tpu.memory_space<vmem>>
      %dma_start3A_82 = tpu.memref_slice %arg3[%add3A_13] : memref<1600000xi32, #tpu.memory_space<hbm>> -> memref<80xi32, #tpu.memory_space<hbm>>
      tpu.enqueue_dma source(%dma_start3A_82 : memref<80xi32, #tpu.memory_space<hbm>>) target(%dma_start3A_81 : memref<80xi32, #tpu.memory_space<vmem>>) target_semaphore(%run_scoped3A : memref<!tpu.dma_semaphore, #tpu.memory_space<semaphore_mem>>)
      %dma_wait3A_83 = arith.constant 0 : i32
      %dma_wait3A_84 = tpu.memref_slice %arg11[%dma_wait3A_83] : memref<128xi32, #tpu.memory_space<vmem>> -> memref<80xi32, #tpu.memory_space<vmem>>
      %dma_wait3A_85 = tpu.memref_slice %arg3[%add3A_13] : memref<1600000xi32, #tpu.memory_space<hbm>> -> memref<80xi32, #tpu.memory_space<hbm>>
      %dma_wait3A_86 = arith.constant 0 : i32
      %dma_wait3A_87 = tpu.memref_slice %arg11[%dma_wait3A_86] : memref<128xi32, #tpu.memory_space<vmem>> -> memref<80xi32, #tpu.memory_space<vmem>>
      %dma_wait3A_88 = tpu.memref_slice %arg3[%add3A_13] : memref<1600000xi32, #tpu.memory_space<hbm>> -> memref<80xi32, #tpu.memory_space<hbm>>
      tpu.wait_dma2 semaphore(%run_scoped3A : memref<!tpu.dma_semaphore, #tpu.memory_space<semaphore_mem>>) src(%dma_wait3A_88 : memref<80xi32, #tpu.memory_space<hbm>>) dst(%dma_wait3A_87 : memref<80xi32, #tpu.memory_space<vmem>>)
      tpu.yield
    }) : () -> ()
    %broadcast_in_dim3A = arith.constant 0 : i32
    %broadcast_in_dim3A_14 = vector.broadcast %broadcast_in_dim3A : i32 to vector<16xi32>
    %swap3A = arith.constant 80 : index
    %swap3A_15 = tpu.vector_load %arg10[%swap3A] {strides = array<i32>} : memref<128xi32, #tpu.memory_space<vmem>>, vector<16xi32>,
    %swap3A_16 = vector.shape_cast %swap3A_15 : vector<16xi32> to vector<16xi32>
    %swap3A_17 = vector.shape_cast %broadcast_in_dim3A_14 : vector<16xi32> to vector<16xi32>
    tpu.vector_store %arg10[%swap3A], %swap3A_17 {strides = array<i32>} : memref<128xi32, #tpu.memory_space<vmem>>, vector<16xi32>,
    %broadcast_in_dim3A_18 = arith.constant 100000 : i32
    %broadcast_in_dim3A_19 = vector.broadcast %broadcast_in_dim3A_18 : i32 to vector<16xi32>
    %swap3A_20 = arith.constant 80 : index
    %swap3A_21 = tpu.vector_load %arg11[%swap3A_20] {strides = array<i32>} : memref<128xi32, #tpu.memory_space<vmem>>, vector<16xi32>,
    %swap3A_22 = vector.shape_cast %swap3A_21 : vector<16xi32> to vector<16xi32>
    %swap3A_23 = vector.shape_cast %broadcast_in_dim3A_19 : vector<16xi32> to vector<16xi32>
    tpu.vector_store %arg11[%swap3A_20], %swap3A_23 {strides = array<i32>} : memref<128xi32, #tpu.memory_space<vmem>>, vector<16xi32>,
    %broadcast_in_dim3A_24 = arith.constant 0 : i32
    %broadcast_in_dim3A_25 = vector.broadcast %broadcast_in_dim3A_24 : i32 to vector<16xi32>
    %swap3A_26 = arith.constant 96 : index
    %swap3A_27 = tpu.vector_load %arg10[%swap3A_26] {strides = array<i32>} : memref<128xi32, #tpu.memory_space<vmem>>, vector<16xi32>,
    %swap3A_28 = vector.shape_cast %swap3A_27 : vector<16xi32> to vector<16xi32>
    %swap3A_29 = vector.shape_cast %broadcast_in_dim3A_25 : vector<16xi32> to vector<16xi32>
    tpu.vector_store %arg10[%swap3A_26], %swap3A_29 {strides = array<i32>} : memref<128xi32, #tpu.memory_space<vmem>>, vector<16xi32>,
    %broadcast_in_dim3A_30 = arith.constant 100000 : i32
    %broadcast_in_dim3A_31 = vector.broadcast %broadcast_in_dim3A_30 : i32 to vector<16xi32>
    %swap3A_32 = arith.constant 96 : index
    %swap3A_33 = tpu.vector_load %arg11[%swap3A_32] {strides = array<i32>} : memref<128xi32, #tpu.memory_space<vmem>>, vector<16xi32>,
    %swap3A_34 = vector.shape_cast %swap3A_33 : vector<16xi32> to vector<16xi32>
    %swap3A_35 = vector.shape_cast %broadcast_in_dim3A_31 : vector<16xi32> to vector<16xi32>
    tpu.vector_store %arg11[%swap3A_32], %swap3A_35 {strides = array<i32>} : memref<128xi32, #tpu.memory_space<vmem>>, vector<16xi32>,
    %broadcast_in_dim3A_36 = arith.constant 0 : i32
    %broadcast_in_dim3A_37 = vector.broadcast %broadcast_in_dim3A_36 : i32 to vector<16xi32>
    %swap3A_38 = arith.constant 112 : index
    %swap3A_39 = tpu.vector_load %arg10[%swap3A_38] {strides = array<i32>} : memref<128xi32, #tpu.memory_space<vmem>>, vector<16xi32>,
    %swap3A_40 = vector.shape_cast %swap3A_39 : vector<16xi32> to vector<16xi32>
    %swap3A_41 = vector.shape_cast %broadcast_in_dim3A_37 : vector<16xi32> to vector<16xi32>
    tpu.vector_store %arg10[%swap3A_38], %swap3A_41 {strides = array<i32>} : memref<128xi32, #tpu.memory_space<vmem>>, vector<16xi32>,
    %broadcast_in_dim3A_42 = arith.constant 100000 : i32
    %broadcast_in_dim3A_43 = vector.broadcast %broadcast_in_dim3A_42 : i32 to vector<16xi32>
    %swap3A_44 = arith.constant 112 : index
    %swap3A_45 = tpu.vector_load %arg11[%swap3A_44] {strides = array<i32>} : memref<128xi32, #tpu.memory_space<vmem>>, vector<16xi32>,
    %swap3A_46 = vector.shape_cast %swap3A_45 : vector<16xi32> to vector<16xi32>
    %swap3A_47 = vector.shape_cast %broadcast_in_dim3A_43 : vector<16xi32> to vector<16xi32>
    tpu.vector_store %arg11[%swap3A_44], %swap3A_47 {strides = array<i32>} : memref<128xi32, #tpu.memory_space<vmem>>, vector<16xi32>,
    %dma_start3A = arith.constant 0 : i32
    %dma_start3A_48 = arith.constant 0 : i32
    %dma_start3A_49 = tpu.memref_slice %arg4[%dma_start3A, %dma_start3A_48] : memref<100000x16xf32, #tpu.memory_space<hbm>> -> memref<100000x16xf32, #tpu.memory_space<hbm>>
    tpu.enqueue_indirect_dma source(%dma_start3A_49 : memref<100000x16xf32, #tpu.memory_space<hbm>>) target(%arg12 : memref<128x16xf32, #tpu.memory_space<vmem>>) offsets(%arg10 : memref<128xi32, #tpu.memory_space<vmem>>) semaphore(%arg18 : memref<!tpu.dma_semaphore, #tpu.memory_space<semaphore_mem>>)
    %dma_start3A_50 = arith.constant 0 : i32
    %dma_start3A_51 = arith.constant 0 : i32
    %dma_start3A_52 = tpu.memref_slice %arg5[%dma_start3A_50, %dma_start3A_51] : memref<100000x16xf32, #tpu.memory_space<hbm>> -> memref<100000x16xf32, #tpu.memory_space<hbm>>
    tpu.enqueue_indirect_dma source(%dma_start3A_52 : memref<100000x16xf32, #tpu.memory_space<hbm>>) target(%arg13 : memref<128x16xf32, #tpu.memory_space<vmem>>) offsets(%arg11 : memref<128xi32, #tpu.memory_space<vmem>>) semaphore(%arg18 : memref<!tpu.dma_semaphore, #tpu.memory_space<semaphore_mem>>)
    %dma_start3A_53 = arith.constant 0 : i32
    %dma_start3A_54 = arith.constant 0 : i32
    %dma_start3A_55 = tpu.memref_slice %arg6[%dma_start3A_53, %dma_start3A_54] : memref<100000x16xf32, #tpu.memory_space<hbm>> -> memref<100000x16xf32, #tpu.memory_space<hbm>>
    tpu.enqueue_indirect_dma source(%dma_start3A_55 : memref<100000x16xf32, #tpu.memory_space<hbm>>) target(%arg14 : memref<128x16xf32, #tpu.memory_space<vmem>>) offsets(%arg10 : memref<128xi32, #tpu.memory_space<vmem>>) semaphore(%arg18 : memref<!tpu.dma_semaphore, #tpu.memory_space<semaphore_mem>>)
    %dma_wait3A = arith.constant 0 : i32
    %dma_wait3A_56 = arith.constant 0 : i32
    %dma_wait3A_57 = tpu.memref_slice %arg6[%dma_wait3A, %dma_wait3A_56] : memref<100000x16xf32, #tpu.memory_space<hbm>> -> memref<100000x16xf32, #tpu.memory_space<hbm>>
    tpu.wait_indirect_dma semaphore(%arg18 : memref<!tpu.dma_semaphore, #tpu.memory_space<semaphore_mem>>) src(%dma_wait3A_57 : memref<100000x16xf32, #tpu.memory_space<hbm>>) dst(%arg14 : memref<128x16xf32, #tpu.memory_space<vmem>>)
    %dma_wait3A_58 = arith.constant 0 : i32
    %dma_wait3A_59 = arith.constant 0 : i32
    %dma_wait3A_60 = tpu.memref_slice %arg5[%dma_wait3A_58, %dma_wait3A_59] : memref<100000x16xf32, #tpu.memory_space<hbm>> -> memref<100000x16xf32, #tpu.memory_space<hbm>>
    tpu.wait_indirect_dma semaphore(%arg18 : memref<!tpu.dma_semaphore, #tpu.memory_space<semaphore_mem>>) src(%dma_wait3A_60 : memref<100000x16xf32, #tpu.memory_space<hbm>>) dst(%arg13 : memref<128x16xf32, #tpu.memory_space<vmem>>)
    %dma_wait3A_61 = arith.constant 0 : i32
    %dma_wait3A_62 = arith.constant 0 : i32
    %dma_wait3A_63 = tpu.memref_slice %arg4[%dma_wait3A_61, %dma_wait3A_62] : memref<100000x16xf32, #tpu.memory_space<hbm>> -> memref<100000x16xf32, #tpu.memory_space<hbm>>
    tpu.wait_indirect_dma semaphore(%arg18 : memref<!tpu.dma_semaphore, #tpu.memory_space<semaphore_mem>>) src(%dma_wait3A_63 : memref<100000x16xf32, #tpu.memory_space<hbm>>) dst(%arg12 : memref<128x16xf32, #tpu.memory_space<vmem>>)
    %get3A = arith.constant 0 : index
    %get3A_64 = tpu.vector_load %arg16[%get3A] {strides = array<i32>} : memref<16xf32, #tpu.memory_space<vmem>>, vector<16xf32>,
    %get3A_65 = vector.shape_cast %get3A_64 : vector<16xf32> to vector<16xf32>
    %scan3A_66 = arith.constant 0 : i32
    %scan3A_67 = arith.constant 0 : i32
    %scan3A_68 = arith.constant 128 : i32
    %scan3A_69 = arith.addi %scan3A_67, %scan3A_68 : i32
    %scan3A_70 = arith.constant 1 : i32
    scf.for %scan3A_77 = %scan3A_67 to %scan3A_69 step %scan3A_70  : i32 {
      %get3A_78 = arith.index_cast %scan3A_77 : i32 to index
      %get3A_79 = arith.constant 0 : index
      %get3A_80 = tpu.vector_load %arg12[%get3A_78, %get3A_79] {strides = array<i32>} : memref<128x16xf32, #tpu.memory_space<vmem>>, vector<1x16xf32>,
      %get3A_81 = vector.shape_cast %get3A_80 : vector<1x16xf32> to vector<16xf32>
      %get3A_82 = arith.index_cast %scan3A_77 : i32 to index
      %get3A_83 = arith.constant 0 : index
      %get3A_84 = tpu.vector_load %arg13[%get3A_82, %get3A_83] {strides = array<i32>} : memref<128x16xf32, #tpu.memory_space<vmem>>, vector<1x16xf32>,
      %get3A_85 = vector.shape_cast %get3A_84 : vector<1x16xf32> to vector<16xf32>
      %add3A_86 = arith.addf %get3A_81, %get3A_85 : vector<16xf32>
      %gt3A = arith.constant 0.000000e+00 : f32
      %gt3A_87 = vector.broadcast %gt3A : f32 to vector<16xf32>
      %gt3A_88 = arith.cmpf ogt, %add3A_86, %gt3A_87 : vector<16xf32>
      %mul3A_89 = arith.constant 2.000000e-01 : f32
      %mul3A_90 = vector.broadcast %mul3A_89 : f32 to vector<16xf32>
      %mul3A_91 = arith.mulf %mul3A_90, %add3A_86 : vector<16xf32>
      %select_n3A = arith.select %gt3A_88, %add3A_86, %mul3A_91 : vector<16xi1>, vector<16xf32>
      %sub3A = arith.subf %select_n3A, %get3A_65 : vector<16xf32>
      %exp3A = math.exp %sub3A : vector<16xf32>
      %get3A_92 = arith.index_cast %scan3A_77 : i32 to index
      %get3A_93 = arith.constant 0 : index
      %get3A_94 = tpu.vector_load %arg14[%get3A_92, %get3A_93] {strides = array<i32>} : memref<128x16xf32, #tpu.memory_space<vmem>>, vector<1x16xf32>,
      %get3A_95 = vector.shape_cast %get3A_94 : vector<1x16xf32> to vector<16xf32>
      %mul3A_96 = arith.mulf %exp3A, %get3A_95 : vector<16xf32>
      %swap3A_97 = arith.index_cast %scan3A_77 : i32 to index
      %swap3A_98 = arith.constant 0 : index
      %swap3A_99 = tpu.vector_load %arg15[%swap3A_97, %swap3A_98] {strides = array<i32>} : memref<128x16xf32, #tpu.memory_space<vmem>>, vector<1x16xf32>,
      %swap3A_100 = vector.shape_cast %swap3A_99 : vector<1x16xf32> to vector<16xf32>
      %swap3A_101 = vector.shape_cast %mul3A_96 : vector<16xf32> to vector<1x16xf32>
      tpu.vector_store %arg15[%swap3A_97, %swap3A_98], %swap3A_101 {strides = array<i32>} : memref<128x16xf32, #tpu.memory_space<vmem>>, vector<1x16xf32>,
    }
    %scan3A_71 = arith.constant 128 : i32
    "tpu.region"() ({
      %run_scoped3A = tpu.sem_alloc : memref<!tpu.dma_semaphore, #tpu.memory_space<semaphore_mem>>
      %dma_start3A_77 = arith.constant 0 : i32
      %dma_start3A_78 = arith.constant 0 : i32
      %dma_start3A_79 = tpu.memref_slice %arg17[%dma_start3A_77, %dma_start3A_78] : memref<100096x16xf32, #tpu.memory_space<vmem_shared>> -> memref<100096x16xf32, #tpu.memory_space<vmem_shared>>
      tpu.enqueue_indirect_dma source(%arg15 : memref<128x16xf32, #tpu.memory_space<vmem>>) target(%dma_start3A_79 : memref<100096x16xf32, #tpu.memory_space<vmem_shared>>) offsets(%arg11 : memref<128xi32, #tpu.memory_space<vmem>>) semaphore(%run_scoped3A : memref<!tpu.dma_semaphore, #tpu.memory_space<semaphore_mem>>) {add = true}
      %dma_wait3A_80 = arith.constant 0 : i32
      %dma_wait3A_81 = arith.constant 0 : i32
      %dma_wait3A_82 = tpu.memref_slice %arg17[%dma_wait3A_80, %dma_wait3A_81] : memref<100096x16xf32, #tpu.memory_space<vmem_shared>> -> memref<100096x16xf32, #tpu.memory_space<vmem_shared>>
      tpu.wait_indirect_dma semaphore(%run_scoped3A : memref<!tpu.dma_semaphore, #tpu.memory_space<semaphore_mem>>) src(%arg15 : memref<128x16xf32, #tpu.memory_space<vmem>>) dst(%dma_wait3A_82 : memref<100096x16xf32, #tpu.memory_space<vmem_shared>>)
      tpu.yield
    }) : () -> ()
    %barrier3A_72 = arith.constant 0 : index
    tpu.barrier barrier_id(%barrier3A_72)
    %mul3A_73 = arith.constant 6256 : i32
    %mul3A_74 = arith.muli %arg1, %mul3A_73 : i32
    %mul3A_75 = arith.constant 6256 : i32
    %mul3A_76 = arith.muli %arg1, %mul3A_75 : i32
    "tpu.region"() ({
      %run_scoped3A = tpu.sem_alloc : memref<!tpu.dma_semaphore, #tpu.memory_space<semaphore_mem>>
      %dma_start3A_77 = arith.constant 0 : i32
      %dma_start3A_78 = tpu.memref_slice %arg9[%arg0, %mul3A_76, %dma_start3A_77] : memref<2x100096x16xf32, #tpu.memory_space<hbm>> -> memref<1x6256x16xf32, #tpu.memory_space<hbm>>
      %dma_start3A_79 = tpu.memref_squeeze %dma_start3A_78 : memref<1x6256x16xf32, #tpu.memory_space<hbm>> -> memref<6256x16xf32, #tpu.memory_space<hbm>>
      %dma_start3A_80 = arith.constant 0 : i32
      %dma_start3A_81 = tpu.memref_slice %arg17[%mul3A_74, %dma_start3A_80] : memref<100096x16xf32, #tpu.memory_space<vmem_shared>> -> memref<6256x16xf32, #tpu.memory_space<vmem_shared>>
      tpu.enqueue_dma source(%dma_start3A_81 : memref<6256x16xf32, #tpu.memory_space<vmem_shared>>) target(%dma_start3A_79 : memref<6256x16xf32, #tpu.memory_space<hbm>>) target_semaphore(%run_scoped3A : memref<!tpu.dma_semaphore, #tpu.memory_space<semaphore_mem>>)
      %dma_wait3A_82 = arith.constant 0 : i32
      %dma_wait3A_83 = tpu.memref_slice %arg9[%arg0, %mul3A_76, %dma_wait3A_82] : memref<2x100096x16xf32, #tpu.memory_space<hbm>> -> memref<1x6256x16xf32, #tpu.memory_space<hbm>>
      %dma_wait3A_84 = tpu.memref_squeeze %dma_wait3A_83 : memref<1x6256x16xf32, #tpu.memory_space<hbm>> -> memref<6256x16xf32, #tpu.memory_space<hbm>>
      %dma_wait3A_85 = arith.constant 0 : i32
      %dma_wait3A_86 = tpu.memref_slice %arg17[%mul3A_74, %dma_wait3A_85] : memref<100096x16xf32, #tpu.memory_space<vmem_shared>> -> memref<6256x16xf32, #tpu.memory_space<vmem_shared>>
      tpu.wait_dma2 semaphore(%run_scoped3A : memref<!tpu.dma_semaphore, #tpu.memory_space<semaphore_mem>>) src(%dma_wait3A_86 : memref<6256x16xf32, #tpu.memory_space<vmem_shared>>) dst(%dma_wait3A_84 : memref<6256x16xf32, #tpu.memory_space<hbm>>)
      tpu.yield
    }) : () -> ()
    return
  }
}

#map = affine_map<(d0, d1) -> (0)>
#map1 = affine_map<(d0, d1) -> (0, 0)>
#map2 = affine_map<(d0, d1) -> (0, 0, 0)>
module attributes {stable_mosaic.version = 14 : i64} {
  func.func @k(%arg0: i32, %arg1: i32, %arg2: memref<1600000xi32, #tpu.memory_space<hbm>>, %arg3: memref<1600000xi32, #tpu.memory_space<hbm>>, %arg4: memref<100000x16xf32, #tpu.memory_space<hbm>>, %arg5: memref<100000x16xf32, #tpu.memory_space<hbm>>, %arg6: memref<100096x16xf32, #tpu.memory_space<hbm>>, %arg7: memref<16xf32, #tpu.memory_space<hbm>>, %arg8: memref<2x100096x16xf32, #tpu.memory_space<hbm>>, %arg9: memref<128xi32, #tpu.memory_space<vmem>>, %arg10: memref<128xi32, #tpu.memory_space<vmem>>, %arg11: memref<128x16xf32, #tpu.memory_space<vmem>>, %arg12: memref<128x16xf32, #tpu.memory_space<vmem>>, %arg13: memref<128x16xf32, #tpu.memory_space<vmem>>, %arg14: memref<16xf32, #tpu.memory_space<vmem>>, %arg15: memref<100096x16xf32, #tpu.memory_space<vmem_shared>>, %arg16: memref<!tpu.dma_semaphore, #tpu.memory_space<semaphore_mem>>) attributes {dimension_semantics = [#tpu.dimension_semantics<core_parallel>, #tpu.dimension_semantics<subcore_parallel>], iteration_bounds = array<i64: 2, 16>, scalar_prefetch = 0 : i64, scratch_operands = 8 : i64, tpu.core_type = #tpu.core_type<sc_vector_subcore>, window_params = [{transform_indices = #map}, {transform_indices = #map}, {transform_indices = #map1}, {transform_indices = #map1}, {transform_indices = #map1}, {transform_indices = #map}, {transform_indices = #map2}]} {
    %mul3A = arith.constant 2 : i32
    %mul3A_0 = arith.muli %arg1, %mul3A : i32
    %add3A = arith.addi %mul3A_0, %arg0 : i32
    %mul3A_1 = arith.constant 6256 : i32
    %mul3A_2 = arith.muli %arg1, %mul3A_1 : i32
    %mul3A_3 = arith.constant 6256 : i32
    %mul3A_4 = arith.muli %arg1, %mul3A_3 : i32
    "tpu.region"() ({
      %run_scoped3A = tpu.sem_alloc : memref<!tpu.dma_semaphore, #tpu.memory_space<semaphore_mem>>
      %dma_start3A_71 = arith.constant 0 : i32
      %dma_start3A_72 = tpu.memref_slice %arg15[%mul3A_4, %dma_start3A_71] : memref<100096x16xf32, #tpu.memory_space<vmem_shared>> -> memref<6256x16xf32, #tpu.memory_space<vmem_shared>>
      %dma_start3A_73 = arith.constant 0 : i32
      %dma_start3A_74 = tpu.memref_slice %arg6[%mul3A_2, %dma_start3A_73] : memref<100096x16xf32, #tpu.memory_space<hbm>> -> memref<6256x16xf32, #tpu.memory_space<hbm>>
      tpu.enqueue_dma source(%dma_start3A_74 : memref<6256x16xf32, #tpu.memory_space<hbm>>) target(%dma_start3A_72 : memref<6256x16xf32, #tpu.memory_space<vmem_shared>>) target_semaphore(%run_scoped3A : memref<!tpu.dma_semaphore, #tpu.memory_space<semaphore_mem>>)
      %dma_wait3A_75 = arith.constant 0 : i32
      %dma_wait3A_76 = tpu.memref_slice %arg15[%mul3A_4, %dma_wait3A_75] : memref<100096x16xf32, #tpu.memory_space<vmem_shared>> -> memref<6256x16xf32, #tpu.memory_space<vmem_shared>>
      %dma_wait3A_77 = arith.constant 0 : i32
      %dma_wait3A_78 = tpu.memref_slice %arg6[%mul3A_2, %dma_wait3A_77] : memref<100096x16xf32, #tpu.memory_space<hbm>> -> memref<6256x16xf32, #tpu.memory_space<hbm>>
      tpu.wait_dma2 semaphore(%run_scoped3A : memref<!tpu.dma_semaphore, #tpu.memory_space<semaphore_mem>>) src(%dma_wait3A_78 : memref<6256x16xf32, #tpu.memory_space<hbm>>) dst(%dma_wait3A_76 : memref<6256x16xf32, #tpu.memory_space<vmem_shared>>)
      tpu.yield
    }) : () -> ()
    "tpu.region"() ({
      %run_scoped3A = tpu.sem_alloc : memref<!tpu.dma_semaphore, #tpu.memory_space<semaphore_mem>>
      tpu.enqueue_dma source(%arg7 : memref<16xf32, #tpu.memory_space<hbm>>) target(%arg14 : memref<16xf32, #tpu.memory_space<vmem>>) target_semaphore(%run_scoped3A : memref<!tpu.dma_semaphore, #tpu.memory_space<semaphore_mem>>)
      tpu.wait_dma2 semaphore(%run_scoped3A : memref<!tpu.dma_semaphore, #tpu.memory_space<semaphore_mem>>) src(%arg7 : memref<16xf32, #tpu.memory_space<hbm>>) dst(%arg14 : memref<16xf32, #tpu.memory_space<vmem>>)
      tpu.yield
    }) : () -> ()
    %barrier3A = arith.constant 0 : index
    tpu.barrier barrier_id(%barrier3A)
    %mul3A_5 = arith.constant 50000 : i32
    %mul3A_6 = arith.muli %add3A, %mul3A_5 : i32
    %scan3A = arith.constant 0 : i32
    %scan3A_7 = arith.constant 0 : i32
    %scan3A_8 = arith.constant 390 : i32
    %scan3A_9 = arith.addi %scan3A_7, %scan3A_8 : i32
    %scan3A_10 = arith.constant 1 : i32
    scf.for %scan3A_71 = %scan3A_7 to %scan3A_9 step %scan3A_10  : i32 {
      %mul3A_72 = arith.constant 128 : i32
      %mul3A_73 = arith.muli %scan3A_71, %mul3A_72 : i32
      %add3A_74 = arith.addi %mul3A_6, %mul3A_73 : i32
      "tpu.region"() ({
        %run_scoped3A = tpu.sem_alloc : memref<!tpu.dma_semaphore, #tpu.memory_space<semaphore_mem>>
        %dma_start3A_96 = arith.constant 0 : i32
        %dma_start3A_97 = tpu.memref_slice %arg9[%dma_start3A_96] : memref<128xi32, #tpu.memory_space<vmem>> -> memref<128xi32, #tpu.memory_space<vmem>>
        %dma_start3A_98 = tpu.memref_slice %arg2[%add3A_74] : memref<1600000xi32, #tpu.memory_space<hbm>> -> memref<128xi32, #tpu.memory_space<hbm>>
        %dma_start3A_99 = arith.constant 0 : i32
        %dma_start3A_100 = tpu.memref_slice %arg9[%dma_start3A_99] : memref<128xi32, #tpu.memory_space<vmem>> -> memref<128xi32, #tpu.memory_space<vmem>>
        %dma_start3A_101 = tpu.memref_slice %arg2[%add3A_74] : memref<1600000xi32, #tpu.memory_space<hbm>> -> memref<128xi32, #tpu.memory_space<hbm>>
        tpu.enqueue_dma source(%dma_start3A_101 : memref<128xi32, #tpu.memory_space<hbm>>) target(%dma_start3A_100 : memref<128xi32, #tpu.memory_space<vmem>>) target_semaphore(%run_scoped3A : memref<!tpu.dma_semaphore, #tpu.memory_space<semaphore_mem>>)
        %dma_wait3A_102 = arith.constant 0 : i32
        %dma_wait3A_103 = tpu.memref_slice %arg9[%dma_wait3A_102] : memref<128xi32, #tpu.memory_space<vmem>> -> memref<128xi32, #tpu.memory_space<vmem>>
        %dma_wait3A_104 = tpu.memref_slice %arg2[%add3A_74] : memref<1600000xi32, #tpu.memory_space<hbm>> -> memref<128xi32, #tpu.memory_space<hbm>>
        %dma_wait3A_105 = arith.constant 0 : i32
        %dma_wait3A_106 = tpu.memref_slice %arg9[%dma_wait3A_105] : memref<128xi32, #tpu.memory_space<vmem>> -> memref<128xi32, #tpu.memory_space<vmem>>
        %dma_wait3A_107 = tpu.memref_slice %arg2[%add3A_74] : memref<1600000xi32, #tpu.memory_space<hbm>> -> memref<128xi32, #tpu.memory_space<hbm>>
        tpu.wait_dma2 semaphore(%run_scoped3A : memref<!tpu.dma_semaphore, #tpu.memory_space<semaphore_mem>>) src(%dma_wait3A_107 : memref<128xi32, #tpu.memory_space<hbm>>) dst(%dma_wait3A_106 : memref<128xi32, #tpu.memory_space<vmem>>)
        tpu.yield
      }) : () -> ()
      "tpu.region"() ({
        %run_scoped3A = tpu.sem_alloc : memref<!tpu.dma_semaphore, #tpu.memory_space<semaphore_mem>>
        %dma_start3A_96 = arith.constant 0 : i32
        %dma_start3A_97 = tpu.memref_slice %arg10[%dma_start3A_96] : memref<128xi32, #tpu.memory_space<vmem>> -> memref<128xi32, #tpu.memory_space<vmem>>
        %dma_start3A_98 = tpu.memref_slice %arg3[%add3A_74] : memref<1600000xi32, #tpu.memory_space<hbm>> -> memref<128xi32, #tpu.memory_space<hbm>>
        %dma_start3A_99 = arith.constant 0 : i32
        %dma_start3A_100 = tpu.memref_slice %arg10[%dma_start3A_99] : memref<128xi32, #tpu.memory_space<vmem>> -> memref<128xi32, #tpu.memory_space<vmem>>
        %dma_start3A_101 = tpu.memref_slice %arg3[%add3A_74] : memref<1600000xi32, #tpu.memory_space<hbm>> -> memref<128xi32, #tpu.memory_space<hbm>>
        tpu.enqueue_dma source(%dma_start3A_101 : memref<128xi32, #tpu.memory_space<hbm>>) target(%dma_start3A_100 : memref<128xi32, #tpu.memory_space<vmem>>) target_semaphore(%run_scoped3A : memref<!tpu.dma_semaphore, #tpu.memory_space<semaphore_mem>>)
        %dma_wait3A_102 = arith.constant 0 : i32
        %dma_wait3A_103 = tpu.memref_slice %arg10[%dma_wait3A_102] : memref<128xi32, #tpu.memory_space<vmem>> -> memref<128xi32, #tpu.memory_space<vmem>>
        %dma_wait3A_104 = tpu.memref_slice %arg3[%add3A_74] : memref<1600000xi32, #tpu.memory_space<hbm>> -> memref<128xi32, #tpu.memory_space<hbm>>
        %dma_wait3A_105 = arith.constant 0 : i32
        %dma_wait3A_106 = tpu.memref_slice %arg10[%dma_wait3A_105] : memref<128xi32, #tpu.memory_space<vmem>> -> memref<128xi32, #tpu.memory_space<vmem>>
        %dma_wait3A_107 = tpu.memref_slice %arg3[%add3A_74] : memref<1600000xi32, #tpu.memory_space<hbm>> -> memref<128xi32, #tpu.memory_space<hbm>>
        tpu.wait_dma2 semaphore(%run_scoped3A : memref<!tpu.dma_semaphore, #tpu.memory_space<semaphore_mem>>) src(%dma_wait3A_107 : memref<128xi32, #tpu.memory_space<hbm>>) dst(%dma_wait3A_106 : memref<128xi32, #tpu.memory_space<vmem>>)
        tpu.yield
      }) : () -> ()
      %dma_start3A_75 = arith.constant 0 : i32
      %dma_start3A_76 = arith.constant 0 : i32
      %dma_start3A_77 = tpu.memref_slice %arg4[%dma_start3A_75, %dma_start3A_76] : memref<100000x16xf32, #tpu.memory_space<hbm>> -> memref<100000x16xf32, #tpu.memory_space<hbm>>
      tpu.enqueue_indirect_dma source(%dma_start3A_77 : memref<100000x16xf32, #tpu.memory_space<hbm>>) target(%arg11 : memref<128x16xf32, #tpu.memory_space<vmem>>) offsets(%arg9 : memref<128xi32, #tpu.memory_space<vmem>>) semaphore(%arg16 : memref<!tpu.dma_semaphore, #tpu.memory_space<semaphore_mem>>)
      %dma_start3A_78 = arith.constant 0 : i32
      %dma_start3A_79 = arith.constant 0 : i32
      %dma_start3A_80 = tpu.memref_slice %arg5[%dma_start3A_78, %dma_start3A_79] : memref<100000x16xf32, #tpu.memory_space<hbm>> -> memref<100000x16xf32, #tpu.memory_space<hbm>>
      tpu.enqueue_indirect_dma source(%dma_start3A_80 : memref<100000x16xf32, #tpu.memory_space<hbm>>) target(%arg12 : memref<128x16xf32, #tpu.memory_space<vmem>>) offsets(%arg10 : memref<128xi32, #tpu.memory_space<vmem>>) semaphore(%arg16 : memref<!tpu.dma_semaphore, #tpu.memory_space<semaphore_mem>>)
      %dma_wait3A_81 = arith.constant 0 : i32
      %dma_wait3A_82 = arith.constant 0 : i32
      %dma_wait3A_83 = tpu.memref_slice %arg5[%dma_wait3A_81, %dma_wait3A_82] : memref<100000x16xf32, #tpu.memory_space<hbm>> -> memref<100000x16xf32, #tpu.memory_space<hbm>>
      tpu.wait_indirect_dma semaphore(%arg16 : memref<!tpu.dma_semaphore, #tpu.memory_space<semaphore_mem>>) src(%dma_wait3A_83 : memref<100000x16xf32, #tpu.memory_space<hbm>>) dst(%arg12 : memref<128x16xf32, #tpu.memory_space<vmem>>)
      %dma_wait3A_84 = arith.constant 0 : i32
      %dma_wait3A_85 = arith.constant 0 : i32
      %dma_wait3A_86 = tpu.memref_slice %arg4[%dma_wait3A_84, %dma_wait3A_85] : memref<100000x16xf32, #tpu.memory_space<hbm>> -> memref<100000x16xf32, #tpu.memory_space<hbm>>
      tpu.wait_indirect_dma semaphore(%arg16 : memref<!tpu.dma_semaphore, #tpu.memory_space<semaphore_mem>>) src(%dma_wait3A_86 : memref<100000x16xf32, #tpu.memory_space<hbm>>) dst(%arg11 : memref<128x16xf32, #tpu.memory_space<vmem>>)
      %get3A_87 = arith.constant 0 : index
      %get3A_88 = tpu.vector_load %arg14[%get3A_87] {strides = array<i32>} : memref<16xf32, #tpu.memory_space<vmem>>, vector<16xf32>,
      %get3A_89 = vector.shape_cast %get3A_88 : vector<16xf32> to vector<16xf32>
      %scan3A_90 = arith.constant 0 : i32
      %scan3A_91 = arith.constant 0 : i32
      %scan3A_92 = arith.constant 128 : i32
      %scan3A_93 = arith.addi %scan3A_91, %scan3A_92 : i32
      %scan3A_94 = arith.constant 1 : i32
      scf.for %scan3A_96 = %scan3A_91 to %scan3A_93 step %scan3A_94  : i32 {
        %get3A_97 = arith.index_cast %scan3A_96 : i32 to index
        %get3A_98 = arith.constant 0 : index
        %get3A_99 = tpu.vector_load %arg11[%get3A_97, %get3A_98] {strides = array<i32>} : memref<128x16xf32, #tpu.memory_space<vmem>>, vector<1x16xf32>,
        %get3A_100 = vector.shape_cast %get3A_99 : vector<1x16xf32> to vector<16xf32>
        %get3A_101 = arith.index_cast %scan3A_96 : i32 to index
        %get3A_102 = arith.constant 0 : index
        %get3A_103 = tpu.vector_load %arg12[%get3A_101, %get3A_102] {strides = array<i32>} : memref<128x16xf32, #tpu.memory_space<vmem>>, vector<1x16xf32>,
        %get3A_104 = vector.shape_cast %get3A_103 : vector<1x16xf32> to vector<16xf32>
        %add3A_105 = arith.addf %get3A_100, %get3A_104 : vector<16xf32>
        %gt3A = arith.constant 0.000000e+00 : f32
        %gt3A_106 = vector.broadcast %gt3A : f32 to vector<16xf32>
        %gt3A_107 = arith.cmpf ogt, %add3A_105, %gt3A_106 : vector<16xf32>
        %mul3A_108 = arith.constant 2.000000e-01 : f32
        %mul3A_109 = vector.broadcast %mul3A_108 : f32 to vector<16xf32>
        %mul3A_110 = arith.mulf %mul3A_109, %add3A_105 : vector<16xf32>
        %select_n3A = arith.select %gt3A_107, %add3A_105, %mul3A_110 : vector<16xi1>, vector<16xf32>
        %sub3A = arith.subf %select_n3A, %get3A_89 : vector<16xf32>
        %exp3A = math.exp %sub3A : vector<16xf32>
        %swap3A_111 = arith.index_cast %scan3A_96 : i32 to index
        %swap3A_112 = arith.constant 0 : index
        %swap3A_113 = tpu.vector_load %arg13[%swap3A_111, %swap3A_112] {strides = array<i32>} : memref<128x16xf32, #tpu.memory_space<vmem>>, vector<1x16xf32>,
        %swap3A_114 = vector.shape_cast %swap3A_113 : vector<1x16xf32> to vector<16xf32>
        %swap3A_115 = vector.shape_cast %exp3A : vector<16xf32> to vector<1x16xf32>
        tpu.vector_store %arg13[%swap3A_111, %swap3A_112], %swap3A_115 {strides = array<i32>} : memref<128x16xf32, #tpu.memory_space<vmem>>, vector<1x16xf32>,
      }
      %scan3A_95 = arith.constant 128 : i32
      "tpu.region"() ({
        %run_scoped3A = tpu.sem_alloc : memref<!tpu.dma_semaphore, #tpu.memory_space<semaphore_mem>>
        %dma_start3A_96 = arith.constant 0 : i32
        %dma_start3A_97 = arith.constant 0 : i32
        %dma_start3A_98 = tpu.memref_slice %arg15[%dma_start3A_96, %dma_start3A_97] : memref<100096x16xf32, #tpu.memory_space<vmem_shared>> -> memref<100096x16xf32, #tpu.memory_space<vmem_shared>>
        tpu.enqueue_indirect_dma source(%arg13 : memref<128x16xf32, #tpu.memory_space<vmem>>) target(%dma_start3A_98 : memref<100096x16xf32, #tpu.memory_space<vmem_shared>>) offsets(%arg10 : memref<128xi32, #tpu.memory_space<vmem>>) semaphore(%run_scoped3A : memref<!tpu.dma_semaphore, #tpu.memory_space<semaphore_mem>>) {add = true}
        %dma_wait3A_99 = arith.constant 0 : i32
        %dma_wait3A_100 = arith.constant 0 : i32
        %dma_wait3A_101 = tpu.memref_slice %arg15[%dma_wait3A_99, %dma_wait3A_100] : memref<100096x16xf32, #tpu.memory_space<vmem_shared>> -> memref<100096x16xf32, #tpu.memory_space<vmem_shared>>
        tpu.wait_indirect_dma semaphore(%run_scoped3A : memref<!tpu.dma_semaphore, #tpu.memory_space<semaphore_mem>>) src(%arg13 : memref<128x16xf32, #tpu.memory_space<vmem>>) dst(%dma_wait3A_101 : memref<100096x16xf32, #tpu.memory_space<vmem_shared>>)
        tpu.yield
      }) : () -> ()
    }
    %scan3A_11 = arith.constant 390 : i32
    %add3A_12 = arith.constant 49920 : i32
    %add3A_13 = arith.addi %mul3A_6, %add3A_12 : i32
    "tpu.region"() ({
      %run_scoped3A = tpu.sem_alloc : memref<!tpu.dma_semaphore, #tpu.memory_space<semaphore_mem>>
      %dma_start3A_71 = arith.constant 0 : i32
      %dma_start3A_72 = tpu.memref_slice %arg9[%dma_start3A_71] : memref<128xi32, #tpu.memory_space<vmem>> -> memref<80xi32, #tpu.memory_space<vmem>>
      %dma_start3A_73 = tpu.memref_slice %arg2[%add3A_13] : memref<1600000xi32, #tpu.memory_space<hbm>> -> memref<80xi32, #tpu.memory_space<hbm>>
      %dma_start3A_74 = arith.constant 0 : i32
      %dma_start3A_75 = tpu.memref_slice %arg9[%dma_start3A_74] : memref<128xi32, #tpu.memory_space<vmem>> -> memref<80xi32, #tpu.memory_space<vmem>>
      %dma_start3A_76 = tpu.memref_slice %arg2[%add3A_13] : memref<1600000xi32, #tpu.memory_space<hbm>> -> memref<80xi32, #tpu.memory_space<hbm>>
      tpu.enqueue_dma source(%dma_start3A_76 : memref<80xi32, #tpu.memory_space<hbm>>) target(%dma_start3A_75 : memref<80xi32, #tpu.memory_space<vmem>>) target_semaphore(%run_scoped3A : memref<!tpu.dma_semaphore, #tpu.memory_space<semaphore_mem>>)
      %dma_wait3A_77 = arith.constant 0 : i32
      %dma_wait3A_78 = tpu.memref_slice %arg9[%dma_wait3A_77] : memref<128xi32, #tpu.memory_space<vmem>> -> memref<80xi32, #tpu.memory_space<vmem>>
      %dma_wait3A_79 = tpu.memref_slice %arg2[%add3A_13] : memref<1600000xi32, #tpu.memory_space<hbm>> -> memref<80xi32, #tpu.memory_space<hbm>>
      %dma_wait3A_80 = arith.constant 0 : i32
      %dma_wait3A_81 = tpu.memref_slice %arg9[%dma_wait3A_80] : memref<128xi32, #tpu.memory_space<vmem>> -> memref<80xi32, #tpu.memory_space<vmem>>
      %dma_wait3A_82 = tpu.memref_slice %arg2[%add3A_13] : memref<1600000xi32, #tpu.memory_space<hbm>> -> memref<80xi32, #tpu.memory_space<hbm>>
      tpu.wait_dma2 semaphore(%run_scoped3A : memref<!tpu.dma_semaphore, #tpu.memory_space<semaphore_mem>>) src(%dma_wait3A_82 : memref<80xi32, #tpu.memory_space<hbm>>) dst(%dma_wait3A_81 : memref<80xi32, #tpu.memory_space<vmem>>)
      tpu.yield
    }) : () -> ()
    "tpu.region"() ({
      %run_scoped3A = tpu.sem_alloc : memref<!tpu.dma_semaphore, #tpu.memory_space<semaphore_mem>>
      %dma_start3A_71 = arith.constant 0 : i32
      %dma_start3A_72 = tpu.memref_slice %arg10[%dma_start3A_71] : memref<128xi32, #tpu.memory_space<vmem>> -> memref<80xi32, #tpu.memory_space<vmem>>
      %dma_start3A_73 = tpu.memref_slice %arg3[%add3A_13] : memref<1600000xi32, #tpu.memory_space<hbm>> -> memref<80xi32, #tpu.memory_space<hbm>>
      %dma_start3A_74 = arith.constant 0 : i32
      %dma_start3A_75 = tpu.memref_slice %arg10[%dma_start3A_74] : memref<128xi32, #tpu.memory_space<vmem>> -> memref<80xi32, #tpu.memory_space<vmem>>
      %dma_start3A_76 = tpu.memref_slice %arg3[%add3A_13] : memref<1600000xi32, #tpu.memory_space<hbm>> -> memref<80xi32, #tpu.memory_space<hbm>>
      tpu.enqueue_dma source(%dma_start3A_76 : memref<80xi32, #tpu.memory_space<hbm>>) target(%dma_start3A_75 : memref<80xi32, #tpu.memory_space<vmem>>) target_semaphore(%run_scoped3A : memref<!tpu.dma_semaphore, #tpu.memory_space<semaphore_mem>>)
      %dma_wait3A_77 = arith.constant 0 : i32
      %dma_wait3A_78 = tpu.memref_slice %arg10[%dma_wait3A_77] : memref<128xi32, #tpu.memory_space<vmem>> -> memref<80xi32, #tpu.memory_space<vmem>>
      %dma_wait3A_79 = tpu.memref_slice %arg3[%add3A_13] : memref<1600000xi32, #tpu.memory_space<hbm>> -> memref<80xi32, #tpu.memory_space<hbm>>
      %dma_wait3A_80 = arith.constant 0 : i32
      %dma_wait3A_81 = tpu.memref_slice %arg10[%dma_wait3A_80] : memref<128xi32, #tpu.memory_space<vmem>> -> memref<80xi32, #tpu.memory_space<vmem>>
      %dma_wait3A_82 = tpu.memref_slice %arg3[%add3A_13] : memref<1600000xi32, #tpu.memory_space<hbm>> -> memref<80xi32, #tpu.memory_space<hbm>>
      tpu.wait_dma2 semaphore(%run_scoped3A : memref<!tpu.dma_semaphore, #tpu.memory_space<semaphore_mem>>) src(%dma_wait3A_82 : memref<80xi32, #tpu.memory_space<hbm>>) dst(%dma_wait3A_81 : memref<80xi32, #tpu.memory_space<vmem>>)
      tpu.yield
    }) : () -> ()
    %broadcast_in_dim3A = arith.constant 0 : i32
    %broadcast_in_dim3A_14 = vector.broadcast %broadcast_in_dim3A : i32 to vector<16xi32>
    %swap3A = arith.constant 80 : index
    %swap3A_15 = tpu.vector_load %arg9[%swap3A] {strides = array<i32>} : memref<128xi32, #tpu.memory_space<vmem>>, vector<16xi32>,
    %swap3A_16 = vector.shape_cast %swap3A_15 : vector<16xi32> to vector<16xi32>
    %swap3A_17 = vector.shape_cast %broadcast_in_dim3A_14 : vector<16xi32> to vector<16xi32>
    tpu.vector_store %arg9[%swap3A], %swap3A_17 {strides = array<i32>} : memref<128xi32, #tpu.memory_space<vmem>>, vector<16xi32>,
    %broadcast_in_dim3A_18 = arith.constant 100000 : i32
    %broadcast_in_dim3A_19 = vector.broadcast %broadcast_in_dim3A_18 : i32 to vector<16xi32>
    %swap3A_20 = arith.constant 80 : index
    %swap3A_21 = tpu.vector_load %arg10[%swap3A_20] {strides = array<i32>} : memref<128xi32, #tpu.memory_space<vmem>>, vector<16xi32>,
    %swap3A_22 = vector.shape_cast %swap3A_21 : vector<16xi32> to vector<16xi32>
    %swap3A_23 = vector.shape_cast %broadcast_in_dim3A_19 : vector<16xi32> to vector<16xi32>
    tpu.vector_store %arg10[%swap3A_20], %swap3A_23 {strides = array<i32>} : memref<128xi32, #tpu.memory_space<vmem>>, vector<16xi32>,
    %broadcast_in_dim3A_24 = arith.constant 0 : i32
    %broadcast_in_dim3A_25 = vector.broadcast %broadcast_in_dim3A_24 : i32 to vector<16xi32>
    %swap3A_26 = arith.constant 96 : index
    %swap3A_27 = tpu.vector_load %arg9[%swap3A_26] {strides = array<i32>} : memref<128xi32, #tpu.memory_space<vmem>>, vector<16xi32>,
    %swap3A_28 = vector.shape_cast %swap3A_27 : vector<16xi32> to vector<16xi32>
    %swap3A_29 = vector.shape_cast %broadcast_in_dim3A_25 : vector<16xi32> to vector<16xi32>
    tpu.vector_store %arg9[%swap3A_26], %swap3A_29 {strides = array<i32>} : memref<128xi32, #tpu.memory_space<vmem>>, vector<16xi32>,
    %broadcast_in_dim3A_30 = arith.constant 100000 : i32
    %broadcast_in_dim3A_31 = vector.broadcast %broadcast_in_dim3A_30 : i32 to vector<16xi32>
    %swap3A_32 = arith.constant 96 : index
    %swap3A_33 = tpu.vector_load %arg10[%swap3A_32] {strides = array<i32>} : memref<128xi32, #tpu.memory_space<vmem>>, vector<16xi32>,
    %swap3A_34 = vector.shape_cast %swap3A_33 : vector<16xi32> to vector<16xi32>
    %swap3A_35 = vector.shape_cast %broadcast_in_dim3A_31 : vector<16xi32> to vector<16xi32>
    tpu.vector_store %arg10[%swap3A_32], %swap3A_35 {strides = array<i32>} : memref<128xi32, #tpu.memory_space<vmem>>, vector<16xi32>,
    %broadcast_in_dim3A_36 = arith.constant 0 : i32
    %broadcast_in_dim3A_37 = vector.broadcast %broadcast_in_dim3A_36 : i32 to vector<16xi32>
    %swap3A_38 = arith.constant 112 : index
    %swap3A_39 = tpu.vector_load %arg9[%swap3A_38] {strides = array<i32>} : memref<128xi32, #tpu.memory_space<vmem>>, vector<16xi32>,
    %swap3A_40 = vector.shape_cast %swap3A_39 : vector<16xi32> to vector<16xi32>
    %swap3A_41 = vector.shape_cast %broadcast_in_dim3A_37 : vector<16xi32> to vector<16xi32>
    tpu.vector_store %arg9[%swap3A_38], %swap3A_41 {strides = array<i32>} : memref<128xi32, #tpu.memory_space<vmem>>, vector<16xi32>,
    %broadcast_in_dim3A_42 = arith.constant 100000 : i32
    %broadcast_in_dim3A_43 = vector.broadcast %broadcast_in_dim3A_42 : i32 to vector<16xi32>
    %swap3A_44 = arith.constant 112 : index
    %swap3A_45 = tpu.vector_load %arg10[%swap3A_44] {strides = array<i32>} : memref<128xi32, #tpu.memory_space<vmem>>, vector<16xi32>,
    %swap3A_46 = vector.shape_cast %swap3A_45 : vector<16xi32> to vector<16xi32>
    %swap3A_47 = vector.shape_cast %broadcast_in_dim3A_43 : vector<16xi32> to vector<16xi32>
    tpu.vector_store %arg10[%swap3A_44], %swap3A_47 {strides = array<i32>} : memref<128xi32, #tpu.memory_space<vmem>>, vector<16xi32>,
    %dma_start3A = arith.constant 0 : i32
    %dma_start3A_48 = arith.constant 0 : i32
    %dma_start3A_49 = tpu.memref_slice %arg4[%dma_start3A, %dma_start3A_48] : memref<100000x16xf32, #tpu.memory_space<hbm>> -> memref<100000x16xf32, #tpu.memory_space<hbm>>
    tpu.enqueue_indirect_dma source(%dma_start3A_49 : memref<100000x16xf32, #tpu.memory_space<hbm>>) target(%arg11 : memref<128x16xf32, #tpu.memory_space<vmem>>) offsets(%arg9 : memref<128xi32, #tpu.memory_space<vmem>>) semaphore(%arg16 : memref<!tpu.dma_semaphore, #tpu.memory_space<semaphore_mem>>)
    %dma_start3A_50 = arith.constant 0 : i32
    %dma_start3A_51 = arith.constant 0 : i32
    %dma_start3A_52 = tpu.memref_slice %arg5[%dma_start3A_50, %dma_start3A_51] : memref<100000x16xf32, #tpu.memory_space<hbm>> -> memref<100000x16xf32, #tpu.memory_space<hbm>>
    tpu.enqueue_indirect_dma source(%dma_start3A_52 : memref<100000x16xf32, #tpu.memory_space<hbm>>) target(%arg12 : memref<128x16xf32, #tpu.memory_space<vmem>>) offsets(%arg10 : memref<128xi32, #tpu.memory_space<vmem>>) semaphore(%arg16 : memref<!tpu.dma_semaphore, #tpu.memory_space<semaphore_mem>>)
    %dma_wait3A = arith.constant 0 : i32
    %dma_wait3A_53 = arith.constant 0 : i32
    %dma_wait3A_54 = tpu.memref_slice %arg5[%dma_wait3A, %dma_wait3A_53] : memref<100000x16xf32, #tpu.memory_space<hbm>> -> memref<100000x16xf32, #tpu.memory_space<hbm>>
    tpu.wait_indirect_dma semaphore(%arg16 : memref<!tpu.dma_semaphore, #tpu.memory_space<semaphore_mem>>) src(%dma_wait3A_54 : memref<100000x16xf32, #tpu.memory_space<hbm>>) dst(%arg12 : memref<128x16xf32, #tpu.memory_space<vmem>>)
    %dma_wait3A_55 = arith.constant 0 : i32
    %dma_wait3A_56 = arith.constant 0 : i32
    %dma_wait3A_57 = tpu.memref_slice %arg4[%dma_wait3A_55, %dma_wait3A_56] : memref<100000x16xf32, #tpu.memory_space<hbm>> -> memref<100000x16xf32, #tpu.memory_space<hbm>>
    tpu.wait_indirect_dma semaphore(%arg16 : memref<!tpu.dma_semaphore, #tpu.memory_space<semaphore_mem>>) src(%dma_wait3A_57 : memref<100000x16xf32, #tpu.memory_space<hbm>>) dst(%arg11 : memref<128x16xf32, #tpu.memory_space<vmem>>)
    %get3A = arith.constant 0 : index
    %get3A_58 = tpu.vector_load %arg14[%get3A] {strides = array<i32>} : memref<16xf32, #tpu.memory_space<vmem>>, vector<16xf32>,
    %get3A_59 = vector.shape_cast %get3A_58 : vector<16xf32> to vector<16xf32>
    %scan3A_60 = arith.constant 0 : i32
    %scan3A_61 = arith.constant 0 : i32
    %scan3A_62 = arith.constant 128 : i32
    %scan3A_63 = arith.addi %scan3A_61, %scan3A_62 : i32
    %scan3A_64 = arith.constant 1 : i32
    scf.for %scan3A_71 = %scan3A_61 to %scan3A_63 step %scan3A_64  : i32 {
      %get3A_72 = arith.index_cast %scan3A_71 : i32 to index
      %get3A_73 = arith.constant 0 : index
      %get3A_74 = tpu.vector_load %arg11[%get3A_72, %get3A_73] {strides = array<i32>} : memref<128x16xf32, #tpu.memory_space<vmem>>, vector<1x16xf32>,
      %get3A_75 = vector.shape_cast %get3A_74 : vector<1x16xf32> to vector<16xf32>
      %get3A_76 = arith.index_cast %scan3A_71 : i32 to index
      %get3A_77 = arith.constant 0 : index
      %get3A_78 = tpu.vector_load %arg12[%get3A_76, %get3A_77] {strides = array<i32>} : memref<128x16xf32, #tpu.memory_space<vmem>>, vector<1x16xf32>,
      %get3A_79 = vector.shape_cast %get3A_78 : vector<1x16xf32> to vector<16xf32>
      %add3A_80 = arith.addf %get3A_75, %get3A_79 : vector<16xf32>
      %gt3A = arith.constant 0.000000e+00 : f32
      %gt3A_81 = vector.broadcast %gt3A : f32 to vector<16xf32>
      %gt3A_82 = arith.cmpf ogt, %add3A_80, %gt3A_81 : vector<16xf32>
      %mul3A_83 = arith.constant 2.000000e-01 : f32
      %mul3A_84 = vector.broadcast %mul3A_83 : f32 to vector<16xf32>
      %mul3A_85 = arith.mulf %mul3A_84, %add3A_80 : vector<16xf32>
      %select_n3A = arith.select %gt3A_82, %add3A_80, %mul3A_85 : vector<16xi1>, vector<16xf32>
      %sub3A = arith.subf %select_n3A, %get3A_59 : vector<16xf32>
      %exp3A = math.exp %sub3A : vector<16xf32>
      %swap3A_86 = arith.index_cast %scan3A_71 : i32 to index
      %swap3A_87 = arith.constant 0 : index
      %swap3A_88 = tpu.vector_load %arg13[%swap3A_86, %swap3A_87] {strides = array<i32>} : memref<128x16xf32, #tpu.memory_space<vmem>>, vector<1x16xf32>,
      %swap3A_89 = vector.shape_cast %swap3A_88 : vector<1x16xf32> to vector<16xf32>
      %swap3A_90 = vector.shape_cast %exp3A : vector<16xf32> to vector<1x16xf32>
      tpu.vector_store %arg13[%swap3A_86, %swap3A_87], %swap3A_90 {strides = array<i32>} : memref<128x16xf32, #tpu.memory_space<vmem>>, vector<1x16xf32>,
    }
    %scan3A_65 = arith.constant 128 : i32
    "tpu.region"() ({
      %run_scoped3A = tpu.sem_alloc : memref<!tpu.dma_semaphore, #tpu.memory_space<semaphore_mem>>
      %dma_start3A_71 = arith.constant 0 : i32
      %dma_start3A_72 = arith.constant 0 : i32
      %dma_start3A_73 = tpu.memref_slice %arg15[%dma_start3A_71, %dma_start3A_72] : memref<100096x16xf32, #tpu.memory_space<vmem_shared>> -> memref<100096x16xf32, #tpu.memory_space<vmem_shared>>
      tpu.enqueue_indirect_dma source(%arg13 : memref<128x16xf32, #tpu.memory_space<vmem>>) target(%dma_start3A_73 : memref<100096x16xf32, #tpu.memory_space<vmem_shared>>) offsets(%arg10 : memref<128xi32, #tpu.memory_space<vmem>>) semaphore(%run_scoped3A : memref<!tpu.dma_semaphore, #tpu.memory_space<semaphore_mem>>) {add = true}
      %dma_wait3A_74 = arith.constant 0 : i32
      %dma_wait3A_75 = arith.constant 0 : i32
      %dma_wait3A_76 = tpu.memref_slice %arg15[%dma_wait3A_74, %dma_wait3A_75] : memref<100096x16xf32, #tpu.memory_space<vmem_shared>> -> memref<100096x16xf32, #tpu.memory_space<vmem_shared>>
      tpu.wait_indirect_dma semaphore(%run_scoped3A : memref<!tpu.dma_semaphore, #tpu.memory_space<semaphore_mem>>) src(%arg13 : memref<128x16xf32, #tpu.memory_space<vmem>>) dst(%dma_wait3A_76 : memref<100096x16xf32, #tpu.memory_space<vmem_shared>>)
      tpu.yield
    }) : () -> ()
    %barrier3A_66 = arith.constant 0 : index
    tpu.barrier barrier_id(%barrier3A_66)
    %mul3A_67 = arith.constant 6256 : i32
    %mul3A_68 = arith.muli %arg1, %mul3A_67 : i32
    %mul3A_69 = arith.constant 6256 : i32
    %mul3A_70 = arith.muli %arg1, %mul3A_69 : i32
    "tpu.region"() ({
      %run_scoped3A = tpu.sem_alloc : memref<!tpu.dma_semaphore, #tpu.memory_space<semaphore_mem>>
      %dma_start3A_71 = arith.constant 0 : i32
      %dma_start3A_72 = tpu.memref_slice %arg8[%arg0, %mul3A_70, %dma_start3A_71] : memref<2x100096x16xf32, #tpu.memory_space<hbm>> -> memref<1x6256x16xf32, #tpu.memory_space<hbm>>
      %dma_start3A_73 = tpu.memref_squeeze %dma_start3A_72 : memref<1x6256x16xf32, #tpu.memory_space<hbm>> -> memref<6256x16xf32, #tpu.memory_space<hbm>>
      %dma_start3A_74 = arith.constant 0 : i32
      %dma_start3A_75 = tpu.memref_slice %arg15[%mul3A_68, %dma_start3A_74] : memref<100096x16xf32, #tpu.memory_space<vmem_shared>> -> memref<6256x16xf32, #tpu.memory_space<vmem_shared>>
      tpu.enqueue_dma source(%dma_start3A_75 : memref<6256x16xf32, #tpu.memory_space<vmem_shared>>) target(%dma_start3A_73 : memref<6256x16xf32, #tpu.memory_space<hbm>>) target_semaphore(%run_scoped3A : memref<!tpu.dma_semaphore, #tpu.memory_space<semaphore_mem>>)
      %dma_wait3A_76 = arith.constant 0 : i32
      %dma_wait3A_77 = tpu.memref_slice %arg8[%arg0, %mul3A_70, %dma_wait3A_76] : memref<2x100096x16xf32, #tpu.memory_space<hbm>> -> memref<1x6256x16xf32, #tpu.memory_space<hbm>>
      %dma_wait3A_78 = tpu.memref_squeeze %dma_wait3A_77 : memref<1x6256x16xf32, #tpu.memory_space<hbm>> -> memref<6256x16xf32, #tpu.memory_space<hbm>>
      %dma_wait3A_79 = arith.constant 0 : i32
      %dma_wait3A_80 = tpu.memref_slice %arg15[%mul3A_68, %dma_wait3A_79] : memref<100096x16xf32, #tpu.memory_space<vmem_shared>> -> memref<6256x16xf32, #tpu.memory_space<vmem_shared>>
      tpu.wait_dma2 semaphore(%run_scoped3A : memref<!tpu.dma_semaphore, #tpu.memory_space<semaphore_mem>>) src(%dma_wait3A_80 : memref<6256x16xf32, #tpu.memory_space<vmem_shared>>) dst(%dma_wait3A_78 : memref<6256x16xf32, #tpu.memory_space<hbm>>)
      tpu.yield
    }) : () -> ()
    return
  }
}

#map = affine_map<(d0, d1) -> (0)>
#map1 = affine_map<(d0, d1) -> (0, 0)>
#map2 = affine_map<(d0, d1) -> (0, 0, 0)>
module attributes {stable_mosaic.version = 14 : i64} {
  func.func @k(%arg0: i32, %arg1: i32, %arg2: memref<1600000xi32, #tpu.memory_space<hbm>>, %arg3: memref<1600000xi32, #tpu.memory_space<hbm>>, %arg4: memref<100000x16xf32, #tpu.memory_space<hbm>>, %arg5: memref<100000x16xf32, #tpu.memory_space<hbm>>, %arg6: memref<100000x16xf32, #tpu.memory_space<hbm>>, %arg7: memref<100096x16xf32, #tpu.memory_space<hbm>>, %arg8: memref<16xf32, #tpu.memory_space<hbm>>, %arg9: memref<2x100096x16xf32, #tpu.memory_space<hbm>>, %arg10: memref<128xi32, #tpu.memory_space<vmem>>, %arg11: memref<128xi32, #tpu.memory_space<vmem>>, %arg12: memref<128x16xf32, #tpu.memory_space<vmem>>, %arg13: memref<128x16xf32, #tpu.memory_space<vmem>>, %arg14: memref<128x16xf32, #tpu.memory_space<vmem>>, %arg15: memref<128x16xf32, #tpu.memory_space<vmem>>, %arg16: memref<16xf32, #tpu.memory_space<vmem>>, %arg17: memref<100096x16xf32, #tpu.memory_space<vmem_shared>>, %arg18: memref<!tpu.dma_semaphore, #tpu.memory_space<semaphore_mem>>) attributes {dimension_semantics = [#tpu.dimension_semantics<core_parallel>, #tpu.dimension_semantics<subcore_parallel>], iteration_bounds = array<i64: 2, 16>, scalar_prefetch = 0 : i64, scratch_operands = 9 : i64, tpu.core_type = #tpu.core_type<sc_vector_subcore>, window_params = [{transform_indices = #map}, {transform_indices = #map}, {transform_indices = #map1}, {transform_indices = #map1}, {transform_indices = #map1}, {transform_indices = #map1}, {transform_indices = #map}, {transform_indices = #map2}]} {
    %mul3A = arith.constant 2 : i32
    %mul3A_0 = arith.muli %arg1, %mul3A : i32
    %add3A = arith.addi %mul3A_0, %arg0 : i32
    %mul3A_1 = arith.constant 6256 : i32
    %mul3A_2 = arith.muli %arg1, %mul3A_1 : i32
    %mul3A_3 = arith.constant 6256 : i32
    %mul3A_4 = arith.muli %arg1, %mul3A_3 : i32
    "tpu.region"() ({
      %run_scoped3A = tpu.sem_alloc : memref<!tpu.dma_semaphore, #tpu.memory_space<semaphore_mem>>
      %dma_start3A_77 = arith.constant 0 : i32
      %dma_start3A_78 = tpu.memref_slice %arg17[%mul3A_4, %dma_start3A_77] : memref<100096x16xf32, #tpu.memory_space<vmem_shared>> -> memref<6256x16xf32, #tpu.memory_space<vmem_shared>>
      %dma_start3A_79 = arith.constant 0 : i32
      %dma_start3A_80 = tpu.memref_slice %arg7[%mul3A_2, %dma_start3A_79] : memref<100096x16xf32, #tpu.memory_space<hbm>> -> memref<6256x16xf32, #tpu.memory_space<hbm>>
      tpu.enqueue_dma source(%dma_start3A_80 : memref<6256x16xf32, #tpu.memory_space<hbm>>) target(%dma_start3A_78 : memref<6256x16xf32, #tpu.memory_space<vmem_shared>>) target_semaphore(%run_scoped3A : memref<!tpu.dma_semaphore, #tpu.memory_space<semaphore_mem>>)
      %dma_wait3A_81 = arith.constant 0 : i32
      %dma_wait3A_82 = tpu.memref_slice %arg17[%mul3A_4, %dma_wait3A_81] : memref<100096x16xf32, #tpu.memory_space<vmem_shared>> -> memref<6256x16xf32, #tpu.memory_space<vmem_shared>>
      %dma_wait3A_83 = arith.constant 0 : i32
      %dma_wait3A_84 = tpu.memref_slice %arg7[%mul3A_2, %dma_wait3A_83] : memref<100096x16xf32, #tpu.memory_space<hbm>> -> memref<6256x16xf32, #tpu.memory_space<hbm>>
      tpu.wait_dma2 semaphore(%run_scoped3A : memref<!tpu.dma_semaphore, #tpu.memory_space<semaphore_mem>>) src(%dma_wait3A_84 : memref<6256x16xf32, #tpu.memory_space<hbm>>) dst(%dma_wait3A_82 : memref<6256x16xf32, #tpu.memory_space<vmem_shared>>)
      tpu.yield
    }) : () -> ()
    "tpu.region"() ({
      %run_scoped3A = tpu.sem_alloc : memref<!tpu.dma_semaphore, #tpu.memory_space<semaphore_mem>>
      tpu.enqueue_dma source(%arg8 : memref<16xf32, #tpu.memory_space<hbm>>) target(%arg16 : memref<16xf32, #tpu.memory_space<vmem>>) target_semaphore(%run_scoped3A : memref<!tpu.dma_semaphore, #tpu.memory_space<semaphore_mem>>)
      tpu.wait_dma2 semaphore(%run_scoped3A : memref<!tpu.dma_semaphore, #tpu.memory_space<semaphore_mem>>) src(%arg8 : memref<16xf32, #tpu.memory_space<hbm>>) dst(%arg16 : memref<16xf32, #tpu.memory_space<vmem>>)
      tpu.yield
    }) : () -> ()
    %barrier3A = arith.constant 0 : index
    tpu.barrier barrier_id(%barrier3A)
    %mul3A_5 = arith.constant 50000 : i32
    %mul3A_6 = arith.muli %add3A, %mul3A_5 : i32
    %scan3A = arith.constant 0 : i32
    %scan3A_7 = arith.constant 0 : i32
    %scan3A_8 = arith.constant 390 : i32
    %scan3A_9 = arith.addi %scan3A_7, %scan3A_8 : i32
    %scan3A_10 = arith.constant 1 : i32
    scf.for %scan3A_77 = %scan3A_7 to %scan3A_9 step %scan3A_10  : i32 {
      %mul3A_78 = arith.constant 128 : i32
      %mul3A_79 = arith.muli %scan3A_77, %mul3A_78 : i32
      %add3A_80 = arith.addi %mul3A_6, %mul3A_79 : i32
      "tpu.region"() ({
        %run_scoped3A = tpu.sem_alloc : memref<!tpu.dma_semaphore, #tpu.memory_space<semaphore_mem>>
        %dma_start3A_108 = arith.constant 0 : i32
        %dma_start3A_109 = tpu.memref_slice %arg10[%dma_start3A_108] : memref<128xi32, #tpu.memory_space<vmem>> -> memref<128xi32, #tpu.memory_space<vmem>>
        %dma_start3A_110 = tpu.memref_slice %arg2[%add3A_80] : memref<1600000xi32, #tpu.memory_space<hbm>> -> memref<128xi32, #tpu.memory_space<hbm>>
        %dma_start3A_111 = arith.constant 0 : i32
        %dma_start3A_112 = tpu.memref_slice %arg10[%dma_start3A_111] : memref<128xi32, #tpu.memory_space<vmem>> -> memref<128xi32, #tpu.memory_space<vmem>>
        %dma_start3A_113 = tpu.memref_slice %arg2[%add3A_80] : memref<1600000xi32, #tpu.memory_space<hbm>> -> memref<128xi32, #tpu.memory_space<hbm>>
        tpu.enqueue_dma source(%dma_start3A_113 : memref<128xi32, #tpu.memory_space<hbm>>) target(%dma_start3A_112 : memref<128xi32, #tpu.memory_space<vmem>>) target_semaphore(%run_scoped3A : memref<!tpu.dma_semaphore, #tpu.memory_space<semaphore_mem>>)
        %dma_wait3A_114 = arith.constant 0 : i32
        %dma_wait3A_115 = tpu.memref_slice %arg10[%dma_wait3A_114] : memref<128xi32, #tpu.memory_space<vmem>> -> memref<128xi32, #tpu.memory_space<vmem>>
        %dma_wait3A_116 = tpu.memref_slice %arg2[%add3A_80] : memref<1600000xi32, #tpu.memory_space<hbm>> -> memref<128xi32, #tpu.memory_space<hbm>>
        %dma_wait3A_117 = arith.constant 0 : i32
        %dma_wait3A_118 = tpu.memref_slice %arg10[%dma_wait3A_117] : memref<128xi32, #tpu.memory_space<vmem>> -> memref<128xi32, #tpu.memory_space<vmem>>
        %dma_wait3A_119 = tpu.memref_slice %arg2[%add3A_80] : memref<1600000xi32, #tpu.memory_space<hbm>> -> memref<128xi32, #tpu.memory_space<hbm>>
        tpu.wait_dma2 semaphore(%run_scoped3A : memref<!tpu.dma_semaphore, #tpu.memory_space<semaphore_mem>>) src(%dma_wait3A_119 : memref<128xi32, #tpu.memory_space<hbm>>) dst(%dma_wait3A_118 : memref<128xi32, #tpu.memory_space<vmem>>)
        tpu.yield
      }) : () -> ()
      "tpu.region"() ({
        %run_scoped3A = tpu.sem_alloc : memref<!tpu.dma_semaphore, #tpu.memory_space<semaphore_mem>>
        %dma_start3A_108 = arith.constant 0 : i32
        %dma_start3A_109 = tpu.memref_slice %arg11[%dma_start3A_108] : memref<128xi32, #tpu.memory_space<vmem>> -> memref<128xi32, #tpu.memory_space<vmem>>
        %dma_start3A_110 = tpu.memref_slice %arg3[%add3A_80] : memref<1600000xi32, #tpu.memory_space<hbm>> -> memref<128xi32, #tpu.memory_space<hbm>>
        %dma_start3A_111 = arith.constant 0 : i32
        %dma_start3A_112 = tpu.memref_slice %arg11[%dma_start3A_111] : memref<128xi32, #tpu.memory_space<vmem>> -> memref<128xi32, #tpu.memory_space<vmem>>
        %dma_start3A_113 = tpu.memref_slice %arg3[%add3A_80] : memref<1600000xi32, #tpu.memory_space<hbm>> -> memref<128xi32, #tpu.memory_space<hbm>>
        tpu.enqueue_dma source(%dma_start3A_113 : memref<128xi32, #tpu.memory_space<hbm>>) target(%dma_start3A_112 : memref<128xi32, #tpu.memory_space<vmem>>) target_semaphore(%run_scoped3A : memref<!tpu.dma_semaphore, #tpu.memory_space<semaphore_mem>>)
        %dma_wait3A_114 = arith.constant 0 : i32
        %dma_wait3A_115 = tpu.memref_slice %arg11[%dma_wait3A_114] : memref<128xi32, #tpu.memory_space<vmem>> -> memref<128xi32, #tpu.memory_space<vmem>>
        %dma_wait3A_116 = tpu.memref_slice %arg3[%add3A_80] : memref<1600000xi32, #tpu.memory_space<hbm>> -> memref<128xi32, #tpu.memory_space<hbm>>
        %dma_wait3A_117 = arith.constant 0 : i32
        %dma_wait3A_118 = tpu.memref_slice %arg11[%dma_wait3A_117] : memref<128xi32, #tpu.memory_space<vmem>> -> memref<128xi32, #tpu.memory_space<vmem>>
        %dma_wait3A_119 = tpu.memref_slice %arg3[%add3A_80] : memref<1600000xi32, #tpu.memory_space<hbm>> -> memref<128xi32, #tpu.memory_space<hbm>>
        tpu.wait_dma2 semaphore(%run_scoped3A : memref<!tpu.dma_semaphore, #tpu.memory_space<semaphore_mem>>) src(%dma_wait3A_119 : memref<128xi32, #tpu.memory_space<hbm>>) dst(%dma_wait3A_118 : memref<128xi32, #tpu.memory_space<vmem>>)
        tpu.yield
      }) : () -> ()
      %dma_start3A_81 = arith.constant 0 : i32
      %dma_start3A_82 = arith.constant 0 : i32
      %dma_start3A_83 = tpu.memref_slice %arg4[%dma_start3A_81, %dma_start3A_82] : memref<100000x16xf32, #tpu.memory_space<hbm>> -> memref<100000x16xf32, #tpu.memory_space<hbm>>
      tpu.enqueue_indirect_dma source(%dma_start3A_83 : memref<100000x16xf32, #tpu.memory_space<hbm>>) target(%arg12 : memref<128x16xf32, #tpu.memory_space<vmem>>) offsets(%arg10 : memref<128xi32, #tpu.memory_space<vmem>>) semaphore(%arg18 : memref<!tpu.dma_semaphore, #tpu.memory_space<semaphore_mem>>)
      %dma_start3A_84 = arith.constant 0 : i32
      %dma_start3A_85 = arith.constant 0 : i32
      %dma_start3A_86 = tpu.memref_slice %arg5[%dma_start3A_84, %dma_start3A_85] : memref<100000x16xf32, #tpu.memory_space<hbm>> -> memref<100000x16xf32, #tpu.memory_space<hbm>>
      tpu.enqueue_indirect_dma source(%dma_start3A_86 : memref<100000x16xf32, #tpu.memory_space<hbm>>) target(%arg13 : memref<128x16xf32, #tpu.memory_space<vmem>>) offsets(%arg11 : memref<128xi32, #tpu.memory_space<vmem>>) semaphore(%arg18 : memref<!tpu.dma_semaphore, #tpu.memory_space<semaphore_mem>>)
      %dma_start3A_87 = arith.constant 0 : i32
      %dma_start3A_88 = arith.constant 0 : i32
      %dma_start3A_89 = tpu.memref_slice %arg6[%dma_start3A_87, %dma_start3A_88] : memref<100000x16xf32, #tpu.memory_space<hbm>> -> memref<100000x16xf32, #tpu.memory_space<hbm>>
      tpu.enqueue_indirect_dma source(%dma_start3A_89 : memref<100000x16xf32, #tpu.memory_space<hbm>>) target(%arg14 : memref<128x16xf32, #tpu.memory_space<vmem>>) offsets(%arg10 : memref<128xi32, #tpu.memory_space<vmem>>) semaphore(%arg18 : memref<!tpu.dma_semaphore, #tpu.memory_space<semaphore_mem>>)
      %dma_wait3A_90 = arith.constant 0 : i32
      %dma_wait3A_91 = arith.constant 0 : i32
      %dma_wait3A_92 = tpu.memref_slice %arg6[%dma_wait3A_90, %dma_wait3A_91] : memref<100000x16xf32, #tpu.memory_space<hbm>> -> memref<100000x16xf32, #tpu.memory_space<hbm>>
      tpu.wait_indirect_dma semaphore(%arg18 : memref<!tpu.dma_semaphore, #tpu.memory_space<semaphore_mem>>) src(%dma_wait3A_92 : memref<100000x16xf32, #tpu.memory_space<hbm>>) dst(%arg14 : memref<128x16xf32, #tpu.memory_space<vmem>>)
      %dma_wait3A_93 = arith.constant 0 : i32
      %dma_wait3A_94 = arith.constant 0 : i32
      %dma_wait3A_95 = tpu.memref_slice %arg5[%dma_wait3A_93, %dma_wait3A_94] : memref<100000x16xf32, #tpu.memory_space<hbm>> -> memref<100000x16xf32, #tpu.memory_space<hbm>>
      tpu.wait_indirect_dma semaphore(%arg18 : memref<!tpu.dma_semaphore, #tpu.memory_space<semaphore_mem>>) src(%dma_wait3A_95 : memref<100000x16xf32, #tpu.memory_space<hbm>>) dst(%arg13 : memref<128x16xf32, #tpu.memory_space<vmem>>)
      %dma_wait3A_96 = arith.constant 0 : i32
      %dma_wait3A_97 = arith.constant 0 : i32
      %dma_wait3A_98 = tpu.memref_slice %arg4[%dma_wait3A_96, %dma_wait3A_97] : memref<100000x16xf32, #tpu.memory_space<hbm>> -> memref<100000x16xf32, #tpu.memory_space<hbm>>
      tpu.wait_indirect_dma semaphore(%arg18 : memref<!tpu.dma_semaphore, #tpu.memory_space<semaphore_mem>>) src(%dma_wait3A_98 : memref<100000x16xf32, #tpu.memory_space<hbm>>) dst(%arg12 : memref<128x16xf32, #tpu.memory_space<vmem>>)
      %get3A_99 = arith.constant 0 : index
      %get3A_100 = tpu.vector_load %arg16[%get3A_99] {strides = array<i32>} : memref<16xf32, #tpu.memory_space<vmem>>, vector<16xf32>,
      %get3A_101 = vector.shape_cast %get3A_100 : vector<16xf32> to vector<16xf32>
      %scan3A_102 = arith.constant 0 : i32
      %scan3A_103 = arith.constant 0 : i32
      %scan3A_104 = arith.constant 128 : i32
      %scan3A_105 = arith.addi %scan3A_103, %scan3A_104 : i32
      %scan3A_106 = arith.constant 1 : i32
      scf.for %scan3A_108 = %scan3A_103 to %scan3A_105 step %scan3A_106  : i32 {
        %get3A_109 = arith.index_cast %scan3A_108 : i32 to index
        %get3A_110 = arith.constant 0 : index
        %get3A_111 = tpu.vector_load %arg12[%get3A_109, %get3A_110] {strides = array<i32>} : memref<128x16xf32, #tpu.memory_space<vmem>>, vector<1x16xf32>,
        %get3A_112 = vector.shape_cast %get3A_111 : vector<1x16xf32> to vector<16xf32>
        %get3A_113 = arith.index_cast %scan3A_108 : i32 to index
        %get3A_114 = arith.constant 0 : index
        %get3A_115 = tpu.vector_load %arg13[%get3A_113, %get3A_114] {strides = array<i32>} : memref<128x16xf32, #tpu.memory_space<vmem>>, vector<1x16xf32>,
        %get3A_116 = vector.shape_cast %get3A_115 : vector<1x16xf32> to vector<16xf32>
        %add3A_117 = arith.addf %get3A_112, %get3A_116 : vector<16xf32>
        %gt3A = arith.constant 0.000000e+00 : f32
        %gt3A_118 = vector.broadcast %gt3A : f32 to vector<16xf32>
        %gt3A_119 = arith.cmpf ogt, %add3A_117, %gt3A_118 : vector<16xf32>
        %mul3A_120 = arith.constant 2.000000e-01 : f32
        %mul3A_121 = vector.broadcast %mul3A_120 : f32 to vector<16xf32>
        %mul3A_122 = arith.mulf %mul3A_121, %add3A_117 : vector<16xf32>
        %select_n3A = arith.select %gt3A_119, %add3A_117, %mul3A_122 : vector<16xi1>, vector<16xf32>
        %sub3A = arith.subf %select_n3A, %get3A_101 : vector<16xf32>
        %exp3A = math.exp %sub3A : vector<16xf32>
        %get3A_123 = arith.index_cast %scan3A_108 : i32 to index
        %get3A_124 = arith.constant 0 : index
        %get3A_125 = tpu.vector_load %arg14[%get3A_123, %get3A_124] {strides = array<i32>} : memref<128x16xf32, #tpu.memory_space<vmem>>, vector<1x16xf32>,
        %get3A_126 = vector.shape_cast %get3A_125 : vector<1x16xf32> to vector<16xf32>
        %mul3A_127 = arith.mulf %exp3A, %get3A_126 : vector<16xf32>
        %swap3A_128 = arith.index_cast %scan3A_108 : i32 to index
        %swap3A_129 = arith.constant 0 : index
        %swap3A_130 = tpu.vector_load %arg15[%swap3A_128, %swap3A_129] {strides = array<i32>} : memref<128x16xf32, #tpu.memory_space<vmem>>, vector<1x16xf32>,
        %swap3A_131 = vector.shape_cast %swap3A_130 : vector<1x16xf32> to vector<16xf32>
        %swap3A_132 = vector.shape_cast %mul3A_127 : vector<16xf32> to vector<1x16xf32>
        tpu.vector_store %arg15[%swap3A_128, %swap3A_129], %swap3A_132 {strides = array<i32>} : memref<128x16xf32, #tpu.memory_space<vmem>>, vector<1x16xf32>,
      }
      %scan3A_107 = arith.constant 128 : i32
      "tpu.region"() ({
        %run_scoped3A = tpu.sem_alloc : memref<!tpu.dma_semaphore, #tpu.memory_space<semaphore_mem>>
        %dma_start3A_108 = arith.constant 0 : i32
        %dma_start3A_109 = arith.constant 0 : i32
        %dma_start3A_110 = tpu.memref_slice %arg17[%dma_start3A_108, %dma_start3A_109] : memref<100096x16xf32, #tpu.memory_space<vmem_shared>> -> memref<100096x16xf32, #tpu.memory_space<vmem_shared>>
        tpu.enqueue_indirect_dma source(%arg15 : memref<128x16xf32, #tpu.memory_space<vmem>>) target(%dma_start3A_110 : memref<100096x16xf32, #tpu.memory_space<vmem_shared>>) offsets(%arg11 : memref<128xi32, #tpu.memory_space<vmem>>) semaphore(%run_scoped3A : memref<!tpu.dma_semaphore, #tpu.memory_space<semaphore_mem>>) {add = true}
        %dma_wait3A_111 = arith.constant 0 : i32
        %dma_wait3A_112 = arith.constant 0 : i32
        %dma_wait3A_113 = tpu.memref_slice %arg17[%dma_wait3A_111, %dma_wait3A_112] : memref<100096x16xf32, #tpu.memory_space<vmem_shared>> -> memref<100096x16xf32, #tpu.memory_space<vmem_shared>>
        tpu.wait_indirect_dma semaphore(%run_scoped3A : memref<!tpu.dma_semaphore, #tpu.memory_space<semaphore_mem>>) src(%arg15 : memref<128x16xf32, #tpu.memory_space<vmem>>) dst(%dma_wait3A_113 : memref<100096x16xf32, #tpu.memory_space<vmem_shared>>)
        tpu.yield
      }) : () -> ()
    }
    %scan3A_11 = arith.constant 390 : i32
    %add3A_12 = arith.constant 49920 : i32
    %add3A_13 = arith.addi %mul3A_6, %add3A_12 : i32
    "tpu.region"() ({
      %run_scoped3A = tpu.sem_alloc : memref<!tpu.dma_semaphore, #tpu.memory_space<semaphore_mem>>
      %dma_start3A_77 = arith.constant 0 : i32
      %dma_start3A_78 = tpu.memref_slice %arg10[%dma_start3A_77] : memref<128xi32, #tpu.memory_space<vmem>> -> memref<80xi32, #tpu.memory_space<vmem>>
      %dma_start3A_79 = tpu.memref_slice %arg2[%add3A_13] : memref<1600000xi32, #tpu.memory_space<hbm>> -> memref<80xi32, #tpu.memory_space<hbm>>
      %dma_start3A_80 = arith.constant 0 : i32
      %dma_start3A_81 = tpu.memref_slice %arg10[%dma_start3A_80] : memref<128xi32, #tpu.memory_space<vmem>> -> memref<80xi32, #tpu.memory_space<vmem>>
      %dma_start3A_82 = tpu.memref_slice %arg2[%add3A_13] : memref<1600000xi32, #tpu.memory_space<hbm>> -> memref<80xi32, #tpu.memory_space<hbm>>
      tpu.enqueue_dma source(%dma_start3A_82 : memref<80xi32, #tpu.memory_space<hbm>>) target(%dma_start3A_81 : memref<80xi32, #tpu.memory_space<vmem>>) target_semaphore(%run_scoped3A : memref<!tpu.dma_semaphore, #tpu.memory_space<semaphore_mem>>)
      %dma_wait3A_83 = arith.constant 0 : i32
      %dma_wait3A_84 = tpu.memref_slice %arg10[%dma_wait3A_83] : memref<128xi32, #tpu.memory_space<vmem>> -> memref<80xi32, #tpu.memory_space<vmem>>
      %dma_wait3A_85 = tpu.memref_slice %arg2[%add3A_13] : memref<1600000xi32, #tpu.memory_space<hbm>> -> memref<80xi32, #tpu.memory_space<hbm>>
      %dma_wait3A_86 = arith.constant 0 : i32
      %dma_wait3A_87 = tpu.memref_slice %arg10[%dma_wait3A_86] : memref<128xi32, #tpu.memory_space<vmem>> -> memref<80xi32, #tpu.memory_space<vmem>>
      %dma_wait3A_88 = tpu.memref_slice %arg2[%add3A_13] : memref<1600000xi32, #tpu.memory_space<hbm>> -> memref<80xi32, #tpu.memory_space<hbm>>
      tpu.wait_dma2 semaphore(%run_scoped3A : memref<!tpu.dma_semaphore, #tpu.memory_space<semaphore_mem>>) src(%dma_wait3A_88 : memref<80xi32, #tpu.memory_space<hbm>>) dst(%dma_wait3A_87 : memref<80xi32, #tpu.memory_space<vmem>>)
      tpu.yield
    }) : () -> ()
    "tpu.region"() ({
      %run_scoped3A = tpu.sem_alloc : memref<!tpu.dma_semaphore, #tpu.memory_space<semaphore_mem>>
      %dma_start3A_77 = arith.constant 0 : i32
      %dma_start3A_78 = tpu.memref_slice %arg11[%dma_start3A_77] : memref<128xi32, #tpu.memory_space<vmem>> -> memref<80xi32, #tpu.memory_space<vmem>>
      %dma_start3A_79 = tpu.memref_slice %arg3[%add3A_13] : memref<1600000xi32, #tpu.memory_space<hbm>> -> memref<80xi32, #tpu.memory_space<hbm>>
      %dma_start3A_80 = arith.constant 0 : i32
      %dma_start3A_81 = tpu.memref_slice %arg11[%dma_start3A_80] : memref<128xi32, #tpu.memory_space<vmem>> -> memref<80xi32, #tpu.memory_space<vmem>>
      %dma_start3A_82 = tpu.memref_slice %arg3[%add3A_13] : memref<1600000xi32, #tpu.memory_space<hbm>> -> memref<80xi32, #tpu.memory_space<hbm>>
      tpu.enqueue_dma source(%dma_start3A_82 : memref<80xi32, #tpu.memory_space<hbm>>) target(%dma_start3A_81 : memref<80xi32, #tpu.memory_space<vmem>>) target_semaphore(%run_scoped3A : memref<!tpu.dma_semaphore, #tpu.memory_space<semaphore_mem>>)
      %dma_wait3A_83 = arith.constant 0 : i32
      %dma_wait3A_84 = tpu.memref_slice %arg11[%dma_wait3A_83] : memref<128xi32, #tpu.memory_space<vmem>> -> memref<80xi32, #tpu.memory_space<vmem>>
      %dma_wait3A_85 = tpu.memref_slice %arg3[%add3A_13] : memref<1600000xi32, #tpu.memory_space<hbm>> -> memref<80xi32, #tpu.memory_space<hbm>>
      %dma_wait3A_86 = arith.constant 0 : i32
      %dma_wait3A_87 = tpu.memref_slice %arg11[%dma_wait3A_86] : memref<128xi32, #tpu.memory_space<vmem>> -> memref<80xi32, #tpu.memory_space<vmem>>
      %dma_wait3A_88 = tpu.memref_slice %arg3[%add3A_13] : memref<1600000xi32, #tpu.memory_space<hbm>> -> memref<80xi32, #tpu.memory_space<hbm>>
      tpu.wait_dma2 semaphore(%run_scoped3A : memref<!tpu.dma_semaphore, #tpu.memory_space<semaphore_mem>>) src(%dma_wait3A_88 : memref<80xi32, #tpu.memory_space<hbm>>) dst(%dma_wait3A_87 : memref<80xi32, #tpu.memory_space<vmem>>)
      tpu.yield
    }) : () -> ()
    %broadcast_in_dim3A = arith.constant 0 : i32
    %broadcast_in_dim3A_14 = vector.broadcast %broadcast_in_dim3A : i32 to vector<16xi32>
    %swap3A = arith.constant 80 : index
    %swap3A_15 = tpu.vector_load %arg10[%swap3A] {strides = array<i32>} : memref<128xi32, #tpu.memory_space<vmem>>, vector<16xi32>,
    %swap3A_16 = vector.shape_cast %swap3A_15 : vector<16xi32> to vector<16xi32>
    %swap3A_17 = vector.shape_cast %broadcast_in_dim3A_14 : vector<16xi32> to vector<16xi32>
    tpu.vector_store %arg10[%swap3A], %swap3A_17 {strides = array<i32>} : memref<128xi32, #tpu.memory_space<vmem>>, vector<16xi32>,
    %broadcast_in_dim3A_18 = arith.constant 100000 : i32
    %broadcast_in_dim3A_19 = vector.broadcast %broadcast_in_dim3A_18 : i32 to vector<16xi32>
    %swap3A_20 = arith.constant 80 : index
    %swap3A_21 = tpu.vector_load %arg11[%swap3A_20] {strides = array<i32>} : memref<128xi32, #tpu.memory_space<vmem>>, vector<16xi32>,
    %swap3A_22 = vector.shape_cast %swap3A_21 : vector<16xi32> to vector<16xi32>
    %swap3A_23 = vector.shape_cast %broadcast_in_dim3A_19 : vector<16xi32> to vector<16xi32>
    tpu.vector_store %arg11[%swap3A_20], %swap3A_23 {strides = array<i32>} : memref<128xi32, #tpu.memory_space<vmem>>, vector<16xi32>,
    %broadcast_in_dim3A_24 = arith.constant 0 : i32
    %broadcast_in_dim3A_25 = vector.broadcast %broadcast_in_dim3A_24 : i32 to vector<16xi32>
    %swap3A_26 = arith.constant 96 : index
    %swap3A_27 = tpu.vector_load %arg10[%swap3A_26] {strides = array<i32>} : memref<128xi32, #tpu.memory_space<vmem>>, vector<16xi32>,
    %swap3A_28 = vector.shape_cast %swap3A_27 : vector<16xi32> to vector<16xi32>
    %swap3A_29 = vector.shape_cast %broadcast_in_dim3A_25 : vector<16xi32> to vector<16xi32>
    tpu.vector_store %arg10[%swap3A_26], %swap3A_29 {strides = array<i32>} : memref<128xi32, #tpu.memory_space<vmem>>, vector<16xi32>,
    %broadcast_in_dim3A_30 = arith.constant 100000 : i32
    %broadcast_in_dim3A_31 = vector.broadcast %broadcast_in_dim3A_30 : i32 to vector<16xi32>
    %swap3A_32 = arith.constant 96 : index
    %swap3A_33 = tpu.vector_load %arg11[%swap3A_32] {strides = array<i32>} : memref<128xi32, #tpu.memory_space<vmem>>, vector<16xi32>,
    %swap3A_34 = vector.shape_cast %swap3A_33 : vector<16xi32> to vector<16xi32>
    %swap3A_35 = vector.shape_cast %broadcast_in_dim3A_31 : vector<16xi32> to vector<16xi32>
    tpu.vector_store %arg11[%swap3A_32], %swap3A_35 {strides = array<i32>} : memref<128xi32, #tpu.memory_space<vmem>>, vector<16xi32>,
    %broadcast_in_dim3A_36 = arith.constant 0 : i32
    %broadcast_in_dim3A_37 = vector.broadcast %broadcast_in_dim3A_36 : i32 to vector<16xi32>
    %swap3A_38 = arith.constant 112 : index
    %swap3A_39 = tpu.vector_load %arg10[%swap3A_38] {strides = array<i32>} : memref<128xi32, #tpu.memory_space<vmem>>, vector<16xi32>,
    %swap3A_40 = vector.shape_cast %swap3A_39 : vector<16xi32> to vector<16xi32>
    %swap3A_41 = vector.shape_cast %broadcast_in_dim3A_37 : vector<16xi32> to vector<16xi32>
    tpu.vector_store %arg10[%swap3A_38], %swap3A_41 {strides = array<i32>} : memref<128xi32, #tpu.memory_space<vmem>>, vector<16xi32>,
    %broadcast_in_dim3A_42 = arith.constant 100000 : i32
    %broadcast_in_dim3A_43 = vector.broadcast %broadcast_in_dim3A_42 : i32 to vector<16xi32>
    %swap3A_44 = arith.constant 112 : index
    %swap3A_45 = tpu.vector_load %arg11[%swap3A_44] {strides = array<i32>} : memref<128xi32, #tpu.memory_space<vmem>>, vector<16xi32>,
    %swap3A_46 = vector.shape_cast %swap3A_45 : vector<16xi32> to vector<16xi32>
    %swap3A_47 = vector.shape_cast %broadcast_in_dim3A_43 : vector<16xi32> to vector<16xi32>
    tpu.vector_store %arg11[%swap3A_44], %swap3A_47 {strides = array<i32>} : memref<128xi32, #tpu.memory_space<vmem>>, vector<16xi32>,
    %dma_start3A = arith.constant 0 : i32
    %dma_start3A_48 = arith.constant 0 : i32
    %dma_start3A_49 = tpu.memref_slice %arg4[%dma_start3A, %dma_start3A_48] : memref<100000x16xf32, #tpu.memory_space<hbm>> -> memref<100000x16xf32, #tpu.memory_space<hbm>>
    tpu.enqueue_indirect_dma source(%dma_start3A_49 : memref<100000x16xf32, #tpu.memory_space<hbm>>) target(%arg12 : memref<128x16xf32, #tpu.memory_space<vmem>>) offsets(%arg10 : memref<128xi32, #tpu.memory_space<vmem>>) semaphore(%arg18 : memref<!tpu.dma_semaphore, #tpu.memory_space<semaphore_mem>>)
    %dma_start3A_50 = arith.constant 0 : i32
    %dma_start3A_51 = arith.constant 0 : i32
    %dma_start3A_52 = tpu.memref_slice %arg5[%dma_start3A_50, %dma_start3A_51] : memref<100000x16xf32, #tpu.memory_space<hbm>> -> memref<100000x16xf32, #tpu.memory_space<hbm>>
    tpu.enqueue_indirect_dma source(%dma_start3A_52 : memref<100000x16xf32, #tpu.memory_space<hbm>>) target(%arg13 : memref<128x16xf32, #tpu.memory_space<vmem>>) offsets(%arg11 : memref<128xi32, #tpu.memory_space<vmem>>) semaphore(%arg18 : memref<!tpu.dma_semaphore, #tpu.memory_space<semaphore_mem>>)
    %dma_start3A_53 = arith.constant 0 : i32
    %dma_start3A_54 = arith.constant 0 : i32
    %dma_start3A_55 = tpu.memref_slice %arg6[%dma_start3A_53, %dma_start3A_54] : memref<100000x16xf32, #tpu.memory_space<hbm>> -> memref<100000x16xf32, #tpu.memory_space<hbm>>
    tpu.enqueue_indirect_dma source(%dma_start3A_55 : memref<100000x16xf32, #tpu.memory_space<hbm>>) target(%arg14 : memref<128x16xf32, #tpu.memory_space<vmem>>) offsets(%arg10 : memref<128xi32, #tpu.memory_space<vmem>>) semaphore(%arg18 : memref<!tpu.dma_semaphore, #tpu.memory_space<semaphore_mem>>)
    %dma_wait3A = arith.constant 0 : i32
    %dma_wait3A_56 = arith.constant 0 : i32
    %dma_wait3A_57 = tpu.memref_slice %arg6[%dma_wait3A, %dma_wait3A_56] : memref<100000x16xf32, #tpu.memory_space<hbm>> -> memref<100000x16xf32, #tpu.memory_space<hbm>>
    tpu.wait_indirect_dma semaphore(%arg18 : memref<!tpu.dma_semaphore, #tpu.memory_space<semaphore_mem>>) src(%dma_wait3A_57 : memref<100000x16xf32, #tpu.memory_space<hbm>>) dst(%arg14 : memref<128x16xf32, #tpu.memory_space<vmem>>)
    %dma_wait3A_58 = arith.constant 0 : i32
    %dma_wait3A_59 = arith.constant 0 : i32
    %dma_wait3A_60 = tpu.memref_slice %arg5[%dma_wait3A_58, %dma_wait3A_59] : memref<100000x16xf32, #tpu.memory_space<hbm>> -> memref<100000x16xf32, #tpu.memory_space<hbm>>
    tpu.wait_indirect_dma semaphore(%arg18 : memref<!tpu.dma_semaphore, #tpu.memory_space<semaphore_mem>>) src(%dma_wait3A_60 : memref<100000x16xf32, #tpu.memory_space<hbm>>) dst(%arg13 : memref<128x16xf32, #tpu.memory_space<vmem>>)
    %dma_wait3A_61 = arith.constant 0 : i32
    %dma_wait3A_62 = arith.constant 0 : i32
    %dma_wait3A_63 = tpu.memref_slice %arg4[%dma_wait3A_61, %dma_wait3A_62] : memref<100000x16xf32, #tpu.memory_space<hbm>> -> memref<100000x16xf32, #tpu.memory_space<hbm>>
    tpu.wait_indirect_dma semaphore(%arg18 : memref<!tpu.dma_semaphore, #tpu.memory_space<semaphore_mem>>) src(%dma_wait3A_63 : memref<100000x16xf32, #tpu.memory_space<hbm>>) dst(%arg12 : memref<128x16xf32, #tpu.memory_space<vmem>>)
    %get3A = arith.constant 0 : index
    %get3A_64 = tpu.vector_load %arg16[%get3A] {strides = array<i32>} : memref<16xf32, #tpu.memory_space<vmem>>, vector<16xf32>,
    %get3A_65 = vector.shape_cast %get3A_64 : vector<16xf32> to vector<16xf32>
    %scan3A_66 = arith.constant 0 : i32
    %scan3A_67 = arith.constant 0 : i32
    %scan3A_68 = arith.constant 128 : i32
    %scan3A_69 = arith.addi %scan3A_67, %scan3A_68 : i32
    %scan3A_70 = arith.constant 1 : i32
    scf.for %scan3A_77 = %scan3A_67 to %scan3A_69 step %scan3A_70  : i32 {
      %get3A_78 = arith.index_cast %scan3A_77 : i32 to index
      %get3A_79 = arith.constant 0 : index
      %get3A_80 = tpu.vector_load %arg12[%get3A_78, %get3A_79] {strides = array<i32>} : memref<128x16xf32, #tpu.memory_space<vmem>>, vector<1x16xf32>,
      %get3A_81 = vector.shape_cast %get3A_80 : vector<1x16xf32> to vector<16xf32>
      %get3A_82 = arith.index_cast %scan3A_77 : i32 to index
      %get3A_83 = arith.constant 0 : index
      %get3A_84 = tpu.vector_load %arg13[%get3A_82, %get3A_83] {strides = array<i32>} : memref<128x16xf32, #tpu.memory_space<vmem>>, vector<1x16xf32>,
      %get3A_85 = vector.shape_cast %get3A_84 : vector<1x16xf32> to vector<16xf32>
      %add3A_86 = arith.addf %get3A_81, %get3A_85 : vector<16xf32>
      %gt3A = arith.constant 0.000000e+00 : f32
      %gt3A_87 = vector.broadcast %gt3A : f32 to vector<16xf32>
      %gt3A_88 = arith.cmpf ogt, %add3A_86, %gt3A_87 : vector<16xf32>
      %mul3A_89 = arith.constant 2.000000e-01 : f32
      %mul3A_90 = vector.broadcast %mul3A_89 : f32 to vector<16xf32>
      %mul3A_91 = arith.mulf %mul3A_90, %add3A_86 : vector<16xf32>
      %select_n3A = arith.select %gt3A_88, %add3A_86, %mul3A_91 : vector<16xi1>, vector<16xf32>
      %sub3A = arith.subf %select_n3A, %get3A_65 : vector<16xf32>
      %exp3A = math.exp %sub3A : vector<16xf32>
      %get3A_92 = arith.index_cast %scan3A_77 : i32 to index
      %get3A_93 = arith.constant 0 : index
      %get3A_94 = tpu.vector_load %arg14[%get3A_92, %get3A_93] {strides = array<i32>} : memref<128x16xf32, #tpu.memory_space<vmem>>, vector<1x16xf32>,
      %get3A_95 = vector.shape_cast %get3A_94 : vector<1x16xf32> to vector<16xf32>
      %mul3A_96 = arith.mulf %exp3A, %get3A_95 : vector<16xf32>
      %swap3A_97 = arith.index_cast %scan3A_77 : i32 to index
      %swap3A_98 = arith.constant 0 : index
      %swap3A_99 = tpu.vector_load %arg15[%swap3A_97, %swap3A_98] {strides = array<i32>} : memref<128x16xf32, #tpu.memory_space<vmem>>, vector<1x16xf32>,
      %swap3A_100 = vector.shape_cast %swap3A_99 : vector<1x16xf32> to vector<16xf32>
      %swap3A_101 = vector.shape_cast %mul3A_96 : vector<16xf32> to vector<1x16xf32>
      tpu.vector_store %arg15[%swap3A_97, %swap3A_98], %swap3A_101 {strides = array<i32>} : memref<128x16xf32, #tpu.memory_space<vmem>>, vector<1x16xf32>,
    }
    %scan3A_71 = arith.constant 128 : i32
    "tpu.region"() ({
      %run_scoped3A = tpu.sem_alloc : memref<!tpu.dma_semaphore, #tpu.memory_space<semaphore_mem>>
      %dma_start3A_77 = arith.constant 0 : i32
      %dma_start3A_78 = arith.constant 0 : i32
      %dma_start3A_79 = tpu.memref_slice %arg17[%dma_start3A_77, %dma_start3A_78] : memref<100096x16xf32, #tpu.memory_space<vmem_shared>> -> memref<100096x16xf32, #tpu.memory_space<vmem_shared>>
      tpu.enqueue_indirect_dma source(%arg15 : memref<128x16xf32, #tpu.memory_space<vmem>>) target(%dma_start3A_79 : memref<100096x16xf32, #tpu.memory_space<vmem_shared>>) offsets(%arg11 : memref<128xi32, #tpu.memory_space<vmem>>) semaphore(%run_scoped3A : memref<!tpu.dma_semaphore, #tpu.memory_space<semaphore_mem>>) {add = true}
      %dma_wait3A_80 = arith.constant 0 : i32
      %dma_wait3A_81 = arith.constant 0 : i32
      %dma_wait3A_82 = tpu.memref_slice %arg17[%dma_wait3A_80, %dma_wait3A_81] : memref<100096x16xf32, #tpu.memory_space<vmem_shared>> -> memref<100096x16xf32, #tpu.memory_space<vmem_shared>>
      tpu.wait_indirect_dma semaphore(%run_scoped3A : memref<!tpu.dma_semaphore, #tpu.memory_space<semaphore_mem>>) src(%arg15 : memref<128x16xf32, #tpu.memory_space<vmem>>) dst(%dma_wait3A_82 : memref<100096x16xf32, #tpu.memory_space<vmem_shared>>)
      tpu.yield
    }) : () -> ()
    %barrier3A_72 = arith.constant 0 : index
    tpu.barrier barrier_id(%barrier3A_72)
    %mul3A_73 = arith.constant 6256 : i32
    %mul3A_74 = arith.muli %arg1, %mul3A_73 : i32
    %mul3A_75 = arith.constant 6256 : i32
    %mul3A_76 = arith.muli %arg1, %mul3A_75 : i32
    "tpu.region"() ({
      %run_scoped3A = tpu.sem_alloc : memref<!tpu.dma_semaphore, #tpu.memory_space<semaphore_mem>>
      %dma_start3A_77 = arith.constant 0 : i32
      %dma_start3A_78 = tpu.memref_slice %arg9[%arg0, %mul3A_76, %dma_start3A_77] : memref<2x100096x16xf32, #tpu.memory_space<hbm>> -> memref<1x6256x16xf32, #tpu.memory_space<hbm>>
      %dma_start3A_79 = tpu.memref_squeeze %dma_start3A_78 : memref<1x6256x16xf32, #tpu.memory_space<hbm>> -> memref<6256x16xf32, #tpu.memory_space<hbm>>
      %dma_start3A_80 = arith.constant 0 : i32
      %dma_start3A_81 = tpu.memref_slice %arg17[%mul3A_74, %dma_start3A_80] : memref<100096x16xf32, #tpu.memory_space<vmem_shared>> -> memref<6256x16xf32, #tpu.memory_space<vmem_shared>>
      tpu.enqueue_dma source(%dma_start3A_81 : memref<6256x16xf32, #tpu.memory_space<vmem_shared>>) target(%dma_start3A_79 : memref<6256x16xf32, #tpu.memory_space<hbm>>) target_semaphore(%run_scoped3A : memref<!tpu.dma_semaphore, #tpu.memory_space<semaphore_mem>>)
      %dma_wait3A_82 = arith.constant 0 : i32
      %dma_wait3A_83 = tpu.memref_slice %arg9[%arg0, %mul3A_76, %dma_wait3A_82] : memref<2x100096x16xf32, #tpu.memory_space<hbm>> -> memref<1x6256x16xf32, #tpu.memory_space<hbm>>
      %dma_wait3A_84 = tpu.memref_squeeze %dma_wait3A_83 : memref<1x6256x16xf32, #tpu.memory_space<hbm>> -> memref<6256x16xf32, #tpu.memory_space<hbm>>
      %dma_wait3A_85 = arith.constant 0 : i32
      %dma_wait3A_86 = tpu.memref_slice %arg17[%mul3A_74, %dma_wait3A_85] : memref<100096x16xf32, #tpu.memory_space<vmem_shared>> -> memref<6256x16xf32, #tpu.memory_space<vmem_shared>>
      tpu.wait_dma2 semaphore(%run_scoped3A : memref<!tpu.dma_semaphore, #tpu.memory_space<semaphore_mem>>) src(%dma_wait3A_86 : memref<6256x16xf32, #tpu.memory_space<vmem_shared>>) dst(%dma_wait3A_84 : memref<6256x16xf32, #tpu.memory_space<hbm>>)
      tpu.yield
    }) : () -> ()
    return
  }
}

module attributes {stable_mosaic.version = 14 : i64} {
  func.func @body(%arg0: i32, %arg1: memref<1000x18xf32, #tpu.memory_space<vmem>>, %arg2: memref<16x8xf32, #tpu.memory_space<vmem>>, %arg3: memref<8x3xf32, #tpu.memory_space<vmem>>, %arg4: memref<16x6xf32, #tpu.memory_space<vmem>>, %arg5: memref<32x48xf32, #tpu.memory_space<vmem>>, %arg6: memref<8x48xf32, #tpu.memory_space<vmem>>, %arg7: memref<8x48xf32, #tpu.memory_space<vmem>>, %arg8: memref<1000x16xf32, #tpu.memory_space<vmem>>, %arg9: memref<1000x16xf32, #tpu.memory_space<vmem>>, %arg10: memref<1000x16xf32, #tpu.memory_space<vmem>>, %arg11: memref<1000x16xf32, #tpu.memory_space<vmem>>, %arg12: memref<1000x16xf32, #tpu.memory_space<vmem>>, %arg13: memref<1000x16xf32, #tpu.memory_space<vmem>>, %arg14: memref<1000x16xf32, #tpu.memory_space<vmem>>, %arg15: memref<1000x16xf32, #tpu.memory_space<vmem>>, %arg16: memref<1000x16xf32, #tpu.memory_space<vmem>>, %arg17: memref<1000x16xf32, #tpu.memory_space<vmem>>, %arg18: memref<1000x16xf32, #tpu.memory_space<vmem>>) attributes {dimension_semantics = [#tpu.dimension_semantics<arbitrary>], iteration_bounds = array<i64: 100>, scalar_prefetch = 0 : i64, scratch_operands = 0 : i64, tpu.core_type = #tpu.core_type<tc>, window_params = [{transform_indices = @transform_0, window_bounds = array<i64: 1000, 18>}, {pipeline_mode = #tpu.pipeline_mode<synchronous>, transform_indices = @transform_1, window_bounds = array<i64: 16, 8>}, {pipeline_mode = #tpu.pipeline_mode<synchronous>, transform_indices = @transform_2, window_bounds = array<i64: 8, 3>}, {pipeline_mode = #tpu.pipeline_mode<synchronous>, transform_indices = @transform_3, window_bounds = array<i64: 16, 6>}, {pipeline_mode = #tpu.pipeline_mode<synchronous>, transform_indices = @transform_4, window_bounds = array<i64: 32, 48>}, {pipeline_mode = #tpu.pipeline_mode<synchronous>, transform_indices = @transform_5, window_bounds = array<i64: 8, 48>}, {pipeline_mode = #tpu.pipeline_mode<synchronous>, transform_indices = @transform_6, window_bounds = array<i64: 8, 48>}, {transform_indices = @transform_7, window_bounds = array<i64: 1000, 16>}, {transform_indices = @transform_8, window_bounds = array<i64: 1000, 16>}, {transform_indices = @transform_9, window_bounds = array<i64: 1000, 16>}, {transform_indices = @transform_10, window_bounds = array<i64: 1000, 16>}, {transform_indices = @transform_11, window_bounds = array<i64: 1000, 16>}, {transform_indices = @transform_12, window_bounds = array<i64: 1000, 16>}, {transform_indices = @transform_13, window_bounds = array<i64: 1000, 16>}, {transform_indices = @transform_14, window_bounds = array<i64: 1000, 16>}, {transform_indices = @transform_15, window_bounds = array<i64: 1000, 16>}, {transform_indices = @transform_16, window_bounds = array<i64: 1000, 16>}, {transform_indices = @transform_17, window_bounds = array<i64: 1000, 16>}]} {
    %get3A = arith.constant 0 : index
    %get3A_0 = arith.constant 0 : index
    %get3A_1 = vector.load %arg1[%get3A, %get3A_0] : memref<1000x18xf32, #tpu.memory_space<vmem>>, vector<1000x18xf32>
    %slice3A = vector.extract_strided_slice %get3A_1 {offsets = [0, 0], sizes = [1000, 1], strides = [1, 1]} : vector<1000x18xf32> to vector<1000x1xf32>
    %convert_element_type3A = arith.fptosi %slice3A : vector<1000x1xf32> to vector<1000x1xi32>
    %iota3A = tpu.iota {dimensions = array<i32: 1>} : vector<1000x16xi32>
    %eq3A = vector.broadcast %convert_element_type3A : vector<1000x1xi32> to vector<1000x16xi32>
    %eq3A_2 = arith.cmpi eq, %eq3A, %iota3A : vector<1000x16xi32>
    %convert_element_type3A_3 = arith.extui %eq3A_2 : vector<1000x16xi1> to vector<1000x16xi32>
    %convert_element_type3A_4 = arith.sitofp %convert_element_type3A_3 : vector<1000x16xi32> to vector<1000x16xf32>
    %slice3A_5 = vector.extract_strided_slice %get3A_1 {offsets = [0, 1], sizes = [1000, 1], strides = [1, 1]} : vector<1000x18xf32> to vector<1000x1xf32>
    %convert_element_type3A_6 = arith.fptosi %slice3A_5 : vector<1000x1xf32> to vector<1000x1xi32>
    %iota3A_7 = tpu.iota {dimensions = array<i32: 1>} : vector<1000x8xi32>
    %eq3A_8 = vector.broadcast %convert_element_type3A_6 : vector<1000x1xi32> to vector<1000x8xi32>
    %eq3A_9 = arith.cmpi eq, %eq3A_8, %iota3A_7 : vector<1000x8xi32>
    %convert_element_type3A_10 = arith.extui %eq3A_9 : vector<1000x8xi1> to vector<1000x8xi32>
    %convert_element_type3A_11 = arith.sitofp %convert_element_type3A_10 : vector<1000x8xi32> to vector<1000x8xf32>
    %slice3A_12 = vector.extract_strided_slice %get3A_1 {offsets = [0, 2], sizes = [1000, 1], strides = [1, 1]} : vector<1000x18xf32> to vector<1000x1xf32>
    %convert_element_type3A_13 = arith.fptosi %slice3A_12 : vector<1000x1xf32> to vector<1000x1xi32>
    %iota3A_14 = tpu.iota {dimensions = array<i32: 1>} : vector<1000x16xi32>
    %eq3A_15 = vector.broadcast %convert_element_type3A_13 : vector<1000x1xi32> to vector<1000x16xi32>
    %eq3A_16 = arith.cmpi eq, %eq3A_15, %iota3A_14 : vector<1000x16xi32>
    %convert_element_type3A_17 = arith.extui %eq3A_16 : vector<1000x16xi1> to vector<1000x16xi32>
    %convert_element_type3A_18 = arith.sitofp %convert_element_type3A_17 : vector<1000x16xi32> to vector<1000x16xf32>
    %get3A_19 = arith.constant 0 : index
    %get3A_20 = arith.constant 0 : index
    %get3A_21 = vector.load %arg2[%get3A_19, %get3A_20] : memref<16x8xf32, #tpu.memory_space<vmem>>, vector<16x8xf32>
    %dot_general3A = arith.constant dense<0.000000e+00> : vector<1000x8xf32>
    %dot_general3A_22 = tpu.matmul %convert_element_type3A_4, %get3A_21, %dot_general3A {dimension_numbers = #tpu.dot_dimension_numbers<[1], [0], [0], [1], [0, 0, 1, 1], [], []>, transpose_lhs_hint = false} : vector<1000x16xf32>, vector<16x8xf32>, vector<1000x8xf32> -> vector<1000x8xf32>
    %get3A_23 = arith.constant 0 : index
    %get3A_24 = arith.constant 0 : index
    %get3A_25 = vector.load %arg3[%get3A_23, %get3A_24] : memref<8x3xf32, #tpu.memory_space<vmem>>, vector<8x3xf32>
    %dot_general3A_26 = arith.constant dense<0.000000e+00> : vector<1000x3xf32>
    %dot_general3A_27 = tpu.matmul %convert_element_type3A_11, %get3A_25, %dot_general3A_26 {dimension_numbers = #tpu.dot_dimension_numbers<[1], [0], [0], [1], [0, 0, 1, 1], [], []>, transpose_lhs_hint = false} : vector<1000x8xf32>, vector<8x3xf32>, vector<1000x3xf32> -> vector<1000x3xf32>
    %get3A_28 = arith.constant 0 : index
    %get3A_29 = arith.constant 0 : index
    %get3A_30 = vector.load %arg4[%get3A_28, %get3A_29] : memref<16x6xf32, #tpu.memory_space<vmem>>, vector<16x6xf32>
    %dot_general3A_31 = arith.constant dense<0.000000e+00> : vector<1000x6xf32>
    %dot_general3A_32 = tpu.matmul %convert_element_type3A_18, %get3A_30, %dot_general3A_31 {dimension_numbers = #tpu.dot_dimension_numbers<[1], [0], [0], [1], [0, 0, 1, 1], [], []>, transpose_lhs_hint = false} : vector<1000x16xf32>, vector<16x6xf32>, vector<1000x6xf32> -> vector<1000x6xf32>
    %slice3A_33 = vector.extract_strided_slice %get3A_1 {offsets = [0, 3], sizes = [1000, 15], strides = [1, 1]} : vector<1000x18xf32> to vector<1000x15xf32>
    %concatenate3A = tpu.concatenate %dot_general3A_22, %dot_general3A_27, %dot_general3A_32, %slice3A_33 in 1 : vector<1000x8xf32>, vector<1000x3xf32>, vector<1000x6xf32>, vector<1000x15xf32> -> vector<1000x32xf32>
    %get3A_34 = arith.constant 0 : index
    %get3A_35 = arith.constant 0 : index
    %get3A_36 = vector.load %arg5[%get3A_34, %get3A_35] : memref<32x48xf32, #tpu.memory_space<vmem>>, vector<32x48xf32>
    %dot_general3A_37 = arith.constant dense<0.000000e+00> : vector<1000x48xf32>
    %dot_general3A_38 = tpu.matmul %concatenate3A, %get3A_36, %dot_general3A_37 {dimension_numbers = #tpu.dot_dimension_numbers<[1], [0], [0], [1], [0, 0, 1, 1], [], []>, transpose_lhs_hint = false} : vector<1000x32xf32>, vector<32x48xf32>, vector<1000x48xf32> -> vector<1000x48xf32>
    %iota3A_39 = tpu.iota {dimensions = array<i32: 0>} : vector<48x3xi32>
    %jit3A = arith.constant 16 : i32
    %div3A = vector.broadcast %jit3A : i32 to vector<48x3xi32>
    %div3A_40 = arith.divsi %iota3A_39, %div3A : vector<48x3xi32>
    %sign3A = arith.constant 0 : i32
    %sign3A_41 = vector.broadcast %sign3A : i32 to vector<48x3xi32>
    %sign3A_42 = arith.cmpi sgt, %iota3A_39, %sign3A_41 : vector<48x3xi32>
    %sign3A_43 = arith.extui %sign3A_42 : vector<48x3xi1> to vector<48x3xi32>
    %sign3A_44 = arith.constant 0 : i32
    %sign3A_45 = vector.broadcast %sign3A_44 : i32 to vector<48x3xi32>
    %sign3A_46 = arith.cmpi slt, %iota3A_39, %sign3A_45 : vector<48x3xi32>
    %sign3A_47 = arith.extui %sign3A_46 : vector<48x3xi1> to vector<48x3xi32>
    %sign3A_48 = arith.subi %sign3A_43, %sign3A_47 : vector<48x3xi32>
    %sign3A_49 = arith.constant 0 : i32
    %sign3A_50 = arith.cmpi sgt, %jit3A, %sign3A_49 : i32
    %sign3A_51 = arith.extui %sign3A_50 : i1 to i32
    %sign3A_52 = arith.constant 0 : i32
    %sign3A_53 = arith.cmpi slt, %jit3A, %sign3A_52 : i32
    %sign3A_54 = arith.extui %sign3A_53 : i1 to i32
    %sign3A_55 = arith.subi %sign3A_51, %sign3A_54 : i32
    %ne3A = vector.broadcast %sign3A_55 : i32 to vector<48x3xi32>
    %ne3A_56 = arith.cmpi ne, %sign3A_48, %ne3A : vector<48x3xi32>
    %rem3A = vector.broadcast %jit3A : i32 to vector<48x3xi32>
    %rem3A_57 = arith.remsi %iota3A_39, %rem3A : vector<48x3xi32>
    %ne3A_58 = arith.constant 0 : i32
    %ne3A_59 = vector.broadcast %ne3A_58 : i32 to vector<48x3xi32>
    %ne3A_60 = arith.cmpi ne, %rem3A_57, %ne3A_59 : vector<48x3xi32>
    %and3A = arith.andi %ne3A_56, %ne3A_60 : vector<48x3xi1>
    %sub3A = arith.constant 1 : i32
    %sub3A_61 = vector.broadcast %sub3A : i32 to vector<48x3xi32>
    %sub3A_62 = arith.subi %div3A_40, %sub3A_61 : vector<48x3xi32>
    %select_n3A = arith.select %and3A, %sub3A_62, %div3A_40 : vector<48x3xi1>, vector<48x3xi32>
    %iota3A_63 = tpu.iota {dimensions = array<i32: 1>} : vector<48x3xi32>
    %eq3A_64 = arith.cmpi eq, %select_n3A, %iota3A_63 : vector<48x3xi32>
    %convert_element_type3A_65 = arith.extui %eq3A_64 : vector<48x3xi1> to vector<48x3xi32>
    %convert_element_type3A_66 = arith.sitofp %convert_element_type3A_65 : vector<48x3xi32> to vector<48x3xf32>
    %get3A_67 = arith.constant 0 : index
    %get3A_68 = arith.constant 0 : index
    %get3A_69 = vector.load %arg6[%get3A_67, %get3A_68] : memref<8x48xf32, #tpu.memory_space<vmem>>, vector<1x48xf32>
    %mul3A = vector.broadcast %get3A_69 : vector<1x48xf32> to vector<1000x48xf32>
    %mul3A_70 = arith.mulf %dot_general3A_38, %mul3A : vector<1000x48xf32>
    %dot_general3A_71 = arith.constant dense<0.000000e+00> : vector<1000x3xf32>
    %dot_general3A_72 = tpu.matmul %mul3A_70, %convert_element_type3A_66, %dot_general3A_71 {dimension_numbers = #tpu.dot_dimension_numbers<[1], [0], [0], [1], [0, 0, 1, 1], [], []>, transpose_lhs_hint = false} : vector<1000x48xf32>, vector<48x3xf32>, vector<1000x3xf32> -> vector<1000x3xf32>
    %get3A_73 = arith.constant 0 : index
    %get3A_74 = arith.constant 0 : index
    %get3A_75 = vector.load %arg7[%get3A_73, %get3A_74] : memref<8x48xf32, #tpu.memory_space<vmem>>, vector<1x48xf32>
    %mul3A_76 = vector.broadcast %get3A_75 : vector<1x48xf32> to vector<1000x48xf32>
    %mul3A_77 = arith.mulf %dot_general3A_38, %mul3A_76 : vector<1000x48xf32>
    %dot_general3A_78 = arith.constant dense<0.000000e+00> : vector<1000x3xf32>
    %dot_general3A_79 = tpu.matmul %mul3A_77, %convert_element_type3A_66, %dot_general3A_78 {dimension_numbers = #tpu.dot_dimension_numbers<[1], [0], [0], [1], [0, 0, 1, 1], [], []>, transpose_lhs_hint = false} : vector<1000x48xf32>, vector<48x3xf32>, vector<1000x3xf32> -> vector<1000x3xf32>
    %slice3A_80 = vector.extract_strided_slice %dot_general3A_38 {offsets = [0, 0], sizes = [1000, 16], strides = [1, 1]} : vector<1000x48xf32> to vector<1000x16xf32>
    %swap3A = arith.constant 0 : index
    %swap3A_81 = arith.constant 0 : index
    %swap3A_82 = vector.load %arg8[%swap3A, %swap3A_81] : memref<1000x16xf32, #tpu.memory_space<vmem>>, vector<1000x16xf32>
    tpu.vector_store %arg8[%swap3A, %swap3A_81], %slice3A_80 {strides = array<i32>} : memref<1000x16xf32, #tpu.memory_space<vmem>>, vector<1000x16xf32>,
    %slice3A_83 = vector.extract_strided_slice %dot_general3A_72 {offsets = [0, 0], sizes = [1000, 1], strides = [1, 1]} : vector<1000x3xf32> to vector<1000x1xf32>
    %broadcast_in_dim3A = vector.shape_cast %slice3A_83 : vector<1000x1xf32> to vector<1000x1xf32>
    %broadcast_in_dim3A_84 = vector.broadcast %broadcast_in_dim3A : vector<1000x1xf32> to vector<1000x16xf32>
    %swap3A_85 = arith.constant 0 : index
    %swap3A_86 = arith.constant 0 : index
    %swap3A_87 = vector.load %arg11[%swap3A_85, %swap3A_86] : memref<1000x16xf32, #tpu.memory_space<vmem>>, vector<1000x16xf32>
    tpu.vector_store %arg11[%swap3A_85, %swap3A_86], %broadcast_in_dim3A_84 {strides = array<i32>} : memref<1000x16xf32, #tpu.memory_space<vmem>>, vector<1000x16xf32>,
    %slice3A_88 = vector.extract_strided_slice %dot_general3A_79 {offsets = [0, 0], sizes = [1000, 1], strides = [1, 1]} : vector<1000x3xf32> to vector<1000x1xf32>
    %broadcast_in_dim3A_89 = vector.shape_cast %slice3A_88 : vector<1000x1xf32> to vector<1000x1xf32>
    %broadcast_in_dim3A_90 = vector.broadcast %broadcast_in_dim3A_89 : vector<1000x1xf32> to vector<1000x16xf32>
    %swap3A_91 = arith.constant 0 : index
    %swap3A_92 = arith.constant 0 : index
    %swap3A_93 = vector.load %arg14[%swap3A_91, %swap3A_92] : memref<1000x16xf32, #tpu.memory_space<vmem>>, vector<1000x16xf32>
    tpu.vector_store %arg14[%swap3A_91, %swap3A_92], %broadcast_in_dim3A_90 {strides = array<i32>} : memref<1000x16xf32, #tpu.memory_space<vmem>>, vector<1000x16xf32>,
    %slice3A_94 = vector.extract_strided_slice %dot_general3A_38 {offsets = [0, 16], sizes = [1000, 16], strides = [1, 1]} : vector<1000x48xf32> to vector<1000x16xf32>
    %swap3A_95 = arith.constant 0 : index
    %swap3A_96 = arith.constant 0 : index
    %swap3A_97 = vector.load %arg9[%swap3A_95, %swap3A_96] : memref<1000x16xf32, #tpu.memory_space<vmem>>, vector<1000x16xf32>
    tpu.vector_store %arg9[%swap3A_95, %swap3A_96], %slice3A_94 {strides = array<i32>} : memref<1000x16xf32, #tpu.memory_space<vmem>>, vector<1000x16xf32>,
    %slice3A_98 = vector.extract_strided_slice %dot_general3A_72 {offsets = [0, 1], sizes = [1000, 1], strides = [1, 1]} : vector<1000x3xf32> to vector<1000x1xf32>
    %broadcast_in_dim3A_99 = vector.shape_cast %slice3A_98 : vector<1000x1xf32> to vector<1000x1xf32>
    %broadcast_in_dim3A_100 = vector.broadcast %broadcast_in_dim3A_99 : vector<1000x1xf32> to vector<1000x16xf32>
    %swap3A_101 = arith.constant 0 : index
    %swap3A_102 = arith.constant 0 : index
    %swap3A_103 = vector.load %arg12[%swap3A_101, %swap3A_102] : memref<1000x16xf32, #tpu.memory_space<vmem>>, vector<1000x16xf32>
    tpu.vector_store %arg12[%swap3A_101, %swap3A_102], %broadcast_in_dim3A_100 {strides = array<i32>} : memref<1000x16xf32, #tpu.memory_space<vmem>>, vector<1000x16xf32>,
    %slice3A_104 = vector.extract_strided_slice %dot_general3A_79 {offsets = [0, 1], sizes = [1000, 1], strides = [1, 1]} : vector<1000x3xf32> to vector<1000x1xf32>
    %broadcast_in_dim3A_105 = vector.shape_cast %slice3A_104 : vector<1000x1xf32> to vector<1000x1xf32>
    %broadcast_in_dim3A_106 = vector.broadcast %broadcast_in_dim3A_105 : vector<1000x1xf32> to vector<1000x16xf32>
    %swap3A_107 = arith.constant 0 : index
    %swap3A_108 = arith.constant 0 : index
    %swap3A_109 = vector.load %arg15[%swap3A_107, %swap3A_108] : memref<1000x16xf32, #tpu.memory_space<vmem>>, vector<1000x16xf32>
    tpu.vector_store %arg15[%swap3A_107, %swap3A_108], %broadcast_in_dim3A_106 {strides = array<i32>} : memref<1000x16xf32, #tpu.memory_space<vmem>>, vector<1000x16xf32>,
    %slice3A_110 = vector.extract_strided_slice %dot_general3A_38 {offsets = [0, 32], sizes = [1000, 16], strides = [1, 1]} : vector<1000x48xf32> to vector<1000x16xf32>
    %swap3A_111 = arith.constant 0 : index
    %swap3A_112 = arith.constant 0 : index
    %swap3A_113 = vector.load %arg10[%swap3A_111, %swap3A_112] : memref<1000x16xf32, #tpu.memory_space<vmem>>, vector<1000x16xf32>
    tpu.vector_store %arg10[%swap3A_111, %swap3A_112], %slice3A_110 {strides = array<i32>} : memref<1000x16xf32, #tpu.memory_space<vmem>>, vector<1000x16xf32>,
    %slice3A_114 = vector.extract_strided_slice %dot_general3A_72 {offsets = [0, 2], sizes = [1000, 1], strides = [1, 1]} : vector<1000x3xf32> to vector<1000x1xf32>
    %broadcast_in_dim3A_115 = vector.shape_cast %slice3A_114 : vector<1000x1xf32> to vector<1000x1xf32>
    %broadcast_in_dim3A_116 = vector.broadcast %broadcast_in_dim3A_115 : vector<1000x1xf32> to vector<1000x16xf32>
    %swap3A_117 = arith.constant 0 : index
    %swap3A_118 = arith.constant 0 : index
    %swap3A_119 = vector.load %arg13[%swap3A_117, %swap3A_118] : memref<1000x16xf32, #tpu.memory_space<vmem>>, vector<1000x16xf32>
    tpu.vector_store %arg13[%swap3A_117, %swap3A_118], %broadcast_in_dim3A_116 {strides = array<i32>} : memref<1000x16xf32, #tpu.memory_space<vmem>>, vector<1000x16xf32>,
    %slice3A_120 = vector.extract_strided_slice %dot_general3A_79 {offsets = [0, 2], sizes = [1000, 1], strides = [1, 1]} : vector<1000x3xf32> to vector<1000x1xf32>
    %broadcast_in_dim3A_121 = vector.shape_cast %slice3A_120 : vector<1000x1xf32> to vector<1000x1xf32>
    %broadcast_in_dim3A_122 = vector.broadcast %broadcast_in_dim3A_121 : vector<1000x1xf32> to vector<1000x16xf32>
    %swap3A_123 = arith.constant 0 : index
    %swap3A_124 = arith.constant 0 : index
    %swap3A_125 = vector.load %arg16[%swap3A_123, %swap3A_124] : memref<1000x16xf32, #tpu.memory_space<vmem>>, vector<1000x16xf32>
    tpu.vector_store %arg16[%swap3A_123, %swap3A_124], %broadcast_in_dim3A_122 {strides = array<i32>} : memref<1000x16xf32, #tpu.memory_space<vmem>>, vector<1000x16xf32>,
    %broadcast_in_dim3A_126 = arith.constant 0.000000e+00 : f32
    %broadcast_in_dim3A_127 = vector.broadcast %broadcast_in_dim3A_126 : f32 to vector<1000x13xf32>
    %concatenate3A_128 = tpu.concatenate %dot_general3A_72, %broadcast_in_dim3A_127 in 1 : vector<1000x3xf32>, vector<1000x13xf32> -> vector<1000x16xf32>
    %swap3A_129 = arith.constant 0 : index
    %swap3A_130 = arith.constant 0 : index
    %swap3A_131 = vector.load %arg17[%swap3A_129, %swap3A_130] : memref<1000x16xf32, #tpu.memory_space<vmem>>, vector<1000x16xf32>
    tpu.vector_store %arg17[%swap3A_129, %swap3A_130], %concatenate3A_128 {strides = array<i32>} : memref<1000x16xf32, #tpu.memory_space<vmem>>, vector<1000x16xf32>,
    %concatenate3A_132 = tpu.concatenate %dot_general3A_79, %broadcast_in_dim3A_127 in 1 : vector<1000x3xf32>, vector<1000x13xf32> -> vector<1000x16xf32>
    %swap3A_133 = arith.constant 0 : index
    %swap3A_134 = arith.constant 0 : index
    %swap3A_135 = vector.load %arg18[%swap3A_133, %swap3A_134] : memref<1000x16xf32, #tpu.memory_space<vmem>>, vector<1000x16xf32>
    tpu.vector_store %arg18[%swap3A_133, %swap3A_134], %concatenate3A_132 {strides = array<i32>} : memref<1000x16xf32, #tpu.memory_space<vmem>>, vector<1000x16xf32>,
    return
  }
  func.func @transform_0(%arg0: i32) -> (i32, i32) {
    %c0_i32 = arith.constant 0 : i32
    %c0_i32_0 = arith.constant 0 : i32
    return %arg0, %c0_i32 : i32, i32
  }
  func.func @transform_1(%arg0: i32) -> (i32, i32) {
    %c0_i32 = arith.constant 0 : i32
    %c0_i32_0 = arith.constant 0 : i32
    %c0_i32_1 = arith.constant 0 : i32
    return %c0_i32, %c0_i32_0 : i32, i32
  }
  func.func @transform_2(%arg0: i32) -> (i32, i32) {
    %c0_i32 = arith.constant 0 : i32
    %c0_i32_0 = arith.constant 0 : i32
    %c0_i32_1 = arith.constant 0 : i32
    return %c0_i32, %c0_i32_0 : i32, i32
  }
  func.func @transform_3(%arg0: i32) -> (i32, i32) {
    %c0_i32 = arith.constant 0 : i32
    %c0_i32_0 = arith.constant 0 : i32
    %c0_i32_1 = arith.constant 0 : i32
    return %c0_i32, %c0_i32_0 : i32, i32
  }
  func.func @transform_4(%arg0: i32) -> (i32, i32) {
    %c0_i32 = arith.constant 0 : i32
    %c0_i32_0 = arith.constant 0 : i32
    %c0_i32_1 = arith.constant 0 : i32
    return %c0_i32, %c0_i32_0 : i32, i32
  }
  func.func @transform_5(%arg0: i32) -> (i32, i32) {
    %c0_i32 = arith.constant 0 : i32
    %c0_i32_0 = arith.constant 0 : i32
    %c0_i32_1 = arith.constant 0 : i32
    return %c0_i32, %c0_i32_0 : i32, i32
  }
  func.func @transform_6(%arg0: i32) -> (i32, i32) {
    %c0_i32 = arith.constant 0 : i32
    %c0_i32_0 = arith.constant 0 : i32
    %c0_i32_1 = arith.constant 0 : i32
    return %c0_i32, %c0_i32_0 : i32, i32
  }
  func.func @transform_7(%arg0: i32) -> (i32, i32) {
    %c0_i32 = arith.constant 0 : i32
    %c0_i32_0 = arith.constant 0 : i32
    return %arg0, %c0_i32 : i32, i32
  }
  func.func @transform_8(%arg0: i32) -> (i32, i32) {
    %c0_i32 = arith.constant 0 : i32
    %c0_i32_0 = arith.constant 0 : i32
    return %arg0, %c0_i32 : i32, i32
  }
  func.func @transform_9(%arg0: i32) -> (i32, i32) {
    %c0_i32 = arith.constant 0 : i32
    %c0_i32_0 = arith.constant 0 : i32
    return %arg0, %c0_i32 : i32, i32
  }
  func.func @transform_10(%arg0: i32) -> (i32, i32) {
    %c0_i32 = arith.constant 0 : i32
    %c0_i32_0 = arith.constant 0 : i32
    return %arg0, %c0_i32 : i32, i32
  }
  func.func @transform_11(%arg0: i32) -> (i32, i32) {
    %c0_i32 = arith.constant 0 : i32
    %c0_i32_0 = arith.constant 0 : i32
    return %arg0, %c0_i32 : i32, i32
  }
  func.func @transform_12(%arg0: i32) -> (i32, i32) {
    %c0_i32 = arith.constant 0 : i32
    %c0_i32_0 = arith.constant 0 : i32
    return %arg0, %c0_i32 : i32, i32
  }
  func.func @transform_13(%arg0: i32) -> (i32, i32) {
    %c0_i32 = arith.constant 0 : i32
    %c0_i32_0 = arith.constant 0 : i32
    return %arg0, %c0_i32 : i32, i32
  }
  func.func @transform_14(%arg0: i32) -> (i32, i32) {
    %c0_i32 = arith.constant 0 : i32
    %c0_i32_0 = arith.constant 0 : i32
    return %arg0, %c0_i32 : i32, i32
  }
  func.func @transform_15(%arg0: i32) -> (i32, i32) {
    %c0_i32 = arith.constant 0 : i32
    %c0_i32_0 = arith.constant 0 : i32
    return %arg0, %c0_i32 : i32, i32
  }
  func.func @transform_16(%arg0: i32) -> (i32, i32) {
    %c0_i32 = arith.constant 0 : i32
    %c0_i32_0 = arith.constant 0 : i32
    return %arg0, %c0_i32 : i32, i32
  }
  func.func @transform_17(%arg0: i32) -> (i32, i32) {
    %c0_i32 = arith.constant 0 : i32
    %c0_i32_0 = arith.constant 0 : i32
    return %arg0, %c0_i32 : i32, i32
  }
}

module attributes {stable_mosaic.version = 14 : i64} {
  func.func @body(%arg0: i32, %arg1: memref<6x1000x16xf32, #tpu.memory_space<vmem>>, %arg2: memref<2x1000x16xf32, #tpu.memory_space<vmem>>, %arg3: memref<48x16xf32, #tpu.memory_space<vmem>>, %arg4: memref<8x48xf32, #tpu.memory_space<vmem>>, %arg5: memref<8x16xf32, #tpu.memory_space<vmem>>, %arg6: memref<8x16xf32, #tpu.memory_space<vmem>>, %arg7: memref<1000x16xf32, #tpu.memory_space<vmem>>, %arg8: memref<1000x16xf32, #tpu.memory_space<vmem>>, %arg9: memref<1000x16xf32, #tpu.memory_space<vmem>>) attributes {dimension_semantics = [#tpu.dimension_semantics<arbitrary>], iteration_bounds = array<i64: 100>, scalar_prefetch = 0 : i64, scratch_operands = 0 : i64, tpu.core_type = #tpu.core_type<tc>, window_params = [{transform_indices = @transform_0, window_bounds = array<i64: 6, 1000, 16>}, {transform_indices = @transform_1, window_bounds = array<i64: 2, 1000, 16>}, {pipeline_mode = #tpu.pipeline_mode<synchronous>, transform_indices = @transform_2, window_bounds = array<i64: 48, 16>}, {pipeline_mode = #tpu.pipeline_mode<synchronous>, transform_indices = @transform_3, window_bounds = array<i64: 8, 48>}, {pipeline_mode = #tpu.pipeline_mode<synchronous>, transform_indices = @transform_4, window_bounds = array<i64: 8, 16>}, {pipeline_mode = #tpu.pipeline_mode<synchronous>, transform_indices = @transform_5, window_bounds = array<i64: 8, 16>}, {transform_indices = @transform_6, window_bounds = array<i64: 1000, 16>}, {transform_indices = @transform_7, window_bounds = array<i64: 1000, 16>}, {transform_indices = @transform_8, window_bounds = array<i64: 1000, 16>}]} {
    %get3A = arith.constant 0 : index
    %get3A_0 = arith.constant 0 : index
    %get3A_1 = arith.constant 0 : index
    %get3A_2 = vector.load %arg1[%get3A, %get3A_0, %get3A_1] : memref<6x1000x16xf32, #tpu.memory_space<vmem>>, vector<6x1000x16xf32>
    %get3A_3 = arith.constant 0 : index
    %get3A_4 = arith.constant 0 : index
    %get3A_5 = arith.constant 0 : index
    %get3A_6 = vector.load %arg2[%get3A_3, %get3A_4, %get3A_5] : memref<2x1000x16xf32, #tpu.memory_space<vmem>>, vector<2x1000x16xf32>
    %slice3A = vector.extract_strided_slice %get3A_6 {offsets = [0, 0, 0], sizes = [1, 1000, 16], strides = [1, 1, 1]} : vector<2x1000x16xf32> to vector<1x1000x16xf32>
    %squeeze3A = vector.shape_cast %slice3A : vector<1x1000x16xf32> to vector<1000x16xf32>
    %slice3A_7 = vector.extract_strided_slice %get3A_6 {offsets = [1, 0, 0], sizes = [1, 1000, 16], strides = [1, 1, 1]} : vector<2x1000x16xf32> to vector<1x1000x16xf32>
    %squeeze3A_8 = vector.shape_cast %slice3A_7 : vector<1x1000x16xf32> to vector<1000x16xf32>
    %add3A = arith.addf %squeeze3A, %squeeze3A_8 : vector<1000x16xf32>
    %eq3A = arith.constant 0.000000e+00 : f32
    %eq3A_9 = vector.broadcast %eq3A : f32 to vector<1000x16xf32>
    %eq3A_10 = arith.cmpf oeq, %add3A, %eq3A_9 : vector<1000x16xf32>
    %jit3A = arith.constant 1.000000e+00 : f32
    %broadcast_in_dim3A = vector.broadcast %jit3A : f32 to vector<1000x16xf32>
    %select_n3A = arith.select %eq3A_10, %broadcast_in_dim3A, %add3A : vector<1000x16xi1>, vector<1000x16xf32>
    %slice3A_11 = vector.extract_strided_slice %get3A_2 {offsets = [0, 0, 0], sizes = [1, 1000, 16], strides = [1, 1, 1]} : vector<6x1000x16xf32> to vector<1x1000x16xf32>
    %squeeze3A_12 = vector.shape_cast %slice3A_11 : vector<1x1000x16xf32> to vector<1000x16xf32>
    %slice3A_13 = vector.extract_strided_slice %get3A_2 {offsets = [1, 0, 0], sizes = [1, 1000, 16], strides = [1, 1, 1]} : vector<6x1000x16xf32> to vector<1x1000x16xf32>
    %squeeze3A_14 = vector.shape_cast %slice3A_13 : vector<1x1000x16xf32> to vector<1000x16xf32>
    %add3A_15 = arith.addf %squeeze3A_12, %squeeze3A_14 : vector<1000x16xf32>
    %slice3A_16 = vector.extract_strided_slice %select_n3A {offsets = [0, 0], sizes = [1000, 1], strides = [1, 1]} : vector<1000x16xf32> to vector<1000x1xf32>
    %div3A = vector.broadcast %slice3A_16 : vector<1000x1xf32> to vector<1000x16xf32>
    %div3A_17 = arith.divf %add3A_15, %div3A : vector<1000x16xf32>
    %slice3A_18 = vector.extract_strided_slice %get3A_2 {offsets = [2, 0, 0], sizes = [1, 1000, 16], strides = [1, 1, 1]} : vector<6x1000x16xf32> to vector<1x1000x16xf32>
    %squeeze3A_19 = vector.shape_cast %slice3A_18 : vector<1x1000x16xf32> to vector<1000x16xf32>
    %slice3A_20 = vector.extract_strided_slice %get3A_2 {offsets = [3, 0, 0], sizes = [1, 1000, 16], strides = [1, 1, 1]} : vector<6x1000x16xf32> to vector<1x1000x16xf32>
    %squeeze3A_21 = vector.shape_cast %slice3A_20 : vector<1x1000x16xf32> to vector<1000x16xf32>
    %add3A_22 = arith.addf %squeeze3A_19, %squeeze3A_21 : vector<1000x16xf32>
    %slice3A_23 = vector.extract_strided_slice %select_n3A {offsets = [0, 1], sizes = [1000, 1], strides = [1, 1]} : vector<1000x16xf32> to vector<1000x1xf32>
    %div3A_24 = vector.broadcast %slice3A_23 : vector<1000x1xf32> to vector<1000x16xf32>
    %div3A_25 = arith.divf %add3A_22, %div3A_24 : vector<1000x16xf32>
    %slice3A_26 = vector.extract_strided_slice %get3A_2 {offsets = [4, 0, 0], sizes = [1, 1000, 16], strides = [1, 1, 1]} : vector<6x1000x16xf32> to vector<1x1000x16xf32>
    %squeeze3A_27 = vector.shape_cast %slice3A_26 : vector<1x1000x16xf32> to vector<1000x16xf32>
    %slice3A_28 = vector.extract_strided_slice %get3A_2 {offsets = [5, 0, 0], sizes = [1, 1000, 16], strides = [1, 1, 1]} : vector<6x1000x16xf32> to vector<1x1000x16xf32>
    %squeeze3A_29 = vector.shape_cast %slice3A_28 : vector<1x1000x16xf32> to vector<1000x16xf32>
    %add3A_30 = arith.addf %squeeze3A_27, %squeeze3A_29 : vector<1000x16xf32>
    %slice3A_31 = vector.extract_strided_slice %select_n3A {offsets = [0, 2], sizes = [1000, 1], strides = [1, 1]} : vector<1000x16xf32> to vector<1000x1xf32>
    %div3A_32 = vector.broadcast %slice3A_31 : vector<1000x1xf32> to vector<1000x16xf32>
    %div3A_33 = arith.divf %add3A_30, %div3A_32 : vector<1000x16xf32>
    %concatenate3A = tpu.concatenate %div3A_17, %div3A_25, %div3A_33 in 1 : vector<1000x16xf32>, vector<1000x16xf32>, vector<1000x16xf32> -> vector<1000x48xf32>
    %get3A_34 = arith.constant 0 : index
    %get3A_35 = arith.constant 0 : index
    %get3A_36 = vector.load %arg4[%get3A_34, %get3A_35] : memref<8x48xf32, #tpu.memory_space<vmem>>, vector<1x48xf32>
    %add3A_37 = vector.broadcast %get3A_36 : vector<1x48xf32> to vector<1000x48xf32>
    %add3A_38 = arith.addf %concatenate3A, %add3A_37 : vector<1000x48xf32>
    %gt3A = arith.constant 0.000000e+00 : f32
    %gt3A_39 = vector.broadcast %gt3A : f32 to vector<1000x48xf32>
    %gt3A_40 = arith.cmpf ogt, %add3A_38, %gt3A_39 : vector<1000x48xf32>
    %mul3A = arith.constant 0.00999999977 : f32
    %mul3A_41 = vector.broadcast %mul3A : f32 to vector<1000x48xf32>
    %mul3A_42 = arith.mulf %mul3A_41, %add3A_38 : vector<1000x48xf32>
    %select_n3A_43 = arith.select %gt3A_40, %add3A_38, %mul3A_42 : vector<1000x48xi1>, vector<1000x48xf32>
    %get3A_44 = arith.constant 0 : index
    %get3A_45 = arith.constant 0 : index
    %get3A_46 = vector.load %arg3[%get3A_44, %get3A_45] : memref<48x16xf32, #tpu.memory_space<vmem>>, vector<48x16xf32>
    %dot_general3A = arith.constant dense<0.000000e+00> : vector<1000x16xf32>
    %dot_general3A_47 = tpu.matmul %select_n3A_43, %get3A_46, %dot_general3A {dimension_numbers = #tpu.dot_dimension_numbers<[1], [0], [0], [1], [0, 0, 1, 1], [], []>, transpose_lhs_hint = false} : vector<1000x48xf32>, vector<48x16xf32>, vector<1000x16xf32> -> vector<1000x16xf32>
    %get3A_48 = arith.constant 0 : index
    %get3A_49 = arith.constant 0 : index
    %get3A_50 = vector.load %arg5[%get3A_48, %get3A_49] : memref<8x16xf32, #tpu.memory_space<vmem>>, vector<1x16xf32>
    %mul3A_51 = vector.broadcast %get3A_50 : vector<1x16xf32> to vector<1000x16xf32>
    %mul3A_52 = arith.mulf %dot_general3A_47, %mul3A_51 : vector<1000x16xf32>
    %reduce_sum3A = arith.constant dense<0.000000e+00> : vector<1000xf32>
    %reduce_sum3A_53 = vector.multi_reduction <add>, %mul3A_52, %reduce_sum3A [1] : vector<1000x16xf32> to vector<1000xf32>
    %broadcast_in_dim3A_54 = vector.shape_cast %reduce_sum3A_53 : vector<1000xf32> to vector<1000x1xf32>
    %get3A_55 = arith.constant 0 : index
    %get3A_56 = arith.constant 0 : index
    %get3A_57 = vector.load %arg6[%get3A_55, %get3A_56] : memref<8x16xf32, #tpu.memory_space<vmem>>, vector<1x16xf32>
    %mul3A_58 = vector.broadcast %get3A_57 : vector<1x16xf32> to vector<1000x16xf32>
    %mul3A_59 = arith.mulf %dot_general3A_47, %mul3A_58 : vector<1000x16xf32>
    %reduce_sum3A_60 = arith.constant dense<0.000000e+00> : vector<1000xf32>
    %reduce_sum3A_61 = vector.multi_reduction <add>, %mul3A_59, %reduce_sum3A_60 [1] : vector<1000x16xf32> to vector<1000xf32>
    %broadcast_in_dim3A_62 = vector.shape_cast %reduce_sum3A_61 : vector<1000xf32> to vector<1000x1xf32>
    %swap3A = arith.constant 0 : index
    %swap3A_63 = arith.constant 0 : index
    %swap3A_64 = vector.load %arg7[%swap3A, %swap3A_63] : memref<1000x16xf32, #tpu.memory_space<vmem>>, vector<1000x16xf32>
    tpu.vector_store %arg7[%swap3A, %swap3A_63], %dot_general3A_47 {strides = array<i32>} : memref<1000x16xf32, #tpu.memory_space<vmem>>, vector<1000x16xf32>,
    %broadcast_in_dim3A_65 = vector.shape_cast %broadcast_in_dim3A_54 : vector<1000x1xf32> to vector<1000x1xf32>
    %broadcast_in_dim3A_66 = vector.broadcast %broadcast_in_dim3A_65 : vector<1000x1xf32> to vector<1000x16xf32>
    %swap3A_67 = arith.constant 0 : index
    %swap3A_68 = arith.constant 0 : index
    %swap3A_69 = vector.load %arg8[%swap3A_67, %swap3A_68] : memref<1000x16xf32, #tpu.memory_space<vmem>>, vector<1000x16xf32>
    tpu.vector_store %arg8[%swap3A_67, %swap3A_68], %broadcast_in_dim3A_66 {strides = array<i32>} : memref<1000x16xf32, #tpu.memory_space<vmem>>, vector<1000x16xf32>,
    %broadcast_in_dim3A_70 = vector.shape_cast %broadcast_in_dim3A_62 : vector<1000x1xf32> to vector<1000x1xf32>
    %broadcast_in_dim3A_71 = vector.broadcast %broadcast_in_dim3A_70 : vector<1000x1xf32> to vector<1000x16xf32>
    %swap3A_72 = arith.constant 0 : index
    %swap3A_73 = arith.constant 0 : index
    %swap3A_74 = vector.load %arg9[%swap3A_72, %swap3A_73] : memref<1000x16xf32, #tpu.memory_space<vmem>>, vector<1000x16xf32>
    tpu.vector_store %arg9[%swap3A_72, %swap3A_73], %broadcast_in_dim3A_71 {strides = array<i32>} : memref<1000x16xf32, #tpu.memory_space<vmem>>, vector<1000x16xf32>,
    return
  }
  func.func @transform_0(%arg0: i32) -> (i32, i32, i32) {
    %c0_i32 = arith.constant 0 : i32
    %c0_i32_0 = arith.constant 0 : i32
    %c0_i32_1 = arith.constant 0 : i32
    return %c0_i32, %arg0, %c0_i32_0 : i32, i32, i32
  }
  func.func @transform_1(%arg0: i32) -> (i32, i32, i32) {
    %c0_i32 = arith.constant 0 : i32
    %c0_i32_0 = arith.constant 0 : i32
    %c0_i32_1 = arith.constant 0 : i32
    return %c0_i32, %arg0, %c0_i32_0 : i32, i32, i32
  }
  func.func @transform_2(%arg0: i32) -> (i32, i32) {
    %c0_i32 = arith.constant 0 : i32
    %c0_i32_0 = arith.constant 0 : i32
    %c0_i32_1 = arith.constant 0 : i32
    return %c0_i32, %c0_i32_0 : i32, i32
  }
  func.func @transform_3(%arg0: i32) -> (i32, i32) {
    %c0_i32 = arith.constant 0 : i32
    %c0_i32_0 = arith.constant 0 : i32
    %c0_i32_1 = arith.constant 0 : i32
    return %c0_i32, %c0_i32_0 : i32, i32
  }
  func.func @transform_4(%arg0: i32) -> (i32, i32) {
    %c0_i32 = arith.constant 0 : i32
    %c0_i32_0 = arith.constant 0 : i32
    %c0_i32_1 = arith.constant 0 : i32
    return %c0_i32, %c0_i32_0 : i32, i32
  }
  func.func @transform_5(%arg0: i32) -> (i32, i32) {
    %c0_i32 = arith.constant 0 : i32
    %c0_i32_0 = arith.constant 0 : i32
    %c0_i32_1 = arith.constant 0 : i32
    return %c0_i32, %c0_i32_0 : i32, i32
  }
  func.func @transform_6(%arg0: i32) -> (i32, i32) {
    %c0_i32 = arith.constant 0 : i32
    %c0_i32_0 = arith.constant 0 : i32
    return %arg0, %c0_i32 : i32, i32
  }
  func.func @transform_7(%arg0: i32) -> (i32, i32) {
    %c0_i32 = arith.constant 0 : i32
    %c0_i32_0 = arith.constant 0 : i32
    return %arg0, %c0_i32 : i32, i32
  }
  func.func @transform_8(%arg0: i32) -> (i32, i32) {
    %c0_i32 = arith.constant 0 : i32
    %c0_i32_0 = arith.constant 0 : i32
    return %arg0, %c0_i32 : i32, i32
  }
}

module attributes {stable_mosaic.version = 14 : i64} {
  func.func @body(%arg0: i32, %arg1: memref<2x1000x16xf32, #tpu.memory_space<vmem>>, %arg2: memref<2x1000x16xf32, #tpu.memory_space<vmem>>, %arg3: memref<8x16xf32, #tpu.memory_space<vmem>>, %arg4: memref<1000x16xf32, #tpu.memory_space<vmem>>) attributes {dimension_semantics = [#tpu.dimension_semantics<arbitrary>], iteration_bounds = array<i64: 100>, scalar_prefetch = 0 : i64, scratch_operands = 0 : i64, tpu.core_type = #tpu.core_type<tc>, window_params = [{transform_indices = @transform_0, window_bounds = array<i64: 2, 1000, 16>}, {transform_indices = @transform_1, window_bounds = array<i64: 2, 1000, 16>}, {pipeline_mode = #tpu.pipeline_mode<synchronous>, transform_indices = @transform_2, window_bounds = array<i64: 8, 16>}, {transform_indices = @transform_3, window_bounds = array<i64: 1000, 16>}]} {
    %get3A = arith.constant 0 : index
    %get3A_0 = arith.constant 0 : index
    %get3A_1 = arith.constant 0 : index
    %get3A_2 = vector.load %arg1[%get3A, %get3A_0, %get3A_1] : memref<2x1000x16xf32, #tpu.memory_space<vmem>>, vector<2x1000x16xf32>
    %get3A_3 = arith.constant 0 : index
    %get3A_4 = arith.constant 0 : index
    %get3A_5 = arith.constant 0 : index
    %get3A_6 = vector.load %arg2[%get3A_3, %get3A_4, %get3A_5] : memref<2x1000x16xf32, #tpu.memory_space<vmem>>, vector<2x1000x16xf32>
    %slice3A = vector.extract_strided_slice %get3A_6 {offsets = [0, 0, 0], sizes = [1, 1000, 16], strides = [1, 1, 1]} : vector<2x1000x16xf32> to vector<1x1000x16xf32>
    %squeeze3A = vector.shape_cast %slice3A : vector<1x1000x16xf32> to vector<1000x16xf32>
    %slice3A_7 = vector.extract_strided_slice %get3A_6 {offsets = [1, 0, 0], sizes = [1, 1000, 16], strides = [1, 1, 1]} : vector<2x1000x16xf32> to vector<1x1000x16xf32>
    %squeeze3A_8 = vector.shape_cast %slice3A_7 : vector<1x1000x16xf32> to vector<1000x16xf32>
    %add3A = arith.addf %squeeze3A, %squeeze3A_8 : vector<1000x16xf32>
    %eq3A = arith.constant 0.000000e+00 : f32
    %eq3A_9 = vector.broadcast %eq3A : f32 to vector<1000x16xf32>
    %eq3A_10 = arith.cmpf oeq, %add3A, %eq3A_9 : vector<1000x16xf32>
    %jit3A = arith.constant 1.000000e+00 : f32
    %broadcast_in_dim3A = vector.broadcast %jit3A : f32 to vector<1000x16xf32>
    %select_n3A = arith.select %eq3A_10, %broadcast_in_dim3A, %add3A : vector<1000x16xi1>, vector<1000x16xf32>
    %slice3A_11 = vector.extract_strided_slice %get3A_2 {offsets = [0, 0, 0], sizes = [1, 1000, 16], strides = [1, 1, 1]} : vector<2x1000x16xf32> to vector<1x1000x16xf32>
    %squeeze3A_12 = vector.shape_cast %slice3A_11 : vector<1x1000x16xf32> to vector<1000x16xf32>
    %slice3A_13 = vector.extract_strided_slice %get3A_2 {offsets = [1, 0, 0], sizes = [1, 1000, 16], strides = [1, 1, 1]} : vector<2x1000x16xf32> to vector<1x1000x16xf32>
    %squeeze3A_14 = vector.shape_cast %slice3A_13 : vector<1x1000x16xf32> to vector<1000x16xf32>
    %add3A_15 = arith.addf %squeeze3A_12, %squeeze3A_14 : vector<1000x16xf32>
    %div3A = arith.divf %add3A_15, %select_n3A : vector<1000x16xf32>
    %get3A_16 = arith.constant 0 : index
    %get3A_17 = arith.constant 0 : index
    %get3A_18 = vector.load %arg3[%get3A_16, %get3A_17] : memref<8x16xf32, #tpu.memory_space<vmem>>, vector<1x16xf32>
    %add3A_19 = vector.broadcast %get3A_18 : vector<1x16xf32> to vector<1000x16xf32>
    %add3A_20 = arith.addf %div3A, %add3A_19 : vector<1000x16xf32>
    %gt3A = arith.constant 0.000000e+00 : f32
    %gt3A_21 = vector.broadcast %gt3A : f32 to vector<1000x16xf32>
    %gt3A_22 = arith.cmpf ogt, %add3A_20, %gt3A_21 : vector<1000x16xf32>
    %mul3A = arith.constant 0.00999999977 : f32
    %mul3A_23 = vector.broadcast %mul3A : f32 to vector<1000x16xf32>
    %mul3A_24 = arith.mulf %mul3A_23, %add3A_20 : vector<1000x16xf32>
    %select_n3A_25 = arith.select %gt3A_22, %add3A_20, %mul3A_24 : vector<1000x16xi1>, vector<1000x16xf32>
    %swap3A = arith.constant 0 : index
    %swap3A_26 = arith.constant 0 : index
    %swap3A_27 = vector.load %arg4[%swap3A, %swap3A_26] : memref<1000x16xf32, #tpu.memory_space<vmem>>, vector<1000x16xf32>
    tpu.vector_store %arg4[%swap3A, %swap3A_26], %select_n3A_25 {strides = array<i32>} : memref<1000x16xf32, #tpu.memory_space<vmem>>, vector<1000x16xf32>,
    return
  }
  func.func @transform_0(%arg0: i32) -> (i32, i32, i32) {
    %c0_i32 = arith.constant 0 : i32
    %c0_i32_0 = arith.constant 0 : i32
    %c0_i32_1 = arith.constant 0 : i32
    return %c0_i32, %arg0, %c0_i32_0 : i32, i32, i32
  }
  func.func @transform_1(%arg0: i32) -> (i32, i32, i32) {
    %c0_i32 = arith.constant 0 : i32
    %c0_i32_0 = arith.constant 0 : i32
    %c0_i32_1 = arith.constant 0 : i32
    return %c0_i32, %arg0, %c0_i32_0 : i32, i32, i32
  }
  func.func @transform_2(%arg0: i32) -> (i32, i32) {
    %c0_i32 = arith.constant 0 : i32
    %c0_i32_0 = arith.constant 0 : i32
    %c0_i32_1 = arith.constant 0 : i32
    return %c0_i32, %c0_i32_0 : i32, i32
  }
  func.func @transform_3(%arg0: i32) -> (i32, i32) {
    %c0_i32 = arith.constant 0 : i32
    %c0_i32_0 = arith.constant 0 : i32
    return %arg0, %c0_i32 : i32, i32
  }
}

</mosaic_0001>

<sc_bundles>
// kernel: kernel.11.cloned.1.call-start
scs
__scs_entry_jumppad:
0x0: {  	(pc) =	sbr.rel $0x88, $3  }
0x1: {  	(tag) =	ssettag $0x0;
	lr =	simm.s32 $0x1  }
0x2: {  	[smem:$0x3F94] =	sst lr;
	_ =	strace $0xD0000000  }
0x3: {  	_ = 	snop  }
0x4: {  	_ = 	snop  }
0x5: {  	_ = 	snop  }
0x6: {  	_ = 	snop  }
0x7: {  	_ = 	snop  }
__scs_overlays_trampoline_lowered:
0x8: {  	[smem:$0x3FA3] =	sst s0  }
0x9: {  	[smem:$0x3FA4] =	sst s1  }
0xa: {  	[smem:$0x3FA5] =	sst s2  }
0xb: {  	[smem:$0x3FA6] =	sst s3  }
0xc: {  	[smem:$0x3FA7] =	sst s4  }
0xd: {  	[smem:$0x3FA8] =	sst s5  }
0xe: {  	[smem:$0x3FA9] =	sst s6  }
0xf: {  	[smem:$0x3FAA] =	sst s7  }
0x10: {  	[smem:$0x3FAB] =	sst s8  }
0x11: {  	[smem:$0x3FAC] =	sst s9;
	s0 =	simm.s32 @!p0 $0x0  }
0x12: {  	s1 =	sld [smem:$0x3F92];
	s0 =	simm.s32 @p0 $0x1  }
0x13: {  	[smem:$0x3FAD] =	sst s0;
	s0 =	simm.s32 @!p1 $0x0  }
0x14: {  	s2 =	sld [smem:$0x3F91];
	s0 =	simm.s32 @p1 $0x1  }
0x15: {  	[smem:$0x3FAE] =	sst s0;
	s0 =	simm.s32 @!p2 $0x0  }
0x16: {  	s3 =	sld [smem:$0x3FDB];
	s0 =	simm.s32 @p2 $0x1  }
0x17: {  	s4 =	simm.s32 $0x1BF5;
	[smem:$0x3FB0] =	sst s0  }
0x18: {  	s0 =	sld [smem:$0x3F93];
	_ =	swait.ge [sflag:s4], $0x0  }
0x19: {  	s7 =	sld [smem:$0x3F94]  }
0x1a: {  	s8 =	sadd.s32 $0xFFFFE003, lr  }
0x1b: {  	s9 =	sadd.s32 $0xFFFFFEF7, lr;
	s5 =	simm.s32 $0xFFFFFFFF;
	p2 =	slt.u32 s8, $0xFFFFF086  }
0x1c: {  	p1 =	slt.u32 s9, $0xF7A;
	s5 =	simm.s32 @!p2 $0x0  }
0x1d: {  	s5 =	simm.s32 @p1 $0x1;
	p0 =	seq.s32 s7, s2  }
0x1e: {  	s7 =	smul.u32 @!p0 $0xF7A, s2;
	p2 =	seq.s32 @!p0 s5, $0x0  }
0x1f: {  	s9 =	smul.u32 $0xF7A, s1;
	s8 =	simm.s32 @!p0 $0x1BF5;
	p2 =	por !p2, p0  }
0x20: {  	[sflag:s8] =	ssyncset.s32 @!p0 $0xFFFFF086;
	s6 =	sadd.s32 @!p0 s3, s7;
	s7 =	simm.s32 @!p0 $0x108  }
0x21: {  	s3 =	sadd.s32 s3, s9;
	s6 =	sadd.s32 @!p0 $0x88, s6;
	s7 =	simm.s32 @p2 $0x1082  }
0x22: {  	[simem:s7], [sflag:s8] =	dma.local @!p0 [hbm:s6], $0xF7A  }
0x23: {  	s9 =	sor.u32 $0xD0000000, s2;
	s6 =	simm.s32 $0x108;
	_ =	swait.ge @!p0 [sflag:s8], $0x0  }
0x24: {  	s3 =	sadd.s32 $0x88, s3;
	s6 =	simm.s32 @!p1 $0x1082;
	[sflag:s4] =	ssyncset.s32 $0xFFFFF086  }
0x25: {  	[simem:s6], [sflag:s4] =	dma.local [hbm:s3], $0xF7A  }
0x26: {  	[smem:$0x3F94] =	sst s1;
	(tag) =	ssettag s2;
	_ =	strace s9  }
0x27: {  	s1 =	sld [smem:$0x3FA4]  }
0x28: {  	s2 =	sld [smem:$0x3FA5]  }
0x29: {  	s4 =	sld [smem:$0x3FA7]  }
0x2a: {  	p0 =	seq.s32 s5, $0x0;
	s5 =	sld [smem:$0x3FA8]  }
0x2b: {  	s6 =	sld [smem:$0x3FA9]  }
0x2c: {  	s7 =	sld [smem:$0x3FAA]  }
0x2d: {  	s3 =	simm.s32 $0x108;
	s8 =	sld [smem:$0x3FAB]  }
0x2e: {  	s3 =	simm.s32 @!p0 $0x1082;
	s9 =	sld [smem:$0x3FAC]  }
0x2f: {  	lr =	sadd.s32 s0, s3;
	s0 =	sld [smem:$0x3FA3]  }
0x30: {  	s3 =	sld [smem:$0x3FA6]  }
0x31: {  	[smem:$0x3FAF] =	sst s10  }
0x32: {  	s10 =	sld [smem:$0x3FAD];
	_ =	sdelay $0x3  }
0x33: {  	p0 =	seq.s32 s10, $0x1;
	s10 =	sld [smem:$0x3FAF];
	_ =	sdelay $0x3  }
0x34: {  	[smem:$0x3FAF] =	sst s10  }
0x35: {  	s10 =	sld [smem:$0x3FAE];
	_ =	sdelay $0x3  }
0x36: {  	p1 =	seq.s32 s10, $0x1;
	s10 =	sld [smem:$0x3FAF];
	_ =	sdelay $0x3  }
0x37: {  	[smem:$0x3FAF] =	sst s10  }
0x38: {  	s10 =	sld [smem:$0x3FB0]  }
0x39: {  	_ = 	snop;
	(pc) =	sbr.ind lr, $3  }
0x3a: {  	_ = 	snop  }
0x3b: {  	_ = 	snop  }
0x3c: {  	p2 =	seq.s32 s10, $0x1;
	s10 =	sld [smem:$0x3FAF]  }
0x3d: {  	_ =	shalt  }
0x3e: {  	_ =	shalt  }
0x3f: {  	_ =	shalt  }
0x40: {  	_ =	shalt  }
0x41: {  	_ =	shalt  }
0x42: {  	_ =	shalt  }
0x43: {  	_ =	shalt  }
0x44: {  	_ =	shalt  }
0x45: {  	_ =	shalt  }
0x46: {  	_ =	shalt  }
0x47: {  	_ =	shalt  }
0x48: {  	_ =	shalt  }
0x49: {  	_ =	shalt  }
0x4a: {  	_ =	shalt  }
0x4b: {  	_ =	shalt  }
0x4c: {  	_ =	shalt  }
0x4d: {  	_ =	shalt  }
0x4e: {  	_ =	shalt  }
0x4f: {  	_ =	shalt  }
0x50: {  	_ =	shalt  }
0x51: {  	_ =	shalt  }
0x52: {  	_ =	shalt  }
0x53: {  	_ =	shalt  }
0x54: {  	_ =	shalt  }
0x55: {  	_ =	shalt  }
0x56: {  	_ =	shalt  }
0x57: {  	_ =	shalt  }
0x58: {  	_ =	shalt  }
0x59: {  	_ =	shalt  }
0x5a: {  	_ =	shalt  }
0x5b: {  	_ =	shalt  }
0x5c: {  	_ =	shalt  }
0x5d: {  	_ =	shalt  }
0x5e: {  	_ =	shalt  }
0x5f: {  	_ =	shalt  }
0x60: {  	_ =	shalt  }
0x61: {  	_ =	shalt  }
0x62: {  	_ =	shalt  }
0x63: {  	_ =	shalt  }
0x64: {  	_ =	shalt  }
0x65: {  	_ =	shalt  }
0x66: {  	_ =	shalt  }
0x67: {  	_ =	shalt  }
0x68: {  	_ =	shalt  }
0x69: {  	_ =	shalt  }
0x6a: {  	_ =	shalt  }
0x6b: {  	_ =	shalt  }
0x6c: {  	_ =	shalt  }
0x6d: {  	_ =	shalt  }
0x6e: {  	_ =	shalt  }
0x6f: {  	_ =	shalt  }
0x70: {  	_ =	shalt  }
0x71: {  	_ =	shalt  }
0x72: {  	_ =	shalt  }
0x73: {  	_ =	shalt  }
0x74: {  	_ =	shalt  }
0x75: {  	_ =	shalt  }
0x76: {  	_ =	shalt  }
0x77: {  	_ =	shalt  }
0x78: {  	_ =	shalt  }
0x79: {  	_ =	shalt  }
0x7a: {  	_ =	shalt  }
0x7b: {  	_ =	shalt  }
0x7c: {  	_ =	shalt  }
0x7d: {  	_ =	shalt  }
0x7e: {  	_ =	shalt  }
0x7f: {  	_ =	shalt  }
0x80: {  	_ =	shalt  }
0x81: {  	_ =	shalt  }
0x82: {  	_ =	shalt  }
0x83: {  	_ =	shalt  }
0x84: {  	_ =	shalt  }
0x85: {  	_ =	shalt  }
0x86: {  	_ =	shalt  }
0x87: {  	_ =	shalt  }
.Lfunc_end0:
.L_simem_size_0:
called_computation_lowered:
.L_overlay_start_0:
0x88: {  	s2 =	sld [smem:$0x3FD9]  }
0x89: {  	s3 =	sld [smem:$0x3FFE];
	_ =	sdelay $0x1  }
0x8a: {  	s1 =	srdreg.scid  }
0x8b: {  	s0 =	sand.u32 $0x1, s1  }
0x8c: {  	s17 =	sshll.u32 s0, $0xA;
	s2 =	sadd.s32 s3, s2  }
0x8d: {  	s2 =	sadd.s32 s2, s17  }
0x8e: {  	[smem:$0x3FBB] =	sst s2  }
0x8f: {  	_ = 	snop  }
0x90: {  	s18 =	sld [smem:$0x3FD0];
	(tm) =	ssettm $0x1  }
0x91: {  	s19 =	sld [smem:$0x3FFB];
	_ =	sdelay $0x3  }
0x92: {  	_ =	strace s19  }
0x93: {  	s2 =	sld [smem:$0x3FFC];
	_ =	sdelay $0x3  }
0x94: {  	_ =	strace s2  }
0x95: {  	s2 =	sld [smem:$0x3FFD];
	_ =	sdelay $0x3  }
0x96: {  	_ =	strace s2  }
0x97: {  	_ =	strace $0x8FFFFFFF  }
0x98: {  	s20 =	sld [smem:$0x3FDB];
	_ =	sdelay $0x1  }
0x99: {  	s4 =	simm.s32 $_scs_section_size  }
0x9a: {  	s5 =	simm.s32 $_size__tile_overlayer_lowered;
	s6 =	simm.s32 $_tile_overlayer_lowered  }
0x9b: {  	s7 =	simm.s32 $0x1BFF;
	s21 =	sshll.u32 s6, $0x1;
	s4 =	sadd.s32 s4, s20  }
0x9c: {  	s22 =	simm.s32 $0x0;
	s5 =	sshll.u32 s5, $0x1;
	s6 =	sadd.s32 s21, s4  }
0x9d: {  	[timem:s22], [sflag:s7] =	dma.local [hbm:s6], s5  }
0x9e: {  	_ =	swait.ge [sflag:s7], s5  }
0x9f: {  	s5 =	ssub.s32 $0x0, s5;
	[sflag:s7] =	ssyncset.done $0x0  }
0xa0: {  	[sflag:s7] =	ssyncadd.s32 s5;
	_ =	sdelay $0x1  }
0xa1: {  	s23 =	simm.s32 $0x1B8B  }
0xa2: {  	_ =	swait.ge [sflag:s23], $0x1  }
0xa3: {  	[sflag:s23] =	ssyncset.done $0x0  }
0xa4: {  	[sflag:s23] =	ssyncadd.s32 $0xFFFFFFFF  }
0xa5: {  	s5 =	sld [smem:$0x0]  }
0xa6: {  	s6 =	sand.u32 $0xFFFFFFFE, s1  }
0xa7: {  	p0 =	sne.s32 s1, s6  }
0xa8: {  	s6 =	sshll.u32 @p0 s6, $0xE  }
0xa9: {  	s6 =	sadd.s32 @p0 $0x11B8D, s6;
	s7 =	sshll.u32 @p0 s5, $0x11  }
0xaa: {  	s6 =	sor.u32 @p0 s7, s6  }
0xab: {  	[sflag:s6] =	ssyncadd.remote.s32 @p0 $0x1;
	_ =	sdelay $0x1  }
0xac: {  	s6 =	simm.s32 @p0 $0x1B8D  }
0xad: {  	_ =	swait.eq @p0 [sflag:s6], $0x1  }
0xae: {  	[sflag:s6] =	ssyncadd.s32 @p0 $0xFFFFFFFF  }
0xaf: {  	s7 =	sshll.u32 @!p0 s1, $0xE  }
0xb0: {  	s7 =	sor.u32 @!p0 $0x4000, s7;
	s6 =	simm.s32 @!p0 $0x1B8D  }
0xb1: {  	s5 =	sshll.u32 @!p0 s5, $0x11;
	s7 =	sadd.s32 @!p0 $0x11B8D, s7;
	_ =	swait.eq @!p0 [sflag:s6], $0x1  }
0xb2: {  	s5 =	sor.u32 @!p0 s5, s7;
	[sflag:s6] =	ssyncadd.s32 @!p0 $0xFFFFFFFF  }
0xb3: {  	s25 =	simm.s32 $0x1B8E;
	s24 =	sld [smem:$0x3FFE];
	[sflag:s5] =	ssyncadd.remote.s32 @!p0 $0x1  }
0xb4: {  	s26 =	simm.s32 $execute0_lowered;
	[smem:$0x3FD2] =	sst s25  }
0xb5: {  	s6 =	sshll.u32 s26, $0x1;
	_ =	strace $0x8000004F;
	[dreg:$0x1] =	wrdreg $0xFFFFFFFF  }
0xb6: {  	s28 =	simm.s32 $_size_execute0_lowered;
	s4 =	sadd.s32 s4, s6;
	[dreg:$0x0] =	wrdreg $0x0  }
0xb7: {  	s6 =	sshll.u32 s28, $0x1;
	[dreg:$0x2] =	wrdreg s4  }
0xb8: {  	[dreg:$0x3] =	wrdreg s6  }
0xb9: {  	[dreg:$0x4] =	wrdreg $0xC0  }
0xba: {  	_ =	task [dreg:s22], $0x5FFFF  }
0xbb: {  	[dreg:$0x1] =	wrdreg $0xFFFFFFFF  }
0xbc: {  	[dreg:$0x0] =	wrdreg $0x60  }
0xbd: {  	[dreg:$0x2] =	wrdreg s24  }
0xbe: {  	[dreg:$0x3] =	wrdreg s18  }
0xbf: {  	[dreg:$0x4] =	wrdreg $0x19100  }
0xc0: {  	[dreg:$0x5] =	wrdreg $0x9  }
0xc1: {  	_ =	task.clear_ibuf [dreg:s22], $0x6FFFF;
	_ =	strace $0x9000004F  }
0xc2: {  	s29 =	simm.s32 $0x9;
	_ =	strace $0x80000051  }
0xc3: {  	_ =	swait.ge [sflag:s29], $0x1  }
0xc4: {  	[sflag:s29] =	ssyncadd.s32 $0xFFFFFFFF  }
0xc5: {  	_ =	strace $0x90000051  }
0xc6: {  	_ =	sfence  }
0xc7: {  	s30 =	sld [smem:$0x0];
	_ =	sdelay $0x2  }
0xc8: {  	s31 =	sshll.u32 s1, $0xD;
	s1 =	sshrl.u32 s1, $0x2  }
0xc9: {  	s4 =	sand.u32 $0x4000, s31;
	s1 =	sadd.s32 s1, s30  }
0xca: {  	s0 =	sor.u32 s4, s0;
	s1 =	sshll.u32 s1, $0x11  }
0xcb: {  	s0 =	sor.u32 s1, s0  }
0xcc: {  	s0 =	sadd.s32 $0x8F2B, s0  }
0xcd: {  	[sflag:s0] =	ssyncadd.remote.s32 $0x1  }
0xce: {  	_ =	sfence.sel $0xFFFF  }
0xcf: {  	[dreg:$0x0] =	wrdreg $0xFFFFFFFF;
	(pc) =	sbr.abs _section_cstart, $3  }
0xd0: {  	[dreg:$0x1] =	wrdreg $0xFFFFFFFF  }
0xd1: {  	_ =	task.clear_ibuf [dreg:s22], $0x2FFFF;
	_ =	strace $0x9FFFFFFF  }
0xd2: {  	(tm) =	ssettm $0x7FFFFFFF  }
0xd3: {  	_ =	shalt  }
tec
execute0_lowered:
.L_overlay_start_1:
0x0: {  	(tag) =	ssettag $0x1  }
0x1: {  	s10 =	rddreg [dreg:$0x0]  }
0x2: {  	s11 =	rddreg [dreg:$0x1]  }
0x3: {  	s2 =	rddreg [dreg:$0x2]  }
0x4: {  	s3 =	simm.s32 $0x0;
	s4 =	srdreg.scid;
	s1 =	stileid.u32  }
0x5: {  	s18 =	simm.s32 $0x1900;
	s19 =	simm.s32 $0x80;
	s20 =	simm.s32 $0x100  }
0x6: {  	s21 =	simm.s32 $0x900;
	s22 =	simm.s32 $0x1;
	s23 =	simm.s32 $0x1100  }
0x7: {  	s24 =	simm.s32 $0x0;
	[smem:$0x7FF] =	sst s3;
	s8 =	sand.u32 $0x1, s4  }
0x8: {  	s12 =	smul.u32 $0x18700, s1;
	s4 =	sadd.s32 $0xC6E00, s10;
	s5 =	sadd.s32 $0x96000, s10  }
0x9: {  	s6 =	sadd.s32 $0x373600, s10;
	s13 =	sshll.u32 s1, $0x1;
	s7 =	sadd.s32 $0x342800, s10  }
0xa: {  	s31 =	sshll.u32 s1, $0x6;
	s9 =	smul.u32 $0x187000, s8;
	s13 =	sor.u32 s8, s13  }
0xb: {  	_ =	strace $0x80000050;
	s15 =	ssub.s32 $0x2, s8;
	s8 =	smul.u32 $0xC350, s13  }
0xc: {  	s29 =	sshrl.u32 s15, $0x1;
	s16 =	sadd.s32 s12, s2;
	s9 =	sadd.s32 s12, s9  }
0xd: {  	s15 =	ssub.s32 s15, s29;
	s12 =	sshrl.u32 s12, $0x3;
	s16 =	sshrl.u32 s16, $0x3  }
0xe: {  	s14 =	sshrl.u32 s9, $0x3;
	s9 =	sadd.s32 $0x3000, s10;
	s30 =	sshrl.u32 s8, $0x3  }
0xf: {  	s15 =	smax.u32 s15, $0x1;
	s14 =	sadd.s32 s14, s10;
	s17 =	sadd.s32 $0x1860, s30  }
0x10: {  	s10 =	sadd.s32 s11, s12;
	s11 =	sor.u32 $0x1C02, s31;
	s12 =	sadd.s32 s4, s17  }
0x11: {  	v0 =	vimm.s32 $0x0;
	v1 =	vimm.s32 $0x186A0;
	s13 =	sadd.s32 s5, s17;
	s14 =	sadd.s32 $0x3A4400, s14;
	s17 =	simm.s32 $0x2  }
.LBB2_1:
0x12: {  	[spmem:s16], [sflag:s11] =	dma.local [hbm:s10], $0x30E0  }
0x13: {  	_ =	swait.ge [sflag:s17], $0x30E0  }
0x14: {  	[sflag:s17] =	ssyncset.done $0x0  }
0x15: {  	[sflag:s17] =	ssyncadd.s32 $0xFFFFCF20  }
0x16: {  	[tilespmem:s18], [sflag:$0x2] =	stream.linear.gather [hbm4b:s9+s3], $0x10, $0x38;
	[tilespmem:$0x1A010] =	vst v63  }
0x17: {  	_ =	swait.ge [sflag:s17], $0x10  }
0x18: {  	[sflag:s17] =	ssyncset.done $0x0  }
0x19: {  	[sflag:s17] =	ssyncadd.s32 $0xFFFFFFF0  }
0x1a: {  	s25 =	simm.s32 $0x0;
	[bflag:$0x0] =	sbarrier.arrive $0xFFFF  }
.LBB2_2:
0x1b: {  	s26 =	sshll.u32 s25, $0x7  }
0x1c: {  	s26 =	sadd.s32 s8, s26  }
0x1d: {  	s26 =	sshrl.u32 s26, $0x3  }
0x1e: {  	s29 =	simm.s32 $0x0;
	s28 =	sadd.s32 s4, s26  }
0x1f: {  	[tilespmem:s29], [sflag:$0x2] =	stream.linear.gather [hbm4b:s28+s29], $0x80, $0x38;
	[tilespmem:$0x1A010] =	vst v63  }
0x20: {  	_ =	swait.ge [sflag:s17], $0x80  }
0x21: {  	[sflag:s17] =	ssyncset.done $0x0  }
0x22: {  	s26 =	sadd.s32 s5, s26;
	[sflag:s17] =	ssyncadd.s32 $0xFFFFFF80  }
0x23: {  	[tilespmem:s19], [sflag:$0x2] =	stream.linear.gather [hbm4b:s26+s29], $0x80, $0x38;
	[tilespmem:$0x1A010] =	vst v63  }
0x24: {  	_ =	swait.ge [sflag:s17], $0x80  }
0x25: {  	[sflag:s17] =	ssyncset.done $0x0  }
0x26: {  	[sflag:s17] =	ssyncadd.s32 $0xFFFFFF80  }
0x27: {  	[tilespmem:s20], [sflag:$0x1] =	stream.indirect.gather [hbm4b:s6+s19], $0x10, s29, s19, $0xb8;
	[tilespmem:$0x1A010] =	vst v63  }
0x28: {  	_ = 	snop  }
0x29: {  	[tilespmem:s21], [sflag:$0x1] =	stream.indirect.gather [hbm4b:s7+s19], $0x10, s19, s19, $0xb8;
	[tilespmem:$0x1A010] =	vst v63  }
0x2a: {  	_ =	swait.ge [sflag:s22], $0x800  }
0x2b: {  	[sflag:s22] =	ssyncset.done $0x0  }
0x2c: {  	[sflag:s22] =	ssyncadd.s32 $0xFFFFF800  }
0x2d: {  	_ =	swait.ge [sflag:s22], $0x800  }
0x2e: {  	[sflag:s22] =	ssyncset.done $0x0  }
0x2f: {  	s26 =	simm.s32 $0x0;
	[sflag:s22] =	ssyncadd.s32 $0xFFFFF800  }
0x30: {  	v3 =	vld [tilespmem:s26+$0x100]  }
0x31: {  	v4 =	vld [tilespmem:s26+$0x900];
	_ =	sdelay $0x1  }
0x32: {  	s28 =	simm.s32 $0x10  }
0x33: {  	v5 =	vld [tilespmem:s28+$0x100]  }
0x34: {  	v6 =	vld [tilespmem:s28+$0x900]  }
0x35: {  	v2 =	vld [tilespmem:$0x1900];
	v3 =	vadd.f32 v4, v3;
	_ =	sdelay $0x1  }
0x36: {  	v7 =	vmul.f32 $2.000000030e-01, v3  }
0x37: {  	vm0 =	vgt.f32 v3, $0.0e+00  }
0x38: {  	v5 =	vadd.f32 v6, v5;
	v3 =	vsel vm0, v3, v7  }
0x39: {  	s29 =	simm.s32 $0x20;
	v3 =	vsub.f32 v3, v2  }
0x3a: {  	v4 =	vld [tilespmem:s29+$0x100];
	v8 =	vmul.f32 $2.000000030e-01, v5  }
0x3b: {  	v6 =	vld [tilespmem:s29+$0x900];
	vm14 =	vgt.f32 v5, $0.0e+00;
	v3 =	vmul.f32 $1.442695020e+00, v3  }
0x3c: {  	v5 =	vsel vm14, v5, v8  }
0x3d: {  	v5 =	vsub.f32 v5, v2;
	(erf) = vpow2.f32 v3;
	_ =	sdelay $0x1  }
0x3e: {  	s30 =	simm.s32 $0x30;
	v5 =	vmul.f32 $1.442695020e+00, v5  }
0x3f: {  	v6 =	vadd.f32 v6, v4;
	v4 =	vld [tilespmem:s30+$0x900]  }
0x40: {  	v3 =	vld [tilespmem:s30+$0x100];
	(erf) = vpow2.f32 v5  }
0x41: {  	v7 =	vmul.f32 $2.000000030e-01, v6  }
0x42: {  	vm15 =	vgt.f32 v6, $0.0e+00  }
0x43: {  	s31 =	simm.s32 $0x100;
	v5 =	vsel vm15, v6, v7  }
.LBB2_3:
0x44: {  	s0 =	sshra.s32 s31, $0x2;
	v5 =	vsub.f32 v5, v2;
	p0 =	sne.s32 s31, $0x1FC0  }
.Ltmp0:
0x45: {  	s31 =	sadd.s32 $0x40, s31;
	v6 =	vadd.f32 v4, v3;
	v3 =	vld [tilespmem:s0+$0x100];
	v7 =	vpop (erf);
	(pc) =	sbr.rel @p0 .LBB2_3-.Ltmp0, $4  }
0x46: {  	v4 =	vld [tilespmem:s0+$0x900];
	v5 =	vmul.f32 $1.442695020e+00, v5;
	[tilespmem:s26+$0x1100] =	vst v7;
	s26 =	smov.u32 s28;
	s28 =	smov.u32 s29;
	s29 =	smov.u32 s30  }
0x47: {  	s30 =	smov.u32 s0;
	v7 =	vmul.f32 $2.000000030e-01, v6  }
0x48: {  	vm0 =	vgt.f32 v6, $0.0e+00;
	(erf) = vpow2.f32 v5  }
0x49: {  	v5 =	vsel vm0, v6, v7  }
0x4a: {  	_ = 	snop  }
0x4b: {  	v3 =	vadd.f32 v4, v3;
	_ =	sdelay $0x1  }
0x4c: {  	v4 =	vmul.f32 $2.000000030e-01, v3  }
0x4d: {  	vm0 =	vgt.f32 v3, $0.0e+00  }
0x4e: {  	v5 =	vsub.f32 v5, v2;
	v3 =	vsel vm0, v3, v4  }
0x4f: {  	v2 =	vsub.f32 v3, v2  }
0x50: {  	v3 =	vmul.f32 $1.442695020e+00, v5  }
0x51: {  	v2 =	vmul.f32 $1.442695020e+00, v2  }
0x52: {  	(erf) = vpow2.f32 v3  }
0x53: {  	(erf) = vpow2.f32 v2;
	_ =	sdelay $0x5  }
0x54: {  	v2 =	vpop (erf)  }
0x55: {  	v3 =	vpop (erf);
	[tilespmem:s26+$0x1100] =	vst v2  }
0x56: {  	s25 =	sadd.s32 $0x1, s25;
	[tilespmem:s28+$0x1100] =	vst v3;
	v2 =	vpop (erf)  }
0x57: {  	p0 =	sne.s32 s25, $0x186;
	[tilespmem:s29+$0x1100] =	vst v2;
	v2 =	vpop (erf)  }
.Ltmp1:
0x58: {  	[tilespmem:s30+$0x1100] =	vst v2;
	(pc) =	sbr.rel @p0 .LBB2_2-.Ltmp1, $4  }
0x59: {  	[spmem:s2] =	stream.indirect.scatter.add.f32 [tilespmem:s23], [sflag:$0x2], $0x10, s19, s19, $0xb8;
	[tilespmem:$0x1A010] =	vst v63  }
0x5a: {  	_ =	swait.ge [sflag:s17], $0x800  }
0x5b: {  	[sflag:s17] =	ssyncset.done $0x0  }
0x5c: {  	[sflag:s17] =	ssyncadd.s32 $0xFFFFF800  }
0x5d: {  	s0 =	simm.s32 $0x0  }
0x5e: {  	[tilespmem:s0], [sflag:$0x2] =	stream.linear.gather [hbm4b:s12+s0], $0x50, $0x38;
	[tilespmem:$0x1A010] =	vst v63  }
0x5f: {  	_ =	swait.ge [sflag:s17], $0x50  }
0x60: {  	[sflag:s17] =	ssyncset.done $0x0  }
0x61: {  	[sflag:s17] =	ssyncadd.s32 $0xFFFFFFB0  }
0x62: {  	[tilespmem:s19], [sflag:$0x2] =	stream.linear.gather [hbm4b:s13+s0], $0x50, $0x38;
	[tilespmem:$0x1A010] =	vst v63  }
0x63: {  	_ =	swait.ge [sflag:s17], $0x50  }
0x64: {  	[sflag:s17] =	ssyncset.done $0x0  }
0x65: {  	[sflag:s17] =	ssyncadd.s32 $0xFFFFFFB0  }
0x66: {  	[tilespmem:$0x50] =	vst v0  }
0x67: {  	[tilespmem:$0xD0] =	vst v1  }
0x68: {  	[tilespmem:$0x60] =	vst v0  }
0x69: {  	[tilespmem:$0xE0] =	vst v1  }
0x6a: {  	[tilespmem:$0x70] =	vst v0  }
0x6b: {  	[tilespmem:$0xF0] =	vst v1  }
0x6c: {  	[tilespmem:s20], [sflag:$0x1] =	stream.indirect.gather [hbm4b:s6+s19], $0x10, s0, s19, $0xb8;
	[tilespmem:$0x1A010] =	vst v63  }
0x6d: {  	_ = 	snop  }
0x6e: {  	[tilespmem:s21], [sflag:$0x1] =	stream.indirect.gather [hbm4b:s7+s19], $0x10, s19, s19, $0xb8;
	[tilespmem:$0x1A010] =	vst v63  }
0x6f: {  	_ =	swait.ge [sflag:s22], $0x800  }
0x70: {  	[sflag:s22] =	ssyncset.done $0x0  }
0x71: {  	[sflag:s22] =	ssyncadd.s32 $0xFFFFF800  }
0x72: {  	_ =	swait.ge [sflag:s22], $0x800  }
0x73: {  	[sflag:s22] =	ssyncset.done $0x0  }
0x74: {  	s25 =	simm.s32 $0x0;
	[sflag:s22] =	ssyncadd.s32 $0xFFFFF800  }
0x75: {  	v3 =	vld [tilespmem:s25+$0x100]  }
0x76: {  	v4 =	vld [tilespmem:s25+$0x900];
	_ =	sdelay $0x1  }
0x77: {  	s26 =	simm.s32 $0x10  }
0x78: {  	v5 =	vld [tilespmem:s26+$0x100]  }
0x79: {  	v6 =	vld [tilespmem:s26+$0x900]  }
0x7a: {  	v2 =	vld [tilespmem:$0x1900];
	v3 =	vadd.f32 v4, v3;
	_ =	sdelay $0x1  }
0x7b: {  	v7 =	vmul.f32 $2.000000030e-01, v3  }
0x7c: {  	vm0 =	vgt.f32 v3, $0.0e+00  }
0x7d: {  	v5 =	vadd.f32 v6, v5;
	v3 =	vsel vm0, v3, v7  }
0x7e: {  	s28 =	simm.s32 $0x20;
	v3 =	vsub.f32 v3, v2  }
0x7f: {  	v4 =	vld [tilespmem:s28+$0x100];
	v8 =	vmul.f32 $2.000000030e-01, v5  }
0x80: {  	v6 =	vld [tilespmem:s28+$0x900];
	vm14 =	vgt.f32 v5, $0.0e+00;
	v3 =	vmul.f32 $1.442695020e+00, v3  }
0x81: {  	v5 =	vsel vm14, v5, v8  }
0x82: {  	v5 =	vsub.f32 v5, v2;
	(erf) = vpow2.f32 v3;
	_ =	sdelay $0x1  }
0x83: {  	s29 =	simm.s32 $0x30;
	v5 =	vmul.f32 $1.442695020e+00, v5  }
0x84: {  	v6 =	vadd.f32 v6, v4;
	v4 =	vld [tilespmem:s29+$0x900]  }
0x85: {  	v3 =	vld [tilespmem:s29+$0x100];
	(erf) = vpow2.f32 v5  }
0x86: {  	v7 =	vmul.f32 $2.000000030e-01, v6  }
0x87: {  	vm15 =	vgt.f32 v6, $0.0e+00  }
0x88: {  	s30 =	simm.s32 $0x100;
	v5 =	vsel vm15, v6, v7  }
.LBB2_6:
0x89: {  	s0 =	sshra.s32 s30, $0x2;
	v5 =	vsub.f32 v5, v2;
	p0 =	sne.s32 s30, $0x1FC0  }
.Ltmp2:
0x8a: {  	s30 =	sadd.s32 $0x40, s30;
	v6 =	vadd.f32 v4, v3;
	v3 =	vld [tilespmem:s0+$0x100];
	v7 =	vpop (erf);
	(pc) =	sbr.rel @p0 .LBB2_6-.Ltmp2, $4  }
0x8b: {  	v4 =	vld [tilespmem:s0+$0x900];
	v5 =	vmul.f32 $1.442695020e+00, v5;
	[tilespmem:s25+$0x1100] =	vst v7;
	s25 =	smov.u32 s26;
	s26 =	smov.u32 s28;
	s28 =	smov.u32 s29  }
0x8c: {  	s29 =	smov.u32 s0;
	v7 =	vmul.f32 $2.000000030e-01, v6  }
0x8d: {  	vm0 =	vgt.f32 v6, $0.0e+00;
	(erf) = vpow2.f32 v5  }
0x8e: {  	v5 =	vsel vm0, v6, v7  }
0x8f: {  	_ = 	snop  }
0x90: {  	v3 =	vadd.f32 v4, v3;
	_ =	sdelay $0x1  }
0x91: {  	v4 =	vmul.f32 $2.000000030e-01, v3  }
0x92: {  	vm0 =	vgt.f32 v3, $0.0e+00  }
0x93: {  	v5 =	vsub.f32 v5, v2;
	v3 =	vsel vm0, v3, v4  }
0x94: {  	v2 =	vsub.f32 v3, v2  }
0x95: {  	v3 =	vmul.f32 $1.442695020e+00, v5  }
0x96: {  	v2 =	vmul.f32 $1.442695020e+00, v2  }
0x97: {  	(erf) = vpow2.f32 v3  }
0x98: {  	(erf) = vpow2.f32 v2;
	_ =	sdelay $0x5  }
0x99: {  	v2 =	vpop (erf)  }
0x9a: {  	v3 =	vpop (erf);
	[tilespmem:s25+$0x1100] =	vst v2  }
0x9b: {  	[tilespmem:s26+$0x1100] =	vst v3;
	v2 =	vpop (erf)  }
0x9c: {  	[tilespmem:s28+$0x1100] =	vst v2;
	v2 =	vpop (erf)  }
0x9d: {  	[tilespmem:s29+$0x1100] =	vst v2  }
0x9e: {  	[spmem:s2] =	stream.indirect.scatter.add.f32 [tilespmem:s23], [sflag:$0x2], $0x10, s19, s19, $0xb8;
	[tilespmem:$0x1A010] =	vst v63  }
0x9f: {  	_ =	swait.ge [sflag:s17], $0x800  }
0xa0: {  	s24 =	sadd.s32 $0x1, s24;
	[sflag:s17] =	ssyncset.done $0x0  }
0xa1: {  	p0 =	sne.s32 s24, s15;
	[sflag:s17] =	ssyncadd.s32 $0xFFFFF800  }
.Ltmp3:
0xa2: {  	[bflag:$0x0] =	sbarrier.arrive $0xFFFF;
	(pc) =	sbr.rel @p0 .LBB2_1-.Ltmp3, $4  }
0xa3: {  	[hbm:s14], [sflag:s11] =	dma.local [spmem:s16], $0x30E0  }
0xa4: {  	_ =	swait.ge [sflag:s17], $0x30E0  }
0xa5: {  	[sflag:s17] =	ssyncset.done $0x0  }
0xa6: {  	[sflag:s17] =	ssyncadd.s32 $0xFFFFCF20  }
0xa7: {  	_ =	sfence.sel $0x180000  }
0xa8: {  	[bflag:$0x0] =	sbarrier.arrive $0xFFFF  }
0xa9: {  	_ =	strace $0x90000050  }
0xaa: {  	[bflag:$0x2] =	sbarrier.arrive $0xFFFF  }
0xab: {  	p0 =	sne.s32 s1, $0x0;
	s0 =	rddreg [dreg:$0x3]  }
0xac: {  	s0 =	sadd.s32 @!p0 $0x100000, s0  }
0xad: {  	[sflag:s0] =	ssyncadd.tile.s32 @!p0 $0x1;
	_ =	shalt  }
.Lfunc_end2:
_tile_overlayer_lowered:
.L_overlay_start_2:
0xae: {  	(tag) =	ssettag $0x2  }
0xaf: {  	s0 =	rddreg [dreg:$0x0];
	s2 =	stileid.u32  }
0xb0: {  	s1 =	rddreg [dreg:$0x1];
	p0 =	sne.s32 s2, $0x0  }
0xb1: {  	s3 =	rddreg [dreg:$0x2];
	[bflag:$0x3] =	sbarrier.arrive $0xFFFF;
	s2 =	simm.s32 @!p0 $0x1C02  }
0xb2: {  	[timem:s3], [sflag:s2] =	dma.local @!p0 [hbm:s0], s1  }
0xb3: {  	s0 =	simm.s32 @!p0 $0x2  }
0xb4: {  	_ =	swait.ge @!p0 [sflag:s0], s1  }
0xb5: {  	s1 =	ssub.s32 @!p0 $0x0, s1;
	[sflag:s0] =	ssyncset.done @!p0 $0x0  }
0xb6: {  	[sflag:s0] =	ssyncadd.s32 @!p0 s1  }
0xb7: {  	[bflag:$0x3] =	sbarrier.arrive $0xFFFF  }
0xb8: {  	_ =	shalt  }

// kernel: kernel.14.cloned.1.call-start
scs
__scs_entry_jumppad:
0x0: {  	(pc) =	sbr.rel $0x88, $3  }
0x1: {  	(tag) =	ssettag $0x0;
	lr =	simm.s32 $0x1  }
0x2: {  	[smem:$0x3F94] =	sst lr;
	_ =	strace $0xD0000000  }
0x3: {  	_ = 	snop  }
0x4: {  	_ = 	snop  }
0x5: {  	_ = 	snop  }
0x6: {  	_ = 	snop  }
0x7: {  	_ = 	snop  }
__scs_overlays_trampoline_lowered:
0x8: {  	[smem:$0x3FA3] =	sst s0  }
0x9: {  	[smem:$0x3FA4] =	sst s1  }
0xa: {  	[smem:$0x3FA5] =	sst s2  }
0xb: {  	[smem:$0x3FA6] =	sst s3  }
0xc: {  	[smem:$0x3FA7] =	sst s4  }
0xd: {  	[smem:$0x3FA8] =	sst s5  }
0xe: {  	[smem:$0x3FA9] =	sst s6  }
0xf: {  	[smem:$0x3FAA] =	sst s7  }
0x10: {  	[smem:$0x3FAB] =	sst s8  }
0x11: {  	[smem:$0x3FAC] =	sst s9;
	s0 =	simm.s32 @!p0 $0x0  }
0x12: {  	s1 =	sld [smem:$0x3F92];
	s0 =	simm.s32 @p0 $0x1  }
0x13: {  	[smem:$0x3FAD] =	sst s0;
	s0 =	simm.s32 @!p1 $0x0  }
0x14: {  	s2 =	sld [smem:$0x3F91];
	s0 =	simm.s32 @p1 $0x1  }
0x15: {  	[smem:$0x3FAE] =	sst s0;
	s0 =	simm.s32 @!p2 $0x0  }
0x16: {  	s3 =	sld [smem:$0x3FDB];
	s0 =	simm.s32 @p2 $0x1  }
0x17: {  	s4 =	simm.s32 $0x1BF5;
	[smem:$0x3FB0] =	sst s0  }
0x18: {  	s0 =	sld [smem:$0x3F93];
	_ =	swait.ge [sflag:s4], $0x0  }
0x19: {  	s7 =	sld [smem:$0x3F94]  }
0x1a: {  	s8 =	sadd.s32 $0xFFFFE003, lr  }
0x1b: {  	s9 =	sadd.s32 $0xFFFFFEF7, lr;
	s5 =	simm.s32 $0xFFFFFFFF;
	p2 =	slt.u32 s8, $0xFFFFF086  }
0x1c: {  	p1 =	slt.u32 s9, $0xF7A;
	s5 =	simm.s32 @!p2 $0x0  }
0x1d: {  	s5 =	simm.s32 @p1 $0x1;
	p0 =	seq.s32 s7, s2  }
0x1e: {  	s7 =	smul.u32 @!p0 $0xF7A, s2;
	p2 =	seq.s32 @!p0 s5, $0x0  }
0x1f: {  	s9 =	smul.u32 $0xF7A, s1;
	s8 =	simm.s32 @!p0 $0x1BF5;
	p2 =	por !p2, p0  }
0x20: {  	[sflag:s8] =	ssyncset.s32 @!p0 $0xFFFFF086;
	s6 =	sadd.s32 @!p0 s3, s7;
	s7 =	simm.s32 @!p0 $0x108  }
0x21: {  	s3 =	sadd.s32 s3, s9;
	s6 =	sadd.s32 @!p0 $0x88, s6;
	s7 =	simm.s32 @p2 $0x1082  }
0x22: {  	[simem:s7], [sflag:s8] =	dma.local @!p0 [hbm:s6], $0xF7A  }
0x23: {  	s9 =	sor.u32 $0xD0000000, s2;
	s6 =	simm.s32 $0x108;
	_ =	swait.ge @!p0 [sflag:s8], $0x0  }
0x24: {  	s3 =	sadd.s32 $0x88, s3;
	s6 =	simm.s32 @!p1 $0x1082;
	[sflag:s4] =	ssyncset.s32 $0xFFFFF086  }
0x25: {  	[simem:s6], [sflag:s4] =	dma.local [hbm:s3], $0xF7A  }
0x26: {  	[smem:$0x3F94] =	sst s1;
	(tag) =	ssettag s2;
	_ =	strace s9  }
0x27: {  	s1 =	sld [smem:$0x3FA4]  }
0x28: {  	s2 =	sld [smem:$0x3FA5]  }
0x29: {  	s4 =	sld [smem:$0x3FA7]  }
0x2a: {  	p0 =	seq.s32 s5, $0x0;
	s5 =	sld [smem:$0x3FA8]  }
0x2b: {  	s6 =	sld [smem:$0x3FA9]  }
0x2c: {  	s7 =	sld [smem:$0x3FAA]  }
0x2d: {  	s3 =	simm.s32 $0x108;
	s8 =	sld [smem:$0x3FAB]  }
0x2e: {  	s3 =	simm.s32 @!p0 $0x1082;
	s9 =	sld [smem:$0x3FAC]  }
0x2f: {  	lr =	sadd.s32 s0, s3;
	s0 =	sld [smem:$0x3FA3]  }
0x30: {  	s3 =	sld [smem:$0x3FA6]  }
0x31: {  	[smem:$0x3FAF] =	sst s10  }
0x32: {  	s10 =	sld [smem:$0x3FAD];
	_ =	sdelay $0x3  }
0x33: {  	p0 =	seq.s32 s10, $0x1;
	s10 =	sld [smem:$0x3FAF];
	_ =	sdelay $0x3  }
0x34: {  	[smem:$0x3FAF] =	sst s10  }
0x35: {  	s10 =	sld [smem:$0x3FAE];
	_ =	sdelay $0x3  }
0x36: {  	p1 =	seq.s32 s10, $0x1;
	s10 =	sld [smem:$0x3FAF];
	_ =	sdelay $0x3  }
0x37: {  	[smem:$0x3FAF] =	sst s10  }
0x38: {  	s10 =	sld [smem:$0x3FB0]  }
0x39: {  	_ = 	snop;
	(pc) =	sbr.ind lr, $3  }
0x3a: {  	_ = 	snop  }
0x3b: {  	_ = 	snop  }
0x3c: {  	p2 =	seq.s32 s10, $0x1;
	s10 =	sld [smem:$0x3FAF]  }
0x3d: {  	_ =	shalt  }
0x3e: {  	_ =	shalt  }
0x3f: {  	_ =	shalt  }
0x40: {  	_ =	shalt  }
0x41: {  	_ =	shalt  }
0x42: {  	_ =	shalt  }
0x43: {  	_ =	shalt  }
0x44: {  	_ =	shalt  }
0x45: {  	_ =	shalt  }
0x46: {  	_ =	shalt  }
0x47: {  	_ =	shalt  }
0x48: {  	_ =	shalt  }
0x49: {  	_ =	shalt  }
0x4a: {  	_ =	shalt  }
0x4b: {  	_ =	shalt  }
0x4c: {  	_ =	shalt  }
0x4d: {  	_ =	shalt  }
0x4e: {  	_ =	shalt  }
0x4f: {  	_ =	shalt  }
0x50: {  	_ =	shalt  }
0x51: {  	_ =	shalt  }
0x52: {  	_ =	shalt  }
0x53: {  	_ =	shalt  }
0x54: {  	_ =	shalt  }
0x55: {  	_ =	shalt  }
0x56: {  	_ =	shalt  }
0x57: {  	_ =	shalt  }
0x58: {  	_ =	shalt  }
0x59: {  	_ =	shalt  }
0x5a: {  	_ =	shalt  }
0x5b: {  	_ =	shalt  }
0x5c: {  	_ =	shalt  }
0x5d: {  	_ =	shalt  }
0x5e: {  	_ =	shalt  }
0x5f: {  	_ =	shalt  }
0x60: {  	_ =	shalt  }
0x61: {  	_ =	shalt  }
0x62: {  	_ =	shalt  }
0x63: {  	_ =	shalt  }
0x64: {  	_ =	shalt  }
0x65: {  	_ =	shalt  }
0x66: {  	_ =	shalt  }
0x67: {  	_ =	shalt  }
0x68: {  	_ =	shalt  }
0x69: {  	_ =	shalt  }
0x6a: {  	_ =	shalt  }
0x6b: {  	_ =	shalt  }
0x6c: {  	_ =	shalt  }
0x6d: {  	_ =	shalt  }
0x6e: {  	_ =	shalt  }
0x6f: {  	_ =	shalt  }
0x70: {  	_ =	shalt  }
0x71: {  	_ =	shalt  }
0x72: {  	_ =	shalt  }
0x73: {  	_ =	shalt  }
0x74: {  	_ =	shalt  }
0x75: {  	_ =	shalt  }
0x76: {  	_ =	shalt  }
0x77: {  	_ =	shalt  }
0x78: {  	_ =	shalt  }
0x79: {  	_ =	shalt  }
0x7a: {  	_ =	shalt  }
0x7b: {  	_ =	shalt  }
0x7c: {  	_ =	shalt  }
0x7d: {  	_ =	shalt  }
0x7e: {  	_ =	shalt  }
0x7f: {  	_ =	shalt  }
0x80: {  	_ =	shalt  }
0x81: {  	_ =	shalt  }
0x82: {  	_ =	shalt  }
0x83: {  	_ =	shalt  }
0x84: {  	_ =	shalt  }
0x85: {  	_ =	shalt  }
0x86: {  	_ =	shalt  }
0x87: {  	_ =	shalt  }
.Lfunc_end0:
.L_simem_size_0:
called_computation.1_lowered:
.L_overlay_start_0:
0x88: {  	s2 =	sld [smem:$0x3FD9]  }
0x89: {  	s3 =	sld [smem:$0x3FFE];
	_ =	sdelay $0x1  }
0x8a: {  	s1 =	srdreg.scid  }
0x8b: {  	s0 =	sand.u32 $0x1, s1  }
0x8c: {  	s17 =	sshll.u32 s0, $0xA;
	s2 =	sadd.s32 s3, s2  }
0x8d: {  	s2 =	sadd.s32 s2, s17  }
0x8e: {  	[smem:$0x3FBB] =	sst s2  }
0x8f: {  	_ = 	snop  }
0x90: {  	s2 =	sld [smem:$0x3FD0];
	(tm) =	ssettm $0x1  }
0x91: {  	s18 =	sld [smem:$0x3FFB];
	_ =	sdelay $0x3  }
0x92: {  	_ =	strace s18  }
0x93: {  	s3 =	sld [smem:$0x3FFC];
	_ =	sdelay $0x3  }
0x94: {  	_ =	strace s3  }
0x95: {  	s3 =	sld [smem:$0x3FFD];
	_ =	sdelay $0x3  }
0x96: {  	_ =	strace s3  }
0x97: {  	_ =	strace $0x8FFFFFFF  }
0x98: {  	s19 =	sld [smem:$0x3FDB];
	_ =	sdelay $0x1  }
0x99: {  	s4 =	simm.s32 $_scs_section_size  }
0x9a: {  	s5 =	simm.s32 $_size__tile_overlayer_lowered;
	s6 =	simm.s32 $_tile_overlayer_lowered  }
0x9b: {  	s22 =	simm.s32 $0x1BFF;
	s21 =	sshll.u32 s6, $0x1;
	s3 =	sadd.s32 s4, s19  }
0x9c: {  	s7 =	simm.s32 $0x0;
	s20 =	sshll.u32 s5, $0x1;
	s5 =	sadd.s32 s21, s3  }
0x9d: {  	[timem:s7], [sflag:s22] =	dma.local [hbm:s5], s20  }
0x9e: {  	_ =	swait.ge [sflag:s22], s20  }
0x9f: {  	s4 =	ssub.s32 $0x0, s20;
	[sflag:s22] =	ssyncset.done $0x0  }
0xa0: {  	[sflag:s22] =	ssyncadd.s32 s4;
	_ =	sdelay $0x1  }
0xa1: {  	s23 =	simm.s32 $0x1B8B  }
0xa2: {  	_ =	swait.ge [sflag:s23], $0x1  }
0xa3: {  	[sflag:s23] =	ssyncset.done $0x0  }
0xa4: {  	s25 =	simm.s32 $0x1B8E;
	s24 =	sld [smem:$0x3FFE];
	[sflag:s23] =	ssyncadd.s32 $0xFFFFFFFF  }
0xa5: {  	s26 =	simm.s32 $execute0_lowered;
	[smem:$0x3FD2] =	sst s25  }
0xa6: {  	s5 =	sshll.u32 s26, $0x1;
	_ =	strace $0x80000046;
	[dreg:$0x1] =	wrdreg $0xFFFFFFFF  }
0xa7: {  	s28 =	simm.s32 $_size_execute0_lowered;
	s3 =	sadd.s32 s3, s5;
	[dreg:$0x0] =	wrdreg $0x0  }
0xa8: {  	s5 =	sshll.u32 s28, $0x1;
	[dreg:$0x2] =	wrdreg s3  }
0xa9: {  	[dreg:$0x3] =	wrdreg s5  }
0xaa: {  	[dreg:$0x4] =	wrdreg $0xC0  }
0xab: {  	_ =	task [dreg:s7], $0x5FFFF  }
0xac: {  	[dreg:$0x1] =	wrdreg $0xFFFFFFFF  }
0xad: {  	[dreg:$0x0] =	wrdreg $0x60  }
0xae: {  	[dreg:$0x2] =	wrdreg s24  }
0xaf: {  	[dreg:$0x3] =	wrdreg s2  }
0xb0: {  	[dreg:$0x4] =	wrdreg $0x21100  }
0xb1: {  	[dreg:$0x5] =	wrdreg $0xA  }
0xb2: {  	_ =	task.clear_ibuf [dreg:s7], $0x6FFFF;
	_ =	strace $0x90000046  }
0xb3: {  	s29 =	simm.s32 $0xA;
	_ =	strace $0x80000048  }
0xb4: {  	_ =	swait.ge [sflag:s29], $0x1  }
0xb5: {  	[sflag:s29] =	ssyncadd.s32 $0xFFFFFFFF  }
0xb6: {  	_ =	strace $0x90000048  }
0xb7: {  	_ =	sfence  }
0xb8: {  	s30 =	sld [smem:$0x0];
	_ =	sdelay $0x2  }
0xb9: {  	s31 =	sshll.u32 s1, $0xD;
	s1 =	sshrl.u32 s1, $0x2  }
0xba: {  	s3 =	sand.u32 $0x4000, s31;
	s1 =	sadd.s32 s1, s30  }
0xbb: {  	s0 =	sor.u32 s3, s0;
	s1 =	sshll.u32 s1, $0x11  }
0xbc: {  	s0 =	sor.u32 s1, s0  }
0xbd: {  	s0 =	sadd.s32 $0x8F2B, s0  }
0xbe: {  	[sflag:s0] =	ssyncadd.remote.s32 $0x1  }
0xbf: {  	_ =	sfence.sel $0xFFFF  }
0xc0: {  	[dreg:$0x0] =	wrdreg $0xFFFFFFFF;
	(pc) =	sbr.abs _section_cstart, $3  }
0xc1: {  	[dreg:$0x1] =	wrdreg $0xFFFFFFFF  }
0xc2: {  	_ =	task.clear_ibuf [dreg:s7], $0x2FFFF;
	_ =	strace $0x9FFFFFFF  }
0xc3: {  	(tm) =	ssettm $0x7FFFFFFF  }
tec
execute0_lowered:
.L_overlay_start_1:
0x0: {  	(tag) =	ssettag $0x1  }
0x1: {  	s0 =	rddreg [dreg:$0x0]  }
0x2: {  	s2 =	rddreg [dreg:$0x1]  }
0x3: {  	s1 =	rddreg [dreg:$0x2];
	s3 =	simm.s32 $0x0;
	s5 =	srdreg.scid  }
0x4: {  	s26 =	stileid.u32;
	s18 =	simm.s32 $0x2;
	s19 =	simm.s32 $0x2100  }
0x5: {  	s20 =	simm.s32 $0x80;
	s21 =	simm.s32 $0x100;
	s22 =	simm.s32 $0x900  }
0x6: {  	s23 =	simm.s32 $0x1100;
	s24 =	simm.s32 $0x1;
	s25 =	simm.s32 $0x1900  }
0x7: {  	[smem:$0x7FF] =	sst s3;
	s4 =	sadd.s32 $0xC6E00, s0;
	s9 =	sand.u32 $0x1, s5  }
0x8: {  	s11 =	smul.u32 $0x18700, s26;
	s5 =	sadd.s32 $0x96000, s0;
	s6 =	sadd.s32 $0x65200, s0  }
0x9: {  	s7 =	sadd.s32 $0x34400, s0;
	s8 =	sadd.s32 $0x3600, s0;
	s12 =	sshll.u32 s26, $0x1  }
0xa: {  	s30 =	sshll.u32 s26, $0x6;
	s26 =	simm.s32 $0x0;
	_ =	strace $0x80000047  }
0xb: {  	s10 =	smul.u32 $0x187000, s9;
	s13 =	ssub.s32 $0x2, s9;
	s9 =	sor.u32 s9, s12  }
0xc: {  	s12 =	sor.u32 $0x1C02, s30;
	s14 =	sshrl.u32 s13, $0x1;
	s9 =	smul.u32 $0xC350, s9  }
0xd: {  	s17 =	sadd.s32 s11, s1;
	s10 =	sadd.s32 s11, s10;
	s16 =	ssub.s32 s13, s14  }
0xe: {  	s11 =	sshrl.u32 s11, $0x3;
	s17 =	sshrl.u32 s17, $0x3;
	s28 =	sshrl.u32 s10, $0x3  }
0xf: {  	s10 =	sadd.s32 $0xF7C00, s0;
	s29 =	sshrl.u32 s9, $0x3;
	s11 =	sadd.s32 s2, s11  }
0x10: {  	s16 =	smax.u32 s16, $0x1;
	s0 =	sadd.s32 s28, s0;
	s31 =	sadd.s32 $0x1860, s29  }
0x11: {  	v0 =	vimm.s32 $0x0;
	v1 =	vimm.s32 $0x186A0;
	s13 =	sadd.s32 s4, s31;
	s14 =	sadd.s32 s5, s31;
	s15 =	sadd.s32 $0xF7E00, s0  }
.LBB2_1:
0x12: {  	[spmem:s17], [sflag:s12] =	dma.local [hbm:s11], $0x30E0  }
0x13: {  	_ =	swait.ge [sflag:s18], $0x30E0  }
0x14: {  	[sflag:s18] =	ssyncset.done $0x0  }
0x15: {  	s0 =	simm.s32 $0x0;
	[sflag:s18] =	ssyncadd.s32 $0xFFFFCF20  }
0x16: {  	[tilespmem:s19], [sflag:$0x2] =	stream.linear.gather [hbm4b:s10+s0], $0x10, $0x38;
	[tilespmem:$0x1A810] =	vst v63  }
0x17: {  	_ =	swait.ge [sflag:s18], $0x10  }
0x18: {  	[sflag:s18] =	ssyncset.done $0x0  }
0x19: {  	[sflag:s18] =	ssyncadd.s32 $0xFFFFFFF0  }
0x1a: {  	s28 =	simm.s32 $0x0;
	[bflag:$0x0] =	sbarrier.arrive $0xFFFF  }
.LBB2_2:
0x1b: {  	s0 =	sshll.u32 s28, $0x7  }
0x1c: {  	s0 =	sadd.s32 s9, s0  }
0x1d: {  	s0 =	sshrl.u32 s0, $0x3  }
0x1e: {  	s29 =	simm.s32 $0x0;
	s2 =	sadd.s32 s4, s0  }
0x1f: {  	[tilespmem:s29], [sflag:$0x2] =	stream.linear.gather [hbm4b:s2+s29], $0x80, $0x38;
	[tilespmem:$0x1A810] =	vst v63  }
0x20: {  	_ =	swait.ge [sflag:s18], $0x80  }
0x21: {  	[sflag:s18] =	ssyncset.done $0x0  }
0x22: {  	s0 =	sadd.s32 s5, s0;
	[sflag:s18] =	ssyncadd.s32 $0xFFFFFF80  }
0x23: {  	[tilespmem:s20], [sflag:$0x2] =	stream.linear.gather [hbm4b:s0+s29], $0x80, $0x38;
	[tilespmem:$0x1A810] =	vst v63  }
0x24: {  	_ =	swait.ge [sflag:s18], $0x80  }
0x25: {  	[sflag:s18] =	ssyncset.done $0x0  }
0x26: {  	[sflag:s18] =	ssyncadd.s32 $0xFFFFFF80  }
0x27: {  	[tilespmem:s21], [sflag:$0x1] =	stream.indirect.gather [hbm4b:s6+s20], $0x10, s29, s20, $0xb8;
	[tilespmem:$0x1A810] =	vst v63  }
0x28: {  	_ = 	snop  }
0x29: {  	[tilespmem:s22], [sflag:$0x1] =	stream.indirect.gather [hbm4b:s7+s20], $0x10, s20, s20, $0xb8;
	[tilespmem:$0x1A810] =	vst v63  }
0x2a: {  	_ = 	snop  }
0x2b: {  	[tilespmem:s23], [sflag:$0x1] =	stream.indirect.gather [hbm4b:s8+s20], $0x10, s29, s20, $0xb8;
	[tilespmem:$0x1A810] =	vst v63  }
0x2c: {  	_ =	swait.ge [sflag:s24], $0x800  }
0x2d: {  	[sflag:s24] =	ssyncset.done $0x0  }
0x2e: {  	[sflag:s24] =	ssyncadd.s32 $0xFFFFF800  }
0x2f: {  	_ =	swait.ge [sflag:s24], $0x800  }
0x30: {  	[sflag:s24] =	ssyncset.done $0x0  }
0x31: {  	[sflag:s24] =	ssyncadd.s32 $0xFFFFF800  }
0x32: {  	_ =	swait.ge [sflag:s24], $0x800  }
0x33: {  	[sflag:s24] =	ssyncset.done $0x0  }
0x34: {  	s31 =	simm.s32 $0x0;
	[sflag:s24] =	ssyncadd.s32 $0xFFFFF800  }
0x35: {  	v3 =	vld [tilespmem:s31+$0x100]  }
0x36: {  	v4 =	vld [tilespmem:s31+$0x900];
	_ =	sdelay $0x1  }
0x37: {  	s30 =	simm.s32 $0x10  }
0x38: {  	v5 =	vld [tilespmem:s30+$0x100]  }
0x39: {  	v6 =	vld [tilespmem:s30+$0x900]  }
0x3a: {  	v2 =	vld [tilespmem:$0x2100];
	v3 =	vadd.f32 v4, v3;
	_ =	sdelay $0x1  }
0x3b: {  	v7 =	vmul.f32 $2.000000030e-01, v3  }
0x3c: {  	vm0 =	vgt.f32 v3, $0.0e+00  }
0x3d: {  	v5 =	vadd.f32 v6, v5;
	v3 =	vsel vm0, v3, v7  }
0x3e: {  	s29 =	simm.s32 $0x20;
	v3 =	vsub.f32 v3, v2  }
0x3f: {  	v4 =	vld [tilespmem:s29+$0x100];
	v8 =	vmul.f32 $2.000000030e-01, v5  }
0x40: {  	v6 =	vld [tilespmem:s29+$0x900];
	vm14 =	vgt.f32 v5, $0.0e+00;
	v3 =	vmul.f32 $1.442695020e+00, v3  }
0x41: {  	v5 =	vsel vm14, v5, v8  }
0x42: {  	v5 =	vsub.f32 v5, v2;
	(erf) = vpow2.f32 v3;
	_ =	sdelay $0x1  }
0x43: {  	s0 =	simm.s32 $0x30;
	v7 =	vmul.f32 $1.442695020e+00, v5  }
0x44: {  	v6 =	vadd.f32 v6, v4;
	v4 =	vld [tilespmem:s0+$0x100]  }
0x45: {  	v5 =	vld [tilespmem:s0+$0x900];
	(erf) = vpow2.f32 v7  }
0x46: {  	v8 =	vmul.f32 $2.000000030e-01, v6;
	v3 =	vld [tilespmem:s31+$0x1100]  }
0x47: {  	vm15 =	vgt.f32 v6, $0.0e+00  }
0x48: {  	s2 =	simm.s32 $0x100;
	v6 =	vsel vm15, v6, v8  }
.LBB2_3:
0x49: {  	s3 =	sshra.s32 s2, $0x2;
	v6 =	vsub.f32 v6, v2;
	p0 =	sne.s32 s2, $0x1FC0  }
.Ltmp0:
0x4a: {  	s2 =	sadd.s32 $0x40, s2;
	v7 =	vadd.f32 v5, v4;
	v4 =	vld [tilespmem:s3+$0x100];
	v8 =	vpop (erf);
	(pc) =	sbr.rel @p0 .LBB2_3-.Ltmp0, $4  }
0x4b: {  	v5 =	vld [tilespmem:s3+$0x900];
	v6 =	vmul.f32 $1.442695020e+00, v6;
	v8 =	vmul.f32 v8, v3  }
0x4c: {  	v9 =	vmul.f32 $2.000000030e-01, v7;
	v3 =	vld [tilespmem:s30+$0x1100]  }
0x4d: {  	vm0 =	vgt.f32 v7, $0.0e+00;
	(erf) = vpow2.f32 v6;
	[tilespmem:s31+$0x1900] =	vst v8;
	s31 =	smov.u32 s30;
	s30 =	smov.u32 s29;
	s29 =	smov.u32 s0  }
0x4e: {  	s0 =	smov.u32 s3;
	v6 =	vsel vm0, v7, v9  }
0x4f: {  	_ = 	snop  }
0x50: {  	v4 =	vadd.f32 v5, v4;
	_ =	sdelay $0x1  }
0x51: {  	v5 =	vmul.f32 $2.000000030e-01, v4  }
0x52: {  	vm0 =	vgt.f32 v4, $0.0e+00  }
0x53: {  	v4 =	vsel vm0, v4, v5  }
0x54: {  	v6 =	vsub.f32 v6, v2;
	v2 =	vsub.f32 v4, v2;
	_ =	sdelay $0x1  }
0x55: {  	v61 =	vld [tilespmem:s30+$0x1100];
	v60 =	vmul.f32 $1.442695020e+00, v6;
	v2 =	vmul.f32 $1.442695020e+00, v2;
	_ =	sdelay $0x1  }
0x56: {  	v62 =	vpop (erf);
	(erf) = vpow2.f32 v60  }
0x57: {  	(erf) = vpow2.f32 v2  }
0x58: {  	v3 =	vmul.f32 v62, v3;
	v2 =	vpop (erf)  }
0x59: {  	v2 =	vmul.f32 v2, v61  }
0x5a: {  	[tilespmem:s31+$0x1900] =	vst v3  }
0x5b: {  	v3 =	vld [tilespmem:s29+$0x1100];
	[tilespmem:s30+$0x1900] =	vst v2  }
0x5c: {  	v2 =	vld [tilespmem:s0+$0x1100];
	_ =	sdelay $0x2  }
0x5d: {  	v4 =	vpop (erf)  }
0x5e: {  	v3 =	vmul.f32 v4, v3;
	v63 =	vpop (erf)  }
0x5f: {  	s28 =	sadd.s32 $0x1, s28;
	v2 =	vmul.f32 v63, v2  }
0x60: {  	p0 =	sne.s32 s28, $0x186;
	[tilespmem:s29+$0x1900] =	vst v3  }
.Ltmp1:
0x61: {  	[tilespmem:s0+$0x1900] =	vst v2;
	(pc) =	sbr.rel @p0 .LBB2_2-.Ltmp1, $4  }
0x62: {  	[spmem:s1] =	stream.indirect.scatter.add.f32 [tilespmem:s25], [sflag:$0x2], $0x10, s20, s20, $0xb8;
	[tilespmem:$0x1A810] =	vst v63  }
0x63: {  	_ =	swait.ge [sflag:s18], $0x800  }
0x64: {  	[sflag:s18] =	ssyncset.done $0x0  }
0x65: {  	[sflag:s18] =	ssyncadd.s32 $0xFFFFF800  }
0x66: {  	s0 =	simm.s32 $0x0  }
0x67: {  	[tilespmem:s0], [sflag:$0x2] =	stream.linear.gather [hbm4b:s13+s0], $0x50, $0x38;
	[tilespmem:$0x1A810] =	vst v63  }
0x68: {  	_ =	swait.ge [sflag:s18], $0x50  }
0x69: {  	[sflag:s18] =	ssyncset.done $0x0  }
0x6a: {  	[sflag:s18] =	ssyncadd.s32 $0xFFFFFFB0  }
0x6b: {  	[tilespmem:s20], [sflag:$0x2] =	stream.linear.gather [hbm4b:s14+s0], $0x50, $0x38;
	[tilespmem:$0x1A810] =	vst v63  }
0x6c: {  	_ =	swait.ge [sflag:s18], $0x50  }
0x6d: {  	[sflag:s18] =	ssyncset.done $0x0  }
0x6e: {  	[sflag:s18] =	ssyncadd.s32 $0xFFFFFFB0  }
0x6f: {  	[tilespmem:$0x50] =	vst v0  }
0x70: {  	[tilespmem:$0xD0] =	vst v1  }
0x71: {  	[tilespmem:$0x60] =	vst v0  }
0x72: {  	[tilespmem:$0xE0] =	vst v1  }
0x73: {  	[tilespmem:$0x70] =	vst v0  }
0x74: {  	[tilespmem:$0xF0] =	vst v1  }
0x75: {  	[tilespmem:s21], [sflag:$0x1] =	stream.indirect.gather [hbm4b:s6+s20], $0x10, s0, s20, $0xb8;
	[tilespmem:$0x1A810] =	vst v63  }
0x76: {  	_ = 	snop  }
0x77: {  	[tilespmem:s22], [sflag:$0x1] =	stream.indirect.gather [hbm4b:s7+s20], $0x10, s20, s20, $0xb8;
	[tilespmem:$0x1A810] =	vst v63  }
0x78: {  	_ = 	snop  }
0x79: {  	[tilespmem:s23], [sflag:$0x1] =	stream.indirect.gather [hbm4b:s8+s20], $0x10, s0, s20, $0xb8;
	[tilespmem:$0x1A810] =	vst v63  }
0x7a: {  	_ =	swait.ge [sflag:s24], $0x800  }
0x7b: {  	[sflag:s24] =	ssyncset.done $0x0  }
0x7c: {  	[sflag:s24] =	ssyncadd.s32 $0xFFFFF800  }
0x7d: {  	_ =	swait.ge [sflag:s24], $0x800  }
0x7e: {  	[sflag:s24] =	ssyncset.done $0x0  }
0x7f: {  	[sflag:s24] =	ssyncadd.s32 $0xFFFFF800  }
0x80: {  	_ =	swait.ge [sflag:s24], $0x800  }
0x81: {  	[sflag:s24] =	ssyncset.done $0x0  }
0x82: {  	s30 =	simm.s32 $0x0;
	[sflag:s24] =	ssyncadd.s32 $0xFFFFF800  }
0x83: {  	v3 =	vld [tilespmem:s30+$0x100]  }
0x84: {  	v4 =	vld [tilespmem:s30+$0x900];
	_ =	sdelay $0x1  }
0x85: {  	s29 =	simm.s32 $0x10  }
0x86: {  	v5 =	vld [tilespmem:s29+$0x100]  }
0x87: {  	v6 =	vld [tilespmem:s29+$0x900]  }
0x88: {  	v2 =	vld [tilespmem:$0x2100];
	v3 =	vadd.f32 v4, v3;
	_ =	sdelay $0x1  }
0x89: {  	v7 =	vmul.f32 $2.000000030e-01, v3  }
0x8a: {  	vm0 =	vgt.f32 v3, $0.0e+00  }
0x8b: {  	v5 =	vadd.f32 v6, v5;
	v3 =	vsel vm0, v3, v7  }
0x8c: {  	s28 =	simm.s32 $0x20;
	v3 =	vsub.f32 v3, v2  }
0x8d: {  	v4 =	vld [tilespmem:s28+$0x100];
	v8 =	vmul.f32 $2.000000030e-01, v5  }
0x8e: {  	v6 =	vld [tilespmem:s28+$0x900];
	vm14 =	vgt.f32 v5, $0.0e+00;
	v3 =	vmul.f32 $1.442695020e+00, v3  }
0x8f: {  	v5 =	vsel vm14, v5, v8  }
0x90: {  	v5 =	vsub.f32 v5, v2;
	(erf) = vpow2.f32 v3;
	_ =	sdelay $0x1  }
0x91: {  	s0 =	simm.s32 $0x30;
	v7 =	vmul.f32 $1.442695020e+00, v5  }
0x92: {  	v6 =	vadd.f32 v6, v4;
	v4 =	vld [tilespmem:s0+$0x100]  }
0x93: {  	v5 =	vld [tilespmem:s0+$0x900];
	(erf) = vpow2.f32 v7  }
0x94: {  	v8 =	vmul.f32 $2.000000030e-01, v6;
	v3 =	vld [tilespmem:s30+$0x1100]  }
0x95: {  	vm15 =	vgt.f32 v6, $0.0e+00  }
0x96: {  	s2 =	simm.s32 $0x100;
	v6 =	vsel vm15, v6, v8  }
.LBB2_6:
0x97: {  	s3 =	sshra.s32 s2, $0x2;
	v6 =	vsub.f32 v6, v2;
	p0 =	sne.s32 s2, $0x1FC0  }
.Ltmp2:
0x98: {  	s2 =	sadd.s32 $0x40, s2;
	v7 =	vadd.f32 v5, v4;
	v4 =	vld [tilespmem:s3+$0x100];
	v8 =	vpop (erf);
	(pc) =	sbr.rel @p0 .LBB2_6-.Ltmp2, $4  }
0x99: {  	v5 =	vld [tilespmem:s3+$0x900];
	v6 =	vmul.f32 $1.442695020e+00, v6;
	v8 =	vmul.f32 v8, v3  }
0x9a: {  	v9 =	vmul.f32 $2.000000030e-01, v7;
	v3 =	vld [tilespmem:s29+$0x1100]  }
0x9b: {  	vm0 =	vgt.f32 v7, $0.0e+00;
	(erf) = vpow2.f32 v6;
	[tilespmem:s30+$0x1900] =	vst v8;
	s30 =	smov.u32 s29;
	s29 =	smov.u32 s28;
	s28 =	smov.u32 s0  }
0x9c: {  	s0 =	smov.u32 s3;
	v6 =	vsel vm0, v7, v9  }
0x9d: {  	_ = 	snop  }
0x9e: {  	v4 =	vadd.f32 v5, v4;
	_ =	sdelay $0x1  }
0x9f: {  	v5 =	vmul.f32 $2.000000030e-01, v4  }
0xa0: {  	vm0 =	vgt.f32 v4, $0.0e+00  }
0xa1: {  	v4 =	vsel vm0, v4, v5  }
0xa2: {  	v6 =	vsub.f32 v6, v2;
	v2 =	vsub.f32 v4, v2;
	_ =	sdelay $0x1  }
0xa3: {  	v61 =	vld [tilespmem:s29+$0x1100];
	v60 =	vmul.f32 $1.442695020e+00, v6;
	v2 =	vmul.f32 $1.442695020e+00, v2;
	_ =	sdelay $0x1  }
0xa4: {  	v62 =	vpop (erf);
	(erf) = vpow2.f32 v60  }
0xa5: {  	(erf) = vpow2.f32 v2  }
0xa6: {  	v3 =	vmul.f32 v62, v3;
	v2 =	vpop (erf)  }
0xa7: {  	v2 =	vmul.f32 v2, v61  }
0xa8: {  	[tilespmem:s30+$0x1900] =	vst v3  }
0xa9: {  	v3 =	vld [tilespmem:s28+$0x1100];
	[tilespmem:s29+$0x1900] =	vst v2  }
0xaa: {  	v2 =	vld [tilespmem:s0+$0x1100];
	_ =	sdelay $0x2  }
0xab: {  	v4 =	vpop (erf)  }
0xac: {  	v3 =	vmul.f32 v4, v3;
	v63 =	vpop (erf)  }
0xad: {  	v2 =	vmul.f32 v63, v2  }
0xae: {  	[tilespmem:s28+$0x1900] =	vst v3  }
0xaf: {  	[tilespmem:s0+$0x1900] =	vst v2  }
0xb0: {  	[spmem:s1] =	stream.indirect.scatter.add.f32 [tilespmem:s25], [sflag:$0x2], $0x10, s20, s20, $0xb8;
	[tilespmem:$0x1A810] =	vst v63  }
0xb1: {  	_ =	swait.ge [sflag:s18], $0x800  }
0xb2: {  	s26 =	sadd.s32 $0x1, s26;
	[sflag:s18] =	ssyncset.done $0x0  }
0xb3: {  	p0 =	sne.s32 s26, s16;
	[sflag:s18] =	ssyncadd.s32 $0xFFFFF800  }
.Ltmp3:
0xb4: {  	[bflag:$0x0] =	sbarrier.arrive $0xFFFF;
	(pc) =	sbr.rel @p0 .LBB2_1-.Ltmp3, $4  }
0xb5: {  	[hbm:s15], [sflag:s12] =	dma.local [spmem:s17], $0x30E0  }
0xb6: {  	_ =	swait.ge [sflag:s18], $0x30E0  }
0xb7: {  	[sflag:s18] =	ssyncset.done $0x0  }
0xb8: {  	[sflag:s18] =	ssyncadd.s32 $0xFFFFCF20  }
0xb9: {  	_ =	sfence.sel $0x180000  }
0xba: {  	[bflag:$0x0] =	sbarrier.arrive $0xFFFF  }
0xbb: {  	_ =	strace $0x90000047  }
0xbc: {  	s0 =	stileid.u32;
	[bflag:$0x2] =	sbarrier.arrive $0xFFFF  }
0xbd: {  	p0 =	sne.s32 s0, $0x0;
	s0 =	rddreg [dreg:$0x3]  }
0xbe: {  	s0 =	sadd.s32 @!p0 $0x100000, s0  }
0xbf: {  	[sflag:s0] =	ssyncadd.tile.s32 @!p0 $0x1;
	_ =	shalt  }
.Lfunc_end2:
_tile_overlayer_lowered:
.L_overlay_start_2:
0xc0: {  	(tag) =	ssettag $0x2  }
0xc1: {  	s0 =	rddreg [dreg:$0x0];
	s2 =	stileid.u32  }
0xc2: {  	s1 =	rddreg [dreg:$0x1];
	p0 =	sne.s32 s2, $0x0  }
0xc3: {  	s3 =	rddreg [dreg:$0x2];
	[bflag:$0x3] =	sbarrier.arrive $0xFFFF;
	s2 =	simm.s32 @!p0 $0x1C02  }
0xc4: {  	[timem:s3], [sflag:s2] =	dma.local @!p0 [hbm:s0], s1  }
0xc5: {  	s0 =	simm.s32 @!p0 $0x2  }
0xc6: {  	_ =	swait.ge @!p0 [sflag:s0], s1  }
0xc7: {  	s1 =	ssub.s32 @!p0 $0x0, s1;
	[sflag:s0] =	ssyncset.done @!p0 $0x0  }
0xc8: {  	[sflag:s0] =	ssyncadd.s32 @!p0 s1  }
0xc9: {  	[bflag:$0x3] =	sbarrier.arrive $0xFFFF  }
0xca: {  	_ =	shalt  }

// kernel: kernel.17.cloned.1.call-start
scs
__scs_entry_jumppad:
0x0: {  	(pc) =	sbr.rel $0x88, $3  }
0x1: {  	(tag) =	ssettag $0x0;
	lr =	simm.s32 $0x1  }
0x2: {  	[smem:$0x3F94] =	sst lr;
	_ =	strace $0xD0000000  }
0x3: {  	_ = 	snop  }
0x4: {  	_ = 	snop  }
0x5: {  	_ = 	snop  }
0x6: {  	_ = 	snop  }
0x7: {  	_ = 	snop  }
__scs_overlays_trampoline_lowered:
0x8: {  	[smem:$0x3FA3] =	sst s0  }
0x9: {  	[smem:$0x3FA4] =	sst s1  }
0xa: {  	[smem:$0x3FA5] =	sst s2  }
0xb: {  	[smem:$0x3FA6] =	sst s3  }
0xc: {  	[smem:$0x3FA7] =	sst s4  }
0xd: {  	[smem:$0x3FA8] =	sst s5  }
0xe: {  	[smem:$0x3FA9] =	sst s6  }
0xf: {  	[smem:$0x3FAA] =	sst s7  }
0x10: {  	[smem:$0x3FAB] =	sst s8  }
0x11: {  	[smem:$0x3FAC] =	sst s9;
	s0 =	simm.s32 @!p0 $0x0  }
0x12: {  	s1 =	sld [smem:$0x3F92];
	s0 =	simm.s32 @p0 $0x1  }
0x13: {  	[smem:$0x3FAD] =	sst s0;
	s0 =	simm.s32 @!p1 $0x0  }
0x14: {  	s2 =	sld [smem:$0x3F91];
	s0 =	simm.s32 @p1 $0x1  }
0x15: {  	[smem:$0x3FAE] =	sst s0;
	s0 =	simm.s32 @!p2 $0x0  }
0x16: {  	s3 =	sld [smem:$0x3FDB];
	s0 =	simm.s32 @p2 $0x1  }
0x17: {  	s4 =	simm.s32 $0x1BF5;
	[smem:$0x3FB0] =	sst s0  }
0x18: {  	s0 =	sld [smem:$0x3F93];
	_ =	swait.ge [sflag:s4], $0x0  }
0x19: {  	s7 =	sld [smem:$0x3F94]  }
0x1a: {  	s8 =	sadd.s32 $0xFFFFE003, lr  }
0x1b: {  	s9 =	sadd.s32 $0xFFFFFEF7, lr;
	s5 =	simm.s32 $0xFFFFFFFF;
	p2 =	slt.u32 s8, $0xFFFFF086  }
0x1c: {  	p1 =	slt.u32 s9, $0xF7A;
	s5 =	simm.s32 @!p2 $0x0  }
0x1d: {  	s5 =	simm.s32 @p1 $0x1;
	p0 =	seq.s32 s7, s2  }
0x1e: {  	s7 =	smul.u32 @!p0 $0xF7A, s2;
	p2 =	seq.s32 @!p0 s5, $0x0  }
0x1f: {  	s9 =	smul.u32 $0xF7A, s1;
	s8 =	simm.s32 @!p0 $0x1BF5;
	p2 =	por !p2, p0  }
0x20: {  	[sflag:s8] =	ssyncset.s32 @!p0 $0xFFFFF086;
	s6 =	sadd.s32 @!p0 s3, s7;
	s7 =	simm.s32 @!p0 $0x108  }
0x21: {  	s3 =	sadd.s32 s3, s9;
	s6 =	sadd.s32 @!p0 $0x88, s6;
	s7 =	simm.s32 @p2 $0x1082  }
0x22: {  	[simem:s7], [sflag:s8] =	dma.local @!p0 [hbm:s6], $0xF7A  }
0x23: {  	s9 =	sor.u32 $0xD0000000, s2;
	s6 =	simm.s32 $0x108;
	_ =	swait.ge @!p0 [sflag:s8], $0x0  }
0x24: {  	s3 =	sadd.s32 $0x88, s3;
	s6 =	simm.s32 @!p1 $0x1082;
	[sflag:s4] =	ssyncset.s32 $0xFFFFF086  }
0x25: {  	[simem:s6], [sflag:s4] =	dma.local [hbm:s3], $0xF7A  }
0x26: {  	[smem:$0x3F94] =	sst s1;
	(tag) =	ssettag s2;
	_ =	strace s9  }
0x27: {  	s1 =	sld [smem:$0x3FA4]  }
0x28: {  	s2 =	sld [smem:$0x3FA5]  }
0x29: {  	s4 =	sld [smem:$0x3FA7]  }
0x2a: {  	p0 =	seq.s32 s5, $0x0;
	s5 =	sld [smem:$0x3FA8]  }
0x2b: {  	s6 =	sld [smem:$0x3FA9]  }
0x2c: {  	s7 =	sld [smem:$0x3FAA]  }
0x2d: {  	s3 =	simm.s32 $0x108;
	s8 =	sld [smem:$0x3FAB]  }
0x2e: {  	s3 =	simm.s32 @!p0 $0x1082;
	s9 =	sld [smem:$0x3FAC]  }
0x2f: {  	lr =	sadd.s32 s0, s3;
	s0 =	sld [smem:$0x3FA3]  }
0x30: {  	s3 =	sld [smem:$0x3FA6]  }
0x31: {  	[smem:$0x3FAF] =	sst s10  }
0x32: {  	s10 =	sld [smem:$0x3FAD];
	_ =	sdelay $0x3  }
0x33: {  	p0 =	seq.s32 s10, $0x1;
	s10 =	sld [smem:$0x3FAF];
	_ =	sdelay $0x3  }
0x34: {  	[smem:$0x3FAF] =	sst s10  }
0x35: {  	s10 =	sld [smem:$0x3FAE];
	_ =	sdelay $0x3  }
0x36: {  	p1 =	seq.s32 s10, $0x1;
	s10 =	sld [smem:$0x3FAF];
	_ =	sdelay $0x3  }
0x37: {  	[smem:$0x3FAF] =	sst s10  }
0x38: {  	s10 =	sld [smem:$0x3FB0]  }
0x39: {  	_ = 	snop;
	(pc) =	sbr.ind lr, $3  }
0x3a: {  	_ = 	snop  }
0x3b: {  	_ = 	snop  }
0x3c: {  	p2 =	seq.s32 s10, $0x1;
	s10 =	sld [smem:$0x3FAF]  }
0x3d: {  	_ =	shalt  }
0x3e: {  	_ =	shalt  }
0x3f: {  	_ =	shalt  }
0x40: {  	_ =	shalt  }
0x41: {  	_ =	shalt  }
0x42: {  	_ =	shalt  }
0x43: {  	_ =	shalt  }
0x44: {  	_ =	shalt  }
0x45: {  	_ =	shalt  }
0x46: {  	_ =	shalt  }
0x47: {  	_ =	shalt  }
0x48: {  	_ =	shalt  }
0x49: {  	_ =	shalt  }
0x4a: {  	_ =	shalt  }
0x4b: {  	_ =	shalt  }
0x4c: {  	_ =	shalt  }
0x4d: {  	_ =	shalt  }
0x4e: {  	_ =	shalt  }
0x4f: {  	_ =	shalt  }
0x50: {  	_ =	shalt  }
0x51: {  	_ =	shalt  }
0x52: {  	_ =	shalt  }
0x53: {  	_ =	shalt  }
0x54: {  	_ =	shalt  }
0x55: {  	_ =	shalt  }
0x56: {  	_ =	shalt  }
0x57: {  	_ =	shalt  }
0x58: {  	_ =	shalt  }
0x59: {  	_ =	shalt  }
0x5a: {  	_ =	shalt  }
0x5b: {  	_ =	shalt  }
0x5c: {  	_ =	shalt  }
0x5d: {  	_ =	shalt  }
0x5e: {  	_ =	shalt  }
0x5f: {  	_ =	shalt  }
0x60: {  	_ =	shalt  }
0x61: {  	_ =	shalt  }
0x62: {  	_ =	shalt  }
0x63: {  	_ =	shalt  }
0x64: {  	_ =	shalt  }
0x65: {  	_ =	shalt  }
0x66: {  	_ =	shalt  }
0x67: {  	_ =	shalt  }
0x68: {  	_ =	shalt  }
0x69: {  	_ =	shalt  }
0x6a: {  	_ =	shalt  }
0x6b: {  	_ =	shalt  }
0x6c: {  	_ =	shalt  }
0x6d: {  	_ =	shalt  }
0x6e: {  	_ =	shalt  }
0x6f: {  	_ =	shalt  }
0x70: {  	_ =	shalt  }
0x71: {  	_ =	shalt  }
0x72: {  	_ =	shalt  }
0x73: {  	_ =	shalt  }
0x74: {  	_ =	shalt  }
0x75: {  	_ =	shalt  }
0x76: {  	_ =	shalt  }
0x77: {  	_ =	shalt  }
0x78: {  	_ =	shalt  }
0x79: {  	_ =	shalt  }
0x7a: {  	_ =	shalt  }
0x7b: {  	_ =	shalt  }
0x7c: {  	_ =	shalt  }
0x7d: {  	_ =	shalt  }
0x7e: {  	_ =	shalt  }
0x7f: {  	_ =	shalt  }
0x80: {  	_ =	shalt  }
0x81: {  	_ =	shalt  }
0x82: {  	_ =	shalt  }
0x83: {  	_ =	shalt  }
0x84: {  	_ =	shalt  }
0x85: {  	_ =	shalt  }
0x86: {  	_ =	shalt  }
0x87: {  	_ =	shalt  }
.Lfunc_end0:
.L_simem_size_0:
called_computation.2_lowered:
.L_overlay_start_0:
0x88: {  	s2 =	sld [smem:$0x3FD9]  }
0x89: {  	s3 =	sld [smem:$0x3FFE];
	_ =	sdelay $0x1  }
0x8a: {  	s1 =	srdreg.scid  }
0x8b: {  	s0 =	sand.u32 $0x1, s1  }
0x8c: {  	s17 =	sshll.u32 s0, $0xA;
	s2 =	sadd.s32 s3, s2  }
0x8d: {  	s2 =	sadd.s32 s2, s17  }
0x8e: {  	[smem:$0x3FBB] =	sst s2  }
0x8f: {  	_ = 	snop  }
0x90: {  	s18 =	sld [smem:$0x3FD0];
	(tm) =	ssettm $0x1  }
0x91: {  	s19 =	sld [smem:$0x3FFB];
	_ =	sdelay $0x3  }
0x92: {  	_ =	strace s19  }
0x93: {  	s2 =	sld [smem:$0x3FFC];
	_ =	sdelay $0x3  }
0x94: {  	_ =	strace s2  }
0x95: {  	s2 =	sld [smem:$0x3FFD];
	_ =	sdelay $0x3  }
0x96: {  	_ =	strace s2  }
0x97: {  	_ =	strace $0x8FFFFFFF  }
0x98: {  	s20 =	sld [smem:$0x3FDB];
	_ =	sdelay $0x1  }
0x99: {  	s4 =	simm.s32 $_scs_section_size  }
0x9a: {  	s5 =	simm.s32 $_size__tile_overlayer_lowered;
	s6 =	simm.s32 $_tile_overlayer_lowered  }
0x9b: {  	s7 =	simm.s32 $0x1BFF;
	s21 =	sshll.u32 s6, $0x1;
	s4 =	sadd.s32 s4, s20  }
0x9c: {  	s22 =	simm.s32 $0x0;
	s5 =	sshll.u32 s5, $0x1;
	s6 =	sadd.s32 s21, s4  }
0x9d: {  	[timem:s22], [sflag:s7] =	dma.local [hbm:s6], s5  }
0x9e: {  	_ =	swait.ge [sflag:s7], s5  }
0x9f: {  	s5 =	ssub.s32 $0x0, s5;
	[sflag:s7] =	ssyncset.done $0x0  }
0xa0: {  	[sflag:s7] =	ssyncadd.s32 s5;
	_ =	sdelay $0x1  }
0xa1: {  	s23 =	simm.s32 $0x1B8B  }
0xa2: {  	_ =	swait.ge [sflag:s23], $0x1  }
0xa3: {  	[sflag:s23] =	ssyncset.done $0x0  }
0xa4: {  	[sflag:s23] =	ssyncadd.s32 $0xFFFFFFFF  }
0xa5: {  	s5 =	sld [smem:$0x0]  }
0xa6: {  	s6 =	sand.u32 $0xFFFFFFFE, s1  }
0xa7: {  	p0 =	sne.s32 s1, s6  }
0xa8: {  	s6 =	sshll.u32 @p0 s6, $0xE  }
0xa9: {  	s6 =	sadd.s32 @p0 $0x11B8D, s6;
	s7 =	sshll.u32 @p0 s5, $0x11  }
0xaa: {  	s6 =	sor.u32 @p0 s7, s6  }
0xab: {  	[sflag:s6] =	ssyncadd.remote.s32 @p0 $0x1;
	_ =	sdelay $0x1  }
0xac: {  	s6 =	simm.s32 @p0 $0x1B8D  }
0xad: {  	_ =	swait.eq @p0 [sflag:s6], $0x1  }
0xae: {  	[sflag:s6] =	ssyncadd.s32 @p0 $0xFFFFFFFF  }
0xaf: {  	s7 =	sshll.u32 @!p0 s1, $0xE  }
0xb0: {  	s7 =	sor.u32 @!p0 $0x4000, s7;
	s6 =	simm.s32 @!p0 $0x1B8D  }
0xb1: {  	s5 =	sshll.u32 @!p0 s5, $0x11;
	s7 =	sadd.s32 @!p0 $0x11B8D, s7;
	_ =	swait.eq @!p0 [sflag:s6], $0x1  }
0xb2: {  	s5 =	sor.u32 @!p0 s5, s7;
	[sflag:s6] =	ssyncadd.s32 @!p0 $0xFFFFFFFF  }
0xb3: {  	s25 =	simm.s32 $0x1B8E;
	s24 =	sld [smem:$0x3FFE];
	[sflag:s5] =	ssyncadd.remote.s32 @!p0 $0x1  }
0xb4: {  	s26 =	simm.s32 $execute0_lowered;
	[smem:$0x3FD2] =	sst s25  }
0xb5: {  	s6 =	sshll.u32 s26, $0x1;
	_ =	strace $0x80000049;
	[dreg:$0x1] =	wrdreg $0xFFFFFFFF  }
0xb6: {  	s28 =	simm.s32 $_size_execute0_lowered;
	s4 =	sadd.s32 s4, s6;
	[dreg:$0x0] =	wrdreg $0x0  }
0xb7: {  	s6 =	sshll.u32 s28, $0x1;
	[dreg:$0x2] =	wrdreg s4  }
0xb8: {  	[dreg:$0x3] =	wrdreg s6  }
0xb9: {  	[dreg:$0x4] =	wrdreg $0xC0  }
0xba: {  	_ =	task [dreg:s22], $0x5FFFF  }
0xbb: {  	[dreg:$0x1] =	wrdreg $0xFFFFFFFF  }
0xbc: {  	[dreg:$0x0] =	wrdreg $0x60  }
0xbd: {  	[dreg:$0x2] =	wrdreg s24  }
0xbe: {  	[dreg:$0x3] =	wrdreg s18  }
0xbf: {  	[dreg:$0x4] =	wrdreg $0x21100  }
0xc0: {  	[dreg:$0x5] =	wrdreg $0xB  }
0xc1: {  	_ =	task.clear_ibuf [dreg:s22], $0x6FFFF;
	_ =	strace $0x90000049  }
0xc2: {  	s29 =	simm.s32 $0xB;
	_ =	strace $0x8000004B  }
0xc3: {  	_ =	swait.ge [sflag:s29], $0x1  }
0xc4: {  	[sflag:s29] =	ssyncadd.s32 $0xFFFFFFFF  }
0xc5: {  	_ =	strace $0x9000004B  }
0xc6: {  	_ =	sfence  }
0xc7: {  	s30 =	sld [smem:$0x0];
	_ =	sdelay $0x2  }
0xc8: {  	s31 =	sshll.u32 s1, $0xD;
	s1 =	sshrl.u32 s1, $0x2  }
0xc9: {  	s4 =	sand.u32 $0x4000, s31;
	s1 =	sadd.s32 s1, s30  }
0xca: {  	s0 =	sor.u32 s4, s0;
	s1 =	sshll.u32 s1, $0x11  }
0xcb: {  	s0 =	sor.u32 s1, s0  }
0xcc: {  	s0 =	sadd.s32 $0x8F2B, s0  }
0xcd: {  	[sflag:s0] =	ssyncadd.remote.s32 $0x1  }
0xce: {  	_ =	sfence.sel $0xFFFF  }
0xcf: {  	[dreg:$0x0] =	wrdreg $0xFFFFFFFF;
	(pc) =	sbr.abs _section_cstart, $3  }
0xd0: {  	[dreg:$0x1] =	wrdreg $0xFFFFFFFF  }
0xd1: {  	_ =	task.clear_ibuf [dreg:s22], $0x2FFFF;
	_ =	strace $0x9FFFFFFF  }
0xd2: {  	(tm) =	ssettm $0x7FFFFFFF  }
0xd3: {  	_ =	shalt  }
tec
execute0_lowered:
.L_overlay_start_1:
0x0: {  	(tag) =	ssettag $0x1  }
0x1: {  	s0 =	rddreg [dreg:$0x0]  }
0x2: {  	s2 =	rddreg [dreg:$0x1]  }
0x3: {  	s1 =	rddreg [dreg:$0x2];
	s3 =	simm.s32 $0x0;
	s5 =	srdreg.scid  }
0x4: {  	s26 =	stileid.u32;
	s18 =	simm.s32 $0x2;
	s19 =	simm.s32 $0x2100  }
0x5: {  	s20 =	simm.s32 $0x80;
	s21 =	simm.s32 $0x100;
	s22 =	simm.s32 $0x900  }
0x6: {  	s23 =	simm.s32 $0x1100;
	s24 =	simm.s32 $0x1;
	s25 =	simm.s32 $0x1900  }
0x7: {  	[smem:$0x7FF] =	sst s3;
	s4 =	sadd.s32 $0xC6E00, s0;
	s9 =	sand.u32 $0x1, s5  }
0x8: {  	s11 =	smul.u32 $0x18700, s26;
	s5 =	sadd.s32 $0x96000, s0;
	s6 =	sadd.s32 $0x1BB600, s0  }
0x9: {  	s7 =	sadd.s32 $0x18A800, s0;
	s8 =	sadd.s32 $0x159A00, s0;
	s12 =	sshll.u32 s26, $0x1  }
0xa: {  	s30 =	sshll.u32 s26, $0x6;
	s26 =	simm.s32 $0x0;
	_ =	strace $0x8000004A  }
0xb: {  	s10 =	smul.u32 $0x187000, s9;
	s13 =	ssub.s32 $0x2, s9;
	s9 =	sor.u32 s9, s12  }
0xc: {  	s12 =	sor.u32 $0x1C02, s30;
	s14 =	sshrl.u32 s13, $0x1;
	s9 =	smul.u32 $0xC350, s9  }
0xd: {  	s17 =	sadd.s32 s11, s1;
	s10 =	sadd.s32 s11, s10;
	s16 =	ssub.s32 s13, s14  }
0xe: {  	s11 =	sshrl.u32 s11, $0x3;
	s17 =	sshrl.u32 s17, $0x3;
	s28 =	sshrl.u32 s10, $0x3  }
0xf: {  	s10 =	sadd.s32 $0x1EC400, s0;
	s29 =	sshrl.u32 s9, $0x3;
	s11 =	sadd.s32 s2, s11  }
0x10: {  	s16 =	smax.u32 s16, $0x1;
	s0 =	sadd.s32 s28, s0;
	s31 =	sadd.s32 $0x1860, s29  }
0x11: {  	v0 =	vimm.s32 $0x0;
	v1 =	vimm.s32 $0x186A0;
	s13 =	sadd.s32 s4, s31;
	s14 =	sadd.s32 s5, s31;
	s15 =	sadd.s32 $0x1EC600, s0  }
.LBB2_1:
0x12: {  	[spmem:s17], [sflag:s12] =	dma.local [hbm:s11], $0x30E0  }
0x13: {  	_ =	swait.ge [sflag:s18], $0x30E0  }
0x14: {  	[sflag:s18] =	ssyncset.done $0x0  }
0x15: {  	s0 =	simm.s32 $0x0;
	[sflag:s18] =	ssyncadd.s32 $0xFFFFCF20  }
0x16: {  	[tilespmem:s19], [sflag:$0x2] =	stream.linear.gather [hbm4b:s10+s0], $0x10, $0x38;
	[tilespmem:$0x1A810] =	vst v63  }
0x17: {  	_ =	swait.ge [sflag:s18], $0x10  }
0x18: {  	[sflag:s18] =	ssyncset.done $0x0  }
0x19: {  	[sflag:s18] =	ssyncadd.s32 $0xFFFFFFF0  }
0x1a: {  	s28 =	simm.s32 $0x0;
	[bflag:$0x0] =	sbarrier.arrive $0xFFFF  }
.LBB2_2:
0x1b: {  	s0 =	sshll.u32 s28, $0x7  }
0x1c: {  	s0 =	sadd.s32 s9, s0  }
0x1d: {  	s0 =	sshrl.u32 s0, $0x3  }
0x1e: {  	s29 =	simm.s32 $0x0;
	s2 =	sadd.s32 s4, s0  }
0x1f: {  	[tilespmem:s29], [sflag:$0x2] =	stream.linear.gather [hbm4b:s2+s29], $0x80, $0x38;
	[tilespmem:$0x1A810] =	vst v63  }
0x20: {  	_ =	swait.ge [sflag:s18], $0x80  }
0x21: {  	[sflag:s18] =	ssyncset.done $0x0  }
0x22: {  	s0 =	sadd.s32 s5, s0;
	[sflag:s18] =	ssyncadd.s32 $0xFFFFFF80  }
0x23: {  	[tilespmem:s20], [sflag:$0x2] =	stream.linear.gather [hbm4b:s0+s29], $0x80, $0x38;
	[tilespmem:$0x1A810] =	vst v63  }
0x24: {  	_ =	swait.ge [sflag:s18], $0x80  }
0x25: {  	[sflag:s18] =	ssyncset.done $0x0  }
0x26: {  	[sflag:s18] =	ssyncadd.s32 $0xFFFFFF80  }
0x27: {  	[tilespmem:s21], [sflag:$0x1] =	stream.indirect.gather [hbm4b:s6+s20], $0x10, s29, s20, $0xb8;
	[tilespmem:$0x1A810] =	vst v63  }
0x28: {  	_ = 	snop  }
0x29: {  	[tilespmem:s22], [sflag:$0x1] =	stream.indirect.gather [hbm4b:s7+s20], $0x10, s20, s20, $0xb8;
	[tilespmem:$0x1A810] =	vst v63  }
0x2a: {  	_ = 	snop  }
0x2b: {  	[tilespmem:s23], [sflag:$0x1] =	stream.indirect.gather [hbm4b:s8+s20], $0x10, s29, s20, $0xb8;
	[tilespmem:$0x1A810] =	vst v63  }
0x2c: {  	_ =	swait.ge [sflag:s24], $0x800  }
0x2d: {  	[sflag:s24] =	ssyncset.done $0x0  }
0x2e: {  	[sflag:s24] =	ssyncadd.s32 $0xFFFFF800  }
0x2f: {  	_ =	swait.ge [sflag:s24], $0x800  }
0x30: {  	[sflag:s24] =	ssyncset.done $0x0  }
0x31: {  	[sflag:s24] =	ssyncadd.s32 $0xFFFFF800  }
0x32: {  	_ =	swait.ge [sflag:s24], $0x800  }
0x33: {  	[sflag:s24] =	ssyncset.done $0x0  }
0x34: {  	s31 =	simm.s32 $0x0;
	[sflag:s24] =	ssyncadd.s32 $0xFFFFF800  }
0x35: {  	v3 =	vld [tilespmem:s31+$0x100]  }
0x36: {  	v4 =	vld [tilespmem:s31+$0x900];
	_ =	sdelay $0x1  }
0x37: {  	s30 =	simm.s32 $0x10  }
0x38: {  	v5 =	vld [tilespmem:s30+$0x100]  }
0x39: {  	v6 =	vld [tilespmem:s30+$0x900]  }
0x3a: {  	v2 =	vld [tilespmem:$0x2100];
	v3 =	vadd.f32 v4, v3;
	_ =	sdelay $0x1  }
0x3b: {  	v7 =	vmul.f32 $2.000000030e-01, v3  }
0x3c: {  	vm0 =	vgt.f32 v3, $0.0e+00  }
0x3d: {  	v5 =	vadd.f32 v6, v5;
	v3 =	vsel vm0, v3, v7  }
0x3e: {  	s29 =	simm.s32 $0x20;
	v3 =	vsub.f32 v3, v2  }
0x3f: {  	v4 =	vld [tilespmem:s29+$0x100];
	v8 =	vmul.f32 $2.000000030e-01, v5  }
0x40: {  	v6 =	vld [tilespmem:s29+$0x900];
	vm14 =	vgt.f32 v5, $0.0e+00;
	v3 =	vmul.f32 $1.442695020e+00, v3  }
0x41: {  	v5 =	vsel vm14, v5, v8  }
0x42: {  	v5 =	vsub.f32 v5, v2;
	(erf) = vpow2.f32 v3;
	_ =	sdelay $0x1  }
0x43: {  	s0 =	simm.s32 $0x30;
	v7 =	vmul.f32 $1.442695020e+00, v5  }
0x44: {  	v6 =	vadd.f32 v6, v4;
	v4 =	vld [tilespmem:s0+$0x100]  }
0x45: {  	v5 =	vld [tilespmem:s0+$0x900];
	(erf) = vpow2.f32 v7  }
0x46: {  	v8 =	vmul.f32 $2.000000030e-01, v6;
	v3 =	vld [tilespmem:s31+$0x1100]  }
0x47: {  	vm15 =	vgt.f32 v6, $0.0e+00  }
0x48: {  	s2 =	simm.s32 $0x100;
	v6 =	vsel vm15, v6, v8  }
.LBB2_3:
0x49: {  	s3 =	sshra.s32 s2, $0x2;
	v6 =	vsub.f32 v6, v2;
	p0 =	sne.s32 s2, $0x1FC0  }
.Ltmp0:
0x4a: {  	s2 =	sadd.s32 $0x40, s2;
	v7 =	vadd.f32 v5, v4;
	v4 =	vld [tilespmem:s3+$0x100];
	v8 =	vpop (erf);
	(pc) =	sbr.rel @p0 .LBB2_3-.Ltmp0, $4  }
0x4b: {  	v5 =	vld [tilespmem:s3+$0x900];
	v6 =	vmul.f32 $1.442695020e+00, v6;
	v8 =	vmul.f32 v8, v3  }
0x4c: {  	v9 =	vmul.f32 $2.000000030e-01, v7;
	v3 =	vld [tilespmem:s30+$0x1100]  }
0x4d: {  	vm0 =	vgt.f32 v7, $0.0e+00;
	(erf) = vpow2.f32 v6;
	[tilespmem:s31+$0x1900] =	vst v8;
	s31 =	smov.u32 s30;
	s30 =	smov.u32 s29;
	s29 =	smov.u32 s0  }
0x4e: {  	s0 =	smov.u32 s3;
	v6 =	vsel vm0, v7, v9  }
0x4f: {  	_ = 	snop  }
0x50: {  	v4 =	vadd.f32 v5, v4;
	_ =	sdelay $0x1  }
0x51: {  	v5 =	vmul.f32 $2.000000030e-01, v4  }
0x52: {  	vm0 =	vgt.f32 v4, $0.0e+00  }
0x53: {  	v4 =	vsel vm0, v4, v5  }
0x54: {  	v6 =	vsub.f32 v6, v2;
	v2 =	vsub.f32 v4, v2;
	_ =	sdelay $0x1  }
0x55: {  	v61 =	vld [tilespmem:s30+$0x1100];
	v60 =	vmul.f32 $1.442695020e+00, v6;
	v2 =	vmul.f32 $1.442695020e+00, v2;
	_ =	sdelay $0x1  }
0x56: {  	v62 =	vpop (erf);
	(erf) = vpow2.f32 v60  }
0x57: {  	(erf) = vpow2.f32 v2  }
0x58: {  	v3 =	vmul.f32 v62, v3;
	v2 =	vpop (erf)  }
0x59: {  	v2 =	vmul.f32 v2, v61  }
0x5a: {  	[tilespmem:s31+$0x1900] =	vst v3  }
0x5b: {  	v3 =	vld [tilespmem:s29+$0x1100];
	[tilespmem:s30+$0x1900] =	vst v2  }
0x5c: {  	v2 =	vld [tilespmem:s0+$0x1100];
	_ =	sdelay $0x2  }
0x5d: {  	v4 =	vpop (erf)  }
0x5e: {  	v3 =	vmul.f32 v4, v3;
	v63 =	vpop (erf)  }
0x5f: {  	s28 =	sadd.s32 $0x1, s28;
	v2 =	vmul.f32 v63, v2  }
0x60: {  	p0 =	sne.s32 s28, $0x186;
	[tilespmem:s29+$0x1900] =	vst v3  }
.Ltmp1:
0x61: {  	[tilespmem:s0+$0x1900] =	vst v2;
	(pc) =	sbr.rel @p0 .LBB2_2-.Ltmp1, $4  }
0x62: {  	[spmem:s1] =	stream.indirect.scatter.add.f32 [tilespmem:s25], [sflag:$0x2], $0x10, s20, s20, $0xb8;
	[tilespmem:$0x1A810] =	vst v63  }
0x63: {  	_ =	swait.ge [sflag:s18], $0x800  }
0x64: {  	[sflag:s18] =	ssyncset.done $0x0  }
0x65: {  	[sflag:s18] =	ssyncadd.s32 $0xFFFFF800  }
0x66: {  	s0 =	simm.s32 $0x0  }
0x67: {  	[tilespmem:s0], [sflag:$0x2] =	stream.linear.gather [hbm4b:s13+s0], $0x50, $0x38;
	[tilespmem:$0x1A810] =	vst v63  }
0x68: {  	_ =	swait.ge [sflag:s18], $0x50  }
0x69: {  	[sflag:s18] =	ssyncset.done $0x0  }
0x6a: {  	[sflag:s18] =	ssyncadd.s32 $0xFFFFFFB0  }
0x6b: {  	[tilespmem:s20], [sflag:$0x2] =	stream.linear.gather [hbm4b:s14+s0], $0x50, $0x38;
	[tilespmem:$0x1A810] =	vst v63  }
0x6c: {  	_ =	swait.ge [sflag:s18], $0x50  }
0x6d: {  	[sflag:s18] =	ssyncset.done $0x0  }
0x6e: {  	[sflag:s18] =	ssyncadd.s32 $0xFFFFFFB0  }
0x6f: {  	[tilespmem:$0x50] =	vst v0  }
0x70: {  	[tilespmem:$0xD0] =	vst v1  }
0x71: {  	[tilespmem:$0x60] =	vst v0  }
0x72: {  	[tilespmem:$0xE0] =	vst v1  }
0x73: {  	[tilespmem:$0x70] =	vst v0  }
0x74: {  	[tilespmem:$0xF0] =	vst v1  }
0x75: {  	[tilespmem:s21], [sflag:$0x1] =	stream.indirect.gather [hbm4b:s6+s20], $0x10, s0, s20, $0xb8;
	[tilespmem:$0x1A810] =	vst v63  }
0x76: {  	_ = 	snop  }
0x77: {  	[tilespmem:s22], [sflag:$0x1] =	stream.indirect.gather [hbm4b:s7+s20], $0x10, s20, s20, $0xb8;
	[tilespmem:$0x1A810] =	vst v63  }
0x78: {  	_ = 	snop  }
0x79: {  	[tilespmem:s23], [sflag:$0x1] =	stream.indirect.gather [hbm4b:s8+s20], $0x10, s0, s20, $0xb8;
	[tilespmem:$0x1A810] =	vst v63  }
0x7a: {  	_ =	swait.ge [sflag:s24], $0x800  }
0x7b: {  	[sflag:s24] =	ssyncset.done $0x0  }
0x7c: {  	[sflag:s24] =	ssyncadd.s32 $0xFFFFF800  }
0x7d: {  	_ =	swait.ge [sflag:s24], $0x800  }
0x7e: {  	[sflag:s24] =	ssyncset.done $0x0  }
0x7f: {  	[sflag:s24] =	ssyncadd.s32 $0xFFFFF800  }
0x80: {  	_ =	swait.ge [sflag:s24], $0x800  }
0x81: {  	[sflag:s24] =	ssyncset.done $0x0  }
0x82: {  	s30 =	simm.s32 $0x0;
	[sflag:s24] =	ssyncadd.s32 $0xFFFFF800  }
0x83: {  	v3 =	vld [tilespmem:s30+$0x100]  }
0x84: {  	v4 =	vld [tilespmem:s30+$0x900];
	_ =	sdelay $0x1  }
0x85: {  	s29 =	simm.s32 $0x10  }
0x86: {  	v5 =	vld [tilespmem:s29+$0x100]  }
0x87: {  	v6 =	vld [tilespmem:s29+$0x900]  }
0x88: {  	v2 =	vld [tilespmem:$0x2100];
	v3 =	vadd.f32 v4, v3;
	_ =	sdelay $0x1  }
0x89: {  	v7 =	vmul.f32 $2.000000030e-01, v3  }
0x8a: {  	vm0 =	vgt.f32 v3, $0.0e+00  }
0x8b: {  	v5 =	vadd.f32 v6, v5;
	v3 =	vsel vm0, v3, v7  }
0x8c: {  	s28 =	simm.s32 $0x20;
	v3 =	vsub.f32 v3, v2  }
0x8d: {  	v4 =	vld [tilespmem:s28+$0x100];
	v8 =	vmul.f32 $2.000000030e-01, v5  }
0x8e: {  	v6 =	vld [tilespmem:s28+$0x900];
	vm14 =	vgt.f32 v5, $0.0e+00;
	v3 =	vmul.f32 $1.442695020e+00, v3  }
0x8f: {  	v5 =	vsel vm14, v5, v8  }
0x90: {  	v5 =	vsub.f32 v5, v2;
	(erf) = vpow2.f32 v3;
	_ =	sdelay $0x1  }
0x91: {  	s0 =	simm.s32 $0x30;
	v7 =	vmul.f32 $1.442695020e+00, v5  }
0x92: {  	v6 =	vadd.f32 v6, v4;
	v4 =	vld [tilespmem:s0+$0x100]  }
0x93: {  	v5 =	vld [tilespmem:s0+$0x900];
	(erf) = vpow2.f32 v7  }
0x94: {  	v8 =	vmul.f32 $2.000000030e-01, v6;
	v3 =	vld [tilespmem:s30+$0x1100]  }
0x95: {  	vm15 =	vgt.f32 v6, $0.0e+00  }
0x96: {  	s2 =	simm.s32 $0x100;
	v6 =	vsel vm15, v6, v8  }
.LBB2_6:
0x97: {  	s3 =	sshra.s32 s2, $0x2;
	v6 =	vsub.f32 v6, v2;
	p0 =	sne.s32 s2, $0x1FC0  }
.Ltmp2:
0x98: {  	s2 =	sadd.s32 $0x40, s2;
	v7 =	vadd.f32 v5, v4;
	v4 =	vld [tilespmem:s3+$0x100];
	v8 =	vpop (erf);
	(pc) =	sbr.rel @p0 .LBB2_6-.Ltmp2, $4  }
0x99: {  	v5 =	vld [tilespmem:s3+$0x900];
	v6 =	vmul.f32 $1.442695020e+00, v6;
	v8 =	vmul.f32 v8, v3  }
0x9a: {  	v9 =	vmul.f32 $2.000000030e-01, v7;
	v3 =	vld [tilespmem:s29+$0x1100]  }
0x9b: {  	vm0 =	vgt.f32 v7, $0.0e+00;
	(erf) = vpow2.f32 v6;
	[tilespmem:s30+$0x1900] =	vst v8;
	s30 =	smov.u32 s29;
	s29 =	smov.u32 s28;
	s28 =	smov.u32 s0  }
0x9c: {  	s0 =	smov.u32 s3;
	v6 =	vsel vm0, v7, v9  }
0x9d: {  	_ = 	snop  }
0x9e: {  	v4 =	vadd.f32 v5, v4;
	_ =	sdelay $0x1  }
0x9f: {  	v5 =	vmul.f32 $2.000000030e-01, v4  }
0xa0: {  	vm0 =	vgt.f32 v4, $0.0e+00  }
0xa1: {  	v4 =	vsel vm0, v4, v5  }
0xa2: {  	v6 =	vsub.f32 v6, v2;
	v2 =	vsub.f32 v4, v2;
	_ =	sdelay $0x1  }
0xa3: {  	v61 =	vld [tilespmem:s29+$0x1100];
	v60 =	vmul.f32 $1.442695020e+00, v6;
	v2 =	vmul.f32 $1.442695020e+00, v2;
	_ =	sdelay $0x1  }
0xa4: {  	v62 =	vpop (erf);
	(erf) = vpow2.f32 v60  }
0xa5: {  	(erf) = vpow2.f32 v2  }
0xa6: {  	v3 =	vmul.f32 v62, v3;
	v2 =	vpop (erf)  }
0xa7: {  	v2 =	vmul.f32 v2, v61  }
0xa8: {  	[tilespmem:s30+$0x1900] =	vst v3  }
0xa9: {  	v3 =	vld [tilespmem:s28+$0x1100];
	[tilespmem:s29+$0x1900] =	vst v2  }
0xaa: {  	v2 =	vld [tilespmem:s0+$0x1100];
	_ =	sdelay $0x2  }
0xab: {  	v4 =	vpop (erf)  }
0xac: {  	v3 =	vmul.f32 v4, v3;
	v63 =	vpop (erf)  }
0xad: {  	v2 =	vmul.f32 v63, v2  }
0xae: {  	[tilespmem:s28+$0x1900] =	vst v3  }
0xaf: {  	[tilespmem:s0+$0x1900] =	vst v2  }
0xb0: {  	[spmem:s1] =	stream.indirect.scatter.add.f32 [tilespmem:s25], [sflag:$0x2], $0x10, s20, s20, $0xb8;
	[tilespmem:$0x1A810] =	vst v63  }
0xb1: {  	_ =	swait.ge [sflag:s18], $0x800  }
0xb2: {  	s26 =	sadd.s32 $0x1, s26;
	[sflag:s18] =	ssyncset.done $0x0  }
0xb3: {  	p0 =	sne.s32 s26, s16;
	[sflag:s18] =	ssyncadd.s32 $0xFFFFF800  }
.Ltmp3:
0xb4: {  	[bflag:$0x0] =	sbarrier.arrive $0xFFFF;
	(pc) =	sbr.rel @p0 .LBB2_1-.Ltmp3, $4  }
0xb5: {  	[hbm:s15], [sflag:s12] =	dma.local [spmem:s17], $0x30E0  }
0xb6: {  	_ =	swait.ge [sflag:s18], $0x30E0  }
0xb7: {  	[sflag:s18] =	ssyncset.done $0x0  }
0xb8: {  	[sflag:s18] =	ssyncadd.s32 $0xFFFFCF20  }
0xb9: {  	_ =	sfence.sel $0x180000  }
0xba: {  	[bflag:$0x0] =	sbarrier.arrive $0xFFFF  }
0xbb: {  	_ =	strace $0x9000004A  }
0xbc: {  	s0 =	stileid.u32;
	[bflag:$0x2] =	sbarrier.arrive $0xFFFF  }
0xbd: {  	p0 =	sne.s32 s0, $0x0;
	s0 =	rddreg [dreg:$0x3]  }
0xbe: {  	s0 =	sadd.s32 @!p0 $0x100000, s0  }
0xbf: {  	[sflag:s0] =	ssyncadd.tile.s32 @!p0 $0x1;
	_ =	shalt  }
.Lfunc_end2:
_tile_overlayer_lowered:
.L_overlay_start_2:
0xc0: {  	(tag) =	ssettag $0x2  }
0xc1: {  	s0 =	rddreg [dreg:$0x0];
	s2 =	stileid.u32  }
0xc2: {  	s1 =	rddreg [dreg:$0x1];
	p0 =	sne.s32 s2, $0x0  }
0xc3: {  	s3 =	rddreg [dreg:$0x2];
	[bflag:$0x3] =	sbarrier.arrive $0xFFFF;
	s2 =	simm.s32 @!p0 $0x1C02  }
0xc4: {  	[timem:s3], [sflag:s2] =	dma.local @!p0 [hbm:s0], s1  }
0xc5: {  	s0 =	simm.s32 @!p0 $0x2  }
0xc6: {  	_ =	swait.ge @!p0 [sflag:s0], s1  }
0xc7: {  	s1 =	ssub.s32 @!p0 $0x0, s1;
	[sflag:s0] =	ssyncset.done @!p0 $0x0  }
0xc8: {  	[sflag:s0] =	ssyncadd.s32 @!p0 s1  }
0xc9: {  	[bflag:$0x3] =	sbarrier.arrive $0xFFFF  }
0xca: {  	_ =	shalt  }

// kernel: kernel.20.cloned.1.call-start
scs
__scs_entry_jumppad:
0x0: {  	(pc) =	sbr.rel $0x88, $3  }
0x1: {  	(tag) =	ssettag $0x0;
	lr =	simm.s32 $0x1  }
0x2: {  	[smem:$0x3F94] =	sst lr;
	_ =	strace $0xD0000000  }
0x3: {  	_ = 	snop  }
0x4: {  	_ = 	snop  }
0x5: {  	_ = 	snop  }
0x6: {  	_ = 	snop  }
0x7: {  	_ = 	snop  }
__scs_overlays_trampoline_lowered:
0x8: {  	[smem:$0x3FA3] =	sst s0  }
0x9: {  	[smem:$0x3FA4] =	sst s1  }
0xa: {  	[smem:$0x3FA5] =	sst s2  }
0xb: {  	[smem:$0x3FA6] =	sst s3  }
0xc: {  	[smem:$0x3FA7] =	sst s4  }
0xd: {  	[smem:$0x3FA8] =	sst s5  }
0xe: {  	[smem:$0x3FA9] =	sst s6  }
0xf: {  	[smem:$0x3FAA] =	sst s7  }
0x10: {  	[smem:$0x3FAB] =	sst s8  }
0x11: {  	[smem:$0x3FAC] =	sst s9;
	s0 =	simm.s32 @!p0 $0x0  }
0x12: {  	s1 =	sld [smem:$0x3F92];
	s0 =	simm.s32 @p0 $0x1  }
0x13: {  	[smem:$0x3FAD] =	sst s0;
	s0 =	simm.s32 @!p1 $0x0  }
0x14: {  	s2 =	sld [smem:$0x3F91];
	s0 =	simm.s32 @p1 $0x1  }
0x15: {  	[smem:$0x3FAE] =	sst s0;
	s0 =	simm.s32 @!p2 $0x0  }
0x16: {  	s3 =	sld [smem:$0x3FDB];
	s0 =	simm.s32 @p2 $0x1  }
0x17: {  	s4 =	simm.s32 $0x1BF5;
	[smem:$0x3FB0] =	sst s0  }
0x18: {  	s0 =	sld [smem:$0x3F93];
	_ =	swait.ge [sflag:s4], $0x0  }
0x19: {  	s7 =	sld [smem:$0x3F94]  }
0x1a: {  	s8 =	sadd.s32 $0xFFFFE003, lr  }
0x1b: {  	s9 =	sadd.s32 $0xFFFFFEF7, lr;
	s5 =	simm.s32 $0xFFFFFFFF;
	p2 =	slt.u32 s8, $0xFFFFF086  }
0x1c: {  	p1 =	slt.u32 s9, $0xF7A;
	s5 =	simm.s32 @!p2 $0x0  }
0x1d: {  	s5 =	simm.s32 @p1 $0x1;
	p0 =	seq.s32 s7, s2  }
0x1e: {  	s7 =	smul.u32 @!p0 $0xF7A, s2;
	p2 =	seq.s32 @!p0 s5, $0x0  }
0x1f: {  	s9 =	smul.u32 $0xF7A, s1;
	s8 =	simm.s32 @!p0 $0x1BF5;
	p2 =	por !p2, p0  }
0x20: {  	[sflag:s8] =	ssyncset.s32 @!p0 $0xFFFFF086;
	s6 =	sadd.s32 @!p0 s3, s7;
	s7 =	simm.s32 @!p0 $0x108  }
0x21: {  	s3 =	sadd.s32 s3, s9;
	s6 =	sadd.s32 @!p0 $0x88, s6;
	s7 =	simm.s32 @p2 $0x1082  }
0x22: {  	[simem:s7], [sflag:s8] =	dma.local @!p0 [hbm:s6], $0xF7A  }
0x23: {  	s9 =	sor.u32 $0xD0000000, s2;
	s6 =	simm.s32 $0x108;
	_ =	swait.ge @!p0 [sflag:s8], $0x0  }
0x24: {  	s3 =	sadd.s32 $0x88, s3;
	s6 =	simm.s32 @!p1 $0x1082;
	[sflag:s4] =	ssyncset.s32 $0xFFFFF086  }
0x25: {  	[simem:s6], [sflag:s4] =	dma.local [hbm:s3], $0xF7A  }
0x26: {  	[smem:$0x3F94] =	sst s1;
	(tag) =	ssettag s2;
	_ =	strace s9  }
0x27: {  	s1 =	sld [smem:$0x3FA4]  }
0x28: {  	s2 =	sld [smem:$0x3FA5]  }
0x29: {  	s4 =	sld [smem:$0x3FA7]  }
0x2a: {  	p0 =	seq.s32 s5, $0x0;
	s5 =	sld [smem:$0x3FA8]  }
0x2b: {  	s6 =	sld [smem:$0x3FA9]  }
0x2c: {  	s7 =	sld [smem:$0x3FAA]  }
0x2d: {  	s3 =	simm.s32 $0x108;
	s8 =	sld [smem:$0x3FAB]  }
0x2e: {  	s3 =	simm.s32 @!p0 $0x1082;
	s9 =	sld [smem:$0x3FAC]  }
0x2f: {  	lr =	sadd.s32 s0, s3;
	s0 =	sld [smem:$0x3FA3]  }
0x30: {  	s3 =	sld [smem:$0x3FA6]  }
0x31: {  	[smem:$0x3FAF] =	sst s10  }
0x32: {  	s10 =	sld [smem:$0x3FAD];
	_ =	sdelay $0x3  }
0x33: {  	p0 =	seq.s32 s10, $0x1;
	s10 =	sld [smem:$0x3FAF];
	_ =	sdelay $0x3  }
0x34: {  	[smem:$0x3FAF] =	sst s10  }
0x35: {  	s10 =	sld [smem:$0x3FAE];
	_ =	sdelay $0x3  }
0x36: {  	p1 =	seq.s32 s10, $0x1;
	s10 =	sld [smem:$0x3FAF];
	_ =	sdelay $0x3  }
0x37: {  	[smem:$0x3FAF] =	sst s10  }
0x38: {  	s10 =	sld [smem:$0x3FB0]  }
0x39: {  	_ = 	snop;
	(pc) =	sbr.ind lr, $3  }
0x3a: {  	_ = 	snop  }
0x3b: {  	_ = 	snop  }
0x3c: {  	p2 =	seq.s32 s10, $0x1;
	s10 =	sld [smem:$0x3FAF]  }
0x3d: {  	_ =	shalt  }
0x3e: {  	_ =	shalt  }
0x3f: {  	_ =	shalt  }
0x40: {  	_ =	shalt  }
0x41: {  	_ =	shalt  }
0x42: {  	_ =	shalt  }
0x43: {  	_ =	shalt  }
0x44: {  	_ =	shalt  }
0x45: {  	_ =	shalt  }
0x46: {  	_ =	shalt  }
0x47: {  	_ =	shalt  }
0x48: {  	_ =	shalt  }
0x49: {  	_ =	shalt  }
0x4a: {  	_ =	shalt  }
0x4b: {  	_ =	shalt  }
0x4c: {  	_ =	shalt  }
0x4d: {  	_ =	shalt  }
0x4e: {  	_ =	shalt  }
0x4f: {  	_ =	shalt  }
0x50: {  	_ =	shalt  }
0x51: {  	_ =	shalt  }
0x52: {  	_ =	shalt  }
0x53: {  	_ =	shalt  }
0x54: {  	_ =	shalt  }
0x55: {  	_ =	shalt  }
0x56: {  	_ =	shalt  }
0x57: {  	_ =	shalt  }
0x58: {  	_ =	shalt  }
0x59: {  	_ =	shalt  }
0x5a: {  	_ =	shalt  }
0x5b: {  	_ =	shalt  }
0x5c: {  	_ =	shalt  }
0x5d: {  	_ =	shalt  }
0x5e: {  	_ =	shalt  }
0x5f: {  	_ =	shalt  }
0x60: {  	_ =	shalt  }
0x61: {  	_ =	shalt  }
0x62: {  	_ =	shalt  }
0x63: {  	_ =	shalt  }
0x64: {  	_ =	shalt  }
0x65: {  	_ =	shalt  }
0x66: {  	_ =	shalt  }
0x67: {  	_ =	shalt  }
0x68: {  	_ =	shalt  }
0x69: {  	_ =	shalt  }
0x6a: {  	_ =	shalt  }
0x6b: {  	_ =	shalt  }
0x6c: {  	_ =	shalt  }
0x6d: {  	_ =	shalt  }
0x6e: {  	_ =	shalt  }
0x6f: {  	_ =	shalt  }
0x70: {  	_ =	shalt  }
0x71: {  	_ =	shalt  }
0x72: {  	_ =	shalt  }
0x73: {  	_ =	shalt  }
0x74: {  	_ =	shalt  }
0x75: {  	_ =	shalt  }
0x76: {  	_ =	shalt  }
0x77: {  	_ =	shalt  }
0x78: {  	_ =	shalt  }
0x79: {  	_ =	shalt  }
0x7a: {  	_ =	shalt  }
0x7b: {  	_ =	shalt  }
0x7c: {  	_ =	shalt  }
0x7d: {  	_ =	shalt  }
0x7e: {  	_ =	shalt  }
0x7f: {  	_ =	shalt  }
0x80: {  	_ =	shalt  }
0x81: {  	_ =	shalt  }
0x82: {  	_ =	shalt  }
0x83: {  	_ =	shalt  }
0x84: {  	_ =	shalt  }
0x85: {  	_ =	shalt  }
0x86: {  	_ =	shalt  }
0x87: {  	_ =	shalt  }
.Lfunc_end0:
.L_simem_size_0:
called_computation.3_lowered:
.L_overlay_start_0:
0x88: {  	s2 =	sld [smem:$0x3FD9]  }
0x89: {  	s3 =	sld [smem:$0x3FFE];
	_ =	sdelay $0x1  }
0x8a: {  	s1 =	srdreg.scid  }
0x8b: {  	s0 =	sand.u32 $0x1, s1  }
0x8c: {  	s17 =	sshll.u32 s0, $0xA;
	s2 =	sadd.s32 s3, s2  }
0x8d: {  	s2 =	sadd.s32 s2, s17  }
0x8e: {  	[smem:$0x3FBB] =	sst s2  }
0x8f: {  	_ = 	snop  }
0x90: {  	s18 =	sld [smem:$0x3FD0];
	(tm) =	ssettm $0x1  }
0x91: {  	s19 =	sld [smem:$0x3FFB];
	_ =	sdelay $0x3  }
0x92: {  	_ =	strace s19  }
0x93: {  	s2 =	sld [smem:$0x3FFC];
	_ =	sdelay $0x3  }
0x94: {  	_ =	strace s2  }
0x95: {  	s2 =	sld [smem:$0x3FFD];
	_ =	sdelay $0x3  }
0x96: {  	_ =	strace s2  }
0x97: {  	_ =	strace $0x8FFFFFFF  }
0x98: {  	s20 =	sld [smem:$0x3FDB];
	_ =	sdelay $0x1  }
0x99: {  	s4 =	simm.s32 $_scs_section_size  }
0x9a: {  	s5 =	simm.s32 $_size__tile_overlayer_lowered;
	s6 =	simm.s32 $_tile_overlayer_lowered  }
0x9b: {  	s7 =	simm.s32 $0x1BFF;
	s21 =	sshll.u32 s6, $0x1;
	s4 =	sadd.s32 s4, s20  }
0x9c: {  	s22 =	simm.s32 $0x0;
	s5 =	sshll.u32 s5, $0x1;
	s6 =	sadd.s32 s21, s4  }
0x9d: {  	[timem:s22], [sflag:s7] =	dma.local [hbm:s6], s5  }
0x9e: {  	_ =	swait.ge [sflag:s7], s5  }
0x9f: {  	s5 =	ssub.s32 $0x0, s5;
	[sflag:s7] =	ssyncset.done $0x0  }
0xa0: {  	[sflag:s7] =	ssyncadd.s32 s5;
	_ =	sdelay $0x1  }
0xa1: {  	s23 =	simm.s32 $0x1B8B  }
0xa2: {  	_ =	swait.ge [sflag:s23], $0x1  }
0xa3: {  	[sflag:s23] =	ssyncset.done $0x0  }
0xa4: {  	[sflag:s23] =	ssyncadd.s32 $0xFFFFFFFF  }
0xa5: {  	s5 =	sld [smem:$0x0]  }
0xa6: {  	s6 =	sand.u32 $0xFFFFFFFE, s1  }
0xa7: {  	p0 =	sne.s32 s1, s6  }
0xa8: {  	s6 =	sshll.u32 @p0 s6, $0xE  }
0xa9: {  	s6 =	sadd.s32 @p0 $0x11B8D, s6;
	s7 =	sshll.u32 @p0 s5, $0x11  }
0xaa: {  	s6 =	sor.u32 @p0 s7, s6  }
0xab: {  	[sflag:s6] =	ssyncadd.remote.s32 @p0 $0x1;
	_ =	sdelay $0x1  }
0xac: {  	s6 =	simm.s32 @p0 $0x1B8D  }
0xad: {  	_ =	swait.eq @p0 [sflag:s6], $0x1  }
0xae: {  	[sflag:s6] =	ssyncadd.s32 @p0 $0xFFFFFFFF  }
0xaf: {  	s7 =	sshll.u32 @!p0 s1, $0xE  }
0xb0: {  	s7 =	sor.u32 @!p0 $0x4000, s7;
	s6 =	simm.s32 @!p0 $0x1B8D  }
0xb1: {  	s5 =	sshll.u32 @!p0 s5, $0x11;
	s7 =	sadd.s32 @!p0 $0x11B8D, s7;
	_ =	swait.eq @!p0 [sflag:s6], $0x1  }
0xb2: {  	s5 =	sor.u32 @!p0 s5, s7;
	[sflag:s6] =	ssyncadd.s32 @!p0 $0xFFFFFFFF  }
0xb3: {  	s25 =	simm.s32 $0x1B8E;
	s24 =	sld [smem:$0x3FFE];
	[sflag:s5] =	ssyncadd.remote.s32 @!p0 $0x1  }
0xb4: {  	s26 =	simm.s32 $execute0_lowered;
	[smem:$0x3FD2] =	sst s25  }
0xb5: {  	s6 =	sshll.u32 s26, $0x1;
	_ =	strace $0x8000004C;
	[dreg:$0x1] =	wrdreg $0xFFFFFFFF  }
0xb6: {  	s28 =	simm.s32 $_size_execute0_lowered;
	s4 =	sadd.s32 s4, s6;
	[dreg:$0x0] =	wrdreg $0x0  }
0xb7: {  	s6 =	sshll.u32 s28, $0x1;
	[dreg:$0x2] =	wrdreg s4  }
0xb8: {  	[dreg:$0x3] =	wrdreg s6  }
0xb9: {  	[dreg:$0x4] =	wrdreg $0xC0  }
0xba: {  	_ =	task [dreg:s22], $0x5FFFF  }
0xbb: {  	[dreg:$0x1] =	wrdreg $0xFFFFFFFF  }
0xbc: {  	[dreg:$0x0] =	wrdreg $0x60  }
0xbd: {  	[dreg:$0x2] =	wrdreg s24  }
0xbe: {  	[dreg:$0x3] =	wrdreg s18  }
0xbf: {  	[dreg:$0x4] =	wrdreg $0x21100  }
0xc0: {  	[dreg:$0x5] =	wrdreg $0xC  }
0xc1: {  	_ =	task.clear_ibuf [dreg:s22], $0x6FFFF;
	_ =	strace $0x9000004C  }
0xc2: {  	s29 =	simm.s32 $0xC;
	_ =	strace $0x8000004E  }
0xc3: {  	_ =	swait.ge [sflag:s29], $0x1  }
0xc4: {  	[sflag:s29] =	ssyncadd.s32 $0xFFFFFFFF  }
0xc5: {  	_ =	strace $0x9000004E  }
0xc6: {  	_ =	sfence  }
0xc7: {  	s30 =	sld [smem:$0x0];
	_ =	sdelay $0x2  }
0xc8: {  	s31 =	sshll.u32 s1, $0xD;
	s1 =	sshrl.u32 s1, $0x2  }
0xc9: {  	s4 =	sand.u32 $0x4000, s31;
	s1 =	sadd.s32 s1, s30  }
0xca: {  	s0 =	sor.u32 s4, s0;
	s1 =	sshll.u32 s1, $0x11  }
0xcb: {  	s0 =	sor.u32 s1, s0  }
0xcc: {  	s0 =	sadd.s32 $0x8F2B, s0  }
0xcd: {  	[sflag:s0] =	ssyncadd.remote.s32 $0x1  }
0xce: {  	_ =	sfence.sel $0xFFFF  }
0xcf: {  	[dreg:$0x0] =	wrdreg $0xFFFFFFFF;
	(pc) =	sbr.abs _section_cstart, $3  }
0xd0: {  	[dreg:$0x1] =	wrdreg $0xFFFFFFFF  }
0xd1: {  	_ =	task.clear_ibuf [dreg:s22], $0x2FFFF;
	_ =	strace $0x9FFFFFFF  }
0xd2: {  	(tm) =	ssettm $0x7FFFFFFF  }
0xd3: {  	_ =	shalt  }
tec
execute0_lowered:
.L_overlay_start_1:
0x0: {  	(tag) =	ssettag $0x1  }
0x1: {  	s0 =	rddreg [dreg:$0x0]  }
0x2: {  	s2 =	rddreg [dreg:$0x1]  }
0x3: {  	s1 =	rddreg [dreg:$0x2];
	s3 =	simm.s32 $0x0;
	s5 =	srdreg.scid  }
0x4: {  	s26 =	stileid.u32;
	s18 =	simm.s32 $0x2;
	s19 =	simm.s32 $0x2100  }
0x5: {  	s20 =	simm.s32 $0x80;
	s21 =	simm.s32 $0x100;
	s22 =	simm.s32 $0x900  }
0x6: {  	s23 =	simm.s32 $0x1100;
	s24 =	simm.s32 $0x1;
	s25 =	simm.s32 $0x1900  }
0x7: {  	[smem:$0x7FF] =	sst s3;
	s4 =	sadd.s32 $0xC6E00, s0;
	s9 =	sand.u32 $0x1, s5  }
0x8: {  	s11 =	smul.u32 $0x18700, s26;
	s5 =	sadd.s32 $0x96000, s0;
	s6 =	sadd.s32 $0x2AFE00, s0  }
0x9: {  	s7 =	sadd.s32 $0x27F000, s0;
	s8 =	sadd.s32 $0x24E200, s0;
	s12 =	sshll.u32 s26, $0x1  }
0xa: {  	s30 =	sshll.u32 s26, $0x6;
	s26 =	simm.s32 $0x0;
	_ =	strace $0x8000004D  }
0xb: {  	s10 =	smul.u32 $0x187000, s9;
	s13 =	ssub.s32 $0x2, s9;
	s9 =	sor.u32 s9, s12  }
0xc: {  	s12 =	sor.u32 $0x1C02, s30;
	s14 =	sshrl.u32 s13, $0x1;
	s9 =	smul.u32 $0xC350, s9  }
0xd: {  	s17 =	sadd.s32 s11, s1;
	s10 =	sadd.s32 s11, s10;
	s16 =	ssub.s32 s13, s14  }
0xe: {  	s11 =	sshrl.u32 s11, $0x3;
	s17 =	sshrl.u32 s17, $0x3;
	s28 =	sshrl.u32 s10, $0x3  }
0xf: {  	s10 =	sadd.s32 $0x3200, s0;
	s29 =	sshrl.u32 s9, $0x3;
	s11 =	sadd.s32 s2, s11  }
0x10: {  	s16 =	smax.u32 s16, $0x1;
	s0 =	sadd.s32 s28, s0;
	s31 =	sadd.s32 $0x1860, s29  }
0x11: {  	v0 =	vimm.s32 $0x0;
	v1 =	vimm.s32 $0x186A0;
	s13 =	sadd.s32 s4, s31;
	s14 =	sadd.s32 s5, s31;
	s15 =	sadd.s32 $0x2E0C00, s0  }
.LBB2_1:
0x12: {  	[spmem:s17], [sflag:s12] =	dma.local [hbm:s11], $0x30E0  }
0x13: {  	_ =	swait.ge [sflag:s18], $0x30E0  }
0x14: {  	[sflag:s18] =	ssyncset.done $0x0  }
0x15: {  	s0 =	simm.s32 $0x0;
	[sflag:s18] =	ssyncadd.s32 $0xFFFFCF20  }
0x16: {  	[tilespmem:s19], [sflag:$0x2] =	stream.linear.gather [hbm4b:s10+s0], $0x10, $0x38;
	[tilespmem:$0x1A810] =	vst v63  }
0x17: {  	_ =	swait.ge [sflag:s18], $0x10  }
0x18: {  	[sflag:s18] =	ssyncset.done $0x0  }
0x19: {  	[sflag:s18] =	ssyncadd.s32 $0xFFFFFFF0  }
0x1a: {  	s28 =	simm.s32 $0x0;
	[bflag:$0x0] =	sbarrier.arrive $0xFFFF  }
.LBB2_2:
0x1b: {  	s0 =	sshll.u32 s28, $0x7  }
0x1c: {  	s0 =	sadd.s32 s9, s0  }
0x1d: {  	s0 =	sshrl.u32 s0, $0x3  }
0x1e: {  	s29 =	simm.s32 $0x0;
	s2 =	sadd.s32 s4, s0  }
0x1f: {  	[tilespmem:s29], [sflag:$0x2] =	stream.linear.gather [hbm4b:s2+s29], $0x80, $0x38;
	[tilespmem:$0x1A810] =	vst v63  }
0x20: {  	_ =	swait.ge [sflag:s18], $0x80  }
0x21: {  	[sflag:s18] =	ssyncset.done $0x0  }
0x22: {  	s0 =	sadd.s32 s5, s0;
	[sflag:s18] =	ssyncadd.s32 $0xFFFFFF80  }
0x23: {  	[tilespmem:s20], [sflag:$0x2] =	stream.linear.gather [hbm4b:s0+s29], $0x80, $0x38;
	[tilespmem:$0x1A810] =	vst v63  }
0x24: {  	_ =	swait.ge [sflag:s18], $0x80  }
0x25: {  	[sflag:s18] =	ssyncset.done $0x0  }
0x26: {  	[sflag:s18] =	ssyncadd.s32 $0xFFFFFF80  }
0x27: {  	[tilespmem:s21], [sflag:$0x1] =	stream.indirect.gather [hbm4b:s6+s20], $0x10, s29, s20, $0xb8;
	[tilespmem:$0x1A810] =	vst v63  }
0x28: {  	_ = 	snop  }
0x29: {  	[tilespmem:s22], [sflag:$0x1] =	stream.indirect.gather [hbm4b:s7+s20], $0x10, s20, s20, $0xb8;
	[tilespmem:$0x1A810] =	vst v63  }
0x2a: {  	_ = 	snop  }
0x2b: {  	[tilespmem:s23], [sflag:$0x1] =	stream.indirect.gather [hbm4b:s8+s20], $0x10, s29, s20, $0xb8;
	[tilespmem:$0x1A810] =	vst v63  }
0x2c: {  	_ =	swait.ge [sflag:s24], $0x800  }
0x2d: {  	[sflag:s24] =	ssyncset.done $0x0  }
0x2e: {  	[sflag:s24] =	ssyncadd.s32 $0xFFFFF800  }
0x2f: {  	_ =	swait.ge [sflag:s24], $0x800  }
0x30: {  	[sflag:s24] =	ssyncset.done $0x0  }
0x31: {  	[sflag:s24] =	ssyncadd.s32 $0xFFFFF800  }
0x32: {  	_ =	swait.ge [sflag:s24], $0x800  }
0x33: {  	[sflag:s24] =	ssyncset.done $0x0  }
0x34: {  	s31 =	simm.s32 $0x0;
	[sflag:s24] =	ssyncadd.s32 $0xFFFFF800  }
0x35: {  	v3 =	vld [tilespmem:s31+$0x100]  }
0x36: {  	v4 =	vld [tilespmem:s31+$0x900];
	_ =	sdelay $0x1  }
0x37: {  	s30 =	simm.s32 $0x10  }
0x38: {  	v5 =	vld [tilespmem:s30+$0x100]  }
0x39: {  	v6 =	vld [tilespmem:s30+$0x900]  }
0x3a: {  	v2 =	vld [tilespmem:$0x2100];
	v3 =	vadd.f32 v4, v3;
	_ =	sdelay $0x1  }
0x3b: {  	v7 =	vmul.f32 $2.000000030e-01, v3  }
0x3c: {  	vm0 =	vgt.f32 v3, $0.0e+00  }
0x3d: {  	v5 =	vadd.f32 v6, v5;
	v3 =	vsel vm0, v3, v7  }
0x3e: {  	s29 =	simm.s32 $0x20;
	v3 =	vsub.f32 v3, v2  }
0x3f: {  	v4 =	vld [tilespmem:s29+$0x100];
	v8 =	vmul.f32 $2.000000030e-01, v5  }
0x40: {  	v6 =	vld [tilespmem:s29+$0x900];
	vm14 =	vgt.f32 v5, $0.0e+00;
	v3 =	vmul.f32 $1.442695020e+00, v3  }
0x41: {  	v5 =	vsel vm14, v5, v8  }
0x42: {  	v5 =	vsub.f32 v5, v2;
	(erf) = vpow2.f32 v3;
	_ =	sdelay $0x1  }
0x43: {  	s0 =	simm.s32 $0x30;
	v7 =	vmul.f32 $1.442695020e+00, v5  }
0x44: {  	v6 =	vadd.f32 v6, v4;
	v4 =	vld [tilespmem:s0+$0x100]  }
0x45: {  	v5 =	vld [tilespmem:s0+$0x900];
	(erf) = vpow2.f32 v7  }
0x46: {  	v8 =	vmul.f32 $2.000000030e-01, v6;
	v3 =	vld [tilespmem:s31+$0x1100]  }
0x47: {  	vm15 =	vgt.f32 v6, $0.0e+00  }
0x48: {  	s2 =	simm.s32 $0x100;
	v6 =	vsel vm15, v6, v8  }
.LBB2_3:
0x49: {  	s3 =	sshra.s32 s2, $0x2;
	v6 =	vsub.f32 v6, v2;
	p0 =	sne.s32 s2, $0x1FC0  }
.Ltmp0:
0x4a: {  	s2 =	sadd.s32 $0x40, s2;
	v7 =	vadd.f32 v5, v4;
	v4 =	vld [tilespmem:s3+$0x100];
	v8 =	vpop (erf);
	(pc) =	sbr.rel @p0 .LBB2_3-.Ltmp0, $4  }
0x4b: {  	v5 =	vld [tilespmem:s3+$0x900];
	v6 =	vmul.f32 $1.442695020e+00, v6;
	v8 =	vmul.f32 v8, v3  }
0x4c: {  	v9 =	vmul.f32 $2.000000030e-01, v7;
	v3 =	vld [tilespmem:s30+$0x1100]  }
0x4d: {  	vm0 =	vgt.f32 v7, $0.0e+00;
	(erf) = vpow2.f32 v6;
	[tilespmem:s31+$0x1900] =	vst v8;
	s31 =	smov.u32 s30;
	s30 =	smov.u32 s29;
	s29 =	smov.u32 s0  }
0x4e: {  	s0 =	smov.u32 s3;
	v6 =	vsel vm0, v7, v9  }
0x4f: {  	_ = 	snop  }
0x50: {  	v4 =	vadd.f32 v5, v4;
	_ =	sdelay $0x1  }
0x51: {  	v5 =	vmul.f32 $2.000000030e-01, v4  }
0x52: {  	vm0 =	vgt.f32 v4, $0.0e+00  }
0x53: {  	v4 =	vsel vm0, v4, v5  }
0x54: {  	v6 =	vsub.f32 v6, v2;
	v2 =	vsub.f32 v4, v2;
	_ =	sdelay $0x1  }
0x55: {  	v61 =	vld [tilespmem:s30+$0x1100];
	v60 =	vmul.f32 $1.442695020e+00, v6;
	v2 =	vmul.f32 $1.442695020e+00, v2;
	_ =	sdelay $0x1  }
0x56: {  	v62 =	vpop (erf);
	(erf) = vpow2.f32 v60  }
0x57: {  	(erf) = vpow2.f32 v2  }
0x58: {  	v3 =	vmul.f32 v62, v3;
	v2 =	vpop (erf)  }
0x59: {  	v2 =	vmul.f32 v2, v61  }
0x5a: {  	[tilespmem:s31+$0x1900] =	vst v3  }
0x5b: {  	v3 =	vld [tilespmem:s29+$0x1100];
	[tilespmem:s30+$0x1900] =	vst v2  }
0x5c: {  	v2 =	vld [tilespmem:s0+$0x1100];
	_ =	sdelay $0x2  }
0x5d: {  	v4 =	vpop (erf)  }
0x5e: {  	v3 =	vmul.f32 v4, v3;
	v63 =	vpop (erf)  }
0x5f: {  	s28 =	sadd.s32 $0x1, s28;
	v2 =	vmul.f32 v63, v2  }
0x60: {  	p0 =	sne.s32 s28, $0x186;
	[tilespmem:s29+$0x1900] =	vst v3  }
.Ltmp1:
0x61: {  	[tilespmem:s0+$0x1900] =	vst v2;
	(pc) =	sbr.rel @p0 .LBB2_2-.Ltmp1, $4  }
0x62: {  	[spmem:s1] =	stream.indirect.scatter.add.f32 [tilespmem:s25], [sflag:$0x2], $0x10, s20, s20, $0xb8;
	[tilespmem:$0x1A810] =	vst v63  }
0x63: {  	_ =	swait.ge [sflag:s18], $0x800  }
0x64: {  	[sflag:s18] =	ssyncset.done $0x0  }
0x65: {  	[sflag:s18] =	ssyncadd.s32 $0xFFFFF800  }
0x66: {  	s0 =	simm.s32 $0x0  }
0x67: {  	[tilespmem:s0], [sflag:$0x2] =	stream.linear.gather [hbm4b:s13+s0], $0x50, $0x38;
	[tilespmem:$0x1A810] =	vst v63  }
0x68: {  	_ =	swait.ge [sflag:s18], $0x50  }
0x69: {  	[sflag:s18] =	ssyncset.done $0x0  }
0x6a: {  	[sflag:s18] =	ssyncadd.s32 $0xFFFFFFB0  }
0x6b: {  	[tilespmem:s20], [sflag:$0x2] =	stream.linear.gather [hbm4b:s14+s0], $0x50, $0x38;
	[tilespmem:$0x1A810] =	vst v63  }
0x6c: {  	_ =	swait.ge [sflag:s18], $0x50  }
0x6d: {  	[sflag:s18] =	ssyncset.done $0x0  }
0x6e: {  	[sflag:s18] =	ssyncadd.s32 $0xFFFFFFB0  }
0x6f: {  	[tilespmem:$0x50] =	vst v0  }
0x70: {  	[tilespmem:$0xD0] =	vst v1  }
0x71: {  	[tilespmem:$0x60] =	vst v0  }
0x72: {  	[tilespmem:$0xE0] =	vst v1  }
0x73: {  	[tilespmem:$0x70] =	vst v0  }
0x74: {  	[tilespmem:$0xF0] =	vst v1  }
0x75: {  	[tilespmem:s21], [sflag:$0x1] =	stream.indirect.gather [hbm4b:s6+s20], $0x10, s0, s20, $0xb8;
	[tilespmem:$0x1A810] =	vst v63  }
0x76: {  	_ = 	snop  }
0x77: {  	[tilespmem:s22], [sflag:$0x1] =	stream.indirect.gather [hbm4b:s7+s20], $0x10, s20, s20, $0xb8;
	[tilespmem:$0x1A810] =	vst v63  }
0x78: {  	_ = 	snop  }
0x79: {  	[tilespmem:s23], [sflag:$0x1] =	stream.indirect.gather [hbm4b:s8+s20], $0x10, s0, s20, $0xb8;
	[tilespmem:$0x1A810] =	vst v63  }
0x7a: {  	_ =	swait.ge [sflag:s24], $0x800  }
0x7b: {  	[sflag:s24] =	ssyncset.done $0x0  }
0x7c: {  	[sflag:s24] =	ssyncadd.s32 $0xFFFFF800  }
0x7d: {  	_ =	swait.ge [sflag:s24], $0x800  }
0x7e: {  	[sflag:s24] =	ssyncset.done $0x0  }
0x7f: {  	[sflag:s24] =	ssyncadd.s32 $0xFFFFF800  }
0x80: {  	_ =	swait.ge [sflag:s24], $0x800  }
0x81: {  	[sflag:s24] =	ssyncset.done $0x0  }
0x82: {  	s30 =	simm.s32 $0x0;
	[sflag:s24] =	ssyncadd.s32 $0xFFFFF800  }
0x83: {  	v3 =	vld [tilespmem:s30+$0x100]  }
0x84: {  	v4 =	vld [tilespmem:s30+$0x900];
	_ =	sdelay $0x1  }
0x85: {  	s29 =	simm.s32 $0x10  }
0x86: {  	v5 =	vld [tilespmem:s29+$0x100]  }
0x87: {  	v6 =	vld [tilespmem:s29+$0x900]  }
0x88: {  	v2 =	vld [tilespmem:$0x2100];
	v3 =	vadd.f32 v4, v3;
	_ =	sdelay $0x1  }
0x89: {  	v7 =	vmul.f32 $2.000000030e-01, v3  }
0x8a: {  	vm0 =	vgt.f32 v3, $0.0e+00  }
0x8b: {  	v5 =	vadd.f32 v6, v5;
	v3 =	vsel vm0, v3, v7  }
0x8c: {  	s28 =	simm.s32 $0x20;
	v3 =	vsub.f32 v3, v2  }
0x8d: {  	v4 =	vld [tilespmem:s28+$0x100];
	v8 =	vmul.f32 $2.000000030e-01, v5  }
0x8e: {  	v6 =	vld [tilespmem:s28+$0x900];
	vm14 =	vgt.f32 v5, $0.0e+00;
	v3 =	vmul.f32 $1.442695020e+00, v3  }
0x8f: {  	v5 =	vsel vm14, v5, v8  }
0x90: {  	v5 =	vsub.f32 v5, v2;
	(erf) = vpow2.f32 v3;
	_ =	sdelay $0x1  }
0x91: {  	s0 =	simm.s32 $0x30;
	v7 =	vmul.f32 $1.442695020e+00, v5  }
0x92: {  	v6 =	vadd.f32 v6, v4;
	v4 =	vld [tilespmem:s0+$0x100]  }
0x93: {  	v5 =	vld [tilespmem:s0+$0x900];
	(erf) = vpow2.f32 v7  }
0x94: {  	v8 =	vmul.f32 $2.000000030e-01, v6;
	v3 =	vld [tilespmem:s30+$0x1100]  }
0x95: {  	vm15 =	vgt.f32 v6, $0.0e+00  }
0x96: {  	s2 =	simm.s32 $0x100;
	v6 =	vsel vm15, v6, v8  }
.LBB2_6:
0x97: {  	s3 =	sshra.s32 s2, $0x2;
	v6 =	vsub.f32 v6, v2;
	p0 =	sne.s32 s2, $0x1FC0  }
.Ltmp2:
0x98: {  	s2 =	sadd.s32 $0x40, s2;
	v7 =	vadd.f32 v5, v4;
	v4 =	vld [tilespmem:s3+$0x100];
	v8 =	vpop (erf);
	(pc) =	sbr.rel @p0 .LBB2_6-.Ltmp2, $4  }
0x99: {  	v5 =	vld [tilespmem:s3+$0x900];
	v6 =	vmul.f32 $1.442695020e+00, v6;
	v8 =	vmul.f32 v8, v3  }
0x9a: {  	v9 =	vmul.f32 $2.000000030e-01, v7;
	v3 =	vld [tilespmem:s29+$0x1100]  }
0x9b: {  	vm0 =	vgt.f32 v7, $0.0e+00;
	(erf) = vpow2.f32 v6;
	[tilespmem:s30+$0x1900] =	vst v8;
	s30 =	smov.u32 s29;
	s29 =	smov.u32 s28;
	s28 =	smov.u32 s0  }
0x9c: {  	s0 =	smov.u32 s3;
	v6 =	vsel vm0, v7, v9  }
0x9d: {  	_ = 	snop  }
0x9e: {  	v4 =	vadd.f32 v5, v4;
	_ =	sdelay $0x1  }
0x9f: {  	v5 =	vmul.f32 $2.000000030e-01, v4  }
0xa0: {  	vm0 =	vgt.f32 v4, $0.0e+00  }
0xa1: {  	v4 =	vsel vm0, v4, v5  }
0xa2: {  	v6 =	vsub.f32 v6, v2;
	v2 =	vsub.f32 v4, v2;
	_ =	sdelay $0x1  }
0xa3: {  	v61 =	vld [tilespmem:s29+$0x1100];
	v60 =	vmul.f32 $1.442695020e+00, v6;
	v2 =	vmul.f32 $1.442695020e+00, v2;
	_ =	sdelay $0x1  }
0xa4: {  	v62 =	vpop (erf);
	(erf) = vpow2.f32 v60  }
0xa5: {  	(erf) = vpow2.f32 v2  }
0xa6: {  	v3 =	vmul.f32 v62, v3;
	v2 =	vpop (erf)  }
0xa7: {  	v2 =	vmul.f32 v2, v61  }
0xa8: {  	[tilespmem:s30+$0x1900] =	vst v3  }
0xa9: {  	v3 =	vld [tilespmem:s28+$0x1100];
	[tilespmem:s29+$0x1900] =	vst v2  }
0xaa: {  	v2 =	vld [tilespmem:s0+$0x1100];
	_ =	sdelay $0x2  }
0xab: {  	v4 =	vpop (erf)  }
0xac: {  	v3 =	vmul.f32 v4, v3;
	v63 =	vpop (erf)  }
0xad: {  	v2 =	vmul.f32 v63, v2  }
0xae: {  	[tilespmem:s28+$0x1900] =	vst v3  }
0xaf: {  	[tilespmem:s0+$0x1900] =	vst v2  }
0xb0: {  	[spmem:s1] =	stream.indirect.scatter.add.f32 [tilespmem:s25], [sflag:$0x2], $0x10, s20, s20, $0xb8;
	[tilespmem:$0x1A810] =	vst v63  }
0xb1: {  	_ =	swait.ge [sflag:s18], $0x800  }
0xb2: {  	s26 =	sadd.s32 $0x1, s26;
	[sflag:s18] =	ssyncset.done $0x0  }
0xb3: {  	p0 =	sne.s32 s26, s16;
	[sflag:s18] =	ssyncadd.s32 $0xFFFFF800  }
.Ltmp3:
0xb4: {  	[bflag:$0x0] =	sbarrier.arrive $0xFFFF;
	(pc) =	sbr.rel @p0 .LBB2_1-.Ltmp3, $4  }
0xb5: {  	[hbm:s15], [sflag:s12] =	dma.local [spmem:s17], $0x30E0  }
0xb6: {  	_ =	swait.ge [sflag:s18], $0x30E0  }
0xb7: {  	[sflag:s18] =	ssyncset.done $0x0  }
0xb8: {  	[sflag:s18] =	ssyncadd.s32 $0xFFFFCF20  }
0xb9: {  	_ =	sfence.sel $0x180000  }
0xba: {  	[bflag:$0x0] =	sbarrier.arrive $0xFFFF  }
0xbb: {  	_ =	strace $0x9000004D  }
0xbc: {  	s0 =	stileid.u32;
	[bflag:$0x2] =	sbarrier.arrive $0xFFFF  }
0xbd: {  	p0 =	sne.s32 s0, $0x0;
	s0 =	rddreg [dreg:$0x3]  }
0xbe: {  	s0 =	sadd.s32 @!p0 $0x100000, s0  }
0xbf: {  	[sflag:s0] =	ssyncadd.tile.s32 @!p0 $0x1;
	_ =	shalt  }
.Lfunc_end2:
_tile_overlayer_lowered:
.L_overlay_start_2:
0xc0: {  	(tag) =	ssettag $0x2  }
0xc1: {  	s0 =	rddreg [dreg:$0x0];
	s2 =	stileid.u32  }
0xc2: {  	s1 =	rddreg [dreg:$0x1];
	p0 =	sne.s32 s2, $0x0  }
0xc3: {  	s3 =	rddreg [dreg:$0x2];
	[bflag:$0x3] =	sbarrier.arrive $0xFFFF;
	s2 =	simm.s32 @!p0 $0x1C02  }
0xc4: {  	[timem:s3], [sflag:s2] =	dma.local @!p0 [hbm:s0], s1  }
0xc5: {  	s0 =	simm.s32 @!p0 $0x2  }
0xc6: {  	_ =	swait.ge @!p0 [sflag:s0], s1  }
0xc7: {  	s1 =	ssub.s32 @!p0 $0x0, s1;
	[sflag:s0] =	ssyncset.done @!p0 $0x0  }
0xc8: {  	[sflag:s0] =	ssyncadd.s32 @!p0 s1  }
0xc9: {  	[bflag:$0x3] =	sbarrier.arrive $0xFFFF  }
0xca: {  	_ =	shalt  }

// kernel: kernel.23.cloned.1.call-start
scs
__scs_entry_jumppad:
0x0: {  	(pc) =	sbr.rel $0x88, $3  }
0x1: {  	(tag) =	ssettag $0x0;
	lr =	simm.s32 $0x1  }
0x2: {  	[smem:$0x3F94] =	sst lr;
	_ =	strace $0xD0000000  }
0x3: {  	_ = 	snop  }
0x4: {  	_ = 	snop  }
0x5: {  	_ = 	snop  }
0x6: {  	_ = 	snop  }
0x7: {  	_ = 	snop  }
__scs_overlays_trampoline_lowered:
0x8: {  	[smem:$0x3FA3] =	sst s0  }
0x9: {  	[smem:$0x3FA4] =	sst s1  }
0xa: {  	[smem:$0x3FA5] =	sst s2  }
0xb: {  	[smem:$0x3FA6] =	sst s3  }
0xc: {  	[smem:$0x3FA7] =	sst s4  }
0xd: {  	[smem:$0x3FA8] =	sst s5  }
0xe: {  	[smem:$0x3FA9] =	sst s6  }
0xf: {  	[smem:$0x3FAA] =	sst s7  }
0x10: {  	[smem:$0x3FAB] =	sst s8  }
0x11: {  	[smem:$0x3FAC] =	sst s9;
	s0 =	simm.s32 @!p0 $0x0  }
0x12: {  	s1 =	sld [smem:$0x3F92];
	s0 =	simm.s32 @p0 $0x1  }
0x13: {  	[smem:$0x3FAD] =	sst s0;
	s0 =	simm.s32 @!p1 $0x0  }
0x14: {  	s2 =	sld [smem:$0x3F91];
	s0 =	simm.s32 @p1 $0x1  }
0x15: {  	[smem:$0x3FAE] =	sst s0;
	s0 =	simm.s32 @!p2 $0x0  }
0x16: {  	s3 =	sld [smem:$0x3FDB];
	s0 =	simm.s32 @p2 $0x1  }
0x17: {  	s4 =	simm.s32 $0x1BF5;
	[smem:$0x3FB0] =	sst s0  }
0x18: {  	s0 =	sld [smem:$0x3F93];
	_ =	swait.ge [sflag:s4], $0x0  }
0x19: {  	s7 =	sld [smem:$0x3F94]  }
0x1a: {  	s8 =	sadd.s32 $0xFFFFE003, lr  }
0x1b: {  	s9 =	sadd.s32 $0xFFFFFEF7, lr;
	s5 =	simm.s32 $0xFFFFFFFF;
	p2 =	slt.u32 s8, $0xFFFFF086  }
0x1c: {  	p1 =	slt.u32 s9, $0xF7A;
	s5 =	simm.s32 @!p2 $0x0  }
0x1d: {  	s5 =	simm.s32 @p1 $0x1;
	p0 =	seq.s32 s7, s2  }
0x1e: {  	s7 =	smul.u32 @!p0 $0xF7A, s2;
	p2 =	seq.s32 @!p0 s5, $0x0  }
0x1f: {  	s9 =	smul.u32 $0xF7A, s1;
	s8 =	simm.s32 @!p0 $0x1BF5;
	p2 =	por !p2, p0  }
0x20: {  	[sflag:s8] =	ssyncset.s32 @!p0 $0xFFFFF086;
	s6 =	sadd.s32 @!p0 s3, s7;
	s7 =	simm.s32 @!p0 $0x108  }
0x21: {  	s3 =	sadd.s32 s3, s9;
	s6 =	sadd.s32 @!p0 $0x88, s6;
	s7 =	simm.s32 @p2 $0x1082  }
0x22: {  	[simem:s7], [sflag:s8] =	dma.local @!p0 [hbm:s6], $0xF7A  }
0x23: {  	s9 =	sor.u32 $0xD0000000, s2;
	s6 =	simm.s32 $0x108;
	_ =	swait.ge @!p0 [sflag:s8], $0x0  }
0x24: {  	s3 =	sadd.s32 $0x88, s3;
	s6 =	simm.s32 @!p1 $0x1082;
	[sflag:s4] =	ssyncset.s32 $0xFFFFF086  }
0x25: {  	[simem:s6], [sflag:s4] =	dma.local [hbm:s3], $0xF7A  }
0x26: {  	[smem:$0x3F94] =	sst s1;
	(tag) =	ssettag s2;
	_ =	strace s9  }
0x27: {  	s1 =	sld [smem:$0x3FA4]  }
0x28: {  	s2 =	sld [smem:$0x3FA5]  }
0x29: {  	s4 =	sld [smem:$0x3FA7]  }
0x2a: {  	p0 =	seq.s32 s5, $0x0;
	s5 =	sld [smem:$0x3FA8]  }
0x2b: {  	s6 =	sld [smem:$0x3FA9]  }
0x2c: {  	s7 =	sld [smem:$0x3FAA]  }
0x2d: {  	s3 =	simm.s32 $0x108;
	s8 =	sld [smem:$0x3FAB]  }
0x2e: {  	s3 =	simm.s32 @!p0 $0x1082;
	s9 =	sld [smem:$0x3FAC]  }
0x2f: {  	lr =	sadd.s32 s0, s3;
	s0 =	sld [smem:$0x3FA3]  }
0x30: {  	s3 =	sld [smem:$0x3FA6]  }
0x31: {  	[smem:$0x3FAF] =	sst s10  }
0x32: {  	s10 =	sld [smem:$0x3FAD];
	_ =	sdelay $0x3  }
0x33: {  	p0 =	seq.s32 s10, $0x1;
	s10 =	sld [smem:$0x3FAF];
	_ =	sdelay $0x3  }
0x34: {  	[smem:$0x3FAF] =	sst s10  }
0x35: {  	s10 =	sld [smem:$0x3FAE];
	_ =	sdelay $0x3  }
0x36: {  	p1 =	seq.s32 s10, $0x1;
	s10 =	sld [smem:$0x3FAF];
	_ =	sdelay $0x3  }
0x37: {  	[smem:$0x3FAF] =	sst s10  }
0x38: {  	s10 =	sld [smem:$0x3FB0]  }
0x39: {  	_ = 	snop;
	(pc) =	sbr.ind lr, $3  }
0x3a: {  	_ = 	snop  }
0x3b: {  	_ = 	snop  }
0x3c: {  	p2 =	seq.s32 s10, $0x1;
	s10 =	sld [smem:$0x3FAF]  }
0x3d: {  	_ =	shalt  }
0x3e: {  	_ =	shalt  }
0x3f: {  	_ =	shalt  }
0x40: {  	_ =	shalt  }
0x41: {  	_ =	shalt  }
0x42: {  	_ =	shalt  }
0x43: {  	_ =	shalt  }
0x44: {  	_ =	shalt  }
0x45: {  	_ =	shalt  }
0x46: {  	_ =	shalt  }
0x47: {  	_ =	shalt  }
0x48: {  	_ =	shalt  }
0x49: {  	_ =	shalt  }
0x4a: {  	_ =	shalt  }
0x4b: {  	_ =	shalt  }
0x4c: {  	_ =	shalt  }
0x4d: {  	_ =	shalt  }
0x4e: {  	_ =	shalt  }
0x4f: {  	_ =	shalt  }
0x50: {  	_ =	shalt  }
0x51: {  	_ =	shalt  }
0x52: {  	_ =	shalt  }
0x53: {  	_ =	shalt  }
0x54: {  	_ =	shalt  }
0x55: {  	_ =	shalt  }
0x56: {  	_ =	shalt  }
0x57: {  	_ =	shalt  }
0x58: {  	_ =	shalt  }
0x59: {  	_ =	shalt  }
0x5a: {  	_ =	shalt  }
0x5b: {  	_ =	shalt  }
0x5c: {  	_ =	shalt  }
0x5d: {  	_ =	shalt  }
0x5e: {  	_ =	shalt  }
0x5f: {  	_ =	shalt  }
0x60: {  	_ =	shalt  }
0x61: {  	_ =	shalt  }
0x62: {  	_ =	shalt  }
0x63: {  	_ =	shalt  }
0x64: {  	_ =	shalt  }
0x65: {  	_ =	shalt  }
0x66: {  	_ =	shalt  }
0x67: {  	_ =	shalt  }
0x68: {  	_ =	shalt  }
0x69: {  	_ =	shalt  }
0x6a: {  	_ =	shalt  }
0x6b: {  	_ =	shalt  }
0x6c: {  	_ =	shalt  }
0x6d: {  	_ =	shalt  }
0x6e: {  	_ =	shalt  }
0x6f: {  	_ =	shalt  }
0x70: {  	_ =	shalt  }
0x71: {  	_ =	shalt  }
0x72: {  	_ =	shalt  }
0x73: {  	_ =	shalt  }
0x74: {  	_ =	shalt  }
0x75: {  	_ =	shalt  }
0x76: {  	_ =	shalt  }
0x77: {  	_ =	shalt  }
0x78: {  	_ =	shalt  }
0x79: {  	_ =	shalt  }
0x7a: {  	_ =	shalt  }
0x7b: {  	_ =	shalt  }
0x7c: {  	_ =	shalt  }
0x7d: {  	_ =	shalt  }
0x7e: {  	_ =	shalt  }
0x7f: {  	_ =	shalt  }
0x80: {  	_ =	shalt  }
0x81: {  	_ =	shalt  }
0x82: {  	_ =	shalt  }
0x83: {  	_ =	shalt  }
0x84: {  	_ =	shalt  }
0x85: {  	_ =	shalt  }
0x86: {  	_ =	shalt  }
0x87: {  	_ =	shalt  }
.Lfunc_end0:
.L_simem_size_0:
called_computation.4_lowered:
.L_overlay_start_0:
0x88: {  	s2 =	sld [smem:$0x3FD9]  }
0x89: {  	s3 =	sld [smem:$0x3FFE];
	_ =	sdelay $0x1  }
0x8a: {  	s1 =	srdreg.scid  }
0x8b: {  	s0 =	sand.u32 $0x1, s1  }
0x8c: {  	s17 =	sshll.u32 s0, $0xA;
	s2 =	sadd.s32 s3, s2  }
0x8d: {  	s2 =	sadd.s32 s2, s17  }
0x8e: {  	[smem:$0x3FBB] =	sst s2  }
0x8f: {  	_ = 	snop  }
0x90: {  	s2 =	sld [smem:$0x3FD0];
	(tm) =	ssettm $0x1  }
0x91: {  	s18 =	sld [smem:$0x3FFB];
	_ =	sdelay $0x3  }
0x92: {  	_ =	strace s18  }
0x93: {  	s3 =	sld [smem:$0x3FFC];
	_ =	sdelay $0x3  }
0x94: {  	_ =	strace s3  }
0x95: {  	s3 =	sld [smem:$0x3FFD];
	_ =	sdelay $0x3  }
0x96: {  	_ =	strace s3  }
0x97: {  	_ =	strace $0x8FFFFFFF  }
0x98: {  	s19 =	sld [smem:$0x3FDB];
	_ =	sdelay $0x1  }
0x99: {  	s4 =	simm.s32 $_scs_section_size  }
0x9a: {  	s5 =	simm.s32 $_size__tile_overlayer_lowered;
	s6 =	simm.s32 $_tile_overlayer_lowered  }
0x9b: {  	s22 =	simm.s32 $0x1BFF;
	s21 =	sshll.u32 s6, $0x1;
	s3 =	sadd.s32 s4, s19  }
0x9c: {  	s7 =	simm.s32 $0x0;
	s20 =	sshll.u32 s5, $0x1;
	s5 =	sadd.s32 s21, s3  }
0x9d: {  	[timem:s7], [sflag:s22] =	dma.local [hbm:s5], s20  }
0x9e: {  	_ =	swait.ge [sflag:s22], s20  }
0x9f: {  	s4 =	ssub.s32 $0x0, s20;
	[sflag:s22] =	ssyncset.done $0x0  }
0xa0: {  	[sflag:s22] =	ssyncadd.s32 s4;
	_ =	sdelay $0x1  }
0xa1: {  	s23 =	simm.s32 $0x1B8B  }
0xa2: {  	_ =	swait.ge [sflag:s23], $0x1  }
0xa3: {  	[sflag:s23] =	ssyncset.done $0x0  }
0xa4: {  	s25 =	simm.s32 $0x1B8E;
	s24 =	sld [smem:$0x3FFE];
	[sflag:s23] =	ssyncadd.s32 $0xFFFFFFFF  }
0xa5: {  	s26 =	simm.s32 $execute0_lowered;
	[smem:$0x3FD2] =	sst s25  }
0xa6: {  	s5 =	sshll.u32 s26, $0x1;
	_ =	strace $0x80000052;
	[dreg:$0x1] =	wrdreg $0xFFFFFFFF  }
0xa7: {  	s28 =	simm.s32 $_size_execute0_lowered;
	s3 =	sadd.s32 s3, s5;
	[dreg:$0x0] =	wrdreg $0x0  }
0xa8: {  	s5 =	sshll.u32 s28, $0x1;
	[dreg:$0x2] =	wrdreg s3  }
0xa9: {  	[dreg:$0x3] =	wrdreg s5  }
0xaa: {  	[dreg:$0x4] =	wrdreg $0xC0  }
0xab: {  	_ =	task [dreg:s7], $0x5FFFF  }
0xac: {  	[dreg:$0x1] =	wrdreg $0xFFFFFFFF  }
0xad: {  	[dreg:$0x0] =	wrdreg $0x60  }
0xae: {  	[dreg:$0x2] =	wrdreg s24  }
0xaf: {  	[dreg:$0x3] =	wrdreg s2  }
0xb0: {  	[dreg:$0x4] =	wrdreg $0x19100  }
0xb1: {  	[dreg:$0x5] =	wrdreg $0x9  }
0xb2: {  	_ =	task.clear_ibuf [dreg:s7], $0x6FFFF;
	_ =	strace $0x90000052  }
0xb3: {  	s29 =	simm.s32 $0x9;
	_ =	strace $0x80000054  }
0xb4: {  	_ =	swait.ge [sflag:s29], $0x1  }
0xb5: {  	[sflag:s29] =	ssyncadd.s32 $0xFFFFFFFF  }
0xb6: {  	_ =	strace $0x90000054  }
0xb7: {  	_ =	sfence  }
0xb8: {  	s30 =	sld [smem:$0x0];
	_ =	sdelay $0x2  }
0xb9: {  	s31 =	sshll.u32 s1, $0xD;
	s1 =	sshrl.u32 s1, $0x2  }
0xba: {  	s3 =	sand.u32 $0x4000, s31;
	s1 =	sadd.s32 s1, s30  }
0xbb: {  	s0 =	sor.u32 s3, s0;
	s1 =	sshll.u32 s1, $0x11  }
0xbc: {  	s0 =	sor.u32 s1, s0  }
0xbd: {  	s0 =	sadd.s32 $0x8F2B, s0  }
0xbe: {  	[sflag:s0] =	ssyncadd.remote.s32 $0x1  }
0xbf: {  	_ =	sfence.sel $0xFFFF  }
0xc0: {  	[dreg:$0x0] =	wrdreg $0xFFFFFFFF;
	(pc) =	sbr.abs _section_cstart, $3  }
0xc1: {  	[dreg:$0x1] =	wrdreg $0xFFFFFFFF  }
0xc2: {  	_ =	task.clear_ibuf [dreg:s7], $0x2FFFF;
	_ =	strace $0x9FFFFFFF  }
0xc3: {  	(tm) =	ssettm $0x7FFFFFFF  }
tec
execute0_lowered:
.L_overlay_start_1:
0x0: {  	(tag) =	ssettag $0x1  }
0x1: {  	s10 =	rddreg [dreg:$0x0]  }
0x2: {  	s11 =	rddreg [dreg:$0x1]  }
0x3: {  	s2 =	rddreg [dreg:$0x2]  }
0x4: {  	s3 =	simm.s32 $0x0;
	s4 =	srdreg.scid;
	s1 =	stileid.u32  }
0x5: {  	s18 =	simm.s32 $0x1900;
	s19 =	simm.s32 $0x80;
	s20 =	simm.s32 $0x100  }
0x6: {  	s21 =	simm.s32 $0x900;
	s22 =	simm.s32 $0x1;
	s23 =	simm.s32 $0x1100  }
0x7: {  	s24 =	simm.s32 $0x0;
	[smem:$0x7FF] =	sst s3;
	s8 =	sand.u32 $0x1, s4  }
0x8: {  	s12 =	smul.u32 $0x18700, s1;
	s4 =	sadd.s32 $0xC6E00, s10;
	s5 =	sadd.s32 $0x96000, s10  }
0x9: {  	s6 =	sadd.s32 $0x34200, s10;
	s13 =	sshll.u32 s1, $0x1;
	s7 =	sadd.s32 $0x3200, s10  }
0xa: {  	s31 =	sshll.u32 s1, $0x6;
	s9 =	smul.u32 $0x187000, s8;
	s13 =	sor.u32 s8, s13  }
0xb: {  	_ =	strace $0x80000053;
	s15 =	ssub.s32 $0x2, s8;
	s8 =	smul.u32 $0xC350, s13  }
0xc: {  	s29 =	sshrl.u32 s15, $0x1;
	s16 =	sadd.s32 s12, s2;
	s9 =	sadd.s32 s12, s9  }
0xd: {  	s15 =	ssub.s32 s15, s29;
	s12 =	sshrl.u32 s12, $0x3;
	s16 =	sshrl.u32 s16, $0x3  }
0xe: {  	s14 =	sshrl.u32 s9, $0x3;
	s9 =	sadd.s32 $0x3000, s10;
	s30 =	sshrl.u32 s8, $0x3  }
0xf: {  	s15 =	smax.u32 s15, $0x1;
	s14 =	sadd.s32 s14, s10;
	s17 =	sadd.s32 $0x1860, s30  }
0x10: {  	s10 =	sadd.s32 s11, s12;
	s11 =	sor.u32 $0x1C02, s31;
	s12 =	sadd.s32 s4, s17  }
0x11: {  	v0 =	vimm.s32 $0x0;
	v1 =	vimm.s32 $0x186A0;
	s13 =	sadd.s32 s5, s17;
	s14 =	sadd.s32 $0xF7C00, s14;
	s17 =	simm.s32 $0x2  }
.LBB2_1:
0x12: {  	[spmem:s16], [sflag:s11] =	dma.local [hbm:s10], $0x30E0  }
0x13: {  	_ =	swait.ge [sflag:s17], $0x30E0  }
0x14: {  	[sflag:s17] =	ssyncset.done $0x0  }
0x15: {  	[sflag:s17] =	ssyncadd.s32 $0xFFFFCF20  }
0x16: {  	[tilespmem:s18], [sflag:$0x2] =	stream.linear.gather [hbm4b:s9+s3], $0x10, $0x38;
	[tilespmem:$0x1A010] =	vst v63  }
0x17: {  	_ =	swait.ge [sflag:s17], $0x10  }
0x18: {  	[sflag:s17] =	ssyncset.done $0x0  }
0x19: {  	[sflag:s17] =	ssyncadd.s32 $0xFFFFFFF0  }
0x1a: {  	s25 =	simm.s32 $0x0;
	[bflag:$0x0] =	sbarrier.arrive $0xFFFF  }
.LBB2_2:
0x1b: {  	s26 =	sshll.u32 s25, $0x7  }
0x1c: {  	s26 =	sadd.s32 s8, s26  }
0x1d: {  	s26 =	sshrl.u32 s26, $0x3  }
0x1e: {  	s29 =	simm.s32 $0x0;
	s28 =	sadd.s32 s4, s26  }
0x1f: {  	[tilespmem:s29], [sflag:$0x2] =	stream.linear.gather [hbm4b:s28+s29], $0x80, $0x38;
	[tilespmem:$0x1A010] =	vst v63  }
0x20: {  	_ =	swait.ge [sflag:s17], $0x80  }
0x21: {  	[sflag:s17] =	ssyncset.done $0x0  }
0x22: {  	s26 =	sadd.s32 s5, s26;
	[sflag:s17] =	ssyncadd.s32 $0xFFFFFF80  }
0x23: {  	[tilespmem:s19], [sflag:$0x2] =	stream.linear.gather [hbm4b:s26+s29], $0x80, $0x38;
	[tilespmem:$0x1A010] =	vst v63  }
0x24: {  	_ =	swait.ge [sflag:s17], $0x80  }
0x25: {  	[sflag:s17] =	ssyncset.done $0x0  }
0x26: {  	[sflag:s17] =	ssyncadd.s32 $0xFFFFFF80  }
0x27: {  	[tilespmem:s20], [sflag:$0x1] =	stream.indirect.gather [hbm4b:s6+s19], $0x10, s29, s19, $0xb8;
	[tilespmem:$0x1A010] =	vst v63  }
0x28: {  	_ = 	snop  }
0x29: {  	[tilespmem:s21], [sflag:$0x1] =	stream.indirect.gather [hbm4b:s7+s19], $0x10, s19, s19, $0xb8;
	[tilespmem:$0x1A010] =	vst v63  }
0x2a: {  	_ =	swait.ge [sflag:s22], $0x800  }
0x2b: {  	[sflag:s22] =	ssyncset.done $0x0  }
0x2c: {  	[sflag:s22] =	ssyncadd.s32 $0xFFFFF800  }
0x2d: {  	_ =	swait.ge [sflag:s22], $0x800  }
0x2e: {  	[sflag:s22] =	ssyncset.done $0x0  }
0x2f: {  	s26 =	simm.s32 $0x0;
	[sflag:s22] =	ssyncadd.s32 $0xFFFFF800  }
0x30: {  	v3 =	vld [tilespmem:s26+$0x100]  }
0x31: {  	v4 =	vld [tilespmem:s26+$0x900];
	_ =	sdelay $0x1  }
0x32: {  	s28 =	simm.s32 $0x10  }
0x33: {  	v5 =	vld [tilespmem:s28+$0x100]  }
0x34: {  	v6 =	vld [tilespmem:s28+$0x900]  }
0x35: {  	v2 =	vld [tilespmem:$0x1900];
	v3 =	vadd.f32 v4, v3;
	_ =	sdelay $0x1  }
0x36: {  	v7 =	vmul.f32 $2.000000030e-01, v3  }
0x37: {  	vm0 =	vgt.f32 v3, $0.0e+00  }
0x38: {  	v5 =	vadd.f32 v6, v5;
	v3 =	vsel vm0, v3, v7  }
0x39: {  	s29 =	simm.s32 $0x20;
	v3 =	vsub.f32 v3, v2  }
0x3a: {  	v4 =	vld [tilespmem:s29+$0x100];
	v8 =	vmul.f32 $2.000000030e-01, v5  }
0x3b: {  	v6 =	vld [tilespmem:s29+$0x900];
	vm14 =	vgt.f32 v5, $0.0e+00;
	v3 =	vmul.f32 $1.442695020e+00, v3  }
0x3c: {  	v5 =	vsel vm14, v5, v8  }
0x3d: {  	v5 =	vsub.f32 v5, v2;
	(erf) = vpow2.f32 v3;
	_ =	sdelay $0x1  }
0x3e: {  	s30 =	simm.s32 $0x30;
	v5 =	vmul.f32 $1.442695020e+00, v5  }
0x3f: {  	v6 =	vadd.f32 v6, v4;
	v4 =	vld [tilespmem:s30+$0x900]  }
0x40: {  	v3 =	vld [tilespmem:s30+$0x100];
	(erf) = vpow2.f32 v5  }
0x41: {  	v7 =	vmul.f32 $2.000000030e-01, v6  }
0x42: {  	vm15 =	vgt.f32 v6, $0.0e+00  }
0x43: {  	s31 =	simm.s32 $0x100;
	v5 =	vsel vm15, v6, v7  }
.LBB2_3:
0x44: {  	s0 =	sshra.s32 s31, $0x2;
	v5 =	vsub.f32 v5, v2;
	p0 =	sne.s32 s31, $0x1FC0  }
.Ltmp0:
0x45: {  	s31 =	sadd.s32 $0x40, s31;
	v6 =	vadd.f32 v4, v3;
	v3 =	vld [tilespmem:s0+$0x100];
	v7 =	vpop (erf);
	(pc) =	sbr.rel @p0 .LBB2_3-.Ltmp0, $4  }
0x46: {  	v4 =	vld [tilespmem:s0+$0x900];
	v5 =	vmul.f32 $1.442695020e+00, v5;
	[tilespmem:s26+$0x1100] =	vst v7;
	s26 =	smov.u32 s28;
	s28 =	smov.u32 s29;
	s29 =	smov.u32 s30  }
0x47: {  	s30 =	smov.u32 s0;
	v7 =	vmul.f32 $2.000000030e-01, v6  }
0x48: {  	vm0 =	vgt.f32 v6, $0.0e+00;
	(erf) = vpow2.f32 v5  }
0x49: {  	v5 =	vsel vm0, v6, v7  }
0x4a: {  	_ = 	snop  }
0x4b: {  	v3 =	vadd.f32 v4, v3;
	_ =	sdelay $0x1  }
0x4c: {  	v4 =	vmul.f32 $2.000000030e-01, v3  }
0x4d: {  	vm0 =	vgt.f32 v3, $0.0e+00  }
0x4e: {  	v5 =	vsub.f32 v5, v2;
	v3 =	vsel vm0, v3, v4  }
0x4f: {  	v2 =	vsub.f32 v3, v2  }
0x50: {  	v3 =	vmul.f32 $1.442695020e+00, v5  }
0x51: {  	v2 =	vmul.f32 $1.442695020e+00, v2  }
0x52: {  	(erf) = vpow2.f32 v3  }
0x53: {  	(erf) = vpow2.f32 v2;
	_ =	sdelay $0x5  }
0x54: {  	v2 =	vpop (erf)  }
0x55: {  	v3 =	vpop (erf);
	[tilespmem:s26+$0x1100] =	vst v2  }
0x56: {  	s25 =	sadd.s32 $0x1, s25;
	[tilespmem:s28+$0x1100] =	vst v3;
	v2 =	vpop (erf)  }
0x57: {  	p0 =	sne.s32 s25, $0x186;
	[tilespmem:s29+$0x1100] =	vst v2;
	v2 =	vpop (erf)  }
.Ltmp1:
0x58: {  	[tilespmem:s30+$0x1100] =	vst v2;
	(pc) =	sbr.rel @p0 .LBB2_2-.Ltmp1, $4  }
0x59: {  	[spmem:s2] =	stream.indirect.scatter.add.f32 [tilespmem:s23], [sflag:$0x2], $0x10, s19, s19, $0xb8;
	[tilespmem:$0x1A010] =	vst v63  }
0x5a: {  	_ =	swait.ge [sflag:s17], $0x800  }
0x5b: {  	[sflag:s17] =	ssyncset.done $0x0  }
0x5c: {  	[sflag:s17] =	ssyncadd.s32 $0xFFFFF800  }
0x5d: {  	s0 =	simm.s32 $0x0  }
0x5e: {  	[tilespmem:s0], [sflag:$0x2] =	stream.linear.gather [hbm4b:s12+s0], $0x50, $0x38;
	[tilespmem:$0x1A010] =	vst v63  }
0x5f: {  	_ =	swait.ge [sflag:s17], $0x50  }
0x60: {  	[sflag:s17] =	ssyncset.done $0x0  }
0x61: {  	[sflag:s17] =	ssyncadd.s32 $0xFFFFFFB0  }
0x62: {  	[tilespmem:s19], [sflag:$0x2] =	stream.linear.gather [hbm4b:s13+s0], $0x50, $0x38;
	[tilespmem:$0x1A010] =	vst v63  }
0x63: {  	_ =	swait.ge [sflag:s17], $0x50  }
0x64: {  	[sflag:s17] =	ssyncset.done $0x0  }
0x65: {  	[sflag:s17] =	ssyncadd.s32 $0xFFFFFFB0  }
0x66: {  	[tilespmem:$0x50] =	vst v0  }
0x67: {  	[tilespmem:$0xD0] =	vst v1  }
0x68: {  	[tilespmem:$0x60] =	vst v0  }
0x69: {  	[tilespmem:$0xE0] =	vst v1  }
0x6a: {  	[tilespmem:$0x70] =	vst v0  }
0x6b: {  	[tilespmem:$0xF0] =	vst v1  }
0x6c: {  	[tilespmem:s20], [sflag:$0x1] =	stream.indirect.gather [hbm4b:s6+s19], $0x10, s0, s19, $0xb8;
	[tilespmem:$0x1A010] =	vst v63  }
0x6d: {  	_ = 	snop  }
0x6e: {  	[tilespmem:s21], [sflag:$0x1] =	stream.indirect.gather [hbm4b:s7+s19], $0x10, s19, s19, $0xb8;
	[tilespmem:$0x1A010] =	vst v63  }
0x6f: {  	_ =	swait.ge [sflag:s22], $0x800  }
0x70: {  	[sflag:s22] =	ssyncset.done $0x0  }
0x71: {  	[sflag:s22] =	ssyncadd.s32 $0xFFFFF800  }
0x72: {  	_ =	swait.ge [sflag:s22], $0x800  }
0x73: {  	[sflag:s22] =	ssyncset.done $0x0  }
0x74: {  	s25 =	simm.s32 $0x0;
	[sflag:s22] =	ssyncadd.s32 $0xFFFFF800  }
0x75: {  	v3 =	vld [tilespmem:s25+$0x100]  }
0x76: {  	v4 =	vld [tilespmem:s25+$0x900];
	_ =	sdelay $0x1  }
0x77: {  	s26 =	simm.s32 $0x10  }
0x78: {  	v5 =	vld [tilespmem:s26+$0x100]  }
0x79: {  	v6 =	vld [tilespmem:s26+$0x900]  }
0x7a: {  	v2 =	vld [tilespmem:$0x1900];
	v3 =	vadd.f32 v4, v3;
	_ =	sdelay $0x1  }
0x7b: {  	v7 =	vmul.f32 $2.000000030e-01, v3  }
0x7c: {  	vm0 =	vgt.f32 v3, $0.0e+00  }
0x7d: {  	v5 =	vadd.f32 v6, v5;
	v3 =	vsel vm0, v3, v7  }
0x7e: {  	s28 =	simm.s32 $0x20;
	v3 =	vsub.f32 v3, v2  }
0x7f: {  	v4 =	vld [tilespmem:s28+$0x100];
	v8 =	vmul.f32 $2.000000030e-01, v5  }
0x80: {  	v6 =	vld [tilespmem:s28+$0x900];
	vm14 =	vgt.f32 v5, $0.0e+00;
	v3 =	vmul.f32 $1.442695020e+00, v3  }
0x81: {  	v5 =	vsel vm14, v5, v8  }
0x82: {  	v5 =	vsub.f32 v5, v2;
	(erf) = vpow2.f32 v3;
	_ =	sdelay $0x1  }
0x83: {  	s29 =	simm.s32 $0x30;
	v5 =	vmul.f32 $1.442695020e+00, v5  }
0x84: {  	v6 =	vadd.f32 v6, v4;
	v4 =	vld [tilespmem:s29+$0x900]  }
0x85: {  	v3 =	vld [tilespmem:s29+$0x100];
	(erf) = vpow2.f32 v5  }
0x86: {  	v7 =	vmul.f32 $2.000000030e-01, v6  }
0x87: {  	vm15 =	vgt.f32 v6, $0.0e+00  }
0x88: {  	s30 =	simm.s32 $0x100;
	v5 =	vsel vm15, v6, v7  }
.LBB2_6:
0x89: {  	s0 =	sshra.s32 s30, $0x2;
	v5 =	vsub.f32 v5, v2;
	p0 =	sne.s32 s30, $0x1FC0  }
.Ltmp2:
0x8a: {  	s30 =	sadd.s32 $0x40, s30;
	v6 =	vadd.f32 v4, v3;
	v3 =	vld [tilespmem:s0+$0x100];
	v7 =	vpop (erf);
	(pc) =	sbr.rel @p0 .LBB2_6-.Ltmp2, $4  }
0x8b: {  	v4 =	vld [tilespmem:s0+$0x900];
	v5 =	vmul.f32 $1.442695020e+00, v5;
	[tilespmem:s25+$0x1100] =	vst v7;
	s25 =	smov.u32 s26;
	s26 =	smov.u32 s28;
	s28 =	smov.u32 s29  }
0x8c: {  	s29 =	smov.u32 s0;
	v7 =	vmul.f32 $2.000000030e-01, v6  }
0x8d: {  	vm0 =	vgt.f32 v6, $0.0e+00;
	(erf) = vpow2.f32 v5  }
0x8e: {  	v5 =	vsel vm0, v6, v7  }
0x8f: {  	_ = 	snop  }
0x90: {  	v3 =	vadd.f32 v4, v3;
	_ =	sdelay $0x1  }
0x91: {  	v4 =	vmul.f32 $2.000000030e-01, v3  }
0x92: {  	vm0 =	vgt.f32 v3, $0.0e+00  }
0x93: {  	v5 =	vsub.f32 v5, v2;
	v3 =	vsel vm0, v3, v4  }
0x94: {  	v2 =	vsub.f32 v3, v2  }
0x95: {  	v3 =	vmul.f32 $1.442695020e+00, v5  }
0x96: {  	v2 =	vmul.f32 $1.442695020e+00, v2  }
0x97: {  	(erf) = vpow2.f32 v3  }
0x98: {  	(erf) = vpow2.f32 v2;
	_ =	sdelay $0x5  }
0x99: {  	v2 =	vpop (erf)  }
0x9a: {  	v3 =	vpop (erf);
	[tilespmem:s25+$0x1100] =	vst v2  }
0x9b: {  	[tilespmem:s26+$0x1100] =	vst v3;
	v2 =	vpop (erf)  }
0x9c: {  	[tilespmem:s28+$0x1100] =	vst v2;
	v2 =	vpop (erf)  }
0x9d: {  	[tilespmem:s29+$0x1100] =	vst v2  }
0x9e: {  	[spmem:s2] =	stream.indirect.scatter.add.f32 [tilespmem:s23], [sflag:$0x2], $0x10, s19, s19, $0xb8;
	[tilespmem:$0x1A010] =	vst v63  }
0x9f: {  	_ =	swait.ge [sflag:s17], $0x800  }
0xa0: {  	s24 =	sadd.s32 $0x1, s24;
	[sflag:s17] =	ssyncset.done $0x0  }
0xa1: {  	p0 =	sne.s32 s24, s15;
	[sflag:s17] =	ssyncadd.s32 $0xFFFFF800  }
.Ltmp3:
0xa2: {  	[bflag:$0x0] =	sbarrier.arrive $0xFFFF;
	(pc) =	sbr.rel @p0 .LBB2_1-.Ltmp3, $4  }
0xa3: {  	[hbm:s14], [sflag:s11] =	dma.local [spmem:s16], $0x30E0  }
0xa4: {  	_ =	swait.ge [sflag:s17], $0x30E0  }
0xa5: {  	[sflag:s17] =	ssyncset.done $0x0  }
0xa6: {  	[sflag:s17] =	ssyncadd.s32 $0xFFFFCF20  }
0xa7: {  	_ =	sfence.sel $0x180000  }
0xa8: {  	[bflag:$0x0] =	sbarrier.arrive $0xFFFF  }
0xa9: {  	_ =	strace $0x90000053  }
0xaa: {  	[bflag:$0x2] =	sbarrier.arrive $0xFFFF  }
0xab: {  	p0 =	sne.s32 s1, $0x0;
	s0 =	rddreg [dreg:$0x3]  }
0xac: {  	s0 =	sadd.s32 @!p0 $0x100000, s0  }
0xad: {  	[sflag:s0] =	ssyncadd.tile.s32 @!p0 $0x1;
	_ =	shalt  }
.Lfunc_end2:
_tile_overlayer_lowered:
.L_overlay_start_2:
0xae: {  	(tag) =	ssettag $0x2  }
0xaf: {  	s0 =	rddreg [dreg:$0x0];
	s2 =	stileid.u32  }
0xb0: {  	s1 =	rddreg [dreg:$0x1];
	p0 =	sne.s32 s2, $0x0  }
0xb1: {  	s3 =	rddreg [dreg:$0x2];
	[bflag:$0x3] =	sbarrier.arrive $0xFFFF;
	s2 =	simm.s32 @!p0 $0x1C02  }
0xb2: {  	[timem:s3], [sflag:s2] =	dma.local @!p0 [hbm:s0], s1  }
0xb3: {  	s0 =	simm.s32 @!p0 $0x2  }
0xb4: {  	_ =	swait.ge @!p0 [sflag:s0], s1  }
0xb5: {  	s1 =	ssub.s32 @!p0 $0x0, s1;
	[sflag:s0] =	ssyncset.done @!p0 $0x0  }
0xb6: {  	[sflag:s0] =	ssyncadd.s32 @!p0 s1  }
0xb7: {  	[bflag:$0x3] =	sbarrier.arrive $0xFFFF  }
0xb8: {  	_ =	shalt  }

// kernel: kernel.26.cloned.1.call-start
scs
__scs_entry_jumppad:
0x0: {  	(pc) =	sbr.rel $0x88, $3  }
0x1: {  	(tag) =	ssettag $0x0;
	lr =	simm.s32 $0x1  }
0x2: {  	[smem:$0x3F94] =	sst lr;
	_ =	strace $0xD0000000  }
0x3: {  	_ = 	snop  }
0x4: {  	_ = 	snop  }
0x5: {  	_ = 	snop  }
0x6: {  	_ = 	snop  }
0x7: {  	_ = 	snop  }
__scs_overlays_trampoline_lowered:
0x8: {  	[smem:$0x3FA3] =	sst s0  }
0x9: {  	[smem:$0x3FA4] =	sst s1  }
0xa: {  	[smem:$0x3FA5] =	sst s2  }
0xb: {  	[smem:$0x3FA6] =	sst s3  }
0xc: {  	[smem:$0x3FA7] =	sst s4  }
0xd: {  	[smem:$0x3FA8] =	sst s5  }
0xe: {  	[smem:$0x3FA9] =	sst s6  }
0xf: {  	[smem:$0x3FAA] =	sst s7  }
0x10: {  	[smem:$0x3FAB] =	sst s8  }
0x11: {  	[smem:$0x3FAC] =	sst s9;
	s0 =	simm.s32 @!p0 $0x0  }
0x12: {  	s1 =	sld [smem:$0x3F92];
	s0 =	simm.s32 @p0 $0x1  }
0x13: {  	[smem:$0x3FAD] =	sst s0;
	s0 =	simm.s32 @!p1 $0x0  }
0x14: {  	s2 =	sld [smem:$0x3F91];
	s0 =	simm.s32 @p1 $0x1  }
0x15: {  	[smem:$0x3FAE] =	sst s0;
	s0 =	simm.s32 @!p2 $0x0  }
0x16: {  	s3 =	sld [smem:$0x3FDB];
	s0 =	simm.s32 @p2 $0x1  }
0x17: {  	s4 =	simm.s32 $0x1BF5;
	[smem:$0x3FB0] =	sst s0  }
0x18: {  	s0 =	sld [smem:$0x3F93];
	_ =	swait.ge [sflag:s4], $0x0  }
0x19: {  	s7 =	sld [smem:$0x3F94]  }
0x1a: {  	s8 =	sadd.s32 $0xFFFFE003, lr  }
0x1b: {  	s9 =	sadd.s32 $0xFFFFFEF7, lr;
	s5 =	simm.s32 $0xFFFFFFFF;
	p2 =	slt.u32 s8, $0xFFFFF086  }
0x1c: {  	p1 =	slt.u32 s9, $0xF7A;
	s5 =	simm.s32 @!p2 $0x0  }
0x1d: {  	s5 =	simm.s32 @p1 $0x1;
	p0 =	seq.s32 s7, s2  }
0x1e: {  	s7 =	smul.u32 @!p0 $0xF7A, s2;
	p2 =	seq.s32 @!p0 s5, $0x0  }
0x1f: {  	s9 =	smul.u32 $0xF7A, s1;
	s8 =	simm.s32 @!p0 $0x1BF5;
	p2 =	por !p2, p0  }
0x20: {  	[sflag:s8] =	ssyncset.s32 @!p0 $0xFFFFF086;
	s6 =	sadd.s32 @!p0 s3, s7;
	s7 =	simm.s32 @!p0 $0x108  }
0x21: {  	s3 =	sadd.s32 s3, s9;
	s6 =	sadd.s32 @!p0 $0x88, s6;
	s7 =	simm.s32 @p2 $0x1082  }
0x22: {  	[simem:s7], [sflag:s8] =	dma.local @!p0 [hbm:s6], $0xF7A  }
0x23: {  	s9 =	sor.u32 $0xD0000000, s2;
	s6 =	simm.s32 $0x108;
	_ =	swait.ge @!p0 [sflag:s8], $0x0  }
0x24: {  	s3 =	sadd.s32 $0x88, s3;
	s6 =	simm.s32 @!p1 $0x1082;
	[sflag:s4] =	ssyncset.s32 $0xFFFFF086  }
0x25: {  	[simem:s6], [sflag:s4] =	dma.local [hbm:s3], $0xF7A  }
0x26: {  	[smem:$0x3F94] =	sst s1;
	(tag) =	ssettag s2;
	_ =	strace s9  }
0x27: {  	s1 =	sld [smem:$0x3FA4]  }
0x28: {  	s2 =	sld [smem:$0x3FA5]  }
0x29: {  	s4 =	sld [smem:$0x3FA7]  }
0x2a: {  	p0 =	seq.s32 s5, $0x0;
	s5 =	sld [smem:$0x3FA8]  }
0x2b: {  	s6 =	sld [smem:$0x3FA9]  }
0x2c: {  	s7 =	sld [smem:$0x3FAA]  }
0x2d: {  	s3 =	simm.s32 $0x108;
	s8 =	sld [smem:$0x3FAB]  }
0x2e: {  	s3 =	simm.s32 @!p0 $0x1082;
	s9 =	sld [smem:$0x3FAC]  }
0x2f: {  	lr =	sadd.s32 s0, s3;
	s0 =	sld [smem:$0x3FA3]  }
0x30: {  	s3 =	sld [smem:$0x3FA6]  }
0x31: {  	[smem:$0x3FAF] =	sst s10  }
0x32: {  	s10 =	sld [smem:$0x3FAD];
	_ =	sdelay $0x3  }
0x33: {  	p0 =	seq.s32 s10, $0x1;
	s10 =	sld [smem:$0x3FAF];
	_ =	sdelay $0x3  }
0x34: {  	[smem:$0x3FAF] =	sst s10  }
0x35: {  	s10 =	sld [smem:$0x3FAE];
	_ =	sdelay $0x3  }
0x36: {  	p1 =	seq.s32 s10, $0x1;
	s10 =	sld [smem:$0x3FAF];
	_ =	sdelay $0x3  }
0x37: {  	[smem:$0x3FAF] =	sst s10  }
0x38: {  	s10 =	sld [smem:$0x3FB0]  }
0x39: {  	_ = 	snop;
	(pc) =	sbr.ind lr, $3  }
0x3a: {  	_ = 	snop  }
0x3b: {  	_ = 	snop  }
0x3c: {  	p2 =	seq.s32 s10, $0x1;
	s10 =	sld [smem:$0x3FAF]  }
0x3d: {  	_ =	shalt  }
0x3e: {  	_ =	shalt  }
0x3f: {  	_ =	shalt  }
0x40: {  	_ =	shalt  }
0x41: {  	_ =	shalt  }
0x42: {  	_ =	shalt  }
0x43: {  	_ =	shalt  }
0x44: {  	_ =	shalt  }
0x45: {  	_ =	shalt  }
0x46: {  	_ =	shalt  }
0x47: {  	_ =	shalt  }
0x48: {  	_ =	shalt  }
0x49: {  	_ =	shalt  }
0x4a: {  	_ =	shalt  }
0x4b: {  	_ =	shalt  }
0x4c: {  	_ =	shalt  }
0x4d: {  	_ =	shalt  }
0x4e: {  	_ =	shalt  }
0x4f: {  	_ =	shalt  }
0x50: {  	_ =	shalt  }
0x51: {  	_ =	shalt  }
0x52: {  	_ =	shalt  }
0x53: {  	_ =	shalt  }
0x54: {  	_ =	shalt  }
0x55: {  	_ =	shalt  }
0x56: {  	_ =	shalt  }
0x57: {  	_ =	shalt  }
0x58: {  	_ =	shalt  }
0x59: {  	_ =	shalt  }
0x5a: {  	_ =	shalt  }
0x5b: {  	_ =	shalt  }
0x5c: {  	_ =	shalt  }
0x5d: {  	_ =	shalt  }
0x5e: {  	_ =	shalt  }
0x5f: {  	_ =	shalt  }
0x60: {  	_ =	shalt  }
0x61: {  	_ =	shalt  }
0x62: {  	_ =	shalt  }
0x63: {  	_ =	shalt  }
0x64: {  	_ =	shalt  }
0x65: {  	_ =	shalt  }
0x66: {  	_ =	shalt  }
0x67: {  	_ =	shalt  }
0x68: {  	_ =	shalt  }
0x69: {  	_ =	shalt  }
0x6a: {  	_ =	shalt  }
0x6b: {  	_ =	shalt  }
0x6c: {  	_ =	shalt  }
0x6d: {  	_ =	shalt  }
0x6e: {  	_ =	shalt  }
0x6f: {  	_ =	shalt  }
0x70: {  	_ =	shalt  }
0x71: {  	_ =	shalt  }
0x72: {  	_ =	shalt  }
0x73: {  	_ =	shalt  }
0x74: {  	_ =	shalt  }
0x75: {  	_ =	shalt  }
0x76: {  	_ =	shalt  }
0x77: {  	_ =	shalt  }
0x78: {  	_ =	shalt  }
0x79: {  	_ =	shalt  }
0x7a: {  	_ =	shalt  }
0x7b: {  	_ =	shalt  }
0x7c: {  	_ =	shalt  }
0x7d: {  	_ =	shalt  }
0x7e: {  	_ =	shalt  }
0x7f: {  	_ =	shalt  }
0x80: {  	_ =	shalt  }
0x81: {  	_ =	shalt  }
0x82: {  	_ =	shalt  }
0x83: {  	_ =	shalt  }
0x84: {  	_ =	shalt  }
0x85: {  	_ =	shalt  }
0x86: {  	_ =	shalt  }
0x87: {  	_ =	shalt  }
.Lfunc_end0:
.L_simem_size_0:
called_computation.5_lowered:
.L_overlay_start_0:
0x88: {  	s2 =	sld [smem:$0x3FD9]  }
0x89: {  	s3 =	sld [smem:$0x3FFE];
	_ =	sdelay $0x1  }
0x8a: {  	s1 =	srdreg.scid  }
0x8b: {  	s0 =	sand.u32 $0x1, s1  }
0x8c: {  	s17 =	sshll.u32 s0, $0xA;
	s2 =	sadd.s32 s3, s2  }
0x8d: {  	s2 =	sadd.s32 s2, s17  }
0x8e: {  	[smem:$0x3FBB] =	sst s2  }
0x8f: {  	_ = 	snop  }
0x90: {  	s18 =	sld [smem:$0x3FD0];
	(tm) =	ssettm $0x1  }
0x91: {  	s19 =	sld [smem:$0x3FFB];
	_ =	sdelay $0x3  }
0x92: {  	_ =	strace s19  }
0x93: {  	s2 =	sld [smem:$0x3FFC];
	_ =	sdelay $0x3  }
0x94: {  	_ =	strace s2  }
0x95: {  	s2 =	sld [smem:$0x3FFD];
	_ =	sdelay $0x3  }
0x96: {  	_ =	strace s2  }
0x97: {  	_ =	strace $0x8FFFFFFF  }
0x98: {  	s20 =	sld [smem:$0x3FDB];
	_ =	sdelay $0x1  }
0x99: {  	s4 =	simm.s32 $_scs_section_size  }
0x9a: {  	s5 =	simm.s32 $_size__tile_overlayer_lowered;
	s6 =	simm.s32 $_tile_overlayer_lowered  }
0x9b: {  	s7 =	simm.s32 $0x1BFF;
	s21 =	sshll.u32 s6, $0x1;
	s4 =	sadd.s32 s4, s20  }
0x9c: {  	s22 =	simm.s32 $0x0;
	s5 =	sshll.u32 s5, $0x1;
	s6 =	sadd.s32 s21, s4  }
0x9d: {  	[timem:s22], [sflag:s7] =	dma.local [hbm:s6], s5  }
0x9e: {  	_ =	swait.ge [sflag:s7], s5  }
0x9f: {  	s5 =	ssub.s32 $0x0, s5;
	[sflag:s7] =	ssyncset.done $0x0  }
0xa0: {  	[sflag:s7] =	ssyncadd.s32 s5;
	_ =	sdelay $0x1  }
0xa1: {  	s23 =	simm.s32 $0x1B8B  }
0xa2: {  	_ =	swait.ge [sflag:s23], $0x1  }
0xa3: {  	[sflag:s23] =	ssyncset.done $0x0  }
0xa4: {  	[sflag:s23] =	ssyncadd.s32 $0xFFFFFFFF  }
0xa5: {  	s5 =	sld [smem:$0x0]  }
0xa6: {  	s6 =	sand.u32 $0xFFFFFFFE, s1  }
0xa7: {  	p0 =	sne.s32 s1, s6  }
0xa8: {  	s6 =	sshll.u32 @p0 s6, $0xE  }
0xa9: {  	s6 =	sadd.s32 @p0 $0x11B8D, s6;
	s7 =	sshll.u32 @p0 s5, $0x11  }
0xaa: {  	s6 =	sor.u32 @p0 s7, s6  }
0xab: {  	[sflag:s6] =	ssyncadd.remote.s32 @p0 $0x1;
	_ =	sdelay $0x1  }
0xac: {  	s6 =	simm.s32 @p0 $0x1B8D  }
0xad: {  	_ =	swait.eq @p0 [sflag:s6], $0x1  }
0xae: {  	[sflag:s6] =	ssyncadd.s32 @p0 $0xFFFFFFFF  }
0xaf: {  	s7 =	sshll.u32 @!p0 s1, $0xE  }
0xb0: {  	s7 =	sor.u32 @!p0 $0x4000, s7;
	s6 =	simm.s32 @!p0 $0x1B8D  }
0xb1: {  	s5 =	sshll.u32 @!p0 s5, $0x11;
	s7 =	sadd.s32 @!p0 $0x11B8D, s7;
	_ =	swait.eq @!p0 [sflag:s6], $0x1  }
0xb2: {  	s5 =	sor.u32 @!p0 s5, s7;
	[sflag:s6] =	ssyncadd.s32 @!p0 $0xFFFFFFFF  }
0xb3: {  	s25 =	simm.s32 $0x1B8E;
	s24 =	sld [smem:$0x3FFE];
	[sflag:s5] =	ssyncadd.remote.s32 @!p0 $0x1  }
0xb4: {  	s26 =	simm.s32 $execute0_lowered;
	[smem:$0x3FD2] =	sst s25  }
0xb5: {  	s6 =	sshll.u32 s26, $0x1;
	_ =	strace $0x80000055;
	[dreg:$0x1] =	wrdreg $0xFFFFFFFF  }
0xb6: {  	s28 =	simm.s32 $_size_execute0_lowered;
	s4 =	sadd.s32 s4, s6;
	[dreg:$0x0] =	wrdreg $0x0  }
0xb7: {  	s6 =	sshll.u32 s28, $0x1;
	[dreg:$0x2] =	wrdreg s4  }
0xb8: {  	[dreg:$0x3] =	wrdreg s6  }
0xb9: {  	[dreg:$0x4] =	wrdreg $0xC0  }
0xba: {  	_ =	task [dreg:s22], $0x5FFFF  }
0xbb: {  	[dreg:$0x1] =	wrdreg $0xFFFFFFFF  }
0xbc: {  	[dreg:$0x0] =	wrdreg $0x60  }
0xbd: {  	[dreg:$0x2] =	wrdreg s24  }
0xbe: {  	[dreg:$0x3] =	wrdreg s18  }
0xbf: {  	[dreg:$0x4] =	wrdreg $0x21100  }
0xc0: {  	[dreg:$0x5] =	wrdreg $0xA  }
0xc1: {  	_ =	task.clear_ibuf [dreg:s22], $0x6FFFF;
	_ =	strace $0x90000055  }
0xc2: {  	s29 =	simm.s32 $0xA;
	_ =	strace $0x80000057  }
0xc3: {  	_ =	swait.ge [sflag:s29], $0x1  }
0xc4: {  	[sflag:s29] =	ssyncadd.s32 $0xFFFFFFFF  }
0xc5: {  	_ =	strace $0x90000057  }
0xc6: {  	_ =	sfence  }
0xc7: {  	s30 =	sld [smem:$0x0];
	_ =	sdelay $0x2  }
0xc8: {  	s31 =	sshll.u32 s1, $0xD;
	s1 =	sshrl.u32 s1, $0x2  }
0xc9: {  	s4 =	sand.u32 $0x4000, s31;
	s1 =	sadd.s32 s1, s30  }
0xca: {  	s0 =	sor.u32 s4, s0;
	s1 =	sshll.u32 s1, $0x11  }
0xcb: {  	s0 =	sor.u32 s1, s0  }
0xcc: {  	s0 =	sadd.s32 $0x8F2B, s0  }
0xcd: {  	[sflag:s0] =	ssyncadd.remote.s32 $0x1  }
0xce: {  	_ =	sfence.sel $0xFFFF  }
0xcf: {  	[dreg:$0x0] =	wrdreg $0xFFFFFFFF;
	(pc) =	sbr.abs _section_cstart, $3  }
0xd0: {  	[dreg:$0x1] =	wrdreg $0xFFFFFFFF  }
0xd1: {  	_ =	task.clear_ibuf [dreg:s22], $0x2FFFF;
	_ =	strace $0x9FFFFFFF  }
0xd2: {  	(tm) =	ssettm $0x7FFFFFFF  }
0xd3: {  	_ =	shalt  }
tec
execute0_lowered:
.L_overlay_start_1:
0x0: {  	(tag) =	ssettag $0x1  }
0x1: {  	s0 =	rddreg [dreg:$0x0]  }
0x2: {  	s2 =	rddreg [dreg:$0x1]  }
0x3: {  	s1 =	rddreg [dreg:$0x2];
	s3 =	simm.s32 $0x0;
	s5 =	srdreg.scid  }
0x4: {  	s26 =	stileid.u32;
	s18 =	simm.s32 $0x2;
	s19 =	simm.s32 $0x2100  }
0x5: {  	s20 =	simm.s32 $0x80;
	s21 =	simm.s32 $0x100;
	s22 =	simm.s32 $0x900  }
0x6: {  	s23 =	simm.s32 $0x1100;
	s24 =	simm.s32 $0x1;
	s25 =	simm.s32 $0x1900  }
0x7: {  	[smem:$0x7FF] =	sst s3;
	s4 =	sadd.s32 $0xC6E00, s0;
	s9 =	sand.u32 $0x1, s5  }
0x8: {  	s11 =	smul.u32 $0x18700, s26;
	s5 =	sadd.s32 $0x96000, s0;
	s6 =	sadd.s32 $0x34200, s0  }
0x9: {  	s7 =	sadd.s32 $0x3200, s0;
	s8 =	sadd.s32 $0x65000, s0;
	s12 =	sshll.u32 s26, $0x1  }
0xa: {  	s30 =	sshll.u32 s26, $0x6;
	s26 =	simm.s32 $0x0;
	_ =	strace $0x80000056  }
0xb: {  	s10 =	smul.u32 $0x187000, s9;
	s13 =	ssub.s32 $0x2, s9;
	s9 =	sor.u32 s9, s12  }
0xc: {  	s12 =	sor.u32 $0x1C02, s30;
	s14 =	sshrl.u32 s13, $0x1;
	s9 =	smul.u32 $0xC350, s9  }
0xd: {  	s17 =	sadd.s32 s11, s1;
	s10 =	sadd.s32 s11, s10;
	s16 =	ssub.s32 s13, s14  }
0xe: {  	s11 =	sshrl.u32 s11, $0x3;
	s17 =	sshrl.u32 s17, $0x3;
	s28 =	sshrl.u32 s10, $0x3  }
0xf: {  	s10 =	sadd.s32 $0x3000, s0;
	s29 =	sshrl.u32 s9, $0x3;
	s11 =	sadd.s32 s2, s11  }
0x10: {  	s16 =	smax.u32 s16, $0x1;
	s0 =	sadd.s32 s28, s0;
	s31 =	sadd.s32 $0x1860, s29  }
0x11: {  	v0 =	vimm.s32 $0x0;
	v1 =	vimm.s32 $0x186A0;
	s13 =	sadd.s32 s4, s31;
	s14 =	sadd.s32 s5, s31;
	s15 =	sadd.s32 $0x159800, s0  }
.LBB2_1:
0x12: {  	[spmem:s17], [sflag:s12] =	dma.local [hbm:s11], $0x30E0  }
0x13: {  	_ =	swait.ge [sflag:s18], $0x30E0  }
0x14: {  	[sflag:s18] =	ssyncset.done $0x0  }
0x15: {  	s0 =	simm.s32 $0x0;
	[sflag:s18] =	ssyncadd.s32 $0xFFFFCF20  }
0x16: {  	[tilespmem:s19], [sflag:$0x2] =	stream.linear.gather [hbm4b:s10+s0], $0x10, $0x38;
	[tilespmem:$0x1A810] =	vst v63  }
0x17: {  	_ =	swait.ge [sflag:s18], $0x10  }
0x18: {  	[sflag:s18] =	ssyncset.done $0x0  }
0x19: {  	[sflag:s18] =	ssyncadd.s32 $0xFFFFFFF0  }
0x1a: {  	s28 =	simm.s32 $0x0;
	[bflag:$0x0] =	sbarrier.arrive $0xFFFF  }
.LBB2_2:
0x1b: {  	s0 =	sshll.u32 s28, $0x7  }
0x1c: {  	s0 =	sadd.s32 s9, s0  }
0x1d: {  	s0 =	sshrl.u32 s0, $0x3  }
0x1e: {  	s29 =	simm.s32 $0x0;
	s2 =	sadd.s32 s4, s0  }
0x1f: {  	[tilespmem:s29], [sflag:$0x2] =	stream.linear.gather [hbm4b:s2+s29], $0x80, $0x38;
	[tilespmem:$0x1A810] =	vst v63  }
0x20: {  	_ =	swait.ge [sflag:s18], $0x80  }
0x21: {  	[sflag:s18] =	ssyncset.done $0x0  }
0x22: {  	s0 =	sadd.s32 s5, s0;
	[sflag:s18] =	ssyncadd.s32 $0xFFFFFF80  }
0x23: {  	[tilespmem:s20], [sflag:$0x2] =	stream.linear.gather [hbm4b:s0+s29], $0x80, $0x38;
	[tilespmem:$0x1A810] =	vst v63  }
0x24: {  	_ =	swait.ge [sflag:s18], $0x80  }
0x25: {  	[sflag:s18] =	ssyncset.done $0x0  }
0x26: {  	[sflag:s18] =	ssyncadd.s32 $0xFFFFFF80  }
0x27: {  	[tilespmem:s21], [sflag:$0x1] =	stream.indirect.gather [hbm4b:s6+s20], $0x10, s29, s20, $0xb8;
	[tilespmem:$0x1A810] =	vst v63  }
0x28: {  	_ = 	snop  }
0x29: {  	[tilespmem:s22], [sflag:$0x1] =	stream.indirect.gather [hbm4b:s7+s20], $0x10, s20, s20, $0xb8;
	[tilespmem:$0x1A810] =	vst v63  }
0x2a: {  	_ = 	snop  }
0x2b: {  	[tilespmem:s23], [sflag:$0x1] =	stream.indirect.gather [hbm4b:s8+s20], $0x10, s29, s20, $0xb8;
	[tilespmem:$0x1A810] =	vst v63  }
0x2c: {  	_ =	swait.ge [sflag:s24], $0x800  }
0x2d: {  	[sflag:s24] =	ssyncset.done $0x0  }
0x2e: {  	[sflag:s24] =	ssyncadd.s32 $0xFFFFF800  }
0x2f: {  	_ =	swait.ge [sflag:s24], $0x800  }
0x30: {  	[sflag:s24] =	ssyncset.done $0x0  }
0x31: {  	[sflag:s24] =	ssyncadd.s32 $0xFFFFF800  }
0x32: {  	_ =	swait.ge [sflag:s24], $0x800  }
0x33: {  	[sflag:s24] =	ssyncset.done $0x0  }
0x34: {  	s31 =	simm.s32 $0x0;
	[sflag:s24] =	ssyncadd.s32 $0xFFFFF800  }
0x35: {  	v3 =	vld [tilespmem:s31+$0x100]  }
0x36: {  	v4 =	vld [tilespmem:s31+$0x900];
	_ =	sdelay $0x1  }
0x37: {  	s30 =	simm.s32 $0x10  }
0x38: {  	v5 =	vld [tilespmem:s30+$0x100]  }
0x39: {  	v6 =	vld [tilespmem:s30+$0x900]  }
0x3a: {  	v2 =	vld [tilespmem:$0x2100];
	v3 =	vadd.f32 v4, v3;
	_ =	sdelay $0x1  }
0x3b: {  	v7 =	vmul.f32 $2.000000030e-01, v3  }
0x3c: {  	vm0 =	vgt.f32 v3, $0.0e+00  }
0x3d: {  	v5 =	vadd.f32 v6, v5;
	v3 =	vsel vm0, v3, v7  }
0x3e: {  	s29 =	simm.s32 $0x20;
	v3 =	vsub.f32 v3, v2  }
0x3f: {  	v4 =	vld [tilespmem:s29+$0x100];
	v8 =	vmul.f32 $2.000000030e-01, v5  }
0x40: {  	v6 =	vld [tilespmem:s29+$0x900];
	vm14 =	vgt.f32 v5, $0.0e+00;
	v3 =	vmul.f32 $1.442695020e+00, v3  }
0x41: {  	v5 =	vsel vm14, v5, v8  }
0x42: {  	v5 =	vsub.f32 v5, v2;
	(erf) = vpow2.f32 v3;
	_ =	sdelay $0x1  }
0x43: {  	s0 =	simm.s32 $0x30;
	v7 =	vmul.f32 $1.442695020e+00, v5  }
0x44: {  	v6 =	vadd.f32 v6, v4;
	v4 =	vld [tilespmem:s0+$0x100]  }
0x45: {  	v5 =	vld [tilespmem:s0+$0x900];
	(erf) = vpow2.f32 v7  }
0x46: {  	v8 =	vmul.f32 $2.000000030e-01, v6;
	v3 =	vld [tilespmem:s31+$0x1100]  }
0x47: {  	vm15 =	vgt.f32 v6, $0.0e+00  }
0x48: {  	s2 =	simm.s32 $0x100;
	v6 =	vsel vm15, v6, v8  }
.LBB2_3:
0x49: {  	s3 =	sshra.s32 s2, $0x2;
	v6 =	vsub.f32 v6, v2;
	p0 =	sne.s32 s2, $0x1FC0  }
.Ltmp0:
0x4a: {  	s2 =	sadd.s32 $0x40, s2;
	v7 =	vadd.f32 v5, v4;
	v4 =	vld [tilespmem:s3+$0x100];
	v8 =	vpop (erf);
	(pc) =	sbr.rel @p0 .LBB2_3-.Ltmp0, $4  }
0x4b: {  	v5 =	vld [tilespmem:s3+$0x900];
	v6 =	vmul.f32 $1.442695020e+00, v6;
	v8 =	vmul.f32 v8, v3  }
0x4c: {  	v9 =	vmul.f32 $2.000000030e-01, v7;
	v3 =	vld [tilespmem:s30+$0x1100]  }
0x4d: {  	vm0 =	vgt.f32 v7, $0.0e+00;
	(erf) = vpow2.f32 v6;
	[tilespmem:s31+$0x1900] =	vst v8;
	s31 =	smov.u32 s30;
	s30 =	smov.u32 s29;
	s29 =	smov.u32 s0  }
0x4e: {  	s0 =	smov.u32 s3;
	v6 =	vsel vm0, v7, v9  }
0x4f: {  	_ = 	snop  }
0x50: {  	v4 =	vadd.f32 v5, v4;
	_ =	sdelay $0x1  }
0x51: {  	v5 =	vmul.f32 $2.000000030e-01, v4  }
0x52: {  	vm0 =	vgt.f32 v4, $0.0e+00  }
0x53: {  	v4 =	vsel vm0, v4, v5  }
0x54: {  	v6 =	vsub.f32 v6, v2;
	v2 =	vsub.f32 v4, v2;
	_ =	sdelay $0x1  }
0x55: {  	v61 =	vld [tilespmem:s30+$0x1100];
	v60 =	vmul.f32 $1.442695020e+00, v6;
	v2 =	vmul.f32 $1.442695020e+00, v2;
	_ =	sdelay $0x1  }
0x56: {  	v62 =	vpop (erf);
	(erf) = vpow2.f32 v60  }
0x57: {  	(erf) = vpow2.f32 v2  }
0x58: {  	v3 =	vmul.f32 v62, v3;
	v2 =	vpop (erf)  }
0x59: {  	v2 =	vmul.f32 v2, v61  }
0x5a: {  	[tilespmem:s31+$0x1900] =	vst v3  }
0x5b: {  	v3 =	vld [tilespmem:s29+$0x1100];
	[tilespmem:s30+$0x1900] =	vst v2  }
0x5c: {  	v2 =	vld [tilespmem:s0+$0x1100];
	_ =	sdelay $0x2  }
0x5d: {  	v4 =	vpop (erf)  }
0x5e: {  	v3 =	vmul.f32 v4, v3;
	v63 =	vpop (erf)  }
0x5f: {  	s28 =	sadd.s32 $0x1, s28;
	v2 =	vmul.f32 v63, v2  }
0x60: {  	p0 =	sne.s32 s28, $0x186;
	[tilespmem:s29+$0x1900] =	vst v3  }
.Ltmp1:
0x61: {  	[tilespmem:s0+$0x1900] =	vst v2;
	(pc) =	sbr.rel @p0 .LBB2_2-.Ltmp1, $4  }
0x62: {  	[spmem:s1] =	stream.indirect.scatter.add.f32 [tilespmem:s25], [sflag:$0x2], $0x10, s20, s20, $0xb8;
	[tilespmem:$0x1A810] =	vst v63  }
0x63: {  	_ =	swait.ge [sflag:s18], $0x800  }
0x64: {  	[sflag:s18] =	ssyncset.done $0x0  }
0x65: {  	[sflag:s18] =	ssyncadd.s32 $0xFFFFF800  }
0x66: {  	s0 =	simm.s32 $0x0  }
0x67: {  	[tilespmem:s0], [sflag:$0x2] =	stream.linear.gather [hbm4b:s13+s0], $0x50, $0x38;
	[tilespmem:$0x1A810] =	vst v63  }
0x68: {  	_ =	swait.ge [sflag:s18], $0x50  }
0x69: {  	[sflag:s18] =	ssyncset.done $0x0  }
0x6a: {  	[sflag:s18] =	ssyncadd.s32 $0xFFFFFFB0  }
0x6b: {  	[tilespmem:s20], [sflag:$0x2] =	stream.linear.gather [hbm4b:s14+s0], $0x50, $0x38;
	[tilespmem:$0x1A810] =	vst v63  }
0x6c: {  	_ =	swait.ge [sflag:s18], $0x50  }
0x6d: {  	[sflag:s18] =	ssyncset.done $0x0  }
0x6e: {  	[sflag:s18] =	ssyncadd.s32 $0xFFFFFFB0  }
0x6f: {  	[tilespmem:$0x50] =	vst v0  }
0x70: {  	[tilespmem:$0xD0] =	vst v1  }
0x71: {  	[tilespmem:$0x60] =	vst v0  }
0x72: {  	[tilespmem:$0xE0] =	vst v1  }
0x73: {  	[tilespmem:$0x70] =	vst v0  }
0x74: {  	[tilespmem:$0xF0] =	vst v1  }
0x75: {  	[tilespmem:s21], [sflag:$0x1] =	stream.indirect.gather [hbm4b:s6+s20], $0x10, s0, s20, $0xb8;
	[tilespmem:$0x1A810] =	vst v63  }
0x76: {  	_ = 	snop  }
0x77: {  	[tilespmem:s22], [sflag:$0x1] =	stream.indirect.gather [hbm4b:s7+s20], $0x10, s20, s20, $0xb8;
	[tilespmem:$0x1A810] =	vst v63  }
0x78: {  	_ = 	snop  }
0x79: {  	[tilespmem:s23], [sflag:$0x1] =	stream.indirect.gather [hbm4b:s8+s20], $0x10, s0, s20, $0xb8;
	[tilespmem:$0x1A810] =	vst v63  }
0x7a: {  	_ =	swait.ge [sflag:s24], $0x800  }
0x7b: {  	[sflag:s24] =	ssyncset.done $0x0  }
0x7c: {  	[sflag:s24] =	ssyncadd.s32 $0xFFFFF800  }
0x7d: {  	_ =	swait.ge [sflag:s24], $0x800  }
0x7e: {  	[sflag:s24] =	ssyncset.done $0x0  }
0x7f: {  	[sflag:s24] =	ssyncadd.s32 $0xFFFFF800  }
0x80: {  	_ =	swait.ge [sflag:s24], $0x800  }
0x81: {  	[sflag:s24] =	ssyncset.done $0x0  }
0x82: {  	s30 =	simm.s32 $0x0;
	[sflag:s24] =	ssyncadd.s32 $0xFFFFF800  }
0x83: {  	v3 =	vld [tilespmem:s30+$0x100]  }
0x84: {  	v4 =	vld [tilespmem:s30+$0x900];
	_ =	sdelay $0x1  }
0x85: {  	s29 =	simm.s32 $0x10  }
0x86: {  	v5 =	vld [tilespmem:s29+$0x100]  }
0x87: {  	v6 =	vld [tilespmem:s29+$0x900]  }
0x88: {  	v2 =	vld [tilespmem:$0x2100];
	v3 =	vadd.f32 v4, v3;
	_ =	sdelay $0x1  }
0x89: {  	v7 =	vmul.f32 $2.000000030e-01, v3  }
0x8a: {  	vm0 =	vgt.f32 v3, $0.0e+00  }
0x8b: {  	v5 =	vadd.f32 v6, v5;
	v3 =	vsel vm0, v3, v7  }
0x8c: {  	s28 =	simm.s32 $0x20;
	v3 =	vsub.f32 v3, v2  }
0x8d: {  	v4 =	vld [tilespmem:s28+$0x100];
	v8 =	vmul.f32 $2.000000030e-01, v5  }
0x8e: {  	v6 =	vld [tilespmem:s28+$0x900];
	vm14 =	vgt.f32 v5, $0.0e+00;
	v3 =	vmul.f32 $1.442695020e+00, v3  }
0x8f: {  	v5 =	vsel vm14, v5, v8  }
0x90: {  	v5 =	vsub.f32 v5, v2;
	(erf) = vpow2.f32 v3;
	_ =	sdelay $0x1  }
0x91: {  	s0 =	simm.s32 $0x30;
	v7 =	vmul.f32 $1.442695020e+00, v5  }
0x92: {  	v6 =	vadd.f32 v6, v4;
	v4 =	vld [tilespmem:s0+$0x100]  }
0x93: {  	v5 =	vld [tilespmem:s0+$0x900];
	(erf) = vpow2.f32 v7  }
0x94: {  	v8 =	vmul.f32 $2.000000030e-01, v6;
	v3 =	vld [tilespmem:s30+$0x1100]  }
0x95: {  	vm15 =	vgt.f32 v6, $0.0e+00  }
0x96: {  	s2 =	simm.s32 $0x100;
	v6 =	vsel vm15, v6, v8  }
.LBB2_6:
0x97: {  	s3 =	sshra.s32 s2, $0x2;
	v6 =	vsub.f32 v6, v2;
	p0 =	sne.s32 s2, $0x1FC0  }
.Ltmp2:
0x98: {  	s2 =	sadd.s32 $0x40, s2;
	v7 =	vadd.f32 v5, v4;
	v4 =	vld [tilespmem:s3+$0x100];
	v8 =	vpop (erf);
	(pc) =	sbr.rel @p0 .LBB2_6-.Ltmp2, $4  }
0x99: {  	v5 =	vld [tilespmem:s3+$0x900];
	v6 =	vmul.f32 $1.442695020e+00, v6;
	v8 =	vmul.f32 v8, v3  }
0x9a: {  	v9 =	vmul.f32 $2.000000030e-01, v7;
	v3 =	vld [tilespmem:s29+$0x1100]  }
0x9b: {  	vm0 =	vgt.f32 v7, $0.0e+00;
	(erf) = vpow2.f32 v6;
	[tilespmem:s30+$0x1900] =	vst v8;
	s30 =	smov.u32 s29;
	s29 =	smov.u32 s28;
	s28 =	smov.u32 s0  }
0x9c: {  	s0 =	smov.u32 s3;
	v6 =	vsel vm0, v7, v9  }
0x9d: {  	_ = 	snop  }
0x9e: {  	v4 =	vadd.f32 v5, v4;
	_ =	sdelay $0x1  }
0x9f: {  	v5 =	vmul.f32 $2.000000030e-01, v4  }
0xa0: {  	vm0 =	vgt.f32 v4, $0.0e+00  }
0xa1: {  	v4 =	vsel vm0, v4, v5  }
0xa2: {  	v6 =	vsub.f32 v6, v2;
	v2 =	vsub.f32 v4, v2;
	_ =	sdelay $0x1  }
0xa3: {  	v61 =	vld [tilespmem:s29+$0x1100];
	v60 =	vmul.f32 $1.442695020e+00, v6;
	v2 =	vmul.f32 $1.442695020e+00, v2;
	_ =	sdelay $0x1  }
0xa4: {  	v62 =	vpop (erf);
	(erf) = vpow2.f32 v60  }
0xa5: {  	(erf) = vpow2.f32 v2  }
0xa6: {  	v3 =	vmul.f32 v62, v3;
	v2 =	vpop (erf)  }
0xa7: {  	v2 =	vmul.f32 v2, v61  }
0xa8: {  	[tilespmem:s30+$0x1900] =	vst v3  }
0xa9: {  	v3 =	vld [tilespmem:s28+$0x1100];
	[tilespmem:s29+$0x1900] =	vst v2  }
0xaa: {  	v2 =	vld [tilespmem:s0+$0x1100];
	_ =	sdelay $0x2  }
0xab: {  	v4 =	vpop (erf)  }
0xac: {  	v3 =	vmul.f32 v4, v3;
	v63 =	vpop (erf)  }
0xad: {  	v2 =	vmul.f32 v63, v2  }
0xae: {  	[tilespmem:s28+$0x1900] =	vst v3  }
0xaf: {  	[tilespmem:s0+$0x1900] =	vst v2  }
0xb0: {  	[spmem:s1] =	stream.indirect.scatter.add.f32 [tilespmem:s25], [sflag:$0x2], $0x10, s20, s20, $0xb8;
	[tilespmem:$0x1A810] =	vst v63  }
0xb1: {  	_ =	swait.ge [sflag:s18], $0x800  }
0xb2: {  	s26 =	sadd.s32 $0x1, s26;
	[sflag:s18] =	ssyncset.done $0x0  }
0xb3: {  	p0 =	sne.s32 s26, s16;
	[sflag:s18] =	ssyncadd.s32 $0xFFFFF800  }
.Ltmp3:
0xb4: {  	[bflag:$0x0] =	sbarrier.arrive $0xFFFF;
	(pc) =	sbr.rel @p0 .LBB2_1-.Ltmp3, $4  }
0xb5: {  	[hbm:s15], [sflag:s12] =	dma.local [spmem:s17], $0x30E0  }
0xb6: {  	_ =	swait.ge [sflag:s18], $0x30E0  }
0xb7: {  	[sflag:s18] =	ssyncset.done $0x0  }
0xb8: {  	[sflag:s18] =	ssyncadd.s32 $0xFFFFCF20  }
0xb9: {  	_ =	sfence.sel $0x180000  }
0xba: {  	[bflag:$0x0] =	sbarrier.arrive $0xFFFF  }
0xbb: {  	_ =	strace $0x90000056  }
0xbc: {  	s0 =	stileid.u32;
	[bflag:$0x2] =	sbarrier.arrive $0xFFFF  }
0xbd: {  	p0 =	sne.s32 s0, $0x0;
	s0 =	rddreg [dreg:$0x3]  }
0xbe: {  	s0 =	sadd.s32 @!p0 $0x100000, s0  }
0xbf: {  	[sflag:s0] =	ssyncadd.tile.s32 @!p0 $0x1;
	_ =	shalt  }
.Lfunc_end2:
_tile_overlayer_lowered:
.L_overlay_start_2:
0xc0: {  	(tag) =	ssettag $0x2  }
0xc1: {  	s0 =	rddreg [dreg:$0x0];
	s2 =	stileid.u32  }
0xc2: {  	s1 =	rddreg [dreg:$0x1];
	p0 =	sne.s32 s2, $0x0  }
0xc3: {  	s3 =	rddreg [dreg:$0x2];
	[bflag:$0x3] =	sbarrier.arrive $0xFFFF;
	s2 =	simm.s32 @!p0 $0x1C02  }
0xc4: {  	[timem:s3], [sflag:s2] =	dma.local @!p0 [hbm:s0], s1  }
0xc5: {  	s0 =	simm.s32 @!p0 $0x2  }
0xc6: {  	_ =	swait.ge @!p0 [sflag:s0], s1  }
0xc7: {  	s1 =	ssub.s32 @!p0 $0x0, s1;
	[sflag:s0] =	ssyncset.done @!p0 $0x0  }
0xc8: {  	[sflag:s0] =	ssyncadd.s32 @!p0 s1  }
0xc9: {  	[bflag:$0x3] =	sbarrier.arrive $0xFFFF  }
0xca: {  	_ =	shalt  }

</sc_bundles>
